<compile_context>
chip_gen: v7x
topology: tpu7x:2x2x1
jax: 0.10.2.dev20260603
libtpu: 0.0.44.dev20260713+nightly
codegen_flags: <defaults>
</compile_context>

<pallas_src>
import functools
import math

import jax
import jax.numpy as jnp
from jax import lax
from jax.experimental import pallas as pl
from jax.experimental.pallas import tpu as pltpu
from jax.experimental.pallas import tpu_sc as plsc

N_RBF = 50
CUTOFF = 5.0
RBF_PAD = 64
F = 128
LOG2 = math.log(2.0)

_WIDTH = CUTOFF / (N_RBF - 1)
_COEFF = -0.5 / _WIDTH ** 2


def _sp(x):
    return jnp.log1p(jnp.exp(jnp.minimum(x, 30.0))) + jnp.maximum(x, 30.0) - (30.0 + LOG2)


def _swish(x):
    return x * jax.nn.sigmoid(x)



E_PAD = 163840
N_PAD = 10240
NCG_PAD = 1024
_EPW = E_PAD // 32
_NPW = N_PAD // 32
_DCH = 64
_DNC = _EPW // _DCH
_RPT = N_PAD // 16


def _dsq_sc(xs, ys, zs, cgx, cgy, cgz, dst, src3d, mp):
    mesh = plsc.VectorSubcoreMesh(core_axis_name="c", subcore_axis_name="s")
    f32 = jnp.float32

    @functools.partial(
        pl.kernel, mesh=mesh,
        compiler_params=pltpu.CompilerParams(needs_layout_passes=False),
        out_type=[jax.ShapeDtypeStruct((E_PAD,), f32),
                  jax.ShapeDtypeStruct((N_PAD,), f32)],
        scratch_types=[
            pltpu.VMEM((N_PAD,), f32), pltpu.VMEM((N_PAD,), f32),
            pltpu.VMEM((N_PAD,), f32),
            pltpu.VMEM((NCG_PAD,), f32), pltpu.VMEM((NCG_PAD,), f32),
            pltpu.VMEM((NCG_PAD,), f32),
            pltpu.VMEM((_EPW,), jnp.int32),
            pltpu.VMEM((_EPW,), f32),
            pltpu.VMEM((_DNC, _DCH), jnp.int32),
            pltpu.VMEM((_NPW,), jnp.int32), pltpu.VMEM((_NPW,), f32),
        ])
    def body(xs_h, ys_h, zs_h, cgx_h, cgy_h, cgz_h, dst_h, s3_h, mp_h,
             oute_h, outa_h,
             xv, yv, zv, cxv, cyv, czv, db, eb, sb2, mb, ab):
        c = lax.axis_index("c")
        t = lax.axis_index("s")
        wid = t * 2 + c

        pltpu.sync_copy(xs_h, xv)
        pltpu.sync_copy(ys_h, yv)
        pltpu.sync_copy(zs_h, zv)
        pltpu.sync_copy(cgx_h, cxv)
        pltpu.sync_copy(cgy_h, cyv)
        pltpu.sync_copy(cgz_h, czv)
        ebase = wid * _EPW
        pltpu.sync_copy(dst_h.at[pl.ds(ebase, _EPW)], db)
        pltpu.sync_copy(s3_h.at[wid], sb2)

        def edge_it(r, _):
            for jj in range(_DCH // 16):
                si = sb2[r, pl.ds(jj * 16, 16)]
                sl = pl.ds(r * _DCH + jj * 16, 16)
                di = db[sl]
                dx = plsc.load_gather(xv, [di]) - plsc.load_gather(xv, [si])
                dy = plsc.load_gather(yv, [di]) - plsc.load_gather(yv, [si])
                dz = plsc.load_gather(zv, [di]) - plsc.load_gather(zv, [si])
                eb[sl] = dx * dx + dy * dy + dz * dz + 3e-8
            return 0

        lax.fori_loop(0, _DNC, edge_it, 0)
        pltpu.sync_copy(eb, oute_h.at[pl.ds(ebase, _EPW)])

        abase = wid * _NPW
        pltpu.sync_copy(mp_h.at[pl.ds(abase, _NPW)], mb)

        def atom_it(i, _):
            sl = pl.ds(i * 16, 16)
            asl = pl.ds(abase + i * 16, 16)
            mi = mb[sl]
            dx = xv[asl] - plsc.load_gather(cxv, [mi])
            dy = yv[asl] - plsc.load_gather(cyv, [mi])
            dz = zv[asl] - plsc.load_gather(czv, [mi])
            ab[sl] = dx * dx + dy * dy + dz * dz + 3e-8
            return 0

        lax.fori_loop(0, _NPW // 16, atom_it, 0)
        pltpu.sync_copy(ab, outa_h.at[pl.ds(abase, _NPW)])

    return body(xs, ys, zs, cgx, cgy, cgz, dst, src3d, mp)



def _deg_sc(src3d):
    mesh = plsc.VectorSubcoreMesh(core_axis_name="c", subcore_axis_name="s")
    f32 = jnp.float32

    @functools.partial(
        pl.kernel, mesh=mesh,
        compiler_params=pltpu.CompilerParams(needs_layout_passes=False),
        out_type=jax.ShapeDtypeStruct((2 * N_PAD,), f32),
        scratch_types=[
            pltpu.VMEM((_DNC, _DCH), jnp.int32),
            pltpu.VMEM_SHARED((N_PAD, F), f32),
            pltpu.VMEM((128, F), f32),
            pltpu.VMEM((_RPT,), f32),
        ])
    def body(s3_h, degp_h, sb2, dacc, vb, ext):
        c = lax.axis_index("c")
        t = lax.axis_index("s")
        wid = t * 2 + c

        def zrow(i, _):
            for j in range(F // 16):
                vb[i, pl.ds(j * 16, 16)] = jnp.zeros((16,), f32)
            return 0

        lax.fori_loop(0, 128, zrow, 0)
        for k in range(_RPT // 128):
            pltpu.sync_copy(vb, dacc.at[pl.ds(t * _RPT + k * 128, 128)])
        plsc.subcore_barrier()

        pltpu.sync_copy(s3_h.at[wid], sb2)

        def orow(i, _):
            for j in range(F // 16):
                vb[i, pl.ds(j * 16, 16)] = jnp.ones((16,), f32)
            return 0

        lax.fori_loop(0, _DCH, orow, 0)

        def deg_it(k, _):
            pltpu.sync_copy(vb.at[pl.ds(0, _DCH)], dacc.at[sb2.at[k]],
                            add=True)
            return 0

        lax.fori_loop(0, _DNC, deg_it, 0)
        plsc.subcore_barrier()

        zero16 = jnp.zeros((16,), jnp.int32)
        for grp in range(_RPT // 128):
            pltpu.sync_copy(dacc.at[pl.ds(t * _RPT + grp * 128, 128)], vb)
            for j in range(8):
                rows = lax.iota(jnp.int32, 16) + j * 16
                ext[pl.ds(grp * 128 + j * 16, 16)] = plsc.load_gather(
                    vb, [rows, zero16])
        pltpu.sync_copy(ext, degp_h.at[pl.ds(c * N_PAD + t * _RPT, _RPT)])

    return body(src3d)



_EPT = E_PAD // 32
_CHUNK = 128
_NCHUNK = _EPT // _CHUNK


def _scatter_sc(hval2, src_c):
    mesh = plsc.VectorSubcoreMesh(core_axis_name="c", subcore_axis_name="s")
    f32 = jnp.float32

    @functools.partial(
        pl.kernel, mesh=mesh,
        compiler_params=pltpu.CompilerParams(needs_layout_passes=False),
        out_type=jax.ShapeDtypeStruct((2, N_PAD, F), f32),
        scratch_types=[
            pltpu.VMEM_SHARED((N_PAD, F), f32),
            pltpu.VMEM((_CHUNK, F), f32), pltpu.VMEM((_CHUNK, F), f32),
            pltpu.VMEM((_CHUNK,), jnp.int32), pltpu.VMEM((_CHUNK,), jnp.int32),
            pltpu.SemaphoreType.DMA, pltpu.SemaphoreType.DMA,
        ])
    def body(hval_h, src_h, out_h, es, vb0, vb1, ib0, ib1, sem0, sem1):
        c = lax.axis_index("c")
        t = lax.axis_index("s")
        bufs = ((vb0, ib0, sem0), (vb1, ib1, sem1))

        def zrow(i, _):
            for j in range(F // 16):
                vb0[i, pl.ds(j * 16, 16)] = jnp.zeros((16,), f32)
            return 0

        lax.fori_loop(0, _CHUNK, zrow, 0)
        for k in range(_RPT // _CHUNK):
            pltpu.sync_copy(vb0, es.at[pl.ds(t * _RPT + k * _CHUNK, _CHUNK)])
        plsc.subcore_barrier()

        half = E_PAD // 2

        def start_load(k, vb, ib, sem):
            ebase = c * half + t * _EPT + k * _CHUNK
            pltpu.async_copy(src_h.at[pl.ds(ebase, _CHUNK)], ib, sem)
            pltpu.async_copy(hval_h.at[pl.ds(ebase, _CHUNK)], vb, sem)

        def wait_load(vb, ib, sem):
            pltpu.make_async_copy(src_h.at[pl.ds(0, _CHUNK)], ib, sem).wait()
            pltpu.make_async_copy(hval_h.at[pl.ds(0, _CHUNK)], vb, sem).wait()

        for b in range(2):
            vb, ib, sem = bufs[b]
            start_load(b, vb, ib, sem)

        def chunk_pair(kk, _):
            for b in range(2):
                k = kk * 2 + b
                vb, ib, sem = bufs[b]

                @pl.when(k < _NCHUNK)
                def _do():
                    wait_load(vb, ib, sem)
                    pltpu.sync_copy(vb, es.at[ib], add=True)

                    @pl.when(k + 2 < _NCHUNK)
                    def _next():
                        start_load(k + 2, vb, ib, sem)
            return 0

        lax.fori_loop(0, (_NCHUNK + 1) // 2, chunk_pair, 0)
        plsc.subcore_barrier()

        rbase = t * _RPT
        pltpu.sync_copy(es.at[pl.ds(rbase, _RPT)],
                        out_h.at[c, pl.ds(rbase, _RPT)])

    return body(hval2, src_c)



def _edge_kernel(dsq_ref, offs_ref, w1_ref, b1_ref, out_ref):
    d3 = jnp.sqrt(dsq_ref[:, :])[:, :, None]
    o3 = jnp.reshape(offs_ref[:, :], (1, 1, RBF_PAD))
    g3 = jnp.exp(_COEFF * (d3 - o3) ** 2)
    dn = (((2,), (0,)), ((), ()))
    b3 = jnp.reshape(b1_ref[:, :], (1, 1, F))
    out_ref[:, :, :] = _sp(lax.dot_general(
        g3, w1_ref[:, :], dn, preferred_element_type=jnp.float32) + b3)


def _edge_dense(dsq_pad, offs, w1, b1, e_pad, blk):
    grid = e_pad // blk
    rows = blk // 128
    return pl.pallas_call(
        _edge_kernel,
        grid=(grid,),
        in_specs=[
            pl.BlockSpec((rows, 128), lambda i: (i, 0)),
            pl.BlockSpec((1, RBF_PAD), lambda i: (0, 0)),
            pl.BlockSpec((RBF_PAD, F), lambda i: (0, 0)),
            pl.BlockSpec((1, F), lambda i: (0, 0)),
        ],
        out_specs=pl.BlockSpec((rows, 128, F), lambda i: (i, 0, 0)),
        out_shape=jax.ShapeDtypeStruct((e_pad // 128, 128, F), jnp.float32),
    )(dsq_pad, offs, w1, b1)



def _node_kernel(ES0_ref, ES1_ref, z_ref, m_ref, dsqI_ref, deg_ref, embed_ref, offs_ref,
                 aw2_0, ab2_0, l1_0, l1b_0, l2_0, l2b_0, f1w_0, f1b_0,
                 cw1_0, cb1_0, cw2_0, cb2_0, cf1w_0, cf1b_0,
                 aw2_1, ab2_1, l1_1, l1b_1, l2_1, l2b_1, f1w_1, f1b_1,
                 cw1_1, cb1_1, cw2_1, cb2_1, cf1w_1, cf1b_1,
                 out_ref, acc_ref):
    b = z_ref.shape[0]
    ncg = out_ref.shape[0]
    f32 = jnp.float32
    pid = pl.program_id(0)
    nprog = pl.num_programs(0)

    @pl.when(pid == 0)
    def _init():
        acc_ref[:, :] = jnp.zeros_like(acc_ref)

    def dot(a, b_):
        return jnp.dot(a, b_, preferred_element_type=f32)

    z = jnp.broadcast_to(z_ref[:, :], (b, F))
    onehot_z = (z == lax.broadcasted_iota(jnp.int32, (b, F), 1)).astype(f32)
    h = dot(onehot_z, embed_ref[:, :])

    dI = jnp.sqrt(dsqI_ref[:, :])
    deg = deg_ref[:, :]
    g_a = jnp.exp(_COEFF * (dI - offs_ref[:, :]) ** 2)

    aw = ((aw2_0, ab2_0, l1_0, l1b_0, l2_0, l2b_0, f1w_0, f1b_0),
          (aw2_1, ab2_1, l1_1, l1b_1, l2_1, l2b_1, f1w_1, f1b_1))
    cw = ((cw1_0, cb1_0, cw2_0, cb2_0, cf1w_0, cf1b_0),
          (cw1_1, cb1_1, cw2_1, cb2_1, cf1w_1, cf1b_1))

    f1cg_tot = jnp.zeros((b, F), f32)
    for L in range(2):
        aw2, ab2, l1, l1b, l2, l2b, f1w, f1b = aw[L]
        cw1, cb1, cw2, cb2, cf1w, cf1b = cw[L]
        ES_r = ES0_ref if L == 0 else ES1_ref
        ESL = ES_r[0] + ES_r[1]
        Esum = dot(ESL, aw2[:, :]) + deg * ab2[:, :]
        pre = dot(h, l1[:, :]) + l1b[:, :]
        phi = dot(_swish(pre), l2[:, :]) + l2b[:, :]
        h = 2.0 * h + dot(phi * Esum, f1w[:, :]) + deg * f1b[:, :]
        ecg = dot(_sp(dot(g_a, cw1[:, :]) + cb1[:, :]), cw2[:, :]) + cb2[:, :]
        f1cg_tot = f1cg_tot + dot(h * ecg, cf1w[:, :]) + cf1b[:, :]

    ones_aux = (lax.broadcasted_iota(jnp.int32, (b, 8), 1) == 0).astype(f32)
    rhs = jnp.concatenate([f1cg_tot, ones_aux], axis=1)

    mblk = jnp.broadcast_to(m_ref[:, :], (b, ncg))
    oh = (mblk == lax.broadcasted_iota(jnp.int32, (b, ncg), 1)).astype(f32)
    acc_ref[:, :] += lax.dot_general(
        oh, rhs, dimension_numbers=(((0,), (0,)), ((), ())),
        preferred_element_type=f32)

    @pl.when(pid == nprog - 1)
    def _fin():
        acc = acc_ref[:, :]
        cnt = jnp.maximum(acc[:, F:F + 1], 1.0)
        out_ref[:, :] = acc[:, :F] / cnt


def _node_dense(ES0, ES1, z2, m2, dsqI, deg2, embed_pad, offs, wlist, n, ncg, blk):
    grid = n // blk
    full = lambda shape: pl.BlockSpec(shape, lambda i: tuple(0 for _ in shape))
    wspecs = [full(w.shape) for w in wlist]
    return pl.pallas_call(
        _node_kernel,
        grid=(grid,),
        in_specs=[
            pl.BlockSpec((2, blk, F), lambda i: (0, i, 0)),
            pl.BlockSpec((2, blk, F), lambda i: (0, i, 0)),
            pl.BlockSpec((blk, 1), lambda i: (i, 0)),
            pl.BlockSpec((blk, 1), lambda i: (i, 0)),
            pl.BlockSpec((blk, 1), lambda i: (i, 0)),
            pl.BlockSpec((blk, 1), lambda i: (i, 0)),
            full((F, F)),
            full((1, RBF_PAD)),
        ] + wspecs,
        out_specs=pl.BlockSpec((ncg, F), lambda i: (0, 0)),
        out_shape=jax.ShapeDtypeStruct((ncg, F), jnp.float32),
        scratch_shapes=[pltpu.VMEM((ncg, F + 8), jnp.float32)],
    )(ES0, ES1, z2, m2, dsqI, deg2, embed_pad, offs, *wlist)


def _pad_rows(w):
    return jnp.concatenate([w, jnp.zeros((RBF_PAD - w.shape[0], w.shape[1]), w.dtype)], axis=0)


def kernel(z, xyz, cg_xyz, mapping, nbr_list, atom_embed, params):
    n = xyz.shape[0]
    ncg = cg_xyz.shape[0]
    e = nbr_list.shape[0]
    e_pad = E_PAD

    z = z.astype(jnp.int32)
    mapping = mapping.astype(jnp.int32)
    nbr_list = nbr_list.astype(jnp.int32)

    src = nbr_list[:, 0]
    dst = nbr_list[:, 1]

    xyzf = xyz.astype(jnp.float32)
    cgf = cg_xyz.astype(jnp.float32)
    zero_n = jnp.zeros((N_PAD - n,), jnp.float32)
    xs = jnp.concatenate([xyzf[:, 0], zero_n])
    ys = jnp.concatenate([xyzf[:, 1], zero_n])
    zs = jnp.concatenate([xyzf[:, 2], zero_n])
    zero_c = jnp.zeros((NCG_PAD - ncg,), jnp.float32)
    cgx = jnp.concatenate([cgf[:, 0], zero_c])
    cgy = jnp.concatenate([cgf[:, 1], zero_c])
    cgz = jnp.concatenate([cgf[:, 2], zero_c])
    pad_e0 = jnp.zeros((e_pad - e,), jnp.int32)
    dst_a = jnp.concatenate([dst, pad_e0])
    src_c = jnp.concatenate([src, jnp.full((e_pad - e,), n, jnp.int32)])
    src3d = src_c.reshape(32, _DNC, _DCH)
    mp_pad = jnp.concatenate([mapping, jnp.zeros((N_PAD - n,), jnp.int32)])

    dsq_e, dsq_a = _dsq_sc(xs, ys, zs, cgx, cgy, cgz, dst_a, src3d, mp_pad)
    degp = _deg_sc(src3d)
    dsq_pad = dsq_e.reshape(e_pad // 128, 128)
    deg = (degp[:N_PAD] + degp[N_PAD:])[:n]

    offs = jnp.concatenate([jnp.linspace(0.0, CUTOFF, N_RBF, dtype=jnp.float32),
                            jnp.zeros((RBF_PAD - N_RBF,), jnp.float32)]).reshape(1, RBF_PAD)

    pa0, pa1 = params['atom'][0], params['atom'][1]
    hv0 = _edge_dense(dsq_pad, offs, _pad_rows(pa0['dist_w1']),
                      pa0['dist_b1'].reshape(1, F), e_pad, 8192)
    ES0 = _scatter_sc(hv0.reshape(e_pad, F), src_c)
    hv1 = _edge_dense(dsq_pad, offs, _pad_rows(pa1['dist_w1']),
                      pa1['dist_b1'].reshape(1, F), e_pad, 8192)
    ES1 = _scatter_sc(hv1.reshape(e_pad, F), src_c)

    z2 = z.reshape(n, 1)
    m2 = mapping.reshape(n, 1)
    dsqI2 = dsq_a[:n].reshape(n, 1).astype(jnp.float32)
    deg2 = deg.reshape(n, 1)
    embed_pad = jnp.concatenate(
        [atom_embed, jnp.zeros((F - atom_embed.shape[0], F), jnp.float32)], axis=0)

    wlist = []
    for L in range(2):
        pa = params['atom'][L]
        pc = params['cg'][L]
        wlist += [pa['dist_w2'], pa['dist_b2'].reshape(1, F),
                  pa['l1_w'], pa['l1_b'].reshape(1, F),
                  pa['l2_w'], pa['l2_b'].reshape(1, F),
                  pa['f1_w'], pa['f1_b'].reshape(1, F),
                  _pad_rows(pc['dist_w1']), pc['dist_b1'].reshape(1, F),
                  pc['dist_w2'], pc['dist_b2'].reshape(1, F),
                  pc['f1_w'], pc['f1_b'].reshape(1, F)]

    return _node_dense(ES0, ES1, z2, m2, dsqI2, deg2, embed_pad, offs, wlist, n, ncg, 2000)

# --- scband reference (transcript-rebuilt; emitter-appended) ---
"""Pipeline reference for scband-cgequivariant-encoder-68272800137475 (READ-ONLY COPY).

The authoritative reference and input builder live on the scoring server;
editing this copy changes nothing except your own understanding.
"""

import jax, jax.numpy as jnp
import numpy as np

N_ATOMS = 10000
N_CG = 1000
N_EDGES = 160000
FEAT = 128
N_RBF = 50
CUTOFF = 5.0
N_CONV = 2


def _dense_params(key, din, dout):
    w = jax.random.normal(key, (din, dout), jnp.float32) / np.sqrt(din)
    b = jnp.zeros((dout,), jnp.float32)
    return w, b


def _mp_params(key):
    ks = jax.random.split(key, 7)
    p = {}
    p['dist_w1'], p['dist_b1'] = _dense_params(ks[0], N_RBF, FEAT)
    p['dist_w2'], p['dist_b2'] = _dense_params(ks[1], FEAT, FEAT)
    p['l1_w'], p['l1_b'] = _dense_params(ks[2], FEAT, FEAT)
    p['l2_w'], p['l2_b'] = _dense_params(ks[3], FEAT, FEAT)
    p['f0_w'], p['f0_b'] = _dense_params(ks[4], FEAT, FEAT)
    p['f1_w'], p['f1_b'] = _dense_params(ks[5], FEAT, FEAT)
    p['f2_w'], p['f2_b'] = _dense_params(ks[6], FEAT, FEAT)
    return p


def setup_inputs(seed: int = 0) -> dict:
    key = jax.random.key(seed)
    ks = jax.random.split(key, 8)
    z = jax.random.randint(ks[0], (N_ATOMS,), 0, 100)
    xyz = jax.random.normal(ks[1], (N_ATOMS, 3), jnp.float32)
    cg_xyz = jax.random.normal(ks[2], (N_CG, 3), jnp.float32)
    mapping = jnp.sort(jax.random.randint(ks[3], (N_ATOMS,), 0, N_CG))
    nbr_list = jax.random.randint(ks[4], (N_EDGES, 2), 0, N_ATOMS)
    atom_embed = jax.random.normal(ks[5], (100, FEAT), jnp.float32) * 0.02
    atom_embed = atom_embed.at[0].set(0.0)  # padding_idx=0
    params = {
        'atom': [_mp_params(jax.random.fold_in(ks[6], i)) for i in range(N_CONV)],
        'cg': [_mp_params(jax.random.fold_in(ks[7], i)) for i in range(N_CONV)],
    }
    return {'z': z, 'xyz': xyz, 'cg_xyz': cg_xyz, 'mapping': mapping,
            'nbr_list': nbr_list, 'atom_embed': atom_embed, 'params': params}


def _swish(x):
    return x * jax.nn.sigmoid(x)


def _ssp(x):
    return jax.nn.softplus(x) - np.log(2.0)


def _gauss_smear(d):
    # d: [M, 1]
    offsets = jnp.linspace(0.0, CUTOFF, N_RBF)
    width = offsets[1] - offsets[0]
    coeff = -0.5 / width ** 2
    return jnp.exp(coeff * (d - offsets[None, :]) ** 2)


def _dist_embed(p, d):
    # SchNetEdgeFilter: GaussianSmearing -> Dense -> shifted_softplus -> Dense
    g = _gauss_smear(d)
    h = _ssp(g @ p['dist_w1'] + p['dist_b1'])
    return h @ p['dist_w2'] + p['dist_b2']


def _preprocess_r(r):
    dist = jnp.sum(r ** 2 + 1e-08, axis=-1) ** 0.5
    unit = r / dist.reshape(-1, 1)
    return dist, unit


def _atom_mp(p, h_i, v_i, d_ij, unit_r_ij, nbrs):
    phi = _swish(h_i @ p['l1_w'] + p['l1_b']) @ p['l2_w'] + p['l2_b']
    e = _dist_embed(p, d_ij[:, None])
    edge_inv = phi[nbrs[:, 0]] * e
    f0 = edge_inv @ p['f0_w'] + p['f0_b']
    f1 = edge_inv @ p['f1_w'] + p['f1_b']
    dv = f0[:, :, None] * unit_r_ij[:, None, :] + f1[:, :, None] * v_i[nbrs[:, 1]]
    dh = f1
    h_new = h_i + jax.ops.segment_sum(dh, nbrs[:, 0], num_segments=h_i.shape[0])
    v_new = v_i + jax.ops.segment_sum(dv, nbrs[:, 0], num_segments=h_i.shape[0])
    return h_new, v_new


def _cg_mp(p, h_i, v_i, d_iI, unit_r_iI, mapping, n_cg):
    phi = _swish(h_i @ p['l1_w'] + p['l1_b']) @ p['l2_w'] + p['l2_b']  # computed, unused (as in original)
    e = _dist_embed(p, d_iI[:, None])
    edge_inv = h_i * e
    f0 = edge_inv @ p['f0_w'] + p['f0_b']
    f1 = edge_inv @ p['f1_w'] + p['f1_b']
    dv = f0[:, :, None] * unit_r_iI[:, None, :] + f1[:, :, None] * v_i
    dh = f1
    cnt = jax.ops.segment_sum(jnp.ones((mapping.shape[0],), jnp.float32), mapping, num_segments=n_cg)
    cnt = jnp.maximum(cnt, 1.0)
    dH = jax.ops.segment_sum(dh, mapping, num_segments=n_cg) / cnt[:, None]
    dV = jax.ops.segment_sum(dv, mapping, num_segments=n_cg) / cnt[:, None, None]
    return dH, dV


def _encoder(z, xyz, cg_xyz, mapping, nbr_list, atom_embed, params):
    # make_directed: random nbr_list already has both orderings present -> passthrough
    r_ij = xyz[nbr_list[:, 1]] - xyz[nbr_list[:, 0]]
    h_i = atom_embed[z]
    v_i = jnp.zeros((h_i.shape[0], h_i.shape[1], 3), jnp.float32)
    H_I = jnp.zeros((cg_xyz.shape[0], h_i.shape[1]), jnp.float32)
    V_I = jnp.zeros((cg_xyz.shape[0], h_i.shape[1], 3), jnp.float32)
    r_iI = xyz - cg_xyz[mapping]
    d_iI, unit_r_iI = _preprocess_r(r_iI)
    d_ij, unit_r_ij = _preprocess_r(r_ij)
    for i in range(N_CONV):
        dh_i, dv_i = _atom_mp(params['atom'][i], h_i, v_i, d_ij, unit_r_ij, nbr_list)
        h_i = h_i + dh_i
        v_i = v_i + dv_i
        dH, dV = _cg_mp(params['cg'][i], h_i, v_i, d_iI, unit_r_iI, mapping, cg_xyz.shape[0])
        H_I = H_I + dH
        V_I = V_I + dV
    return H_I


def reference(z, xyz, cg_xyz, mapping, nbr_list, atom_embed, params):
    return _encoder(z, xyz, cg_xyz, mapping, nbr_list, atom_embed, params)

if __name__ == "__main__":
    import jax
    _d = setup_inputs()
    print(jax.jit(kernel)(*tuple(_d.values())))

</pallas_src>

<mosaic_0001>
#map = affine_map<(d0, d1) -> (0, 0)>
#map1 = affine_map<(d0, d1) -> (0)>
#map2 = affine_map<(d0, d1) -> (0, 0, 0)>
module attributes {stable_mosaic.version = 14 : i64} {
  func.func @body(%arg0: i32, %arg1: i32, %arg2: memref<163840x128xf32, #tpu.memory_space<hbm>>, %arg3: memref<163840xi32, #tpu.memory_space<hbm>>, %arg4: memref<2x10240x128xf32, #tpu.memory_space<hbm>>, %arg5: memref<10240x128xf32, #tpu.memory_space<vmem_shared>>, %arg6: memref<128x128xf32, #tpu.memory_space<vmem>>, %arg7: memref<128x128xf32, #tpu.memory_space<vmem>>, %arg8: memref<128xi32, #tpu.memory_space<vmem>>, %arg9: memref<128xi32, #tpu.memory_space<vmem>>, %arg10: memref<!tpu.dma_semaphore, #tpu.memory_space<semaphore_mem>>, %arg11: memref<!tpu.dma_semaphore, #tpu.memory_space<semaphore_mem>>) attributes {dimension_semantics = [#tpu.dimension_semantics<core_parallel>, #tpu.dimension_semantics<subcore_parallel>], iteration_bounds = array<i64: 2, 16>, scalar_prefetch = 0 : i64, scratch_operands = 7 : i64, tpu.core_type = #tpu.core_type<sc_vector_subcore>, window_params = [{transform_indices = #map}, {transform_indices = #map1}, {transform_indices = #map2}]} {
    %scan3A = arith.constant 0 : i32
    %scan3A_0 = arith.constant 0 : i32
    %scan3A_1 = arith.constant 128 : i32
    %scan3A_2 = arith.addi %scan3A_0, %scan3A_1 : i32
    %scan3A_3 = arith.constant 1 : i32
    %scan3A_4 = scf.for %scan3A_59 = %scan3A_0 to %scan3A_2 step %scan3A_3 iter_args(%scan3A_60 = %scan3A) -> (i32)  : i32 {
      %broadcast_in_dim3A = arith.constant 0.000000e+00 : f32
      %broadcast_in_dim3A_61 = vector.broadcast %broadcast_in_dim3A : f32 to vector<16xf32>
      %swap3A = arith.index_cast %scan3A_59 : i32 to index
      %swap3A_62 = arith.constant 0 : index
      %swap3A_63 = tpu.vector_load %arg6[%swap3A, %swap3A_62] {strides = array<i32>} : memref<128x128xf32, #tpu.memory_space<vmem>>, vector<16xf32>,
      tpu.vector_store %arg6[%swap3A, %swap3A_62], %broadcast_in_dim3A_61 {strides = array<i32>} : memref<128x128xf32, #tpu.memory_space<vmem>>, vector<16xf32>,
      %broadcast_in_dim3A_64 = arith.constant 0.000000e+00 : f32
      %broadcast_in_dim3A_65 = vector.broadcast %broadcast_in_dim3A_64 : f32 to vector<16xf32>
      %swap3A_66 = arith.index_cast %scan3A_59 : i32 to index
      %swap3A_67 = arith.constant 16 : index
      %swap3A_68 = tpu.vector_load %arg6[%swap3A_66, %swap3A_67] {strides = array<i32>} : memref<128x128xf32, #tpu.memory_space<vmem>>, vector<16xf32>,
      tpu.vector_store %arg6[%swap3A_66, %swap3A_67], %broadcast_in_dim3A_65 {strides = array<i32>} : memref<128x128xf32, #tpu.memory_space<vmem>>, vector<16xf32>,
      %broadcast_in_dim3A_69 = arith.constant 0.000000e+00 : f32
      %broadcast_in_dim3A_70 = vector.broadcast %broadcast_in_dim3A_69 : f32 to vector<16xf32>
      %swap3A_71 = arith.index_cast %scan3A_59 : i32 to index
      %swap3A_72 = arith.constant 32 : index
      %swap3A_73 = tpu.vector_load %arg6[%swap3A_71, %swap3A_72] {strides = array<i32>} : memref<128x128xf32, #tpu.memory_space<vmem>>, vector<16xf32>,
      tpu.vector_store %arg6[%swap3A_71, %swap3A_72], %broadcast_in_dim3A_70 {strides = array<i32>} : memref<128x128xf32, #tpu.memory_space<vmem>>, vector<16xf32>,
      %broadcast_in_dim3A_74 = arith.constant 0.000000e+00 : f32
      %broadcast_in_dim3A_75 = vector.broadcast %broadcast_in_dim3A_74 : f32 to vector<16xf32>
      %swap3A_76 = arith.index_cast %scan3A_59 : i32 to index
      %swap3A_77 = arith.constant 48 : index
      %swap3A_78 = tpu.vector_load %arg6[%swap3A_76, %swap3A_77] {strides = array<i32>} : memref<128x128xf32, #tpu.memory_space<vmem>>, vector<16xf32>,
      tpu.vector_store %arg6[%swap3A_76, %swap3A_77], %broadcast_in_dim3A_75 {strides = array<i32>} : memref<128x128xf32, #tpu.memory_space<vmem>>, vector<16xf32>,
      %broadcast_in_dim3A_79 = arith.constant 0.000000e+00 : f32
      %broadcast_in_dim3A_80 = vector.broadcast %broadcast_in_dim3A_79 : f32 to vector<16xf32>
      %swap3A_81 = arith.index_cast %scan3A_59 : i32 to index
      %swap3A_82 = arith.constant 64 : index
      %swap3A_83 = tpu.vector_load %arg6[%swap3A_81, %swap3A_82] {strides = array<i32>} : memref<128x128xf32, #tpu.memory_space<vmem>>, vector<16xf32>,
      tpu.vector_store %arg6[%swap3A_81, %swap3A_82], %broadcast_in_dim3A_80 {strides = array<i32>} : memref<128x128xf32, #tpu.memory_space<vmem>>, vector<16xf32>,
      %broadcast_in_dim3A_84 = arith.constant 0.000000e+00 : f32
      %broadcast_in_dim3A_85 = vector.broadcast %broadcast_in_dim3A_84 : f32 to vector<16xf32>
      %swap3A_86 = arith.index_cast %scan3A_59 : i32 to index
      %swap3A_87 = arith.constant 80 : index
      %swap3A_88 = tpu.vector_load %arg6[%swap3A_86, %swap3A_87] {strides = array<i32>} : memref<128x128xf32, #tpu.memory_space<vmem>>, vector<16xf32>,
      tpu.vector_store %arg6[%swap3A_86, %swap3A_87], %broadcast_in_dim3A_85 {strides = array<i32>} : memref<128x128xf32, #tpu.memory_space<vmem>>, vector<16xf32>,
      %broadcast_in_dim3A_89 = arith.constant 0.000000e+00 : f32
      %broadcast_in_dim3A_90 = vector.broadcast %broadcast_in_dim3A_89 : f32 to vector<16xf32>
      %swap3A_91 = arith.index_cast %scan3A_59 : i32 to index
      %swap3A_92 = arith.constant 96 : index
      %swap3A_93 = tpu.vector_load %arg6[%swap3A_91, %swap3A_92] {strides = array<i32>} : memref<128x128xf32, #tpu.memory_space<vmem>>, vector<16xf32>,
      tpu.vector_store %arg6[%swap3A_91, %swap3A_92], %broadcast_in_dim3A_90 {strides = array<i32>} : memref<128x128xf32, #tpu.memory_space<vmem>>, vector<16xf32>,
      %broadcast_in_dim3A_94 = arith.constant 0.000000e+00 : f32
      %broadcast_in_dim3A_95 = vector.broadcast %broadcast_in_dim3A_94 : f32 to vector<16xf32>
      %swap3A_96 = arith.index_cast %scan3A_59 : i32 to index
      %swap3A_97 = arith.constant 112 : index
      %swap3A_98 = tpu.vector_load %arg6[%swap3A_96, %swap3A_97] {strides = array<i32>} : memref<128x128xf32, #tpu.memory_space<vmem>>, vector<16xf32>,
      tpu.vector_store %arg6[%swap3A_96, %swap3A_97], %broadcast_in_dim3A_95 {strides = array<i32>} : memref<128x128xf32, #tpu.memory_space<vmem>>, vector<16xf32>,
      %scan3A_99 = arith.constant 0 : i32
      scf.yield %scan3A_99 : i32
    }
    %scan3A_5 = arith.constant 128 : i32
    %mul3A = arith.constant 640 : i32
    %mul3A_6 = arith.muli %arg1, %mul3A : i32
    %add3A = arith.constant 0 : i32
    %add3A_7 = arith.addi %mul3A_6, %add3A : i32
    "tpu.region"() ({
      %run_scoped3A = tpu.sem_alloc : memref<!tpu.dma_semaphore, #tpu.memory_space<semaphore_mem>>
      %dma_start3A_59 = arith.constant 0 : i32
      %dma_start3A_60 = tpu.memref_slice %arg5[%add3A_7, %dma_start3A_59] : memref<10240x128xf32, #tpu.memory_space<vmem_shared>> -> memref<128x128xf32, #tpu.memory_space<vmem_shared>>
      %dma_start3A_61 = arith.constant 0 : i32
      %dma_start3A_62 = tpu.memref_slice %arg5[%add3A_7, %dma_start3A_61] : memref<10240x128xf32, #tpu.memory_space<vmem_shared>> -> memref<128x128xf32, #tpu.memory_space<vmem_shared>>
      tpu.enqueue_dma source(%arg6 : memref<128x128xf32, #tpu.memory_space<vmem>>) target(%dma_start3A_62 : memref<128x128xf32, #tpu.memory_space<vmem_shared>>) target_semaphore(%run_scoped3A : memref<!tpu.dma_semaphore, #tpu.memory_space<semaphore_mem>>)
      %dma_wait3A = arith.constant 0 : i32
      %dma_wait3A_63 = tpu.memref_slice %arg5[%add3A_7, %dma_wait3A] : memref<10240x128xf32, #tpu.memory_space<vmem_shared>> -> memref<128x128xf32, #tpu.memory_space<vmem_shared>>
      %dma_wait3A_64 = arith.constant 0 : i32
      %dma_wait3A_65 = tpu.memref_slice %arg5[%add3A_7, %dma_wait3A_64] : memref<10240x128xf32, #tpu.memory_space<vmem_shared>> -> memref<128x128xf32, #tpu.memory_space<vmem_shared>>
      tpu.wait_dma2 semaphore(%run_scoped3A : memref<!tpu.dma_semaphore, #tpu.memory_space<semaphore_mem>>) src(%arg6 : memref<128x128xf32, #tpu.memory_space<vmem>>) dst(%dma_wait3A_65 : memref<128x128xf32, #tpu.memory_space<vmem_shared>>)
      tpu.yield
    }) : () -> ()
    %mul3A_8 = arith.constant 640 : i32
    %mul3A_9 = arith.muli %arg1, %mul3A_8 : i32
    %add3A_10 = arith.constant 128 : i32
    %add3A_11 = arith.addi %mul3A_9, %add3A_10 : i32
    "tpu.region"() ({
      %run_scoped3A = tpu.sem_alloc : memref<!tpu.dma_semaphore, #tpu.memory_space<semaphore_mem>>
      %dma_start3A_59 = arith.constant 0 : i32
      %dma_start3A_60 = tpu.memref_slice %arg5[%add3A_11, %dma_start3A_59] : memref<10240x128xf32, #tpu.memory_space<vmem_shared>> -> memref<128x128xf32, #tpu.memory_space<vmem_shared>>
      %dma_start3A_61 = arith.constant 0 : i32
      %dma_start3A_62 = tpu.memref_slice %arg5[%add3A_11, %dma_start3A_61] : memref<10240x128xf32, #tpu.memory_space<vmem_shared>> -> memref<128x128xf32, #tpu.memory_space<vmem_shared>>
      tpu.enqueue_dma source(%arg6 : memref<128x128xf32, #tpu.memory_space<vmem>>) target(%dma_start3A_62 : memref<128x128xf32, #tpu.memory_space<vmem_shared>>) target_semaphore(%run_scoped3A : memref<!tpu.dma_semaphore, #tpu.memory_space<semaphore_mem>>)
      %dma_wait3A = arith.constant 0 : i32
      %dma_wait3A_63 = tpu.memref_slice %arg5[%add3A_11, %dma_wait3A] : memref<10240x128xf32, #tpu.memory_space<vmem_shared>> -> memref<128x128xf32, #tpu.memory_space<vmem_shared>>
      %dma_wait3A_64 = arith.constant 0 : i32
      %dma_wait3A_65 = tpu.memref_slice %arg5[%add3A_11, %dma_wait3A_64] : memref<10240x128xf32, #tpu.memory_space<vmem_shared>> -> memref<128x128xf32, #tpu.memory_space<vmem_shared>>
      tpu.wait_dma2 semaphore(%run_scoped3A : memref<!tpu.dma_semaphore, #tpu.memory_space<semaphore_mem>>) src(%arg6 : memref<128x128xf32, #tpu.memory_space<vmem>>) dst(%dma_wait3A_65 : memref<128x128xf32, #tpu.memory_space<vmem_shared>>)
      tpu.yield
    }) : () -> ()
    %mul3A_12 = arith.constant 640 : i32
    %mul3A_13 = arith.muli %arg1, %mul3A_12 : i32
    %add3A_14 = arith.constant 256 : i32
    %add3A_15 = arith.addi %mul3A_13, %add3A_14 : i32
    "tpu.region"() ({
      %run_scoped3A = tpu.sem_alloc : memref<!tpu.dma_semaphore, #tpu.memory_space<semaphore_mem>>
      %dma_start3A_59 = arith.constant 0 : i32
      %dma_start3A_60 = tpu.memref_slice %arg5[%add3A_15, %dma_start3A_59] : memref<10240x128xf32, #tpu.memory_space<vmem_shared>> -> memref<128x128xf32, #tpu.memory_space<vmem_shared>>
      %dma_start3A_61 = arith.constant 0 : i32
      %dma_start3A_62 = tpu.memref_slice %arg5[%add3A_15, %dma_start3A_61] : memref<10240x128xf32, #tpu.memory_space<vmem_shared>> -> memref<128x128xf32, #tpu.memory_space<vmem_shared>>
      tpu.enqueue_dma source(%arg6 : memref<128x128xf32, #tpu.memory_space<vmem>>) target(%dma_start3A_62 : memref<128x128xf32, #tpu.memory_space<vmem_shared>>) target_semaphore(%run_scoped3A : memref<!tpu.dma_semaphore, #tpu.memory_space<semaphore_mem>>)
      %dma_wait3A = arith.constant 0 : i32
      %dma_wait3A_63 = tpu.memref_slice %arg5[%add3A_15, %dma_wait3A] : memref<10240x128xf32, #tpu.memory_space<vmem_shared>> -> memref<128x128xf32, #tpu.memory_space<vmem_shared>>
      %dma_wait3A_64 = arith.constant 0 : i32
      %dma_wait3A_65 = tpu.memref_slice %arg5[%add3A_15, %dma_wait3A_64] : memref<10240x128xf32, #tpu.memory_space<vmem_shared>> -> memref<128x128xf32, #tpu.memory_space<vmem_shared>>
      tpu.wait_dma2 semaphore(%run_scoped3A : memref<!tpu.dma_semaphore, #tpu.memory_space<semaphore_mem>>) src(%arg6 : memref<128x128xf32, #tpu.memory_space<vmem>>) dst(%dma_wait3A_65 : memref<128x128xf32, #tpu.memory_space<vmem_shared>>)
      tpu.yield
    }) : () -> ()
    %mul3A_16 = arith.constant 640 : i32
    %mul3A_17 = arith.muli %arg1, %mul3A_16 : i32
    %add3A_18 = arith.constant 384 : i32
    %add3A_19 = arith.addi %mul3A_17, %add3A_18 : i32
    "tpu.region"() ({
      %run_scoped3A = tpu.sem_alloc : memref<!tpu.dma_semaphore, #tpu.memory_space<semaphore_mem>>
      %dma_start3A_59 = arith.constant 0 : i32
      %dma_start3A_60 = tpu.memref_slice %arg5[%add3A_19, %dma_start3A_59] : memref<10240x128xf32, #tpu.memory_space<vmem_shared>> -> memref<128x128xf32, #tpu.memory_space<vmem_shared>>
      %dma_start3A_61 = arith.constant 0 : i32
      %dma_start3A_62 = tpu.memref_slice %arg5[%add3A_19, %dma_start3A_61] : memref<10240x128xf32, #tpu.memory_space<vmem_shared>> -> memref<128x128xf32, #tpu.memory_space<vmem_shared>>
      tpu.enqueue_dma source(%arg6 : memref<128x128xf32, #tpu.memory_space<vmem>>) target(%dma_start3A_62 : memref<128x128xf32, #tpu.memory_space<vmem_shared>>) target_semaphore(%run_scoped3A : memref<!tpu.dma_semaphore, #tpu.memory_space<semaphore_mem>>)
      %dma_wait3A = arith.constant 0 : i32
      %dma_wait3A_63 = tpu.memref_slice %arg5[%add3A_19, %dma_wait3A] : memref<10240x128xf32, #tpu.memory_space<vmem_shared>> -> memref<128x128xf32, #tpu.memory_space<vmem_shared>>
      %dma_wait3A_64 = arith.constant 0 : i32
      %dma_wait3A_65 = tpu.memref_slice %arg5[%add3A_19, %dma_wait3A_64] : memref<10240x128xf32, #tpu.memory_space<vmem_shared>> -> memref<128x128xf32, #tpu.memory_space<vmem_shared>>
      tpu.wait_dma2 semaphore(%run_scoped3A : memref<!tpu.dma_semaphore, #tpu.memory_space<semaphore_mem>>) src(%arg6 : memref<128x128xf32, #tpu.memory_space<vmem>>) dst(%dma_wait3A_65 : memref<128x128xf32, #tpu.memory_space<vmem_shared>>)
      tpu.yield
    }) : () -> ()
    %mul3A_20 = arith.constant 640 : i32
    %mul3A_21 = arith.muli %arg1, %mul3A_20 : i32
    %add3A_22 = arith.constant 512 : i32
    %add3A_23 = arith.addi %mul3A_21, %add3A_22 : i32
    "tpu.region"() ({
      %run_scoped3A = tpu.sem_alloc : memref<!tpu.dma_semaphore, #tpu.memory_space<semaphore_mem>>
      %dma_start3A_59 = arith.constant 0 : i32
      %dma_start3A_60 = tpu.memref_slice %arg5[%add3A_23, %dma_start3A_59] : memref<10240x128xf32, #tpu.memory_space<vmem_shared>> -> memref<128x128xf32, #tpu.memory_space<vmem_shared>>
      %dma_start3A_61 = arith.constant 0 : i32
      %dma_start3A_62 = tpu.memref_slice %arg5[%add3A_23, %dma_start3A_61] : memref<10240x128xf32, #tpu.memory_space<vmem_shared>> -> memref<128x128xf32, #tpu.memory_space<vmem_shared>>
      tpu.enqueue_dma source(%arg6 : memref<128x128xf32, #tpu.memory_space<vmem>>) target(%dma_start3A_62 : memref<128x128xf32, #tpu.memory_space<vmem_shared>>) target_semaphore(%run_scoped3A : memref<!tpu.dma_semaphore, #tpu.memory_space<semaphore_mem>>)
      %dma_wait3A = arith.constant 0 : i32
      %dma_wait3A_63 = tpu.memref_slice %arg5[%add3A_23, %dma_wait3A] : memref<10240x128xf32, #tpu.memory_space<vmem_shared>> -> memref<128x128xf32, #tpu.memory_space<vmem_shared>>
      %dma_wait3A_64 = arith.constant 0 : i32
      %dma_wait3A_65 = tpu.memref_slice %arg5[%add3A_23, %dma_wait3A_64] : memref<10240x128xf32, #tpu.memory_space<vmem_shared>> -> memref<128x128xf32, #tpu.memory_space<vmem_shared>>
      tpu.wait_dma2 semaphore(%run_scoped3A : memref<!tpu.dma_semaphore, #tpu.memory_space<semaphore_mem>>) src(%arg6 : memref<128x128xf32, #tpu.memory_space<vmem>>) dst(%dma_wait3A_65 : memref<128x128xf32, #tpu.memory_space<vmem_shared>>)
      tpu.yield
    }) : () -> ()
    %barrier3A = arith.constant 0 : index
    tpu.barrier barrier_id(%barrier3A)
    %mul3A_24 = arith.constant 81920 : i32
    %mul3A_25 = arith.muli %arg0, %mul3A_24 : i32
    %mul3A_26 = arith.constant 5120 : i32
    %mul3A_27 = arith.muli %arg1, %mul3A_26 : i32
    %add3A_28 = arith.addi %mul3A_25, %mul3A_27 : i32
    %add3A_29 = arith.constant 0 : i32
    %add3A_30 = arith.addi %add3A_28, %add3A_29 : i32
    %dma_start3A = tpu.memref_slice %arg3[%add3A_30] : memref<163840xi32, #tpu.memory_space<hbm>> -> memref<128xi32, #tpu.memory_space<hbm>>
    %dma_start3A_31 = tpu.memref_slice %arg3[%add3A_30] : memref<163840xi32, #tpu.memory_space<hbm>> -> memref<128xi32, #tpu.memory_space<hbm>>
    tpu.enqueue_dma source(%dma_start3A_31 : memref<128xi32, #tpu.memory_space<hbm>>) target(%arg8 : memref<128xi32, #tpu.memory_space<vmem>>) target_semaphore(%arg10 : memref<!tpu.dma_semaphore, #tpu.memory_space<semaphore_mem>>)
    %dma_start3A_32 = arith.constant 0 : i32
    %dma_start3A_33 = tpu.memref_slice %arg2[%add3A_30, %dma_start3A_32] : memref<163840x128xf32, #tpu.memory_space<hbm>> -> memref<128x128xf32, #tpu.memory_space<hbm>>
    %dma_start3A_34 = arith.constant 0 : i32
    %dma_start3A_35 = tpu.memref_slice %arg2[%add3A_30, %dma_start3A_34] : memref<163840x128xf32, #tpu.memory_space<hbm>> -> memref<128x128xf32, #tpu.memory_space<hbm>>
    tpu.enqueue_dma source(%dma_start3A_35 : memref<128x128xf32, #tpu.memory_space<hbm>>) target(%arg6 : memref<128x128xf32, #tpu.memory_space<vmem>>) target_semaphore(%arg10 : memref<!tpu.dma_semaphore, #tpu.memory_space<semaphore_mem>>)
    %mul3A_36 = arith.constant 81920 : i32
    %mul3A_37 = arith.muli %arg0, %mul3A_36 : i32
    %mul3A_38 = arith.constant 5120 : i32
    %mul3A_39 = arith.muli %arg1, %mul3A_38 : i32
    %add3A_40 = arith.addi %mul3A_37, %mul3A_39 : i32
    %add3A_41 = arith.constant 128 : i32
    %add3A_42 = arith.addi %add3A_40, %add3A_41 : i32
    %dma_start3A_43 = tpu.memref_slice %arg3[%add3A_42] : memref<163840xi32, #tpu.memory_space<hbm>> -> memref<128xi32, #tpu.memory_space<hbm>>
    %dma_start3A_44 = tpu.memref_slice %arg3[%add3A_42] : memref<163840xi32, #tpu.memory_space<hbm>> -> memref<128xi32, #tpu.memory_space<hbm>>
    tpu.enqueue_dma source(%dma_start3A_44 : memref<128xi32, #tpu.memory_space<hbm>>) target(%arg9 : memref<128xi32, #tpu.memory_space<vmem>>) target_semaphore(%arg11 : memref<!tpu.dma_semaphore, #tpu.memory_space<semaphore_mem>>)
    %dma_start3A_45 = arith.constant 0 : i32
    %dma_start3A_46 = tpu.memref_slice %arg2[%add3A_42, %dma_start3A_45] : memref<163840x128xf32, #tpu.memory_space<hbm>> -> memref<128x128xf32, #tpu.memory_space<hbm>>
    %dma_start3A_47 = arith.constant 0 : i32
    %dma_start3A_48 = tpu.memref_slice %arg2[%add3A_42, %dma_start3A_47] : memref<163840x128xf32, #tpu.memory_space<hbm>> -> memref<128x128xf32, #tpu.memory_space<hbm>>
    tpu.enqueue_dma source(%dma_start3A_48 : memref<128x128xf32, #tpu.memory_space<hbm>>) target(%arg7 : memref<128x128xf32, #tpu.memory_space<vmem>>) target_semaphore(%arg11 : memref<!tpu.dma_semaphore, #tpu.memory_space<semaphore_mem>>)
    %scan3A_49 = arith.constant 0 : i32
    %scan3A_50 = arith.constant 0 : i32
    %scan3A_51 = arith.constant 20 : i32
    %scan3A_52 = arith.addi %scan3A_50, %scan3A_51 : i32
    %scan3A_53 = arith.constant 1 : i32
    %scan3A_54 = scf.for %scan3A_59 = %scan3A_50 to %scan3A_52 step %scan3A_53 iter_args(%scan3A_60 = %scan3A_49) -> (i32)  : i32 {
      %mul3A_61 = arith.constant 2 : i32
      %mul3A_62 = arith.muli %scan3A_59, %mul3A_61 : i32
      %add3A_63 = arith.constant 0 : i32
      %add3A_64 = arith.addi %mul3A_62, %add3A_63 : i32
      %lt3A = arith.constant 40 : i32
      %lt3A_65 = arith.cmpi slt, %add3A_64, %lt3A : i32
      %convert_element_type3A = arith.extui %lt3A_65 : i1 to i32
      %cond3A = arith.constant 0 : i32
      %cond3A_66 = arith.cmpi ne, %convert_element_type3A, %cond3A : i32
      scf.if %cond3A_66 {
        %dma_wait3A = arith.constant 0 : i32
        %dma_wait3A_77 = tpu.memref_slice %arg3[%dma_wait3A] : memref<163840xi32, #tpu.memory_space<hbm>> -> memref<128xi32, #tpu.memory_space<hbm>>
        %dma_wait3A_78 = arith.constant 0 : i32
        %dma_wait3A_79 = tpu.memref_slice %arg3[%dma_wait3A_78] : memref<163840xi32, #tpu.memory_space<hbm>> -> memref<128xi32, #tpu.memory_space<hbm>>
        tpu.wait_dma2 semaphore(%arg10 : memref<!tpu.dma_semaphore, #tpu.memory_space<semaphore_mem>>) src(%dma_wait3A_79 : memref<128xi32, #tpu.memory_space<hbm>>) dst(%arg8 : memref<128xi32, #tpu.memory_space<vmem>>)
        %dma_wait3A_80 = arith.constant 0 : i32
        %dma_wait3A_81 = arith.constant 0 : i32
        %dma_wait3A_82 = tpu.memref_slice %arg2[%dma_wait3A_80, %dma_wait3A_81] : memref<163840x128xf32, #tpu.memory_space<hbm>> -> memref<128x128xf32, #tpu.memory_space<hbm>>
        %dma_wait3A_83 = arith.constant 0 : i32
        %dma_wait3A_84 = arith.constant 0 : i32
        %dma_wait3A_85 = tpu.memref_slice %arg2[%dma_wait3A_83, %dma_wait3A_84] : memref<163840x128xf32, #tpu.memory_space<hbm>> -> memref<128x128xf32, #tpu.memory_space<hbm>>
        tpu.wait_dma2 semaphore(%arg10 : memref<!tpu.dma_semaphore, #tpu.memory_space<semaphore_mem>>) src(%dma_wait3A_85 : memref<128x128xf32, #tpu.memory_space<hbm>>) dst(%arg6 : memref<128x128xf32, #tpu.memory_space<vmem>>)
        "tpu.region"() ({
          %run_scoped3A = tpu.sem_alloc : memref<!tpu.dma_semaphore, #tpu.memory_space<semaphore_mem>>
          %dma_start3A_93 = arith.constant 0 : i32
          %dma_start3A_94 = arith.constant 0 : i32
          %dma_start3A_95 = tpu.memref_slice %arg5[%dma_start3A_93, %dma_start3A_94] : memref<10240x128xf32, #tpu.memory_space<vmem_shared>> -> memref<10240x128xf32, #tpu.memory_space<vmem_shared>>
          tpu.enqueue_indirect_dma source(%arg6 : memref<128x128xf32, #tpu.memory_space<vmem>>) target(%dma_start3A_95 : memref<10240x128xf32, #tpu.memory_space<vmem_shared>>) offsets(%arg8 : memref<128xi32, #tpu.memory_space<vmem>>) semaphore(%run_scoped3A : memref<!tpu.dma_semaphore, #tpu.memory_space<semaphore_mem>>) {add = true}
          %dma_wait3A_96 = arith.constant 0 : i32
          %dma_wait3A_97 = arith.constant 0 : i32
          %dma_wait3A_98 = tpu.memref_slice %arg5[%dma_wait3A_96, %dma_wait3A_97] : memref<10240x128xf32, #tpu.memory_space<vmem_shared>> -> memref<10240x128xf32, #tpu.memory_space<vmem_shared>>
          tpu.wait_indirect_dma semaphore(%run_scoped3A : memref<!tpu.dma_semaphore, #tpu.memory_space<semaphore_mem>>) src(%arg6 : memref<128x128xf32, #tpu.memory_space<vmem>>) dst(%dma_wait3A_98 : memref<10240x128xf32, #tpu.memory_space<vmem_shared>>)
          tpu.yield
        }) : () -> ()
        %add3A_86 = arith.constant 2 : i32
        %add3A_87 = arith.addi %add3A_64, %add3A_86 : i32
        %lt3A_88 = arith.constant 40 : i32
        %lt3A_89 = arith.cmpi slt, %add3A_87, %lt3A_88 : i32
        %convert_element_type3A_90 = arith.extui %lt3A_89 : i1 to i32
        %cond3A_91 = arith.constant 0 : i32
        %cond3A_92 = arith.cmpi ne, %convert_element_type3A_90, %cond3A_91 : i32
        scf.if %cond3A_92 {
          %add3A_93 = arith.constant 2 : i32
          %add3A_94 = arith.addi %add3A_64, %add3A_93 : i32
          %mul3A_95 = arith.constant 81920 : i32
          %mul3A_96 = arith.muli %arg0, %mul3A_95 : i32
          %mul3A_97 = arith.constant 5120 : i32
          %mul3A_98 = arith.muli %arg1, %mul3A_97 : i32
          %add3A_99 = arith.addi %mul3A_96, %mul3A_98 : i32
          %mul3A_100 = arith.constant 128 : i32
          %mul3A_101 = arith.muli %add3A_94, %mul3A_100 : i32
          %add3A_102 = arith.addi %add3A_99, %mul3A_101 : i32
          %dma_start3A_103 = tpu.memref_slice %arg3[%add3A_102] : memref<163840xi32, #tpu.memory_space<hbm>> -> memref<128xi32, #tpu.memory_space<hbm>>
          %dma_start3A_104 = tpu.memref_slice %arg3[%add3A_102] : memref<163840xi32, #tpu.memory_space<hbm>> -> memref<128xi32, #tpu.memory_space<hbm>>
          tpu.enqueue_dma source(%dma_start3A_104 : memref<128xi32, #tpu.memory_space<hbm>>) target(%arg8 : memref<128xi32, #tpu.memory_space<vmem>>) target_semaphore(%arg10 : memref<!tpu.dma_semaphore, #tpu.memory_space<semaphore_mem>>)
          %dma_start3A_105 = arith.constant 0 : i32
          %dma_start3A_106 = tpu.memref_slice %arg2[%add3A_102, %dma_start3A_105] : memref<163840x128xf32, #tpu.memory_space<hbm>> -> memref<128x128xf32, #tpu.memory_space<hbm>>
          %dma_start3A_107 = arith.constant 0 : i32
          %dma_start3A_108 = tpu.memref_slice %arg2[%add3A_102, %dma_start3A_107] : memref<163840x128xf32, #tpu.memory_space<hbm>> -> memref<128x128xf32, #tpu.memory_space<hbm>>
          tpu.enqueue_dma source(%dma_start3A_108 : memref<128x128xf32, #tpu.memory_space<hbm>>) target(%arg6 : memref<128x128xf32, #tpu.memory_space<vmem>>) target_semaphore(%arg10 : memref<!tpu.dma_semaphore, #tpu.memory_space<semaphore_mem>>)
        } else {
        }
      } else {
      }
      %mul3A_67 = arith.constant 2 : i32
      %mul3A_68 = arith.muli %scan3A_59, %mul3A_67 : i32
      %add3A_69 = arith.constant 1 : i32
      %add3A_70 = arith.addi %mul3A_68, %add3A_69 : i32
      %lt3A_71 = arith.constant 40 : i32
      %lt3A_72 = arith.cmpi slt, %add3A_70, %lt3A_71 : i32
      %convert_element_type3A_73 = arith.extui %lt3A_72 : i1 to i32
      %cond3A_74 = arith.constant 0 : i32
      %cond3A_75 = arith.cmpi ne, %convert_element_type3A_73, %cond3A_74 : i32
      scf.if %cond3A_75 {
        %dma_wait3A = arith.constant 0 : i32
        %dma_wait3A_77 = tpu.memref_slice %arg3[%dma_wait3A] : memref<163840xi32, #tpu.memory_space<hbm>> -> memref<128xi32, #tpu.memory_space<hbm>>
        %dma_wait3A_78 = arith.constant 0 : i32
        %dma_wait3A_79 = tpu.memref_slice %arg3[%dma_wait3A_78] : memref<163840xi32, #tpu.memory_space<hbm>> -> memref<128xi32, #tpu.memory_space<hbm>>
        tpu.wait_dma2 semaphore(%arg11 : memref<!tpu.dma_semaphore, #tpu.memory_space<semaphore_mem>>) src(%dma_wait3A_79 : memref<128xi32, #tpu.memory_space<hbm>>) dst(%arg9 : memref<128xi32, #tpu.memory_space<vmem>>)
        %dma_wait3A_80 = arith.constant 0 : i32
        %dma_wait3A_81 = arith.constant 0 : i32
        %dma_wait3A_82 = tpu.memref_slice %arg2[%dma_wait3A_80, %dma_wait3A_81] : memref<163840x128xf32, #tpu.memory_space<hbm>> -> memref<128x128xf32, #tpu.memory_space<hbm>>
        %dma_wait3A_83 = arith.constant 0 : i32
        %dma_wait3A_84 = arith.constant 0 : i32
        %dma_wait3A_85 = tpu.memref_slice %arg2[%dma_wait3A_83, %dma_wait3A_84] : memref<163840x128xf32, #tpu.memory_space<hbm>> -> memref<128x128xf32, #tpu.memory_space<hbm>>
        tpu.wait_dma2 semaphore(%arg11 : memref<!tpu.dma_semaphore, #tpu.memory_space<semaphore_mem>>) src(%dma_wait3A_85 : memref<128x128xf32, #tpu.memory_space<hbm>>) dst(%arg7 : memref<128x128xf32, #tpu.memory_space<vmem>>)
        "tpu.region"() ({
          %run_scoped3A = tpu.sem_alloc : memref<!tpu.dma_semaphore, #tpu.memory_space<semaphore_mem>>
          %dma_start3A_93 = arith.constant 0 : i32
          %dma_start3A_94 = arith.constant 0 : i32
          %dma_start3A_95 = tpu.memref_slice %arg5[%dma_start3A_93, %dma_start3A_94] : memref<10240x128xf32, #tpu.memory_space<vmem_shared>> -> memref<10240x128xf32, #tpu.memory_space<vmem_shared>>
          tpu.enqueue_indirect_dma source(%arg7 : memref<128x128xf32, #tpu.memory_space<vmem>>) target(%dma_start3A_95 : memref<10240x128xf32, #tpu.memory_space<vmem_shared>>) offsets(%arg9 : memref<128xi32, #tpu.memory_space<vmem>>) semaphore(%run_scoped3A : memref<!tpu.dma_semaphore, #tpu.memory_space<semaphore_mem>>) {add = true}
          %dma_wait3A_96 = arith.constant 0 : i32
          %dma_wait3A_97 = arith.constant 0 : i32
          %dma_wait3A_98 = tpu.memref_slice %arg5[%dma_wait3A_96, %dma_wait3A_97] : memref<10240x128xf32, #tpu.memory_space<vmem_shared>> -> memref<10240x128xf32, #tpu.memory_space<vmem_shared>>
          tpu.wait_indirect_dma semaphore(%run_scoped3A : memref<!tpu.dma_semaphore, #tpu.memory_space<semaphore_mem>>) src(%arg7 : memref<128x128xf32, #tpu.memory_space<vmem>>) dst(%dma_wait3A_98 : memref<10240x128xf32, #tpu.memory_space<vmem_shared>>)
          tpu.yield
        }) : () -> ()
        %add3A_86 = arith.constant 2 : i32
        %add3A_87 = arith.addi %add3A_70, %add3A_86 : i32
        %lt3A_88 = arith.constant 40 : i32
        %lt3A_89 = arith.cmpi slt, %add3A_87, %lt3A_88 : i32
        %convert_element_type3A_90 = arith.extui %lt3A_89 : i1 to i32
        %cond3A_91 = arith.constant 0 : i32
        %cond3A_92 = arith.cmpi ne, %convert_element_type3A_90, %cond3A_91 : i32
        scf.if %cond3A_92 {
          %add3A_93 = arith.constant 2 : i32
          %add3A_94 = arith.addi %add3A_70, %add3A_93 : i32
          %mul3A_95 = arith.constant 81920 : i32
          %mul3A_96 = arith.muli %arg0, %mul3A_95 : i32
          %mul3A_97 = arith.constant 5120 : i32
          %mul3A_98 = arith.muli %arg1, %mul3A_97 : i32
          %add3A_99 = arith.addi %mul3A_96, %mul3A_98 : i32
          %mul3A_100 = arith.constant 128 : i32
          %mul3A_101 = arith.muli %add3A_94, %mul3A_100 : i32
          %add3A_102 = arith.addi %add3A_99, %mul3A_101 : i32
          %dma_start3A_103 = tpu.memref_slice %arg3[%add3A_102] : memref<163840xi32, #tpu.memory_space<hbm>> -> memref<128xi32, #tpu.memory_space<hbm>>
          %dma_start3A_104 = tpu.memref_slice %arg3[%add3A_102] : memref<163840xi32, #tpu.memory_space<hbm>> -> memref<128xi32, #tpu.memory_space<hbm>>
          tpu.enqueue_dma source(%dma_start3A_104 : memref<128xi32, #tpu.memory_space<hbm>>) target(%arg9 : memref<128xi32, #tpu.memory_space<vmem>>) target_semaphore(%arg11 : memref<!tpu.dma_semaphore, #tpu.memory_space<semaphore_mem>>)
          %dma_start3A_105 = arith.constant 0 : i32
          %dma_start3A_106 = tpu.memref_slice %arg2[%add3A_102, %dma_start3A_105] : memref<163840x128xf32, #tpu.memory_space<hbm>> -> memref<128x128xf32, #tpu.memory_space<hbm>>
          %dma_start3A_107 = arith.constant 0 : i32
          %dma_start3A_108 = tpu.memref_slice %arg2[%add3A_102, %dma_start3A_107] : memref<163840x128xf32, #tpu.memory_space<hbm>> -> memref<128x128xf32, #tpu.memory_space<hbm>>
          tpu.enqueue_dma source(%dma_start3A_108 : memref<128x128xf32, #tpu.memory_space<hbm>>) target(%arg7 : memref<128x128xf32, #tpu.memory_space<vmem>>) target_semaphore(%arg11 : memref<!tpu.dma_semaphore, #tpu.memory_space<semaphore_mem>>)
        } else {
        }
      } else {
      }
      %scan3A_76 = arith.constant 0 : i32
      scf.yield %scan3A_76 : i32
    }
    %scan3A_55 = arith.constant 20 : i32
    %barrier3A_56 = arith.constant 0 : index
    tpu.barrier barrier_id(%barrier3A_56)
    %mul3A_57 = arith.constant 640 : i32
    %mul3A_58 = arith.muli %arg1, %mul3A_57 : i32
    "tpu.region"() ({
      %run_scoped3A = tpu.sem_alloc : memref<!tpu.dma_semaphore, #tpu.memory_space<semaphore_mem>>
      %dma_start3A_59 = arith.constant 0 : i32
      %dma_start3A_60 = tpu.memref_slice %arg4[%arg0, %mul3A_58, %dma_start3A_59] : memref<2x10240x128xf32, #tpu.memory_space<hbm>> -> memref<1x640x128xf32, #tpu.memory_space<hbm>>
      %dma_start3A_61 = tpu.memref_squeeze %dma_start3A_60 : memref<1x640x128xf32, #tpu.memory_space<hbm>> -> memref<640x128xf32, #tpu.memory_space<hbm>>
      %dma_start3A_62 = arith.constant 0 : i32
      %dma_start3A_63 = tpu.memref_slice %arg5[%mul3A_58, %dma_start3A_62] : memref<10240x128xf32, #tpu.memory_space<vmem_shared>> -> memref<640x128xf32, #tpu.memory_space<vmem_shared>>
      tpu.enqueue_dma source(%dma_start3A_63 : memref<640x128xf32, #tpu.memory_space<vmem_shared>>) target(%dma_start3A_61 : memref<640x128xf32, #tpu.memory_space<hbm>>) target_semaphore(%run_scoped3A : memref<!tpu.dma_semaphore, #tpu.memory_space<semaphore_mem>>)
      %dma_wait3A = arith.constant 0 : i32
      %dma_wait3A_64 = tpu.memref_slice %arg4[%arg0, %mul3A_58, %dma_wait3A] : memref<2x10240x128xf32, #tpu.memory_space<hbm>> -> memref<1x640x128xf32, #tpu.memory_space<hbm>>
      %dma_wait3A_65 = tpu.memref_squeeze %dma_wait3A_64 : memref<1x640x128xf32, #tpu.memory_space<hbm>> -> memref<640x128xf32, #tpu.memory_space<hbm>>
      %dma_wait3A_66 = arith.constant 0 : i32
      %dma_wait3A_67 = tpu.memref_slice %arg5[%mul3A_58, %dma_wait3A_66] : memref<10240x128xf32, #tpu.memory_space<vmem_shared>> -> memref<640x128xf32, #tpu.memory_space<vmem_shared>>
      tpu.wait_dma2 semaphore(%run_scoped3A : memref<!tpu.dma_semaphore, #tpu.memory_space<semaphore_mem>>) src(%dma_wait3A_67 : memref<640x128xf32, #tpu.memory_space<vmem_shared>>) dst(%dma_wait3A_65 : memref<640x128xf32, #tpu.memory_space<hbm>>)
      tpu.yield
    }) : () -> ()
    return
  }
}

#map = affine_map<(d0, d1) -> (0)>
#map1 = affine_map<(d0, d1) -> (0, 0, 0)>
module attributes {stable_mosaic.version = 14 : i64} {
  func.func @body(%arg0: i32, %arg1: i32, %arg2: memref<10240xf32, #tpu.memory_space<hbm>>, %arg3: memref<10240xf32, #tpu.memory_space<hbm>>, %arg4: memref<10240xf32, #tpu.memory_space<hbm>>, %arg5: memref<1024xf32, #tpu.memory_space<hbm>>, %arg6: memref<1024xf32, #tpu.memory_space<hbm>>, %arg7: memref<1024xf32, #tpu.memory_space<hbm>>, %arg8: memref<163840xi32, #tpu.memory_space<hbm>>, %arg9: memref<32x80x64xi32, #tpu.memory_space<hbm>>, %arg10: memref<10240xi32, #tpu.memory_space<hbm>>, %arg11: memref<163840xf32, #tpu.memory_space<hbm>>, %arg12: memref<10240xf32, #tpu.memory_space<hbm>>, %arg13: memref<10240xf32, #tpu.memory_space<vmem>>, %arg14: memref<10240xf32, #tpu.memory_space<vmem>>, %arg15: memref<10240xf32, #tpu.memory_space<vmem>>, %arg16: memref<1024xf32, #tpu.memory_space<vmem>>, %arg17: memref<1024xf32, #tpu.memory_space<vmem>>, %arg18: memref<1024xf32, #tpu.memory_space<vmem>>, %arg19: memref<5120xi32, #tpu.memory_space<vmem>>, %arg20: memref<5120xf32, #tpu.memory_space<vmem>>, %arg21: memref<80x64xi32, #tpu.memory_space<vmem>>, %arg22: memref<320xi32, #tpu.memory_space<vmem>>, %arg23: memref<320xf32, #tpu.memory_space<vmem>>) attributes {dimension_semantics = [#tpu.dimension_semantics<core_parallel>, #tpu.dimension_semantics<subcore_parallel>], iteration_bounds = array<i64: 2, 16>, scalar_prefetch = 0 : i64, scratch_operands = 11 : i64, tpu.core_type = #tpu.core_type<sc_vector_subcore>, window_params = [{transform_indices = #map}, {transform_indices = #map}, {transform_indices = #map}, {transform_indices = #map}, {transform_indices = #map}, {transform_indices = #map}, {transform_indices = #map}, {transform_indices = #map1}, {transform_indices = #map}, {transform_indices = #map}, {transform_indices = #map}]} {
    %mul3A = arith.constant 2 : i32
    %mul3A_0 = arith.muli %arg1, %mul3A : i32
    %add3A = arith.addi %mul3A_0, %arg0 : i32
    "tpu.region"() ({
      %run_scoped3A = tpu.sem_alloc : memref<!tpu.dma_semaphore, #tpu.memory_space<semaphore_mem>>
      tpu.enqueue_dma source(%arg2 : memref<10240xf32, #tpu.memory_space<hbm>>) target(%arg13 : memref<10240xf32, #tpu.memory_space<vmem>>) target_semaphore(%run_scoped3A : memref<!tpu.dma_semaphore, #tpu.memory_space<semaphore_mem>>)
      tpu.wait_dma2 semaphore(%run_scoped3A : memref<!tpu.dma_semaphore, #tpu.memory_space<semaphore_mem>>) src(%arg2 : memref<10240xf32, #tpu.memory_space<hbm>>) dst(%arg13 : memref<10240xf32, #tpu.memory_space<vmem>>)
      tpu.yield
    }) : () -> ()
    "tpu.region"() ({
      %run_scoped3A = tpu.sem_alloc : memref<!tpu.dma_semaphore, #tpu.memory_space<semaphore_mem>>
      tpu.enqueue_dma source(%arg3 : memref<10240xf32, #tpu.memory_space<hbm>>) target(%arg14 : memref<10240xf32, #tpu.memory_space<vmem>>) target_semaphore(%run_scoped3A : memref<!tpu.dma_semaphore, #tpu.memory_space<semaphore_mem>>)
      tpu.wait_dma2 semaphore(%run_scoped3A : memref<!tpu.dma_semaphore, #tpu.memory_space<semaphore_mem>>) src(%arg3 : memref<10240xf32, #tpu.memory_space<hbm>>) dst(%arg14 : memref<10240xf32, #tpu.memory_space<vmem>>)
      tpu.yield
    }) : () -> ()
    "tpu.region"() ({
      %run_scoped3A = tpu.sem_alloc : memref<!tpu.dma_semaphore, #tpu.memory_space<semaphore_mem>>
      tpu.enqueue_dma source(%arg4 : memref<10240xf32, #tpu.memory_space<hbm>>) target(%arg15 : memref<10240xf32, #tpu.memory_space<vmem>>) target_semaphore(%run_scoped3A : memref<!tpu.dma_semaphore, #tpu.memory_space<semaphore_mem>>)
      tpu.wait_dma2 semaphore(%run_scoped3A : memref<!tpu.dma_semaphore, #tpu.memory_space<semaphore_mem>>) src(%arg4 : memref<10240xf32, #tpu.memory_space<hbm>>) dst(%arg15 : memref<10240xf32, #tpu.memory_space<vmem>>)
      tpu.yield
    }) : () -> ()
    "tpu.region"() ({
      %run_scoped3A = tpu.sem_alloc : memref<!tpu.dma_semaphore, #tpu.memory_space<semaphore_mem>>
      tpu.enqueue_dma source(%arg5 : memref<1024xf32, #tpu.memory_space<hbm>>) target(%arg16 : memref<1024xf32, #tpu.memory_space<vmem>>) target_semaphore(%run_scoped3A : memref<!tpu.dma_semaphore, #tpu.memory_space<semaphore_mem>>)
      tpu.wait_dma2 semaphore(%run_scoped3A : memref<!tpu.dma_semaphore, #tpu.memory_space<semaphore_mem>>) src(%arg5 : memref<1024xf32, #tpu.memory_space<hbm>>) dst(%arg16 : memref<1024xf32, #tpu.memory_space<vmem>>)
      tpu.yield
    }) : () -> ()
    "tpu.region"() ({
      %run_scoped3A = tpu.sem_alloc : memref<!tpu.dma_semaphore, #tpu.memory_space<semaphore_mem>>
      tpu.enqueue_dma source(%arg6 : memref<1024xf32, #tpu.memory_space<hbm>>) target(%arg17 : memref<1024xf32, #tpu.memory_space<vmem>>) target_semaphore(%run_scoped3A : memref<!tpu.dma_semaphore, #tpu.memory_space<semaphore_mem>>)
      tpu.wait_dma2 semaphore(%run_scoped3A : memref<!tpu.dma_semaphore, #tpu.memory_space<semaphore_mem>>) src(%arg6 : memref<1024xf32, #tpu.memory_space<hbm>>) dst(%arg17 : memref<1024xf32, #tpu.memory_space<vmem>>)
      tpu.yield
    }) : () -> ()
    "tpu.region"() ({
      %run_scoped3A = tpu.sem_alloc : memref<!tpu.dma_semaphore, #tpu.memory_space<semaphore_mem>>
      tpu.enqueue_dma source(%arg7 : memref<1024xf32, #tpu.memory_space<hbm>>) target(%arg18 : memref<1024xf32, #tpu.memory_space<vmem>>) target_semaphore(%run_scoped3A : memref<!tpu.dma_semaphore, #tpu.memory_space<semaphore_mem>>)
      tpu.wait_dma2 semaphore(%run_scoped3A : memref<!tpu.dma_semaphore, #tpu.memory_space<semaphore_mem>>) src(%arg7 : memref<1024xf32, #tpu.memory_space<hbm>>) dst(%arg18 : memref<1024xf32, #tpu.memory_space<vmem>>)
      tpu.yield
    }) : () -> ()
    %mul3A_1 = arith.constant 5120 : i32
    %mul3A_2 = arith.muli %add3A, %mul3A_1 : i32
    "tpu.region"() ({
      %run_scoped3A = tpu.sem_alloc : memref<!tpu.dma_semaphore, #tpu.memory_space<semaphore_mem>>
      %dma_start3A = tpu.memref_slice %arg8[%mul3A_2] : memref<163840xi32, #tpu.memory_space<hbm>> -> memref<5120xi32, #tpu.memory_space<hbm>>
      %dma_start3A_18 = tpu.memref_slice %arg8[%mul3A_2] : memref<163840xi32, #tpu.memory_space<hbm>> -> memref<5120xi32, #tpu.memory_space<hbm>>
      tpu.enqueue_dma source(%dma_start3A_18 : memref<5120xi32, #tpu.memory_space<hbm>>) target(%arg19 : memref<5120xi32, #tpu.memory_space<vmem>>) target_semaphore(%run_scoped3A : memref<!tpu.dma_semaphore, #tpu.memory_space<semaphore_mem>>)
      %dma_wait3A = tpu.memref_slice %arg8[%mul3A_2] : memref<163840xi32, #tpu.memory_space<hbm>> -> memref<5120xi32, #tpu.memory_space<hbm>>
      %dma_wait3A_19 = tpu.memref_slice %arg8[%mul3A_2] : memref<163840xi32, #tpu.memory_space<hbm>> -> memref<5120xi32, #tpu.memory_space<hbm>>
      tpu.wait_dma2 semaphore(%run_scoped3A : memref<!tpu.dma_semaphore, #tpu.memory_space<semaphore_mem>>) src(%dma_wait3A_19 : memref<5120xi32, #tpu.memory_space<hbm>>) dst(%arg19 : memref<5120xi32, #tpu.memory_space<vmem>>)
      tpu.yield
    }) : () -> ()
    "tpu.region"() ({
      %run_scoped3A = tpu.sem_alloc : memref<!tpu.dma_semaphore, #tpu.memory_space<semaphore_mem>>
      %dma_start3A = arith.constant 0 : i32
      %dma_start3A_18 = arith.constant 0 : i32
      %dma_start3A_19 = tpu.memref_slice %arg9[%add3A, %dma_start3A, %dma_start3A_18] : memref<32x80x64xi32, #tpu.memory_space<hbm>> -> memref<1x80x64xi32, #tpu.memory_space<hbm>>
      %dma_start3A_20 = tpu.memref_squeeze %dma_start3A_19 : memref<1x80x64xi32, #tpu.memory_space<hbm>> -> memref<80x64xi32, #tpu.memory_space<hbm>>
      %dma_start3A_21 = arith.constant 0 : i32
      %dma_start3A_22 = arith.constant 0 : i32
      %dma_start3A_23 = tpu.memref_slice %arg9[%add3A, %dma_start3A_21, %dma_start3A_22] : memref<32x80x64xi32, #tpu.memory_space<hbm>> -> memref<1x80x64xi32, #tpu.memory_space<hbm>>
      %dma_start3A_24 = tpu.memref_squeeze %dma_start3A_23 : memref<1x80x64xi32, #tpu.memory_space<hbm>> -> memref<80x64xi32, #tpu.memory_space<hbm>>
      tpu.enqueue_dma source(%dma_start3A_24 : memref<80x64xi32, #tpu.memory_space<hbm>>) target(%arg21 : memref<80x64xi32, #tpu.memory_space<vmem>>) target_semaphore(%run_scoped3A : memref<!tpu.dma_semaphore, #tpu.memory_space<semaphore_mem>>)
      %dma_wait3A = arith.constant 0 : i32
      %dma_wait3A_25 = arith.constant 0 : i32
      %dma_wait3A_26 = tpu.memref_slice %arg9[%add3A, %dma_wait3A, %dma_wait3A_25] : memref<32x80x64xi32, #tpu.memory_space<hbm>> -> memref<1x80x64xi32, #tpu.memory_space<hbm>>
      %dma_wait3A_27 = tpu.memref_squeeze %dma_wait3A_26 : memref<1x80x64xi32, #tpu.memory_space<hbm>> -> memref<80x64xi32, #tpu.memory_space<hbm>>
      %dma_wait3A_28 = arith.constant 0 : i32
      %dma_wait3A_29 = arith.constant 0 : i32
      %dma_wait3A_30 = tpu.memref_slice %arg9[%add3A, %dma_wait3A_28, %dma_wait3A_29] : memref<32x80x64xi32, #tpu.memory_space<hbm>> -> memref<1x80x64xi32, #tpu.memory_space<hbm>>
      %dma_wait3A_31 = tpu.memref_squeeze %dma_wait3A_30 : memref<1x80x64xi32, #tpu.memory_space<hbm>> -> memref<80x64xi32, #tpu.memory_space<hbm>>
      tpu.wait_dma2 semaphore(%run_scoped3A : memref<!tpu.dma_semaphore, #tpu.memory_space<semaphore_mem>>) src(%dma_wait3A_31 : memref<80x64xi32, #tpu.memory_space<hbm>>) dst(%arg21 : memref<80x64xi32, #tpu.memory_space<vmem>>)
      tpu.yield
    }) : () -> ()
    %scan3A = arith.constant 0 : i32
    %scan3A_3 = arith.constant 0 : i32
    %scan3A_4 = arith.constant 80 : i32
    %scan3A_5 = arith.addi %scan3A_3, %scan3A_4 : i32
    %scan3A_6 = arith.constant 1 : i32
    %scan3A_7 = scf.for %scan3A_18 = %scan3A_3 to %scan3A_5 step %scan3A_6 iter_args(%scan3A_19 = %scan3A) -> (i32)  : i32 {
      %get3A = arith.index_cast %scan3A_18 : i32 to index
      %get3A_20 = arith.constant 0 : index
      %get3A_21 = tpu.vector_load %arg21[%get3A, %get3A_20] {strides = array<i32>} : memref<80x64xi32, #tpu.memory_space<vmem>>, vector<16xi32>,
      %mul3A_22 = arith.constant 64 : i32
      %mul3A_23 = arith.muli %scan3A_18, %mul3A_22 : i32
      %add3A_24 = arith.constant 0 : i32
      %add3A_25 = arith.addi %mul3A_23, %add3A_24 : i32
      %get3A_26 = arith.index_cast %add3A_25 : i32 to index
      %get3A_27 = tpu.vector_load %arg19[%get3A_26] {strides = array<i32>} : memref<5120xi32, #tpu.memory_space<vmem>>, vector<16xi32>,
      %gather3A = tpu.vector_load_idx %arg13[%get3A_27] : memref<10240xf32, #tpu.memory_space<vmem>>[vector<16xi32>], vector<16xf32>,
      %gather3A_28 = tpu.vector_load_idx %arg13[%get3A_21] : memref<10240xf32, #tpu.memory_space<vmem>>[vector<16xi32>], vector<16xf32>,
      %sub3A = arith.subf %gather3A, %gather3A_28 : vector<16xf32>
      %gather3A_29 = tpu.vector_load_idx %arg14[%get3A_27] : memref<10240xf32, #tpu.memory_space<vmem>>[vector<16xi32>], vector<16xf32>,
      %gather3A_30 = tpu.vector_load_idx %arg14[%get3A_21] : memref<10240xf32, #tpu.memory_space<vmem>>[vector<16xi32>], vector<16xf32>,
      %sub3A_31 = arith.subf %gather3A_29, %gather3A_30 : vector<16xf32>
      %gather3A_32 = tpu.vector_load_idx %arg15[%get3A_27] : memref<10240xf32, #tpu.memory_space<vmem>>[vector<16xi32>], vector<16xf32>,
      %gather3A_33 = tpu.vector_load_idx %arg15[%get3A_21] : memref<10240xf32, #tpu.memory_space<vmem>>[vector<16xi32>], vector<16xf32>,
      %sub3A_34 = arith.subf %gather3A_32, %gather3A_33 : vector<16xf32>
      %mul3A_35 = arith.mulf %sub3A, %sub3A : vector<16xf32>
      %mul3A_36 = arith.mulf %sub3A_31, %sub3A_31 : vector<16xf32>
      %add3A_37 = arith.addf %mul3A_35, %mul3A_36 : vector<16xf32>
      %mul3A_38 = arith.mulf %sub3A_34, %sub3A_34 : vector<16xf32>
      %add3A_39 = arith.addf %add3A_37, %mul3A_38 : vector<16xf32>
      %add3A_40 = arith.constant 3.000000e-08 : f32
      %add3A_41 = vector.broadcast %add3A_40 : f32 to vector<16xf32>
      %add3A_42 = arith.addf %add3A_39, %add3A_41 : vector<16xf32>
      %swap3A = arith.index_cast %add3A_25 : i32 to index
      %swap3A_43 = tpu.vector_load %arg20[%swap3A] {strides = array<i32>} : memref<5120xf32, #tpu.memory_space<vmem>>, vector<16xf32>,
      tpu.vector_store %arg20[%swap3A], %add3A_42 {strides = array<i32>} : memref<5120xf32, #tpu.memory_space<vmem>>, vector<16xf32>,
      %get3A_44 = arith.index_cast %scan3A_18 : i32 to index
      %get3A_45 = arith.constant 16 : index
      %get3A_46 = tpu.vector_load %arg21[%get3A_44, %get3A_45] {strides = array<i32>} : memref<80x64xi32, #tpu.memory_space<vmem>>, vector<16xi32>,
      %mul3A_47 = arith.constant 64 : i32
      %mul3A_48 = arith.muli %scan3A_18, %mul3A_47 : i32
      %add3A_49 = arith.constant 16 : i32
      %add3A_50 = arith.addi %mul3A_48, %add3A_49 : i32
      %get3A_51 = arith.index_cast %add3A_50 : i32 to index
      %get3A_52 = tpu.vector_load %arg19[%get3A_51] {strides = array<i32>} : memref<5120xi32, #tpu.memory_space<vmem>>, vector<16xi32>,
      %gather3A_53 = tpu.vector_load_idx %arg13[%get3A_52] : memref<10240xf32, #tpu.memory_space<vmem>>[vector<16xi32>], vector<16xf32>,
      %gather3A_54 = tpu.vector_load_idx %arg13[%get3A_46] : memref<10240xf32, #tpu.memory_space<vmem>>[vector<16xi32>], vector<16xf32>,
      %sub3A_55 = arith.subf %gather3A_53, %gather3A_54 : vector<16xf32>
      %gather3A_56 = tpu.vector_load_idx %arg14[%get3A_52] : memref<10240xf32, #tpu.memory_space<vmem>>[vector<16xi32>], vector<16xf32>,
      %gather3A_57 = tpu.vector_load_idx %arg14[%get3A_46] : memref<10240xf32, #tpu.memory_space<vmem>>[vector<16xi32>], vector<16xf32>,
      %sub3A_58 = arith.subf %gather3A_56, %gather3A_57 : vector<16xf32>
      %gather3A_59 = tpu.vector_load_idx %arg15[%get3A_52] : memref<10240xf32, #tpu.memory_space<vmem>>[vector<16xi32>], vector<16xf32>,
      %gather3A_60 = tpu.vector_load_idx %arg15[%get3A_46] : memref<10240xf32, #tpu.memory_space<vmem>>[vector<16xi32>], vector<16xf32>,
      %sub3A_61 = arith.subf %gather3A_59, %gather3A_60 : vector<16xf32>
      %mul3A_62 = arith.mulf %sub3A_55, %sub3A_55 : vector<16xf32>
      %mul3A_63 = arith.mulf %sub3A_58, %sub3A_58 : vector<16xf32>
      %add3A_64 = arith.addf %mul3A_62, %mul3A_63 : vector<16xf32>
      %mul3A_65 = arith.mulf %sub3A_61, %sub3A_61 : vector<16xf32>
      %add3A_66 = arith.addf %add3A_64, %mul3A_65 : vector<16xf32>
      %add3A_67 = arith.constant 3.000000e-08 : f32
      %add3A_68 = vector.broadcast %add3A_67 : f32 to vector<16xf32>
      %add3A_69 = arith.addf %add3A_66, %add3A_68 : vector<16xf32>
      %swap3A_70 = arith.index_cast %add3A_50 : i32 to index
      %swap3A_71 = tpu.vector_load %arg20[%swap3A_70] {strides = array<i32>} : memref<5120xf32, #tpu.memory_space<vmem>>, vector<16xf32>,
      tpu.vector_store %arg20[%swap3A_70], %add3A_69 {strides = array<i32>} : memref<5120xf32, #tpu.memory_space<vmem>>, vector<16xf32>,
      %get3A_72 = arith.index_cast %scan3A_18 : i32 to index
      %get3A_73 = arith.constant 32 : index
      %get3A_74 = tpu.vector_load %arg21[%get3A_72, %get3A_73] {strides = array<i32>} : memref<80x64xi32, #tpu.memory_space<vmem>>, vector<16xi32>,
      %mul3A_75 = arith.constant 64 : i32
      %mul3A_76 = arith.muli %scan3A_18, %mul3A_75 : i32
      %add3A_77 = arith.constant 32 : i32
      %add3A_78 = arith.addi %mul3A_76, %add3A_77 : i32
      %get3A_79 = arith.index_cast %add3A_78 : i32 to index
      %get3A_80 = tpu.vector_load %arg19[%get3A_79] {strides = array<i32>} : memref<5120xi32, #tpu.memory_space<vmem>>, vector<16xi32>,
      %gather3A_81 = tpu.vector_load_idx %arg13[%get3A_80] : memref<10240xf32, #tpu.memory_space<vmem>>[vector<16xi32>], vector<16xf32>,
      %gather3A_82 = tpu.vector_load_idx %arg13[%get3A_74] : memref<10240xf32, #tpu.memory_space<vmem>>[vector<16xi32>], vector<16xf32>,
      %sub3A_83 = arith.subf %gather3A_81, %gather3A_82 : vector<16xf32>
      %gather3A_84 = tpu.vector_load_idx %arg14[%get3A_80] : memref<10240xf32, #tpu.memory_space<vmem>>[vector<16xi32>], vector<16xf32>,
      %gather3A_85 = tpu.vector_load_idx %arg14[%get3A_74] : memref<10240xf32, #tpu.memory_space<vmem>>[vector<16xi32>], vector<16xf32>,
      %sub3A_86 = arith.subf %gather3A_84, %gather3A_85 : vector<16xf32>
      %gather3A_87 = tpu.vector_load_idx %arg15[%get3A_80] : memref<10240xf32, #tpu.memory_space<vmem>>[vector<16xi32>], vector<16xf32>,
      %gather3A_88 = tpu.vector_load_idx %arg15[%get3A_74] : memref<10240xf32, #tpu.memory_space<vmem>>[vector<16xi32>], vector<16xf32>,
      %sub3A_89 = arith.subf %gather3A_87, %gather3A_88 : vector<16xf32>
      %mul3A_90 = arith.mulf %sub3A_83, %sub3A_83 : vector<16xf32>
      %mul3A_91 = arith.mulf %sub3A_86, %sub3A_86 : vector<16xf32>
      %add3A_92 = arith.addf %mul3A_90, %mul3A_91 : vector<16xf32>
      %mul3A_93 = arith.mulf %sub3A_89, %sub3A_89 : vector<16xf32>
      %add3A_94 = arith.addf %add3A_92, %mul3A_93 : vector<16xf32>
      %add3A_95 = arith.constant 3.000000e-08 : f32
      %add3A_96 = vector.broadcast %add3A_95 : f32 to vector<16xf32>
      %add3A_97 = arith.addf %add3A_94, %add3A_96 : vector<16xf32>
      %swap3A_98 = arith.index_cast %add3A_78 : i32 to index
      %swap3A_99 = tpu.vector_load %arg20[%swap3A_98] {strides = array<i32>} : memref<5120xf32, #tpu.memory_space<vmem>>, vector<16xf32>,
      tpu.vector_store %arg20[%swap3A_98], %add3A_97 {strides = array<i32>} : memref<5120xf32, #tpu.memory_space<vmem>>, vector<16xf32>,
      %get3A_100 = arith.index_cast %scan3A_18 : i32 to index
      %get3A_101 = arith.constant 48 : index
      %get3A_102 = tpu.vector_load %arg21[%get3A_100, %get3A_101] {strides = array<i32>} : memref<80x64xi32, #tpu.memory_space<vmem>>, vector<16xi32>,
      %mul3A_103 = arith.constant 64 : i32
      %mul3A_104 = arith.muli %scan3A_18, %mul3A_103 : i32
      %add3A_105 = arith.constant 48 : i32
      %add3A_106 = arith.addi %mul3A_104, %add3A_105 : i32
      %get3A_107 = arith.index_cast %add3A_106 : i32 to index
      %get3A_108 = tpu.vector_load %arg19[%get3A_107] {strides = array<i32>} : memref<5120xi32, #tpu.memory_space<vmem>>, vector<16xi32>,
      %gather3A_109 = tpu.vector_load_idx %arg13[%get3A_108] : memref<10240xf32, #tpu.memory_space<vmem>>[vector<16xi32>], vector<16xf32>,
      %gather3A_110 = tpu.vector_load_idx %arg13[%get3A_102] : memref<10240xf32, #tpu.memory_space<vmem>>[vector<16xi32>], vector<16xf32>,
      %sub3A_111 = arith.subf %gather3A_109, %gather3A_110 : vector<16xf32>
      %gather3A_112 = tpu.vector_load_idx %arg14[%get3A_108] : memref<10240xf32, #tpu.memory_space<vmem>>[vector<16xi32>], vector<16xf32>,
      %gather3A_113 = tpu.vector_load_idx %arg14[%get3A_102] : memref<10240xf32, #tpu.memory_space<vmem>>[vector<16xi32>], vector<16xf32>,
      %sub3A_114 = arith.subf %gather3A_112, %gather3A_113 : vector<16xf32>
      %gather3A_115 = tpu.vector_load_idx %arg15[%get3A_108] : memref<10240xf32, #tpu.memory_space<vmem>>[vector<16xi32>], vector<16xf32>,
      %gather3A_116 = tpu.vector_load_idx %arg15[%get3A_102] : memref<10240xf32, #tpu.memory_space<vmem>>[vector<16xi32>], vector<16xf32>,
      %sub3A_117 = arith.subf %gather3A_115, %gather3A_116 : vector<16xf32>
      %mul3A_118 = arith.mulf %sub3A_111, %sub3A_111 : vector<16xf32>
      %mul3A_119 = arith.mulf %sub3A_114, %sub3A_114 : vector<16xf32>
      %add3A_120 = arith.addf %mul3A_118, %mul3A_119 : vector<16xf32>
      %mul3A_121 = arith.mulf %sub3A_117, %sub3A_117 : vector<16xf32>
      %add3A_122 = arith.addf %add3A_120, %mul3A_121 : vector<16xf32>
      %add3A_123 = arith.constant 3.000000e-08 : f32
      %add3A_124 = vector.broadcast %add3A_123 : f32 to vector<16xf32>
      %add3A_125 = arith.addf %add3A_122, %add3A_124 : vector<16xf32>
      %swap3A_126 = arith.index_cast %add3A_106 : i32 to index
      %swap3A_127 = tpu.vector_load %arg20[%swap3A_126] {strides = array<i32>} : memref<5120xf32, #tpu.memory_space<vmem>>, vector<16xf32>,
      tpu.vector_store %arg20[%swap3A_126], %add3A_125 {strides = array<i32>} : memref<5120xf32, #tpu.memory_space<vmem>>, vector<16xf32>,
      %scan3A_128 = arith.constant 0 : i32
      scf.yield %scan3A_128 : i32
    }
    %scan3A_8 = arith.constant 80 : i32
    "tpu.region"() ({
      %run_scoped3A = tpu.sem_alloc : memref<!tpu.dma_semaphore, #tpu.memory_space<semaphore_mem>>
      %dma_start3A = tpu.memref_slice %arg11[%mul3A_2] : memref<163840xf32, #tpu.memory_space<hbm>> -> memref<5120xf32, #tpu.memory_space<hbm>>
      %dma_start3A_18 = tpu.memref_slice %arg11[%mul3A_2] : memref<163840xf32, #tpu.memory_space<hbm>> -> memref<5120xf32, #tpu.memory_space<hbm>>
      tpu.enqueue_dma source(%arg20 : memref<5120xf32, #tpu.memory_space<vmem>>) target(%dma_start3A_18 : memref<5120xf32, #tpu.memory_space<hbm>>) target_semaphore(%run_scoped3A : memref<!tpu.dma_semaphore, #tpu.memory_space<semaphore_mem>>)
      %dma_wait3A = tpu.memref_slice %arg11[%mul3A_2] : memref<163840xf32, #tpu.memory_space<hbm>> -> memref<5120xf32, #tpu.memory_space<hbm>>
      %dma_wait3A_19 = tpu.memref_slice %arg11[%mul3A_2] : memref<163840xf32, #tpu.memory_space<hbm>> -> memref<5120xf32, #tpu.memory_space<hbm>>
      tpu.wait_dma2 semaphore(%run_scoped3A : memref<!tpu.dma_semaphore, #tpu.memory_space<semaphore_mem>>) src(%arg20 : memref<5120xf32, #tpu.memory_space<vmem>>) dst(%dma_wait3A_19 : memref<5120xf32, #tpu.memory_space<hbm>>)
      tpu.yield
    }) : () -> ()
    %mul3A_9 = arith.constant 320 : i32
    %mul3A_10 = arith.muli %add3A, %mul3A_9 : i32
    "tpu.region"() ({
      %run_scoped3A = tpu.sem_alloc : memref<!tpu.dma_semaphore, #tpu.memory_space<semaphore_mem>>
      %dma_start3A = tpu.memref_slice %arg10[%mul3A_10] : memref<10240xi32, #tpu.memory_space<hbm>> -> memref<320xi32, #tpu.memory_space<hbm>>
      %dma_start3A_18 = tpu.memref_slice %arg10[%mul3A_10] : memref<10240xi32, #tpu.memory_space<hbm>> -> memref<320xi32, #tpu.memory_space<hbm>>
      tpu.enqueue_dma source(%dma_start3A_18 : memref<320xi32, #tpu.memory_space<hbm>>) target(%arg22 : memref<320xi32, #tpu.memory_space<vmem>>) target_semaphore(%run_scoped3A : memref<!tpu.dma_semaphore, #tpu.memory_space<semaphore_mem>>)
      %dma_wait3A = tpu.memref_slice %arg10[%mul3A_10] : memref<10240xi32, #tpu.memory_space<hbm>> -> memref<320xi32, #tpu.memory_space<hbm>>
      %dma_wait3A_19 = tpu.memref_slice %arg10[%mul3A_10] : memref<10240xi32, #tpu.memory_space<hbm>> -> memref<320xi32, #tpu.memory_space<hbm>>
      tpu.wait_dma2 semaphore(%run_scoped3A : memref<!tpu.dma_semaphore, #tpu.memory_space<semaphore_mem>>) src(%dma_wait3A_19 : memref<320xi32, #tpu.memory_space<hbm>>) dst(%arg22 : memref<320xi32, #tpu.memory_space<vmem>>)
      tpu.yield
    }) : () -> ()
    %scan3A_11 = arith.constant 0 : i32
    %scan3A_12 = arith.constant 0 : i32
    %scan3A_13 = arith.constant 20 : i32
    %scan3A_14 = arith.addi %scan3A_12, %scan3A_13 : i32
    %scan3A_15 = arith.constant 1 : i32
    %scan3A_16 = scf.for %scan3A_18 = %scan3A_12 to %scan3A_14 step %scan3A_15 iter_args(%scan3A_19 = %scan3A_11) -> (i32)  : i32 {
      %mul3A_20 = arith.constant 16 : i32
      %mul3A_21 = arith.muli %scan3A_18, %mul3A_20 : i32
      %mul3A_22 = arith.constant 16 : i32
      %mul3A_23 = arith.muli %scan3A_18, %mul3A_22 : i32
      %add3A_24 = arith.addi %mul3A_10, %mul3A_23 : i32
      %get3A = arith.index_cast %mul3A_21 : i32 to index
      %get3A_25 = tpu.vector_load %arg22[%get3A] {strides = array<i32>} : memref<320xi32, #tpu.memory_space<vmem>>, vector<16xi32>,
      %get3A_26 = arith.index_cast %add3A_24 : i32 to index
      %get3A_27 = tpu.vector_load %arg13[%get3A_26] {strides = array<i32>} : memref<10240xf32, #tpu.memory_space<vmem>>, vector<16xf32>,
      %gather3A = tpu.vector_load_idx %arg16[%get3A_25] : memref<1024xf32, #tpu.memory_space<vmem>>[vector<16xi32>], vector<16xf32>,
      %sub3A = arith.subf %get3A_27, %gather3A : vector<16xf32>
      %get3A_28 = arith.index_cast %add3A_24 : i32 to index
      %get3A_29 = tpu.vector_load %arg14[%get3A_28] {strides = array<i32>} : memref<10240xf32, #tpu.memory_space<vmem>>, vector<16xf32>,
      %gather3A_30 = tpu.vector_load_idx %arg17[%get3A_25] : memref<1024xf32, #tpu.memory_space<vmem>>[vector<16xi32>], vector<16xf32>,
      %sub3A_31 = arith.subf %get3A_29, %gather3A_30 : vector<16xf32>
      %get3A_32 = arith.index_cast %add3A_24 : i32 to index
      %get3A_33 = tpu.vector_load %arg15[%get3A_32] {strides = array<i32>} : memref<10240xf32, #tpu.memory_space<vmem>>, vector<16xf32>,
      %gather3A_34 = tpu.vector_load_idx %arg18[%get3A_25] : memref<1024xf32, #tpu.memory_space<vmem>>[vector<16xi32>], vector<16xf32>,
      %sub3A_35 = arith.subf %get3A_33, %gather3A_34 : vector<16xf32>
      %mul3A_36 = arith.mulf %sub3A, %sub3A : vector<16xf32>
      %mul3A_37 = arith.mulf %sub3A_31, %sub3A_31 : vector<16xf32>
      %add3A_38 = arith.addf %mul3A_36, %mul3A_37 : vector<16xf32>
      %mul3A_39 = arith.mulf %sub3A_35, %sub3A_35 : vector<16xf32>
      %add3A_40 = arith.addf %add3A_38, %mul3A_39 : vector<16xf32>
      %add3A_41 = arith.constant 3.000000e-08 : f32
      %add3A_42 = vector.broadcast %add3A_41 : f32 to vector<16xf32>
      %add3A_43 = arith.addf %add3A_40, %add3A_42 : vector<16xf32>
      %swap3A = arith.index_cast %mul3A_21 : i32 to index
      %swap3A_44 = tpu.vector_load %arg23[%swap3A] {strides = array<i32>} : memref<320xf32, #tpu.memory_space<vmem>>, vector<16xf32>,
      tpu.vector_store %arg23[%swap3A], %add3A_43 {strides = array<i32>} : memref<320xf32, #tpu.memory_space<vmem>>, vector<16xf32>,
      %scan3A_45 = arith.constant 0 : i32
      scf.yield %scan3A_45 : i32
    }
    %scan3A_17 = arith.constant 20 : i32
    "tpu.region"() ({
      %run_scoped3A = tpu.sem_alloc : memref<!tpu.dma_semaphore, #tpu.memory_space<semaphore_mem>>
      %dma_start3A = tpu.memref_slice %arg12[%mul3A_10] : memref<10240xf32, #tpu.memory_space<hbm>> -> memref<320xf32, #tpu.memory_space<hbm>>
      %dma_start3A_18 = tpu.memref_slice %arg12[%mul3A_10] : memref<10240xf32, #tpu.memory_space<hbm>> -> memref<320xf32, #tpu.memory_space<hbm>>
      tpu.enqueue_dma source(%arg23 : memref<320xf32, #tpu.memory_space<vmem>>) target(%dma_start3A_18 : memref<320xf32, #tpu.memory_space<hbm>>) target_semaphore(%run_scoped3A : memref<!tpu.dma_semaphore, #tpu.memory_space<semaphore_mem>>)
      %dma_wait3A = tpu.memref_slice %arg12[%mul3A_10] : memref<10240xf32, #tpu.memory_space<hbm>> -> memref<320xf32, #tpu.memory_space<hbm>>
      %dma_wait3A_19 = tpu.memref_slice %arg12[%mul3A_10] : memref<10240xf32, #tpu.memory_space<hbm>> -> memref<320xf32, #tpu.memory_space<hbm>>
      tpu.wait_dma2 semaphore(%run_scoped3A : memref<!tpu.dma_semaphore, #tpu.memory_space<semaphore_mem>>) src(%arg23 : memref<320xf32, #tpu.memory_space<vmem>>) dst(%dma_wait3A_19 : memref<320xf32, #tpu.memory_space<hbm>>)
      tpu.yield
    }) : () -> ()
    return
  }
}

#map = affine_map<(d0, d1) -> (0, 0)>
#map1 = affine_map<(d0, d1) -> (0)>
#map2 = affine_map<(d0, d1) -> (0, 0, 0)>
module attributes {stable_mosaic.version = 14 : i64} {
  func.func @body(%arg0: i32, %arg1: i32, %arg2: memref<163840x128xf32, #tpu.memory_space<hbm>>, %arg3: memref<163840xi32, #tpu.memory_space<hbm>>, %arg4: memref<2x10240x128xf32, #tpu.memory_space<hbm>>, %arg5: memref<10240x128xf32, #tpu.memory_space<vmem_shared>>, %arg6: memref<128x128xf32, #tpu.memory_space<vmem>>, %arg7: memref<128x128xf32, #tpu.memory_space<vmem>>, %arg8: memref<128xi32, #tpu.memory_space<vmem>>, %arg9: memref<128xi32, #tpu.memory_space<vmem>>, %arg10: memref<!tpu.dma_semaphore, #tpu.memory_space<semaphore_mem>>, %arg11: memref<!tpu.dma_semaphore, #tpu.memory_space<semaphore_mem>>) attributes {dimension_semantics = [#tpu.dimension_semantics<core_parallel>, #tpu.dimension_semantics<subcore_parallel>], iteration_bounds = array<i64: 2, 16>, scalar_prefetch = 0 : i64, scratch_operands = 7 : i64, tpu.core_type = #tpu.core_type<sc_vector_subcore>, window_params = [{transform_indices = #map}, {transform_indices = #map1}, {transform_indices = #map2}]} {
    %scan3A = arith.constant 0 : i32
    %scan3A_0 = arith.constant 0 : i32
    %scan3A_1 = arith.constant 128 : i32
    %scan3A_2 = arith.addi %scan3A_0, %scan3A_1 : i32
    %scan3A_3 = arith.constant 1 : i32
    %scan3A_4 = scf.for %scan3A_59 = %scan3A_0 to %scan3A_2 step %scan3A_3 iter_args(%scan3A_60 = %scan3A) -> (i32)  : i32 {
      %broadcast_in_dim3A = arith.constant 0.000000e+00 : f32
      %broadcast_in_dim3A_61 = vector.broadcast %broadcast_in_dim3A : f32 to vector<16xf32>
      %swap3A = arith.index_cast %scan3A_59 : i32 to index
      %swap3A_62 = arith.constant 0 : index
      %swap3A_63 = tpu.vector_load %arg6[%swap3A, %swap3A_62] {strides = array<i32>} : memref<128x128xf32, #tpu.memory_space<vmem>>, vector<16xf32>,
      tpu.vector_store %arg6[%swap3A, %swap3A_62], %broadcast_in_dim3A_61 {strides = array<i32>} : memref<128x128xf32, #tpu.memory_space<vmem>>, vector<16xf32>,
      %broadcast_in_dim3A_64 = arith.constant 0.000000e+00 : f32
      %broadcast_in_dim3A_65 = vector.broadcast %broadcast_in_dim3A_64 : f32 to vector<16xf32>
      %swap3A_66 = arith.index_cast %scan3A_59 : i32 to index
      %swap3A_67 = arith.constant 16 : index
      %swap3A_68 = tpu.vector_load %arg6[%swap3A_66, %swap3A_67] {strides = array<i32>} : memref<128x128xf32, #tpu.memory_space<vmem>>, vector<16xf32>,
      tpu.vector_store %arg6[%swap3A_66, %swap3A_67], %broadcast_in_dim3A_65 {strides = array<i32>} : memref<128x128xf32, #tpu.memory_space<vmem>>, vector<16xf32>,
      %broadcast_in_dim3A_69 = arith.constant 0.000000e+00 : f32
      %broadcast_in_dim3A_70 = vector.broadcast %broadcast_in_dim3A_69 : f32 to vector<16xf32>
      %swap3A_71 = arith.index_cast %scan3A_59 : i32 to index
      %swap3A_72 = arith.constant 32 : index
      %swap3A_73 = tpu.vector_load %arg6[%swap3A_71, %swap3A_72] {strides = array<i32>} : memref<128x128xf32, #tpu.memory_space<vmem>>, vector<16xf32>,
      tpu.vector_store %arg6[%swap3A_71, %swap3A_72], %broadcast_in_dim3A_70 {strides = array<i32>} : memref<128x128xf32, #tpu.memory_space<vmem>>, vector<16xf32>,
      %broadcast_in_dim3A_74 = arith.constant 0.000000e+00 : f32
      %broadcast_in_dim3A_75 = vector.broadcast %broadcast_in_dim3A_74 : f32 to vector<16xf32>
      %swap3A_76 = arith.index_cast %scan3A_59 : i32 to index
      %swap3A_77 = arith.constant 48 : index
      %swap3A_78 = tpu.vector_load %arg6[%swap3A_76, %swap3A_77] {strides = array<i32>} : memref<128x128xf32, #tpu.memory_space<vmem>>, vector<16xf32>,
      tpu.vector_store %arg6[%swap3A_76, %swap3A_77], %broadcast_in_dim3A_75 {strides = array<i32>} : memref<128x128xf32, #tpu.memory_space<vmem>>, vector<16xf32>,
      %broadcast_in_dim3A_79 = arith.constant 0.000000e+00 : f32
      %broadcast_in_dim3A_80 = vector.broadcast %broadcast_in_dim3A_79 : f32 to vector<16xf32>
      %swap3A_81 = arith.index_cast %scan3A_59 : i32 to index
      %swap3A_82 = arith.constant 64 : index
      %swap3A_83 = tpu.vector_load %arg6[%swap3A_81, %swap3A_82] {strides = array<i32>} : memref<128x128xf32, #tpu.memory_space<vmem>>, vector<16xf32>,
      tpu.vector_store %arg6[%swap3A_81, %swap3A_82], %broadcast_in_dim3A_80 {strides = array<i32>} : memref<128x128xf32, #tpu.memory_space<vmem>>, vector<16xf32>,
      %broadcast_in_dim3A_84 = arith.constant 0.000000e+00 : f32
      %broadcast_in_dim3A_85 = vector.broadcast %broadcast_in_dim3A_84 : f32 to vector<16xf32>
      %swap3A_86 = arith.index_cast %scan3A_59 : i32 to index
      %swap3A_87 = arith.constant 80 : index
      %swap3A_88 = tpu.vector_load %arg6[%swap3A_86, %swap3A_87] {strides = array<i32>} : memref<128x128xf32, #tpu.memory_space<vmem>>, vector<16xf32>,
      tpu.vector_store %arg6[%swap3A_86, %swap3A_87], %broadcast_in_dim3A_85 {strides = array<i32>} : memref<128x128xf32, #tpu.memory_space<vmem>>, vector<16xf32>,
      %broadcast_in_dim3A_89 = arith.constant 0.000000e+00 : f32
      %broadcast_in_dim3A_90 = vector.broadcast %broadcast_in_dim3A_89 : f32 to vector<16xf32>
      %swap3A_91 = arith.index_cast %scan3A_59 : i32 to index
      %swap3A_92 = arith.constant 96 : index
      %swap3A_93 = tpu.vector_load %arg6[%swap3A_91, %swap3A_92] {strides = array<i32>} : memref<128x128xf32, #tpu.memory_space<vmem>>, vector<16xf32>,
      tpu.vector_store %arg6[%swap3A_91, %swap3A_92], %broadcast_in_dim3A_90 {strides = array<i32>} : memref<128x128xf32, #tpu.memory_space<vmem>>, vector<16xf32>,
      %broadcast_in_dim3A_94 = arith.constant 0.000000e+00 : f32
      %broadcast_in_dim3A_95 = vector.broadcast %broadcast_in_dim3A_94 : f32 to vector<16xf32>
      %swap3A_96 = arith.index_cast %scan3A_59 : i32 to index
      %swap3A_97 = arith.constant 112 : index
      %swap3A_98 = tpu.vector_load %arg6[%swap3A_96, %swap3A_97] {strides = array<i32>} : memref<128x128xf32, #tpu.memory_space<vmem>>, vector<16xf32>,
      tpu.vector_store %arg6[%swap3A_96, %swap3A_97], %broadcast_in_dim3A_95 {strides = array<i32>} : memref<128x128xf32, #tpu.memory_space<vmem>>, vector<16xf32>,
      %scan3A_99 = arith.constant 0 : i32
      scf.yield %scan3A_99 : i32
    }
    %scan3A_5 = arith.constant 128 : i32
    %mul3A = arith.constant 640 : i32
    %mul3A_6 = arith.muli %arg1, %mul3A : i32
    %add3A = arith.constant 0 : i32
    %add3A_7 = arith.addi %mul3A_6, %add3A : i32
    "tpu.region"() ({
      %run_scoped3A = tpu.sem_alloc : memref<!tpu.dma_semaphore, #tpu.memory_space<semaphore_mem>>
      %dma_start3A_59 = arith.constant 0 : i32
      %dma_start3A_60 = tpu.memref_slice %arg5[%add3A_7, %dma_start3A_59] : memref<10240x128xf32, #tpu.memory_space<vmem_shared>> -> memref<128x128xf32, #tpu.memory_space<vmem_shared>>
      %dma_start3A_61 = arith.constant 0 : i32
      %dma_start3A_62 = tpu.memref_slice %arg5[%add3A_7, %dma_start3A_61] : memref<10240x128xf32, #tpu.memory_space<vmem_shared>> -> memref<128x128xf32, #tpu.memory_space<vmem_shared>>
      tpu.enqueue_dma source(%arg6 : memref<128x128xf32, #tpu.memory_space<vmem>>) target(%dma_start3A_62 : memref<128x128xf32, #tpu.memory_space<vmem_shared>>) target_semaphore(%run_scoped3A : memref<!tpu.dma_semaphore, #tpu.memory_space<semaphore_mem>>)
      %dma_wait3A = arith.constant 0 : i32
      %dma_wait3A_63 = tpu.memref_slice %arg5[%add3A_7, %dma_wait3A] : memref<10240x128xf32, #tpu.memory_space<vmem_shared>> -> memref<128x128xf32, #tpu.memory_space<vmem_shared>>
      %dma_wait3A_64 = arith.constant 0 : i32
      %dma_wait3A_65 = tpu.memref_slice %arg5[%add3A_7, %dma_wait3A_64] : memref<10240x128xf32, #tpu.memory_space<vmem_shared>> -> memref<128x128xf32, #tpu.memory_space<vmem_shared>>
      tpu.wait_dma2 semaphore(%run_scoped3A : memref<!tpu.dma_semaphore, #tpu.memory_space<semaphore_mem>>) src(%arg6 : memref<128x128xf32, #tpu.memory_space<vmem>>) dst(%dma_wait3A_65 : memref<128x128xf32, #tpu.memory_space<vmem_shared>>)
      tpu.yield
    }) : () -> ()
    %mul3A_8 = arith.constant 640 : i32
    %mul3A_9 = arith.muli %arg1, %mul3A_8 : i32
    %add3A_10 = arith.constant 128 : i32
    %add3A_11 = arith.addi %mul3A_9, %add3A_10 : i32
    "tpu.region"() ({
      %run_scoped3A = tpu.sem_alloc : memref<!tpu.dma_semaphore, #tpu.memory_space<semaphore_mem>>
      %dma_start3A_59 = arith.constant 0 : i32
      %dma_start3A_60 = tpu.memref_slice %arg5[%add3A_11, %dma_start3A_59] : memref<10240x128xf32, #tpu.memory_space<vmem_shared>> -> memref<128x128xf32, #tpu.memory_space<vmem_shared>>
      %dma_start3A_61 = arith.constant 0 : i32
      %dma_start3A_62 = tpu.memref_slice %arg5[%add3A_11, %dma_start3A_61] : memref<10240x128xf32, #tpu.memory_space<vmem_shared>> -> memref<128x128xf32, #tpu.memory_space<vmem_shared>>
      tpu.enqueue_dma source(%arg6 : memref<128x128xf32, #tpu.memory_space<vmem>>) target(%dma_start3A_62 : memref<128x128xf32, #tpu.memory_space<vmem_shared>>) target_semaphore(%run_scoped3A : memref<!tpu.dma_semaphore, #tpu.memory_space<semaphore_mem>>)
      %dma_wait3A = arith.constant 0 : i32
      %dma_wait3A_63 = tpu.memref_slice %arg5[%add3A_11, %dma_wait3A] : memref<10240x128xf32, #tpu.memory_space<vmem_shared>> -> memref<128x128xf32, #tpu.memory_space<vmem_shared>>
      %dma_wait3A_64 = arith.constant 0 : i32
      %dma_wait3A_65 = tpu.memref_slice %arg5[%add3A_11, %dma_wait3A_64] : memref<10240x128xf32, #tpu.memory_space<vmem_shared>> -> memref<128x128xf32, #tpu.memory_space<vmem_shared>>
      tpu.wait_dma2 semaphore(%run_scoped3A : memref<!tpu.dma_semaphore, #tpu.memory_space<semaphore_mem>>) src(%arg6 : memref<128x128xf32, #tpu.memory_space<vmem>>) dst(%dma_wait3A_65 : memref<128x128xf32, #tpu.memory_space<vmem_shared>>)
      tpu.yield
    }) : () -> ()
    %mul3A_12 = arith.constant 640 : i32
    %mul3A_13 = arith.muli %arg1, %mul3A_12 : i32
    %add3A_14 = arith.constant 256 : i32
    %add3A_15 = arith.addi %mul3A_13, %add3A_14 : i32
    "tpu.region"() ({
      %run_scoped3A = tpu.sem_alloc : memref<!tpu.dma_semaphore, #tpu.memory_space<semaphore_mem>>
      %dma_start3A_59 = arith.constant 0 : i32
      %dma_start3A_60 = tpu.memref_slice %arg5[%add3A_15, %dma_start3A_59] : memref<10240x128xf32, #tpu.memory_space<vmem_shared>> -> memref<128x128xf32, #tpu.memory_space<vmem_shared>>
      %dma_start3A_61 = arith.constant 0 : i32
      %dma_start3A_62 = tpu.memref_slice %arg5[%add3A_15, %dma_start3A_61] : memref<10240x128xf32, #tpu.memory_space<vmem_shared>> -> memref<128x128xf32, #tpu.memory_space<vmem_shared>>
      tpu.enqueue_dma source(%arg6 : memref<128x128xf32, #tpu.memory_space<vmem>>) target(%dma_start3A_62 : memref<128x128xf32, #tpu.memory_space<vmem_shared>>) target_semaphore(%run_scoped3A : memref<!tpu.dma_semaphore, #tpu.memory_space<semaphore_mem>>)
      %dma_wait3A = arith.constant 0 : i32
      %dma_wait3A_63 = tpu.memref_slice %arg5[%add3A_15, %dma_wait3A] : memref<10240x128xf32, #tpu.memory_space<vmem_shared>> -> memref<128x128xf32, #tpu.memory_space<vmem_shared>>
      %dma_wait3A_64 = arith.constant 0 : i32
      %dma_wait3A_65 = tpu.memref_slice %arg5[%add3A_15, %dma_wait3A_64] : memref<10240x128xf32, #tpu.memory_space<vmem_shared>> -> memref<128x128xf32, #tpu.memory_space<vmem_shared>>
      tpu.wait_dma2 semaphore(%run_scoped3A : memref<!tpu.dma_semaphore, #tpu.memory_space<semaphore_mem>>) src(%arg6 : memref<128x128xf32, #tpu.memory_space<vmem>>) dst(%dma_wait3A_65 : memref<128x128xf32, #tpu.memory_space<vmem_shared>>)
      tpu.yield
    }) : () -> ()
    %mul3A_16 = arith.constant 640 : i32
    %mul3A_17 = arith.muli %arg1, %mul3A_16 : i32
    %add3A_18 = arith.constant 384 : i32
    %add3A_19 = arith.addi %mul3A_17, %add3A_18 : i32
    "tpu.region"() ({
      %run_scoped3A = tpu.sem_alloc : memref<!tpu.dma_semaphore, #tpu.memory_space<semaphore_mem>>
      %dma_start3A_59 = arith.constant 0 : i32
      %dma_start3A_60 = tpu.memref_slice %arg5[%add3A_19, %dma_start3A_59] : memref<10240x128xf32, #tpu.memory_space<vmem_shared>> -> memref<128x128xf32, #tpu.memory_space<vmem_shared>>
      %dma_start3A_61 = arith.constant 0 : i32
      %dma_start3A_62 = tpu.memref_slice %arg5[%add3A_19, %dma_start3A_61] : memref<10240x128xf32, #tpu.memory_space<vmem_shared>> -> memref<128x128xf32, #tpu.memory_space<vmem_shared>>
      tpu.enqueue_dma source(%arg6 : memref<128x128xf32, #tpu.memory_space<vmem>>) target(%dma_start3A_62 : memref<128x128xf32, #tpu.memory_space<vmem_shared>>) target_semaphore(%run_scoped3A : memref<!tpu.dma_semaphore, #tpu.memory_space<semaphore_mem>>)
      %dma_wait3A = arith.constant 0 : i32
      %dma_wait3A_63 = tpu.memref_slice %arg5[%add3A_19, %dma_wait3A] : memref<10240x128xf32, #tpu.memory_space<vmem_shared>> -> memref<128x128xf32, #tpu.memory_space<vmem_shared>>
      %dma_wait3A_64 = arith.constant 0 : i32
      %dma_wait3A_65 = tpu.memref_slice %arg5[%add3A_19, %dma_wait3A_64] : memref<10240x128xf32, #tpu.memory_space<vmem_shared>> -> memref<128x128xf32, #tpu.memory_space<vmem_shared>>
      tpu.wait_dma2 semaphore(%run_scoped3A : memref<!tpu.dma_semaphore, #tpu.memory_space<semaphore_mem>>) src(%arg6 : memref<128x128xf32, #tpu.memory_space<vmem>>) dst(%dma_wait3A_65 : memref<128x128xf32, #tpu.memory_space<vmem_shared>>)
      tpu.yield
    }) : () -> ()
    %mul3A_20 = arith.constant 640 : i32
    %mul3A_21 = arith.muli %arg1, %mul3A_20 : i32
    %add3A_22 = arith.constant 512 : i32
    %add3A_23 = arith.addi %mul3A_21, %add3A_22 : i32
    "tpu.region"() ({
      %run_scoped3A = tpu.sem_alloc : memref<!tpu.dma_semaphore, #tpu.memory_space<semaphore_mem>>
      %dma_start3A_59 = arith.constant 0 : i32
      %dma_start3A_60 = tpu.memref_slice %arg5[%add3A_23, %dma_start3A_59] : memref<10240x128xf32, #tpu.memory_space<vmem_shared>> -> memref<128x128xf32, #tpu.memory_space<vmem_shared>>
      %dma_start3A_61 = arith.constant 0 : i32
      %dma_start3A_62 = tpu.memref_slice %arg5[%add3A_23, %dma_start3A_61] : memref<10240x128xf32, #tpu.memory_space<vmem_shared>> -> memref<128x128xf32, #tpu.memory_space<vmem_shared>>
      tpu.enqueue_dma source(%arg6 : memref<128x128xf32, #tpu.memory_space<vmem>>) target(%dma_start3A_62 : memref<128x128xf32, #tpu.memory_space<vmem_shared>>) target_semaphore(%run_scoped3A : memref<!tpu.dma_semaphore, #tpu.memory_space<semaphore_mem>>)
      %dma_wait3A = arith.constant 0 : i32
      %dma_wait3A_63 = tpu.memref_slice %arg5[%add3A_23, %dma_wait3A] : memref<10240x128xf32, #tpu.memory_space<vmem_shared>> -> memref<128x128xf32, #tpu.memory_space<vmem_shared>>
      %dma_wait3A_64 = arith.constant 0 : i32
      %dma_wait3A_65 = tpu.memref_slice %arg5[%add3A_23, %dma_wait3A_64] : memref<10240x128xf32, #tpu.memory_space<vmem_shared>> -> memref<128x128xf32, #tpu.memory_space<vmem_shared>>
      tpu.wait_dma2 semaphore(%run_scoped3A : memref<!tpu.dma_semaphore, #tpu.memory_space<semaphore_mem>>) src(%arg6 : memref<128x128xf32, #tpu.memory_space<vmem>>) dst(%dma_wait3A_65 : memref<128x128xf32, #tpu.memory_space<vmem_shared>>)
      tpu.yield
    }) : () -> ()
    %barrier3A = arith.constant 0 : index
    tpu.barrier barrier_id(%barrier3A)
    %mul3A_24 = arith.constant 81920 : i32
    %mul3A_25 = arith.muli %arg0, %mul3A_24 : i32
    %mul3A_26 = arith.constant 5120 : i32
    %mul3A_27 = arith.muli %arg1, %mul3A_26 : i32
    %add3A_28 = arith.addi %mul3A_25, %mul3A_27 : i32
    %add3A_29 = arith.constant 0 : i32
    %add3A_30 = arith.addi %add3A_28, %add3A_29 : i32
    %dma_start3A = tpu.memref_slice %arg3[%add3A_30] : memref<163840xi32, #tpu.memory_space<hbm>> -> memref<128xi32, #tpu.memory_space<hbm>>
    %dma_start3A_31 = tpu.memref_slice %arg3[%add3A_30] : memref<163840xi32, #tpu.memory_space<hbm>> -> memref<128xi32, #tpu.memory_space<hbm>>
    tpu.enqueue_dma source(%dma_start3A_31 : memref<128xi32, #tpu.memory_space<hbm>>) target(%arg8 : memref<128xi32, #tpu.memory_space<vmem>>) target_semaphore(%arg10 : memref<!tpu.dma_semaphore, #tpu.memory_space<semaphore_mem>>)
    %dma_start3A_32 = arith.constant 0 : i32
    %dma_start3A_33 = tpu.memref_slice %arg2[%add3A_30, %dma_start3A_32] : memref<163840x128xf32, #tpu.memory_space<hbm>> -> memref<128x128xf32, #tpu.memory_space<hbm>>
    %dma_start3A_34 = arith.constant 0 : i32
    %dma_start3A_35 = tpu.memref_slice %arg2[%add3A_30, %dma_start3A_34] : memref<163840x128xf32, #tpu.memory_space<hbm>> -> memref<128x128xf32, #tpu.memory_space<hbm>>
    tpu.enqueue_dma source(%dma_start3A_35 : memref<128x128xf32, #tpu.memory_space<hbm>>) target(%arg6 : memref<128x128xf32, #tpu.memory_space<vmem>>) target_semaphore(%arg10 : memref<!tpu.dma_semaphore, #tpu.memory_space<semaphore_mem>>)
    %mul3A_36 = arith.constant 81920 : i32
    %mul3A_37 = arith.muli %arg0, %mul3A_36 : i32
    %mul3A_38 = arith.constant 5120 : i32
    %mul3A_39 = arith.muli %arg1, %mul3A_38 : i32
    %add3A_40 = arith.addi %mul3A_37, %mul3A_39 : i32
    %add3A_41 = arith.constant 128 : i32
    %add3A_42 = arith.addi %add3A_40, %add3A_41 : i32
    %dma_start3A_43 = tpu.memref_slice %arg3[%add3A_42] : memref<163840xi32, #tpu.memory_space<hbm>> -> memref<128xi32, #tpu.memory_space<hbm>>
    %dma_start3A_44 = tpu.memref_slice %arg3[%add3A_42] : memref<163840xi32, #tpu.memory_space<hbm>> -> memref<128xi32, #tpu.memory_space<hbm>>
    tpu.enqueue_dma source(%dma_start3A_44 : memref<128xi32, #tpu.memory_space<hbm>>) target(%arg9 : memref<128xi32, #tpu.memory_space<vmem>>) target_semaphore(%arg11 : memref<!tpu.dma_semaphore, #tpu.memory_space<semaphore_mem>>)
    %dma_start3A_45 = arith.constant 0 : i32
    %dma_start3A_46 = tpu.memref_slice %arg2[%add3A_42, %dma_start3A_45] : memref<163840x128xf32, #tpu.memory_space<hbm>> -> memref<128x128xf32, #tpu.memory_space<hbm>>
    %dma_start3A_47 = arith.constant 0 : i32
    %dma_start3A_48 = tpu.memref_slice %arg2[%add3A_42, %dma_start3A_47] : memref<163840x128xf32, #tpu.memory_space<hbm>> -> memref<128x128xf32, #tpu.memory_space<hbm>>
    tpu.enqueue_dma source(%dma_start3A_48 : memref<128x128xf32, #tpu.memory_space<hbm>>) target(%arg7 : memref<128x128xf32, #tpu.memory_space<vmem>>) target_semaphore(%arg11 : memref<!tpu.dma_semaphore, #tpu.memory_space<semaphore_mem>>)
    %scan3A_49 = arith.constant 0 : i32
    %scan3A_50 = arith.constant 0 : i32
    %scan3A_51 = arith.constant 20 : i32
    %scan3A_52 = arith.addi %scan3A_50, %scan3A_51 : i32
    %scan3A_53 = arith.constant 1 : i32
    %scan3A_54 = scf.for %scan3A_59 = %scan3A_50 to %scan3A_52 step %scan3A_53 iter_args(%scan3A_60 = %scan3A_49) -> (i32)  : i32 {
      %mul3A_61 = arith.constant 2 : i32
      %mul3A_62 = arith.muli %scan3A_59, %mul3A_61 : i32
      %add3A_63 = arith.constant 0 : i32
      %add3A_64 = arith.addi %mul3A_62, %add3A_63 : i32
      %lt3A = arith.constant 40 : i32
      %lt3A_65 = arith.cmpi slt, %add3A_64, %lt3A : i32
      %convert_element_type3A = arith.extui %lt3A_65 : i1 to i32
      %cond3A = arith.constant 0 : i32
      %cond3A_66 = arith.cmpi ne, %convert_element_type3A, %cond3A : i32
      scf.if %cond3A_66 {
        %dma_wait3A = arith.constant 0 : i32
        %dma_wait3A_77 = tpu.memref_slice %arg3[%dma_wait3A] : memref<163840xi32, #tpu.memory_space<hbm>> -> memref<128xi32, #tpu.memory_space<hbm>>
        %dma_wait3A_78 = arith.constant 0 : i32
        %dma_wait3A_79 = tpu.memref_slice %arg3[%dma_wait3A_78] : memref<163840xi32, #tpu.memory_space<hbm>> -> memref<128xi32, #tpu.memory_space<hbm>>
        tpu.wait_dma2 semaphore(%arg10 : memref<!tpu.dma_semaphore, #tpu.memory_space<semaphore_mem>>) src(%dma_wait3A_79 : memref<128xi32, #tpu.memory_space<hbm>>) dst(%arg8 : memref<128xi32, #tpu.memory_space<vmem>>)
        %dma_wait3A_80 = arith.constant 0 : i32
        %dma_wait3A_81 = arith.constant 0 : i32
        %dma_wait3A_82 = tpu.memref_slice %arg2[%dma_wait3A_80, %dma_wait3A_81] : memref<163840x128xf32, #tpu.memory_space<hbm>> -> memref<128x128xf32, #tpu.memory_space<hbm>>
        %dma_wait3A_83 = arith.constant 0 : i32
        %dma_wait3A_84 = arith.constant 0 : i32
        %dma_wait3A_85 = tpu.memref_slice %arg2[%dma_wait3A_83, %dma_wait3A_84] : memref<163840x128xf32, #tpu.memory_space<hbm>> -> memref<128x128xf32, #tpu.memory_space<hbm>>
        tpu.wait_dma2 semaphore(%arg10 : memref<!tpu.dma_semaphore, #tpu.memory_space<semaphore_mem>>) src(%dma_wait3A_85 : memref<128x128xf32, #tpu.memory_space<hbm>>) dst(%arg6 : memref<128x128xf32, #tpu.memory_space<vmem>>)
        "tpu.region"() ({
          %run_scoped3A = tpu.sem_alloc : memref<!tpu.dma_semaphore, #tpu.memory_space<semaphore_mem>>
          %dma_start3A_93 = arith.constant 0 : i32
          %dma_start3A_94 = arith.constant 0 : i32
          %dma_start3A_95 = tpu.memref_slice %arg5[%dma_start3A_93, %dma_start3A_94] : memref<10240x128xf32, #tpu.memory_space<vmem_shared>> -> memref<10240x128xf32, #tpu.memory_space<vmem_shared>>
          tpu.enqueue_indirect_dma source(%arg6 : memref<128x128xf32, #tpu.memory_space<vmem>>) target(%dma_start3A_95 : memref<10240x128xf32, #tpu.memory_space<vmem_shared>>) offsets(%arg8 : memref<128xi32, #tpu.memory_space<vmem>>) semaphore(%run_scoped3A : memref<!tpu.dma_semaphore, #tpu.memory_space<semaphore_mem>>) {add = true}
          %dma_wait3A_96 = arith.constant 0 : i32
          %dma_wait3A_97 = arith.constant 0 : i32
          %dma_wait3A_98 = tpu.memref_slice %arg5[%dma_wait3A_96, %dma_wait3A_97] : memref<10240x128xf32, #tpu.memory_space<vmem_shared>> -> memref<10240x128xf32, #tpu.memory_space<vmem_shared>>
          tpu.wait_indirect_dma semaphore(%run_scoped3A : memref<!tpu.dma_semaphore, #tpu.memory_space<semaphore_mem>>) src(%arg6 : memref<128x128xf32, #tpu.memory_space<vmem>>) dst(%dma_wait3A_98 : memref<10240x128xf32, #tpu.memory_space<vmem_shared>>)
          tpu.yield
        }) : () -> ()
        %add3A_86 = arith.constant 2 : i32
        %add3A_87 = arith.addi %add3A_64, %add3A_86 : i32
        %lt3A_88 = arith.constant 40 : i32
        %lt3A_89 = arith.cmpi slt, %add3A_87, %lt3A_88 : i32
        %convert_element_type3A_90 = arith.extui %lt3A_89 : i1 to i32
        %cond3A_91 = arith.constant 0 : i32
        %cond3A_92 = arith.cmpi ne, %convert_element_type3A_90, %cond3A_91 : i32
        scf.if %cond3A_92 {
          %add3A_93 = arith.constant 2 : i32
          %add3A_94 = arith.addi %add3A_64, %add3A_93 : i32
          %mul3A_95 = arith.constant 81920 : i32
          %mul3A_96 = arith.muli %arg0, %mul3A_95 : i32
          %mul3A_97 = arith.constant 5120 : i32
          %mul3A_98 = arith.muli %arg1, %mul3A_97 : i32
          %add3A_99 = arith.addi %mul3A_96, %mul3A_98 : i32
          %mul3A_100 = arith.constant 128 : i32
          %mul3A_101 = arith.muli %add3A_94, %mul3A_100 : i32
          %add3A_102 = arith.addi %add3A_99, %mul3A_101 : i32
          %dma_start3A_103 = tpu.memref_slice %arg3[%add3A_102] : memref<163840xi32, #tpu.memory_space<hbm>> -> memref<128xi32, #tpu.memory_space<hbm>>
          %dma_start3A_104 = tpu.memref_slice %arg3[%add3A_102] : memref<163840xi32, #tpu.memory_space<hbm>> -> memref<128xi32, #tpu.memory_space<hbm>>
          tpu.enqueue_dma source(%dma_start3A_104 : memref<128xi32, #tpu.memory_space<hbm>>) target(%arg8 : memref<128xi32, #tpu.memory_space<vmem>>) target_semaphore(%arg10 : memref<!tpu.dma_semaphore, #tpu.memory_space<semaphore_mem>>)
          %dma_start3A_105 = arith.constant 0 : i32
          %dma_start3A_106 = tpu.memref_slice %arg2[%add3A_102, %dma_start3A_105] : memref<163840x128xf32, #tpu.memory_space<hbm>> -> memref<128x128xf32, #tpu.memory_space<hbm>>
          %dma_start3A_107 = arith.constant 0 : i32
          %dma_start3A_108 = tpu.memref_slice %arg2[%add3A_102, %dma_start3A_107] : memref<163840x128xf32, #tpu.memory_space<hbm>> -> memref<128x128xf32, #tpu.memory_space<hbm>>
          tpu.enqueue_dma source(%dma_start3A_108 : memref<128x128xf32, #tpu.memory_space<hbm>>) target(%arg6 : memref<128x128xf32, #tpu.memory_space<vmem>>) target_semaphore(%arg10 : memref<!tpu.dma_semaphore, #tpu.memory_space<semaphore_mem>>)
        } else {
        }
      } else {
      }
      %mul3A_67 = arith.constant 2 : i32
      %mul3A_68 = arith.muli %scan3A_59, %mul3A_67 : i32
      %add3A_69 = arith.constant 1 : i32
      %add3A_70 = arith.addi %mul3A_68, %add3A_69 : i32
      %lt3A_71 = arith.constant 40 : i32
      %lt3A_72 = arith.cmpi slt, %add3A_70, %lt3A_71 : i32
      %convert_element_type3A_73 = arith.extui %lt3A_72 : i1 to i32
      %cond3A_74 = arith.constant 0 : i32
      %cond3A_75 = arith.cmpi ne, %convert_element_type3A_73, %cond3A_74 : i32
      scf.if %cond3A_75 {
        %dma_wait3A = arith.constant 0 : i32
        %dma_wait3A_77 = tpu.memref_slice %arg3[%dma_wait3A] : memref<163840xi32, #tpu.memory_space<hbm>> -> memref<128xi32, #tpu.memory_space<hbm>>
        %dma_wait3A_78 = arith.constant 0 : i32
        %dma_wait3A_79 = tpu.memref_slice %arg3[%dma_wait3A_78] : memref<163840xi32, #tpu.memory_space<hbm>> -> memref<128xi32, #tpu.memory_space<hbm>>
        tpu.wait_dma2 semaphore(%arg11 : memref<!tpu.dma_semaphore, #tpu.memory_space<semaphore_mem>>) src(%dma_wait3A_79 : memref<128xi32, #tpu.memory_space<hbm>>) dst(%arg9 : memref<128xi32, #tpu.memory_space<vmem>>)
        %dma_wait3A_80 = arith.constant 0 : i32
        %dma_wait3A_81 = arith.constant 0 : i32
        %dma_wait3A_82 = tpu.memref_slice %arg2[%dma_wait3A_80, %dma_wait3A_81] : memref<163840x128xf32, #tpu.memory_space<hbm>> -> memref<128x128xf32, #tpu.memory_space<hbm>>
        %dma_wait3A_83 = arith.constant 0 : i32
        %dma_wait3A_84 = arith.constant 0 : i32
        %dma_wait3A_85 = tpu.memref_slice %arg2[%dma_wait3A_83, %dma_wait3A_84] : memref<163840x128xf32, #tpu.memory_space<hbm>> -> memref<128x128xf32, #tpu.memory_space<hbm>>
        tpu.wait_dma2 semaphore(%arg11 : memref<!tpu.dma_semaphore, #tpu.memory_space<semaphore_mem>>) src(%dma_wait3A_85 : memref<128x128xf32, #tpu.memory_space<hbm>>) dst(%arg7 : memref<128x128xf32, #tpu.memory_space<vmem>>)
        "tpu.region"() ({
          %run_scoped3A = tpu.sem_alloc : memref<!tpu.dma_semaphore, #tpu.memory_space<semaphore_mem>>
          %dma_start3A_93 = arith.constant 0 : i32
          %dma_start3A_94 = arith.constant 0 : i32
          %dma_start3A_95 = tpu.memref_slice %arg5[%dma_start3A_93, %dma_start3A_94] : memref<10240x128xf32, #tpu.memory_space<vmem_shared>> -> memref<10240x128xf32, #tpu.memory_space<vmem_shared>>
          tpu.enqueue_indirect_dma source(%arg7 : memref<128x128xf32, #tpu.memory_space<vmem>>) target(%dma_start3A_95 : memref<10240x128xf32, #tpu.memory_space<vmem_shared>>) offsets(%arg9 : memref<128xi32, #tpu.memory_space<vmem>>) semaphore(%run_scoped3A : memref<!tpu.dma_semaphore, #tpu.memory_space<semaphore_mem>>) {add = true}
          %dma_wait3A_96 = arith.constant 0 : i32
          %dma_wait3A_97 = arith.constant 0 : i32
          %dma_wait3A_98 = tpu.memref_slice %arg5[%dma_wait3A_96, %dma_wait3A_97] : memref<10240x128xf32, #tpu.memory_space<vmem_shared>> -> memref<10240x128xf32, #tpu.memory_space<vmem_shared>>
          tpu.wait_indirect_dma semaphore(%run_scoped3A : memref<!tpu.dma_semaphore, #tpu.memory_space<semaphore_mem>>) src(%arg7 : memref<128x128xf32, #tpu.memory_space<vmem>>) dst(%dma_wait3A_98 : memref<10240x128xf32, #tpu.memory_space<vmem_shared>>)
          tpu.yield
        }) : () -> ()
        %add3A_86 = arith.constant 2 : i32
        %add3A_87 = arith.addi %add3A_70, %add3A_86 : i32
        %lt3A_88 = arith.constant 40 : i32
        %lt3A_89 = arith.cmpi slt, %add3A_87, %lt3A_88 : i32
        %convert_element_type3A_90 = arith.extui %lt3A_89 : i1 to i32
        %cond3A_91 = arith.constant 0 : i32
        %cond3A_92 = arith.cmpi ne, %convert_element_type3A_90, %cond3A_91 : i32
        scf.if %cond3A_92 {
          %add3A_93 = arith.constant 2 : i32
          %add3A_94 = arith.addi %add3A_70, %add3A_93 : i32
          %mul3A_95 = arith.constant 81920 : i32
          %mul3A_96 = arith.muli %arg0, %mul3A_95 : i32
          %mul3A_97 = arith.constant 5120 : i32
          %mul3A_98 = arith.muli %arg1, %mul3A_97 : i32
          %add3A_99 = arith.addi %mul3A_96, %mul3A_98 : i32
          %mul3A_100 = arith.constant 128 : i32
          %mul3A_101 = arith.muli %add3A_94, %mul3A_100 : i32
          %add3A_102 = arith.addi %add3A_99, %mul3A_101 : i32
          %dma_start3A_103 = tpu.memref_slice %arg3[%add3A_102] : memref<163840xi32, #tpu.memory_space<hbm>> -> memref<128xi32, #tpu.memory_space<hbm>>
          %dma_start3A_104 = tpu.memref_slice %arg3[%add3A_102] : memref<163840xi32, #tpu.memory_space<hbm>> -> memref<128xi32, #tpu.memory_space<hbm>>
          tpu.enqueue_dma source(%dma_start3A_104 : memref<128xi32, #tpu.memory_space<hbm>>) target(%arg9 : memref<128xi32, #tpu.memory_space<vmem>>) target_semaphore(%arg11 : memref<!tpu.dma_semaphore, #tpu.memory_space<semaphore_mem>>)
          %dma_start3A_105 = arith.constant 0 : i32
          %dma_start3A_106 = tpu.memref_slice %arg2[%add3A_102, %dma_start3A_105] : memref<163840x128xf32, #tpu.memory_space<hbm>> -> memref<128x128xf32, #tpu.memory_space<hbm>>
          %dma_start3A_107 = arith.constant 0 : i32
          %dma_start3A_108 = tpu.memref_slice %arg2[%add3A_102, %dma_start3A_107] : memref<163840x128xf32, #tpu.memory_space<hbm>> -> memref<128x128xf32, #tpu.memory_space<hbm>>
          tpu.enqueue_dma source(%dma_start3A_108 : memref<128x128xf32, #tpu.memory_space<hbm>>) target(%arg7 : memref<128x128xf32, #tpu.memory_space<vmem>>) target_semaphore(%arg11 : memref<!tpu.dma_semaphore, #tpu.memory_space<semaphore_mem>>)
        } else {
        }
      } else {
      }
      %scan3A_76 = arith.constant 0 : i32
      scf.yield %scan3A_76 : i32
    }
    %scan3A_55 = arith.constant 20 : i32
    %barrier3A_56 = arith.constant 0 : index
    tpu.barrier barrier_id(%barrier3A_56)
    %mul3A_57 = arith.constant 640 : i32
    %mul3A_58 = arith.muli %arg1, %mul3A_57 : i32
    "tpu.region"() ({
      %run_scoped3A = tpu.sem_alloc : memref<!tpu.dma_semaphore, #tpu.memory_space<semaphore_mem>>
      %dma_start3A_59 = arith.constant 0 : i32
      %dma_start3A_60 = tpu.memref_slice %arg4[%arg0, %mul3A_58, %dma_start3A_59] : memref<2x10240x128xf32, #tpu.memory_space<hbm>> -> memref<1x640x128xf32, #tpu.memory_space<hbm>>
      %dma_start3A_61 = tpu.memref_squeeze %dma_start3A_60 : memref<1x640x128xf32, #tpu.memory_space<hbm>> -> memref<640x128xf32, #tpu.memory_space<hbm>>
      %dma_start3A_62 = arith.constant 0 : i32
      %dma_start3A_63 = tpu.memref_slice %arg5[%mul3A_58, %dma_start3A_62] : memref<10240x128xf32, #tpu.memory_space<vmem_shared>> -> memref<640x128xf32, #tpu.memory_space<vmem_shared>>
      tpu.enqueue_dma source(%dma_start3A_63 : memref<640x128xf32, #tpu.memory_space<vmem_shared>>) target(%dma_start3A_61 : memref<640x128xf32, #tpu.memory_space<hbm>>) target_semaphore(%run_scoped3A : memref<!tpu.dma_semaphore, #tpu.memory_space<semaphore_mem>>)
      %dma_wait3A = arith.constant 0 : i32
      %dma_wait3A_64 = tpu.memref_slice %arg4[%arg0, %mul3A_58, %dma_wait3A] : memref<2x10240x128xf32, #tpu.memory_space<hbm>> -> memref<1x640x128xf32, #tpu.memory_space<hbm>>
      %dma_wait3A_65 = tpu.memref_squeeze %dma_wait3A_64 : memref<1x640x128xf32, #tpu.memory_space<hbm>> -> memref<640x128xf32, #tpu.memory_space<hbm>>
      %dma_wait3A_66 = arith.constant 0 : i32
      %dma_wait3A_67 = tpu.memref_slice %arg5[%mul3A_58, %dma_wait3A_66] : memref<10240x128xf32, #tpu.memory_space<vmem_shared>> -> memref<640x128xf32, #tpu.memory_space<vmem_shared>>
      tpu.wait_dma2 semaphore(%run_scoped3A : memref<!tpu.dma_semaphore, #tpu.memory_space<semaphore_mem>>) src(%dma_wait3A_67 : memref<640x128xf32, #tpu.memory_space<vmem_shared>>) dst(%dma_wait3A_65 : memref<640x128xf32, #tpu.memory_space<hbm>>)
      tpu.yield
    }) : () -> ()
    return
  }
}

#map = affine_map<(d0, d1) -> (0, 0, 0)>
#map1 = affine_map<(d0, d1) -> (0)>
module attributes {stable_mosaic.version = 14 : i64} {
  func.func @body(%arg0: i32, %arg1: i32, %arg2: memref<32x80x64xi32, #tpu.memory_space<hbm>>, %arg3: memref<20480xf32, #tpu.memory_space<hbm>>, %arg4: memref<80x64xi32, #tpu.memory_space<vmem>>, %arg5: memref<10240x128xf32, #tpu.memory_space<vmem_shared>>, %arg6: memref<128x128xf32, #tpu.memory_space<vmem>>, %arg7: memref<640xf32, #tpu.memory_space<vmem>>) attributes {dimension_semantics = [#tpu.dimension_semantics<core_parallel>, #tpu.dimension_semantics<subcore_parallel>], iteration_bounds = array<i64: 2, 16>, scalar_prefetch = 0 : i64, scratch_operands = 4 : i64, tpu.core_type = #tpu.core_type<sc_vector_subcore>, window_params = [{transform_indices = #map}, {transform_indices = #map1}]} {
    %mul3A = arith.constant 2 : i32
    %mul3A_0 = arith.muli %arg1, %mul3A : i32
    %add3A = arith.addi %mul3A_0, %arg0 : i32
    %scan3A = arith.constant 0 : i32
    %scan3A_1 = arith.constant 0 : i32
    %scan3A_2 = arith.constant 128 : i32
    %scan3A_3 = arith.addi %scan3A_1, %scan3A_2 : i32
    %scan3A_4 = arith.constant 1 : i32
    %scan3A_5 = scf.for %scan3A_345 = %scan3A_1 to %scan3A_3 step %scan3A_4 iter_args(%scan3A_346 = %scan3A) -> (i32)  : i32 {
      %broadcast_in_dim3A_347 = arith.constant 0.000000e+00 : f32
      %broadcast_in_dim3A_348 = vector.broadcast %broadcast_in_dim3A_347 : f32 to vector<16xf32>
      %swap3A_349 = arith.index_cast %scan3A_345 : i32 to index
      %swap3A_350 = arith.constant 0 : index
      %swap3A_351 = tpu.vector_load %arg6[%swap3A_349, %swap3A_350] {strides = array<i32>} : memref<128x128xf32, #tpu.memory_space<vmem>>, vector<16xf32>,
      tpu.vector_store %arg6[%swap3A_349, %swap3A_350], %broadcast_in_dim3A_348 {strides = array<i32>} : memref<128x128xf32, #tpu.memory_space<vmem>>, vector<16xf32>,
      %broadcast_in_dim3A_352 = arith.constant 0.000000e+00 : f32
      %broadcast_in_dim3A_353 = vector.broadcast %broadcast_in_dim3A_352 : f32 to vector<16xf32>
      %swap3A_354 = arith.index_cast %scan3A_345 : i32 to index
      %swap3A_355 = arith.constant 16 : index
      %swap3A_356 = tpu.vector_load %arg6[%swap3A_354, %swap3A_355] {strides = array<i32>} : memref<128x128xf32, #tpu.memory_space<vmem>>, vector<16xf32>,
      tpu.vector_store %arg6[%swap3A_354, %swap3A_355], %broadcast_in_dim3A_353 {strides = array<i32>} : memref<128x128xf32, #tpu.memory_space<vmem>>, vector<16xf32>,
      %broadcast_in_dim3A_357 = arith.constant 0.000000e+00 : f32
      %broadcast_in_dim3A_358 = vector.broadcast %broadcast_in_dim3A_357 : f32 to vector<16xf32>
      %swap3A_359 = arith.index_cast %scan3A_345 : i32 to index
      %swap3A_360 = arith.constant 32 : index
      %swap3A_361 = tpu.vector_load %arg6[%swap3A_359, %swap3A_360] {strides = array<i32>} : memref<128x128xf32, #tpu.memory_space<vmem>>, vector<16xf32>,
      tpu.vector_store %arg6[%swap3A_359, %swap3A_360], %broadcast_in_dim3A_358 {strides = array<i32>} : memref<128x128xf32, #tpu.memory_space<vmem>>, vector<16xf32>,
      %broadcast_in_dim3A_362 = arith.constant 0.000000e+00 : f32
      %broadcast_in_dim3A_363 = vector.broadcast %broadcast_in_dim3A_362 : f32 to vector<16xf32>
      %swap3A_364 = arith.index_cast %scan3A_345 : i32 to index
      %swap3A_365 = arith.constant 48 : index
      %swap3A_366 = tpu.vector_load %arg6[%swap3A_364, %swap3A_365] {strides = array<i32>} : memref<128x128xf32, #tpu.memory_space<vmem>>, vector<16xf32>,
      tpu.vector_store %arg6[%swap3A_364, %swap3A_365], %broadcast_in_dim3A_363 {strides = array<i32>} : memref<128x128xf32, #tpu.memory_space<vmem>>, vector<16xf32>,
      %broadcast_in_dim3A_367 = arith.constant 0.000000e+00 : f32
      %broadcast_in_dim3A_368 = vector.broadcast %broadcast_in_dim3A_367 : f32 to vector<16xf32>
      %swap3A_369 = arith.index_cast %scan3A_345 : i32 to index
      %swap3A_370 = arith.constant 64 : index
      %swap3A_371 = tpu.vector_load %arg6[%swap3A_369, %swap3A_370] {strides = array<i32>} : memref<128x128xf32, #tpu.memory_space<vmem>>, vector<16xf32>,
      tpu.vector_store %arg6[%swap3A_369, %swap3A_370], %broadcast_in_dim3A_368 {strides = array<i32>} : memref<128x128xf32, #tpu.memory_space<vmem>>, vector<16xf32>,
      %broadcast_in_dim3A_372 = arith.constant 0.000000e+00 : f32
      %broadcast_in_dim3A_373 = vector.broadcast %broadcast_in_dim3A_372 : f32 to vector<16xf32>
      %swap3A_374 = arith.index_cast %scan3A_345 : i32 to index
      %swap3A_375 = arith.constant 80 : index
      %swap3A_376 = tpu.vector_load %arg6[%swap3A_374, %swap3A_375] {strides = array<i32>} : memref<128x128xf32, #tpu.memory_space<vmem>>, vector<16xf32>,
      tpu.vector_store %arg6[%swap3A_374, %swap3A_375], %broadcast_in_dim3A_373 {strides = array<i32>} : memref<128x128xf32, #tpu.memory_space<vmem>>, vector<16xf32>,
      %broadcast_in_dim3A_377 = arith.constant 0.000000e+00 : f32
      %broadcast_in_dim3A_378 = vector.broadcast %broadcast_in_dim3A_377 : f32 to vector<16xf32>
      %swap3A_379 = arith.index_cast %scan3A_345 : i32 to index
      %swap3A_380 = arith.constant 96 : index
      %swap3A_381 = tpu.vector_load %arg6[%swap3A_379, %swap3A_380] {strides = array<i32>} : memref<128x128xf32, #tpu.memory_space<vmem>>, vector<16xf32>,
      tpu.vector_store %arg6[%swap3A_379, %swap3A_380], %broadcast_in_dim3A_378 {strides = array<i32>} : memref<128x128xf32, #tpu.memory_space<vmem>>, vector<16xf32>,
      %broadcast_in_dim3A_382 = arith.constant 0.000000e+00 : f32
      %broadcast_in_dim3A_383 = vector.broadcast %broadcast_in_dim3A_382 : f32 to vector<16xf32>
      %swap3A_384 = arith.index_cast %scan3A_345 : i32 to index
      %swap3A_385 = arith.constant 112 : index
      %swap3A_386 = tpu.vector_load %arg6[%swap3A_384, %swap3A_385] {strides = array<i32>} : memref<128x128xf32, #tpu.memory_space<vmem>>, vector<16xf32>,
      tpu.vector_store %arg6[%swap3A_384, %swap3A_385], %broadcast_in_dim3A_383 {strides = array<i32>} : memref<128x128xf32, #tpu.memory_space<vmem>>, vector<16xf32>,
      %scan3A_387 = arith.constant 0 : i32
      scf.yield %scan3A_387 : i32
    }
    %scan3A_6 = arith.constant 128 : i32
    %mul3A_7 = arith.constant 640 : i32
    %mul3A_8 = arith.muli %arg1, %mul3A_7 : i32
    %add3A_9 = arith.constant 0 : i32
    %add3A_10 = arith.addi %mul3A_8, %add3A_9 : i32
    "tpu.region"() ({
      %run_scoped3A = tpu.sem_alloc : memref<!tpu.dma_semaphore, #tpu.memory_space<semaphore_mem>>
      %dma_start3A = arith.constant 0 : i32
      %dma_start3A_345 = tpu.memref_slice %arg5[%add3A_10, %dma_start3A] : memref<10240x128xf32, #tpu.memory_space<vmem_shared>> -> memref<128x128xf32, #tpu.memory_space<vmem_shared>>
      %dma_start3A_346 = arith.constant 0 : i32
      %dma_start3A_347 = tpu.memref_slice %arg5[%add3A_10, %dma_start3A_346] : memref<10240x128xf32, #tpu.memory_space<vmem_shared>> -> memref<128x128xf32, #tpu.memory_space<vmem_shared>>
      tpu.enqueue_dma source(%arg6 : memref<128x128xf32, #tpu.memory_space<vmem>>) target(%dma_start3A_347 : memref<128x128xf32, #tpu.memory_space<vmem_shared>>) target_semaphore(%run_scoped3A : memref<!tpu.dma_semaphore, #tpu.memory_space<semaphore_mem>>)
      %dma_wait3A = arith.constant 0 : i32
      %dma_wait3A_348 = tpu.memref_slice %arg5[%add3A_10, %dma_wait3A] : memref<10240x128xf32, #tpu.memory_space<vmem_shared>> -> memref<128x128xf32, #tpu.memory_space<vmem_shared>>
      %dma_wait3A_349 = arith.constant 0 : i32
      %dma_wait3A_350 = tpu.memref_slice %arg5[%add3A_10, %dma_wait3A_349] : memref<10240x128xf32, #tpu.memory_space<vmem_shared>> -> memref<128x128xf32, #tpu.memory_space<vmem_shared>>
      tpu.wait_dma2 semaphore(%run_scoped3A : memref<!tpu.dma_semaphore, #tpu.memory_space<semaphore_mem>>) src(%arg6 : memref<128x128xf32, #tpu.memory_space<vmem>>) dst(%dma_wait3A_350 : memref<128x128xf32, #tpu.memory_space<vmem_shared>>)
      tpu.yield
    }) : () -> ()
    %mul3A_11 = arith.constant 640 : i32
    %mul3A_12 = arith.muli %arg1, %mul3A_11 : i32
    %add3A_13 = arith.constant 128 : i32
    %add3A_14 = arith.addi %mul3A_12, %add3A_13 : i32
    "tpu.region"() ({
      %run_scoped3A = tpu.sem_alloc : memref<!tpu.dma_semaphore, #tpu.memory_space<semaphore_mem>>
      %dma_start3A = arith.constant 0 : i32
      %dma_start3A_345 = tpu.memref_slice %arg5[%add3A_14, %dma_start3A] : memref<10240x128xf32, #tpu.memory_space<vmem_shared>> -> memref<128x128xf32, #tpu.memory_space<vmem_shared>>
      %dma_start3A_346 = arith.constant 0 : i32
      %dma_start3A_347 = tpu.memref_slice %arg5[%add3A_14, %dma_start3A_346] : memref<10240x128xf32, #tpu.memory_space<vmem_shared>> -> memref<128x128xf32, #tpu.memory_space<vmem_shared>>
      tpu.enqueue_dma source(%arg6 : memref<128x128xf32, #tpu.memory_space<vmem>>) target(%dma_start3A_347 : memref<128x128xf32, #tpu.memory_space<vmem_shared>>) target_semaphore(%run_scoped3A : memref<!tpu.dma_semaphore, #tpu.memory_space<semaphore_mem>>)
      %dma_wait3A = arith.constant 0 : i32
      %dma_wait3A_348 = tpu.memref_slice %arg5[%add3A_14, %dma_wait3A] : memref<10240x128xf32, #tpu.memory_space<vmem_shared>> -> memref<128x128xf32, #tpu.memory_space<vmem_shared>>
      %dma_wait3A_349 = arith.constant 0 : i32
      %dma_wait3A_350 = tpu.memref_slice %arg5[%add3A_14, %dma_wait3A_349] : memref<10240x128xf32, #tpu.memory_space<vmem_shared>> -> memref<128x128xf32, #tpu.memory_space<vmem_shared>>
      tpu.wait_dma2 semaphore(%run_scoped3A : memref<!tpu.dma_semaphore, #tpu.memory_space<semaphore_mem>>) src(%arg6 : memref<128x128xf32, #tpu.memory_space<vmem>>) dst(%dma_wait3A_350 : memref<128x128xf32, #tpu.memory_space<vmem_shared>>)
      tpu.yield
    }) : () -> ()
    %mul3A_15 = arith.constant 640 : i32
    %mul3A_16 = arith.muli %arg1, %mul3A_15 : i32
    %add3A_17 = arith.constant 256 : i32
    %add3A_18 = arith.addi %mul3A_16, %add3A_17 : i32
    "tpu.region"() ({
      %run_scoped3A = tpu.sem_alloc : memref<!tpu.dma_semaphore, #tpu.memory_space<semaphore_mem>>
      %dma_start3A = arith.constant 0 : i32
      %dma_start3A_345 = tpu.memref_slice %arg5[%add3A_18, %dma_start3A] : memref<10240x128xf32, #tpu.memory_space<vmem_shared>> -> memref<128x128xf32, #tpu.memory_space<vmem_shared>>
      %dma_start3A_346 = arith.constant 0 : i32
      %dma_start3A_347 = tpu.memref_slice %arg5[%add3A_18, %dma_start3A_346] : memref<10240x128xf32, #tpu.memory_space<vmem_shared>> -> memref<128x128xf32, #tpu.memory_space<vmem_shared>>
      tpu.enqueue_dma source(%arg6 : memref<128x128xf32, #tpu.memory_space<vmem>>) target(%dma_start3A_347 : memref<128x128xf32, #tpu.memory_space<vmem_shared>>) target_semaphore(%run_scoped3A : memref<!tpu.dma_semaphore, #tpu.memory_space<semaphore_mem>>)
      %dma_wait3A = arith.constant 0 : i32
      %dma_wait3A_348 = tpu.memref_slice %arg5[%add3A_18, %dma_wait3A] : memref<10240x128xf32, #tpu.memory_space<vmem_shared>> -> memref<128x128xf32, #tpu.memory_space<vmem_shared>>
      %dma_wait3A_349 = arith.constant 0 : i32
      %dma_wait3A_350 = tpu.memref_slice %arg5[%add3A_18, %dma_wait3A_349] : memref<10240x128xf32, #tpu.memory_space<vmem_shared>> -> memref<128x128xf32, #tpu.memory_space<vmem_shared>>
      tpu.wait_dma2 semaphore(%run_scoped3A : memref<!tpu.dma_semaphore, #tpu.memory_space<semaphore_mem>>) src(%arg6 : memref<128x128xf32, #tpu.memory_space<vmem>>) dst(%dma_wait3A_350 : memref<128x128xf32, #tpu.memory_space<vmem_shared>>)
      tpu.yield
    }) : () -> ()
    %mul3A_19 = arith.constant 640 : i32
    %mul3A_20 = arith.muli %arg1, %mul3A_19 : i32
    %add3A_21 = arith.constant 384 : i32
    %add3A_22 = arith.addi %mul3A_20, %add3A_21 : i32
    "tpu.region"() ({
      %run_scoped3A = tpu.sem_alloc : memref<!tpu.dma_semaphore, #tpu.memory_space<semaphore_mem>>
      %dma_start3A = arith.constant 0 : i32
      %dma_start3A_345 = tpu.memref_slice %arg5[%add3A_22, %dma_start3A] : memref<10240x128xf32, #tpu.memory_space<vmem_shared>> -> memref<128x128xf32, #tpu.memory_space<vmem_shared>>
      %dma_start3A_346 = arith.constant 0 : i32
      %dma_start3A_347 = tpu.memref_slice %arg5[%add3A_22, %dma_start3A_346] : memref<10240x128xf32, #tpu.memory_space<vmem_shared>> -> memref<128x128xf32, #tpu.memory_space<vmem_shared>>
      tpu.enqueue_dma source(%arg6 : memref<128x128xf32, #tpu.memory_space<vmem>>) target(%dma_start3A_347 : memref<128x128xf32, #tpu.memory_space<vmem_shared>>) target_semaphore(%run_scoped3A : memref<!tpu.dma_semaphore, #tpu.memory_space<semaphore_mem>>)
      %dma_wait3A = arith.constant 0 : i32
      %dma_wait3A_348 = tpu.memref_slice %arg5[%add3A_22, %dma_wait3A] : memref<10240x128xf32, #tpu.memory_space<vmem_shared>> -> memref<128x128xf32, #tpu.memory_space<vmem_shared>>
      %dma_wait3A_349 = arith.constant 0 : i32
      %dma_wait3A_350 = tpu.memref_slice %arg5[%add3A_22, %dma_wait3A_349] : memref<10240x128xf32, #tpu.memory_space<vmem_shared>> -> memref<128x128xf32, #tpu.memory_space<vmem_shared>>
      tpu.wait_dma2 semaphore(%run_scoped3A : memref<!tpu.dma_semaphore, #tpu.memory_space<semaphore_mem>>) src(%arg6 : memref<128x128xf32, #tpu.memory_space<vmem>>) dst(%dma_wait3A_350 : memref<128x128xf32, #tpu.memory_space<vmem_shared>>)
      tpu.yield
    }) : () -> ()
    %mul3A_23 = arith.constant 640 : i32
    %mul3A_24 = arith.muli %arg1, %mul3A_23 : i32
    %add3A_25 = arith.constant 512 : i32
    %add3A_26 = arith.addi %mul3A_24, %add3A_25 : i32
    "tpu.region"() ({
      %run_scoped3A = tpu.sem_alloc : memref<!tpu.dma_semaphore, #tpu.memory_space<semaphore_mem>>
      %dma_start3A = arith.constant 0 : i32
      %dma_start3A_345 = tpu.memref_slice %arg5[%add3A_26, %dma_start3A] : memref<10240x128xf32, #tpu.memory_space<vmem_shared>> -> memref<128x128xf32, #tpu.memory_space<vmem_shared>>
      %dma_start3A_346 = arith.constant 0 : i32
      %dma_start3A_347 = tpu.memref_slice %arg5[%add3A_26, %dma_start3A_346] : memref<10240x128xf32, #tpu.memory_space<vmem_shared>> -> memref<128x128xf32, #tpu.memory_space<vmem_shared>>
      tpu.enqueue_dma source(%arg6 : memref<128x128xf32, #tpu.memory_space<vmem>>) target(%dma_start3A_347 : memref<128x128xf32, #tpu.memory_space<vmem_shared>>) target_semaphore(%run_scoped3A : memref<!tpu.dma_semaphore, #tpu.memory_space<semaphore_mem>>)
      %dma_wait3A = arith.constant 0 : i32
      %dma_wait3A_348 = tpu.memref_slice %arg5[%add3A_26, %dma_wait3A] : memref<10240x128xf32, #tpu.memory_space<vmem_shared>> -> memref<128x128xf32, #tpu.memory_space<vmem_shared>>
      %dma_wait3A_349 = arith.constant 0 : i32
      %dma_wait3A_350 = tpu.memref_slice %arg5[%add3A_26, %dma_wait3A_349] : memref<10240x128xf32, #tpu.memory_space<vmem_shared>> -> memref<128x128xf32, #tpu.memory_space<vmem_shared>>
      tpu.wait_dma2 semaphore(%run_scoped3A : memref<!tpu.dma_semaphore, #tpu.memory_space<semaphore_mem>>) src(%arg6 : memref<128x128xf32, #tpu.memory_space<vmem>>) dst(%dma_wait3A_350 : memref<128x128xf32, #tpu.memory_space<vmem_shared>>)
      tpu.yield
    }) : () -> ()
    %barrier3A = arith.constant 0 : index
    tpu.barrier barrier_id(%barrier3A)
    "tpu.region"() ({
      %run_scoped3A = tpu.sem_alloc : memref<!tpu.dma_semaphore, #tpu.memory_space<semaphore_mem>>
      %dma_start3A = arith.constant 0 : i32
      %dma_start3A_345 = arith.constant 0 : i32
      %dma_start3A_346 = tpu.memref_slice %arg2[%add3A, %dma_start3A, %dma_start3A_345] : memref<32x80x64xi32, #tpu.memory_space<hbm>> -> memref<1x80x64xi32, #tpu.memory_space<hbm>>
      %dma_start3A_347 = tpu.memref_squeeze %dma_start3A_346 : memref<1x80x64xi32, #tpu.memory_space<hbm>> -> memref<80x64xi32, #tpu.memory_space<hbm>>
      %dma_start3A_348 = arith.constant 0 : i32
      %dma_start3A_349 = arith.constant 0 : i32
      %dma_start3A_350 = tpu.memref_slice %arg2[%add3A, %dma_start3A_348, %dma_start3A_349] : memref<32x80x64xi32, #tpu.memory_space<hbm>> -> memref<1x80x64xi32, #tpu.memory_space<hbm>>
      %dma_start3A_351 = tpu.memref_squeeze %dma_start3A_350 : memref<1x80x64xi32, #tpu.memory_space<hbm>> -> memref<80x64xi32, #tpu.memory_space<hbm>>
      tpu.enqueue_dma source(%dma_start3A_351 : memref<80x64xi32, #tpu.memory_space<hbm>>) target(%arg4 : memref<80x64xi32, #tpu.memory_space<vmem>>) target_semaphore(%run_scoped3A : memref<!tpu.dma_semaphore, #tpu.memory_space<semaphore_mem>>)
      %dma_wait3A = arith.constant 0 : i32
      %dma_wait3A_352 = arith.constant 0 : i32
      %dma_wait3A_353 = tpu.memref_slice %arg2[%add3A, %dma_wait3A, %dma_wait3A_352] : memref<32x80x64xi32, #tpu.memory_space<hbm>> -> memref<1x80x64xi32, #tpu.memory_space<hbm>>
      %dma_wait3A_354 = tpu.memref_squeeze %dma_wait3A_353 : memref<1x80x64xi32, #tpu.memory_space<hbm>> -> memref<80x64xi32, #tpu.memory_space<hbm>>
      %dma_wait3A_355 = arith.constant 0 : i32
      %dma_wait3A_356 = arith.constant 0 : i32
      %dma_wait3A_357 = tpu.memref_slice %arg2[%add3A, %dma_wait3A_355, %dma_wait3A_356] : memref<32x80x64xi32, #tpu.memory_space<hbm>> -> memref<1x80x64xi32, #tpu.memory_space<hbm>>
      %dma_wait3A_358 = tpu.memref_squeeze %dma_wait3A_357 : memref<1x80x64xi32, #tpu.memory_space<hbm>> -> memref<80x64xi32, #tpu.memory_space<hbm>>
      tpu.wait_dma2 semaphore(%run_scoped3A : memref<!tpu.dma_semaphore, #tpu.memory_space<semaphore_mem>>) src(%dma_wait3A_358 : memref<80x64xi32, #tpu.memory_space<hbm>>) dst(%arg4 : memref<80x64xi32, #tpu.memory_space<vmem>>)
      tpu.yield
    }) : () -> ()
    %scan3A_27 = arith.constant 0 : i32
    %scan3A_28 = arith.constant 0 : i32
    %scan3A_29 = arith.constant 64 : i32
    %scan3A_30 = arith.addi %scan3A_28, %scan3A_29 : i32
    %scan3A_31 = arith.constant 1 : i32
    %scan3A_32 = scf.for %scan3A_345 = %scan3A_28 to %scan3A_30 step %scan3A_31 iter_args(%scan3A_346 = %scan3A_27) -> (i32)  : i32 {
      %broadcast_in_dim3A_347 = arith.constant 1.000000e+00 : f32
      %broadcast_in_dim3A_348 = vector.broadcast %broadcast_in_dim3A_347 : f32 to vector<16xf32>
      %swap3A_349 = arith.index_cast %scan3A_345 : i32 to index
      %swap3A_350 = arith.constant 0 : index
      %swap3A_351 = tpu.vector_load %arg6[%swap3A_349, %swap3A_350] {strides = array<i32>} : memref<128x128xf32, #tpu.memory_space<vmem>>, vector<16xf32>,
      tpu.vector_store %arg6[%swap3A_349, %swap3A_350], %broadcast_in_dim3A_348 {strides = array<i32>} : memref<128x128xf32, #tpu.memory_space<vmem>>, vector<16xf32>,
      %broadcast_in_dim3A_352 = arith.constant 1.000000e+00 : f32
      %broadcast_in_dim3A_353 = vector.broadcast %broadcast_in_dim3A_352 : f32 to vector<16xf32>
      %swap3A_354 = arith.index_cast %scan3A_345 : i32 to index
      %swap3A_355 = arith.constant 16 : index
      %swap3A_356 = tpu.vector_load %arg6[%swap3A_354, %swap3A_355] {strides = array<i32>} : memref<128x128xf32, #tpu.memory_space<vmem>>, vector<16xf32>,
      tpu.vector_store %arg6[%swap3A_354, %swap3A_355], %broadcast_in_dim3A_353 {strides = array<i32>} : memref<128x128xf32, #tpu.memory_space<vmem>>, vector<16xf32>,
      %broadcast_in_dim3A_357 = arith.constant 1.000000e+00 : f32
      %broadcast_in_dim3A_358 = vector.broadcast %broadcast_in_dim3A_357 : f32 to vector<16xf32>
      %swap3A_359 = arith.index_cast %scan3A_345 : i32 to index
      %swap3A_360 = arith.constant 32 : index
      %swap3A_361 = tpu.vector_load %arg6[%swap3A_359, %swap3A_360] {strides = array<i32>} : memref<128x128xf32, #tpu.memory_space<vmem>>, vector<16xf32>,
      tpu.vector_store %arg6[%swap3A_359, %swap3A_360], %broadcast_in_dim3A_358 {strides = array<i32>} : memref<128x128xf32, #tpu.memory_space<vmem>>, vector<16xf32>,
      %broadcast_in_dim3A_362 = arith.constant 1.000000e+00 : f32
      %broadcast_in_dim3A_363 = vector.broadcast %broadcast_in_dim3A_362 : f32 to vector<16xf32>
      %swap3A_364 = arith.index_cast %scan3A_345 : i32 to index
      %swap3A_365 = arith.constant 48 : index
      %swap3A_366 = tpu.vector_load %arg6[%swap3A_364, %swap3A_365] {strides = array<i32>} : memref<128x128xf32, #tpu.memory_space<vmem>>, vector<16xf32>,
      tpu.vector_store %arg6[%swap3A_364, %swap3A_365], %broadcast_in_dim3A_363 {strides = array<i32>} : memref<128x128xf32, #tpu.memory_space<vmem>>, vector<16xf32>,
      %broadcast_in_dim3A_367 = arith.constant 1.000000e+00 : f32
      %broadcast_in_dim3A_368 = vector.broadcast %broadcast_in_dim3A_367 : f32 to vector<16xf32>
      %swap3A_369 = arith.index_cast %scan3A_345 : i32 to index
      %swap3A_370 = arith.constant 64 : index
      %swap3A_371 = tpu.vector_load %arg6[%swap3A_369, %swap3A_370] {strides = array<i32>} : memref<128x128xf32, #tpu.memory_space<vmem>>, vector<16xf32>,
      tpu.vector_store %arg6[%swap3A_369, %swap3A_370], %broadcast_in_dim3A_368 {strides = array<i32>} : memref<128x128xf32, #tpu.memory_space<vmem>>, vector<16xf32>,
      %broadcast_in_dim3A_372 = arith.constant 1.000000e+00 : f32
      %broadcast_in_dim3A_373 = vector.broadcast %broadcast_in_dim3A_372 : f32 to vector<16xf32>
      %swap3A_374 = arith.index_cast %scan3A_345 : i32 to index
      %swap3A_375 = arith.constant 80 : index
      %swap3A_376 = tpu.vector_load %arg6[%swap3A_374, %swap3A_375] {strides = array<i32>} : memref<128x128xf32, #tpu.memory_space<vmem>>, vector<16xf32>,
      tpu.vector_store %arg6[%swap3A_374, %swap3A_375], %broadcast_in_dim3A_373 {strides = array<i32>} : memref<128x128xf32, #tpu.memory_space<vmem>>, vector<16xf32>,
      %broadcast_in_dim3A_377 = arith.constant 1.000000e+00 : f32
      %broadcast_in_dim3A_378 = vector.broadcast %broadcast_in_dim3A_377 : f32 to vector<16xf32>
      %swap3A_379 = arith.index_cast %scan3A_345 : i32 to index
      %swap3A_380 = arith.constant 96 : index
      %swap3A_381 = tpu.vector_load %arg6[%swap3A_379, %swap3A_380] {strides = array<i32>} : memref<128x128xf32, #tpu.memory_space<vmem>>, vector<16xf32>,
      tpu.vector_store %arg6[%swap3A_379, %swap3A_380], %broadcast_in_dim3A_378 {strides = array<i32>} : memref<128x128xf32, #tpu.memory_space<vmem>>, vector<16xf32>,
      %broadcast_in_dim3A_382 = arith.constant 1.000000e+00 : f32
      %broadcast_in_dim3A_383 = vector.broadcast %broadcast_in_dim3A_382 : f32 to vector<16xf32>
      %swap3A_384 = arith.index_cast %scan3A_345 : i32 to index
      %swap3A_385 = arith.constant 112 : index
      %swap3A_386 = tpu.vector_load %arg6[%swap3A_384, %swap3A_385] {strides = array<i32>} : memref<128x128xf32, #tpu.memory_space<vmem>>, vector<16xf32>,
      tpu.vector_store %arg6[%swap3A_384, %swap3A_385], %broadcast_in_dim3A_383 {strides = array<i32>} : memref<128x128xf32, #tpu.memory_space<vmem>>, vector<16xf32>,
      %scan3A_387 = arith.constant 0 : i32
      scf.yield %scan3A_387 : i32
    }
    %scan3A_33 = arith.constant 64 : i32
    %scan3A_34 = arith.constant 0 : i32
    %scan3A_35 = arith.constant 0 : i32
    %scan3A_36 = arith.constant 80 : i32
    %scan3A_37 = arith.addi %scan3A_35, %scan3A_36 : i32
    %scan3A_38 = arith.constant 1 : i32
    %scan3A_39 = scf.for %scan3A_345 = %scan3A_35 to %scan3A_37 step %scan3A_38 iter_args(%scan3A_346 = %scan3A_34) -> (i32)  : i32 {
      "tpu.region"() ({
        %run_scoped3A = tpu.sem_alloc : memref<!tpu.dma_semaphore, #tpu.memory_space<semaphore_mem>>
        %dma_start3A = arith.constant 0 : i32
        %dma_start3A_348 = arith.constant 0 : i32
        %dma_start3A_349 = tpu.memref_slice %arg6[%dma_start3A, %dma_start3A_348] : memref<128x128xf32, #tpu.memory_space<vmem>> -> memref<64x128xf32, #tpu.memory_space<vmem>>
        %dma_start3A_350 = arith.constant 0 : i32
        %dma_start3A_351 = tpu.memref_slice %arg4[%scan3A_345, %dma_start3A_350] : memref<80x64xi32, #tpu.memory_space<vmem>> -> memref<1x64xi32, #tpu.memory_space<vmem>>
        %dma_start3A_352 = tpu.memref_squeeze %dma_start3A_351 : memref<1x64xi32, #tpu.memory_space<vmem>> -> memref<64xi32, #tpu.memory_space<vmem>>
        %dma_start3A_353 = arith.constant 0 : i32
        %dma_start3A_354 = arith.constant 0 : i32
        %dma_start3A_355 = tpu.memref_slice %arg5[%dma_start3A_353, %dma_start3A_354] : memref<10240x128xf32, #tpu.memory_space<vmem_shared>> -> memref<10240x128xf32, #tpu.memory_space<vmem_shared>>
        tpu.enqueue_indirect_dma source(%dma_start3A_349 : memref<64x128xf32, #tpu.memory_space<vmem>>) target(%dma_start3A_355 : memref<10240x128xf32, #tpu.memory_space<vmem_shared>>) offsets(%dma_start3A_352 : memref<64xi32, #tpu.memory_space<vmem>>) semaphore(%run_scoped3A : memref<!tpu.dma_semaphore, #tpu.memory_space<semaphore_mem>>) {add = true}
        %dma_wait3A = arith.constant 0 : i32
        %dma_wait3A_356 = arith.constant 0 : i32
        %dma_wait3A_357 = tpu.memref_slice %arg6[%dma_wait3A, %dma_wait3A_356] : memref<128x128xf32, #tpu.memory_space<vmem>> -> memref<64x128xf32, #tpu.memory_space<vmem>>
        %dma_wait3A_358 = arith.constant 0 : i32
        %dma_wait3A_359 = tpu.memref_slice %arg4[%scan3A_345, %dma_wait3A_358] : memref<80x64xi32, #tpu.memory_space<vmem>> -> memref<1x64xi32, #tpu.memory_space<vmem>>
        %dma_wait3A_360 = tpu.memref_squeeze %dma_wait3A_359 : memref<1x64xi32, #tpu.memory_space<vmem>> -> memref<64xi32, #tpu.memory_space<vmem>>
        %dma_wait3A_361 = arith.constant 0 : i32
        %dma_wait3A_362 = arith.constant 0 : i32
        %dma_wait3A_363 = tpu.memref_slice %arg5[%dma_wait3A_361, %dma_wait3A_362] : memref<10240x128xf32, #tpu.memory_space<vmem_shared>> -> memref<10240x128xf32, #tpu.memory_space<vmem_shared>>
        tpu.wait_indirect_dma semaphore(%run_scoped3A : memref<!tpu.dma_semaphore, #tpu.memory_space<semaphore_mem>>) src(%dma_wait3A_357 : memref<64x128xf32, #tpu.memory_space<vmem>>) dst(%dma_wait3A_363 : memref<10240x128xf32, #tpu.memory_space<vmem_shared>>)
        tpu.yield
      }) : () -> ()
      %scan3A_347 = arith.constant 0 : i32
      scf.yield %scan3A_347 : i32
    }
    %scan3A_40 = arith.constant 80 : i32
    %barrier3A_41 = arith.constant 0 : index
    tpu.barrier barrier_id(%barrier3A_41)
    %broadcast_in_dim3A = arith.constant 0 : i32
    %broadcast_in_dim3A_42 = vector.broadcast %broadcast_in_dim3A : i32 to vector<16xi32>
    %mul3A_43 = arith.constant 640 : i32
    %mul3A_44 = arith.muli %arg1, %mul3A_43 : i32
    %add3A_45 = arith.constant 0 : i32
    %add3A_46 = arith.addi %mul3A_44, %add3A_45 : i32
    "tpu.region"() ({
      %run_scoped3A = tpu.sem_alloc : memref<!tpu.dma_semaphore, #tpu.memory_space<semaphore_mem>>
      %dma_start3A = arith.constant 0 : i32
      %dma_start3A_345 = tpu.memref_slice %arg5[%add3A_46, %dma_start3A] : memref<10240x128xf32, #tpu.memory_space<vmem_shared>> -> memref<128x128xf32, #tpu.memory_space<vmem_shared>>
      %dma_start3A_346 = arith.constant 0 : i32
      %dma_start3A_347 = tpu.memref_slice %arg5[%add3A_46, %dma_start3A_346] : memref<10240x128xf32, #tpu.memory_space<vmem_shared>> -> memref<128x128xf32, #tpu.memory_space<vmem_shared>>
      tpu.enqueue_dma source(%dma_start3A_347 : memref<128x128xf32, #tpu.memory_space<vmem_shared>>) target(%arg6 : memref<128x128xf32, #tpu.memory_space<vmem>>) target_semaphore(%run_scoped3A : memref<!tpu.dma_semaphore, #tpu.memory_space<semaphore_mem>>)
      %dma_wait3A = arith.constant 0 : i32
      %dma_wait3A_348 = tpu.memref_slice %arg5[%add3A_46, %dma_wait3A] : memref<10240x128xf32, #tpu.memory_space<vmem_shared>> -> memref<128x128xf32, #tpu.memory_space<vmem_shared>>
      %dma_wait3A_349 = arith.constant 0 : i32
      %dma_wait3A_350 = tpu.memref_slice %arg5[%add3A_46, %dma_wait3A_349] : memref<10240x128xf32, #tpu.memory_space<vmem_shared>> -> memref<128x128xf32, #tpu.memory_space<vmem_shared>>
      tpu.wait_dma2 semaphore(%run_scoped3A : memref<!tpu.dma_semaphore, #tpu.memory_space<semaphore_mem>>) src(%dma_wait3A_350 : memref<128x128xf32, #tpu.memory_space<vmem_shared>>) dst(%arg6 : memref<128x128xf32, #tpu.memory_space<vmem>>)
      tpu.yield
    }) : () -> ()
    %iota3A = tpu.iota {dimensions = array<i32: 0>} : vector<16xi32>
    %add3A_47 = arith.constant 0 : i32
    %add3A_48 = vector.broadcast %add3A_47 : i32 to vector<16xi32>
    %add3A_49 = arith.addi %iota3A, %add3A_48 : vector<16xi32>
    %gather3A = tpu.vector_load_idx %arg6[%add3A_49, %broadcast_in_dim3A_42] : memref<128x128xf32, #tpu.memory_space<vmem>>[vector<16xi32>, vector<16xi32>], vector<16xf32>,
    %swap3A = arith.constant 0 : index
    %swap3A_50 = tpu.vector_load %arg7[%swap3A] {strides = array<i32>} : memref<640xf32, #tpu.memory_space<vmem>>, vector<16xf32>,
    tpu.vector_store %arg7[%swap3A], %gather3A {strides = array<i32>} : memref<640xf32, #tpu.memory_space<vmem>>, vector<16xf32>,
    %iota3A_51 = tpu.iota {dimensions = array<i32: 0>} : vector<16xi32>
    %add3A_52 = arith.constant 16 : i32
    %add3A_53 = vector.broadcast %add3A_52 : i32 to vector<16xi32>
    %add3A_54 = arith.addi %iota3A_51, %add3A_53 : vector<16xi32>
    %gather3A_55 = tpu.vector_load_idx %arg6[%add3A_54, %broadcast_in_dim3A_42] : memref<128x128xf32, #tpu.memory_space<vmem>>[vector<16xi32>, vector<16xi32>], vector<16xf32>,
    %swap3A_56 = arith.constant 16 : index
    %swap3A_57 = tpu.vector_load %arg7[%swap3A_56] {strides = array<i32>} : memref<640xf32, #tpu.memory_space<vmem>>, vector<16xf32>,
    tpu.vector_store %arg7[%swap3A_56], %gather3A_55 {strides = array<i32>} : memref<640xf32, #tpu.memory_space<vmem>>, vector<16xf32>,
    %iota3A_58 = tpu.iota {dimensions = array<i32: 0>} : vector<16xi32>
    %add3A_59 = arith.constant 32 : i32
    %add3A_60 = vector.broadcast %add3A_59 : i32 to vector<16xi32>
    %add3A_61 = arith.addi %iota3A_58, %add3A_60 : vector<16xi32>
    %gather3A_62 = tpu.vector_load_idx %arg6[%add3A_61, %broadcast_in_dim3A_42] : memref<128x128xf32, #tpu.memory_space<vmem>>[vector<16xi32>, vector<16xi32>], vector<16xf32>,
    %swap3A_63 = arith.constant 32 : index
    %swap3A_64 = tpu.vector_load %arg7[%swap3A_63] {strides = array<i32>} : memref<640xf32, #tpu.memory_space<vmem>>, vector<16xf32>,
    tpu.vector_store %arg7[%swap3A_63], %gather3A_62 {strides = array<i32>} : memref<640xf32, #tpu.memory_space<vmem>>, vector<16xf32>,
    %iota3A_65 = tpu.iota {dimensions = array<i32: 0>} : vector<16xi32>
    %add3A_66 = arith.constant 48 : i32
    %add3A_67 = vector.broadcast %add3A_66 : i32 to vector<16xi32>
    %add3A_68 = arith.addi %iota3A_65, %add3A_67 : vector<16xi32>
    %gather3A_69 = tpu.vector_load_idx %arg6[%add3A_68, %broadcast_in_dim3A_42] : memref<128x128xf32, #tpu.memory_space<vmem>>[vector<16xi32>, vector<16xi32>], vector<16xf32>,
    %swap3A_70 = arith.constant 48 : index
    %swap3A_71 = tpu.vector_load %arg7[%swap3A_70] {strides = array<i32>} : memref<640xf32, #tpu.memory_space<vmem>>, vector<16xf32>,
    tpu.vector_store %arg7[%swap3A_70], %gather3A_69 {strides = array<i32>} : memref<640xf32, #tpu.memory_space<vmem>>, vector<16xf32>,
    %iota3A_72 = tpu.iota {dimensions = array<i32: 0>} : vector<16xi32>
    %add3A_73 = arith.constant 64 : i32
    %add3A_74 = vector.broadcast %add3A_73 : i32 to vector<16xi32>
    %add3A_75 = arith.addi %iota3A_72, %add3A_74 : vector<16xi32>
    %gather3A_76 = tpu.vector_load_idx %arg6[%add3A_75, %broadcast_in_dim3A_42] : memref<128x128xf32, #tpu.memory_space<vmem>>[vector<16xi32>, vector<16xi32>], vector<16xf32>,
    %swap3A_77 = arith.constant 64 : index
    %swap3A_78 = tpu.vector_load %arg7[%swap3A_77] {strides = array<i32>} : memref<640xf32, #tpu.memory_space<vmem>>, vector<16xf32>,
    tpu.vector_store %arg7[%swap3A_77], %gather3A_76 {strides = array<i32>} : memref<640xf32, #tpu.memory_space<vmem>>, vector<16xf32>,
    %iota3A_79 = tpu.iota {dimensions = array<i32: 0>} : vector<16xi32>
    %add3A_80 = arith.constant 80 : i32
    %add3A_81 = vector.broadcast %add3A_80 : i32 to vector<16xi32>
    %add3A_82 = arith.addi %iota3A_79, %add3A_81 : vector<16xi32>
    %gather3A_83 = tpu.vector_load_idx %arg6[%add3A_82, %broadcast_in_dim3A_42] : memref<128x128xf32, #tpu.memory_space<vmem>>[vector<16xi32>, vector<16xi32>], vector<16xf32>,
    %swap3A_84 = arith.constant 80 : index
    %swap3A_85 = tpu.vector_load %arg7[%swap3A_84] {strides = array<i32>} : memref<640xf32, #tpu.memory_space<vmem>>, vector<16xf32>,
    tpu.vector_store %arg7[%swap3A_84], %gather3A_83 {strides = array<i32>} : memref<640xf32, #tpu.memory_space<vmem>>, vector<16xf32>,
    %iota3A_86 = tpu.iota {dimensions = array<i32: 0>} : vector<16xi32>
    %add3A_87 = arith.constant 96 : i32
    %add3A_88 = vector.broadcast %add3A_87 : i32 to vector<16xi32>
    %add3A_89 = arith.addi %iota3A_86, %add3A_88 : vector<16xi32>
    %gather3A_90 = tpu.vector_load_idx %arg6[%add3A_89, %broadcast_in_dim3A_42] : memref<128x128xf32, #tpu.memory_space<vmem>>[vector<16xi32>, vector<16xi32>], vector<16xf32>,
    %swap3A_91 = arith.constant 96 : index
    %swap3A_92 = tpu.vector_load %arg7[%swap3A_91] {strides = array<i32>} : memref<640xf32, #tpu.memory_space<vmem>>, vector<16xf32>,
    tpu.vector_store %arg7[%swap3A_91], %gather3A_90 {strides = array<i32>} : memref<640xf32, #tpu.memory_space<vmem>>, vector<16xf32>,
    %iota3A_93 = tpu.iota {dimensions = array<i32: 0>} : vector<16xi32>
    %add3A_94 = arith.constant 112 : i32
    %add3A_95 = vector.broadcast %add3A_94 : i32 to vector<16xi32>
    %add3A_96 = arith.addi %iota3A_93, %add3A_95 : vector<16xi32>
    %gather3A_97 = tpu.vector_load_idx %arg6[%add3A_96, %broadcast_in_dim3A_42] : memref<128x128xf32, #tpu.memory_space<vmem>>[vector<16xi32>, vector<16xi32>], vector<16xf32>,
    %swap3A_98 = arith.constant 112 : index
    %swap3A_99 = tpu.vector_load %arg7[%swap3A_98] {strides = array<i32>} : memref<640xf32, #tpu.memory_space<vmem>>, vector<16xf32>,
    tpu.vector_store %arg7[%swap3A_98], %gather3A_97 {strides = array<i32>} : memref<640xf32, #tpu.memory_space<vmem>>, vector<16xf32>,
    %mul3A_100 = arith.constant 640 : i32
    %mul3A_101 = arith.muli %arg1, %mul3A_100 : i32
    %add3A_102 = arith.constant 128 : i32
    %add3A_103 = arith.addi %mul3A_101, %add3A_102 : i32
    "tpu.region"() ({
      %run_scoped3A = tpu.sem_alloc : memref<!tpu.dma_semaphore, #tpu.memory_space<semaphore_mem>>
      %dma_start3A = arith.constant 0 : i32
      %dma_start3A_345 = tpu.memref_slice %arg5[%add3A_103, %dma_start3A] : memref<10240x128xf32, #tpu.memory_space<vmem_shared>> -> memref<128x128xf32, #tpu.memory_space<vmem_shared>>
      %dma_start3A_346 = arith.constant 0 : i32
      %dma_start3A_347 = tpu.memref_slice %arg5[%add3A_103, %dma_start3A_346] : memref<10240x128xf32, #tpu.memory_space<vmem_shared>> -> memref<128x128xf32, #tpu.memory_space<vmem_shared>>
      tpu.enqueue_dma source(%dma_start3A_347 : memref<128x128xf32, #tpu.memory_space<vmem_shared>>) target(%arg6 : memref<128x128xf32, #tpu.memory_space<vmem>>) target_semaphore(%run_scoped3A : memref<!tpu.dma_semaphore, #tpu.memory_space<semaphore_mem>>)
      %dma_wait3A = arith.constant 0 : i32
      %dma_wait3A_348 = tpu.memref_slice %arg5[%add3A_103, %dma_wait3A] : memref<10240x128xf32, #tpu.memory_space<vmem_shared>> -> memref<128x128xf32, #tpu.memory_space<vmem_shared>>
      %dma_wait3A_349 = arith.constant 0 : i32
      %dma_wait3A_350 = tpu.memref_slice %arg5[%add3A_103, %dma_wait3A_349] : memref<10240x128xf32, #tpu.memory_space<vmem_shared>> -> memref<128x128xf32, #tpu.memory_space<vmem_shared>>
      tpu.wait_dma2 semaphore(%run_scoped3A : memref<!tpu.dma_semaphore, #tpu.memory_space<semaphore_mem>>) src(%dma_wait3A_350 : memref<128x128xf32, #tpu.memory_space<vmem_shared>>) dst(%arg6 : memref<128x128xf32, #tpu.memory_space<vmem>>)
      tpu.yield
    }) : () -> ()
    %iota3A_104 = tpu.iota {dimensions = array<i32: 0>} : vector<16xi32>
    %add3A_105 = arith.constant 0 : i32
    %add3A_106 = vector.broadcast %add3A_105 : i32 to vector<16xi32>
    %add3A_107 = arith.addi %iota3A_104, %add3A_106 : vector<16xi32>
    %gather3A_108 = tpu.vector_load_idx %arg6[%add3A_107, %broadcast_in_dim3A_42] : memref<128x128xf32, #tpu.memory_space<vmem>>[vector<16xi32>, vector<16xi32>], vector<16xf32>,
    %swap3A_109 = arith.constant 128 : index
    %swap3A_110 = tpu.vector_load %arg7[%swap3A_109] {strides = array<i32>} : memref<640xf32, #tpu.memory_space<vmem>>, vector<16xf32>,
    tpu.vector_store %arg7[%swap3A_109], %gather3A_108 {strides = array<i32>} : memref<640xf32, #tpu.memory_space<vmem>>, vector<16xf32>,
    %iota3A_111 = tpu.iota {dimensions = array<i32: 0>} : vector<16xi32>
    %add3A_112 = arith.constant 16 : i32
    %add3A_113 = vector.broadcast %add3A_112 : i32 to vector<16xi32>
    %add3A_114 = arith.addi %iota3A_111, %add3A_113 : vector<16xi32>
    %gather3A_115 = tpu.vector_load_idx %arg6[%add3A_114, %broadcast_in_dim3A_42] : memref<128x128xf32, #tpu.memory_space<vmem>>[vector<16xi32>, vector<16xi32>], vector<16xf32>,
    %swap3A_116 = arith.constant 144 : index
    %swap3A_117 = tpu.vector_load %arg7[%swap3A_116] {strides = array<i32>} : memref<640xf32, #tpu.memory_space<vmem>>, vector<16xf32>,
    tpu.vector_store %arg7[%swap3A_116], %gather3A_115 {strides = array<i32>} : memref<640xf32, #tpu.memory_space<vmem>>, vector<16xf32>,
    %iota3A_118 = tpu.iota {dimensions = array<i32: 0>} : vector<16xi32>
    %add3A_119 = arith.constant 32 : i32
    %add3A_120 = vector.broadcast %add3A_119 : i32 to vector<16xi32>
    %add3A_121 = arith.addi %iota3A_118, %add3A_120 : vector<16xi32>
    %gather3A_122 = tpu.vector_load_idx %arg6[%add3A_121, %broadcast_in_dim3A_42] : memref<128x128xf32, #tpu.memory_space<vmem>>[vector<16xi32>, vector<16xi32>], vector<16xf32>,
    %swap3A_123 = arith.constant 160 : index
    %swap3A_124 = tpu.vector_load %arg7[%swap3A_123] {strides = array<i32>} : memref<640xf32, #tpu.memory_space<vmem>>, vector<16xf32>,
    tpu.vector_store %arg7[%swap3A_123], %gather3A_122 {strides = array<i32>} : memref<640xf32, #tpu.memory_space<vmem>>, vector<16xf32>,
    %iota3A_125 = tpu.iota {dimensions = array<i32: 0>} : vector<16xi32>
    %add3A_126 = arith.constant 48 : i32
    %add3A_127 = vector.broadcast %add3A_126 : i32 to vector<16xi32>
    %add3A_128 = arith.addi %iota3A_125, %add3A_127 : vector<16xi32>
    %gather3A_129 = tpu.vector_load_idx %arg6[%add3A_128, %broadcast_in_dim3A_42] : memref<128x128xf32, #tpu.memory_space<vmem>>[vector<16xi32>, vector<16xi32>], vector<16xf32>,
    %swap3A_130 = arith.constant 176 : index
    %swap3A_131 = tpu.vector_load %arg7[%swap3A_130] {strides = array<i32>} : memref<640xf32, #tpu.memory_space<vmem>>, vector<16xf32>,
    tpu.vector_store %arg7[%swap3A_130], %gather3A_129 {strides = array<i32>} : memref<640xf32, #tpu.memory_space<vmem>>, vector<16xf32>,
    %iota3A_132 = tpu.iota {dimensions = array<i32: 0>} : vector<16xi32>
    %add3A_133 = arith.constant 64 : i32
    %add3A_134 = vector.broadcast %add3A_133 : i32 to vector<16xi32>
    %add3A_135 = arith.addi %iota3A_132, %add3A_134 : vector<16xi32>
    %gather3A_136 = tpu.vector_load_idx %arg6[%add3A_135, %broadcast_in_dim3A_42] : memref<128x128xf32, #tpu.memory_space<vmem>>[vector<16xi32>, vector<16xi32>], vector<16xf32>,
    %swap3A_137 = arith.constant 192 : index
    %swap3A_138 = tpu.vector_load %arg7[%swap3A_137] {strides = array<i32>} : memref<640xf32, #tpu.memory_space<vmem>>, vector<16xf32>,
    tpu.vector_store %arg7[%swap3A_137], %gather3A_136 {strides = array<i32>} : memref<640xf32, #tpu.memory_space<vmem>>, vector<16xf32>,
    %iota3A_139 = tpu.iota {dimensions = array<i32: 0>} : vector<16xi32>
    %add3A_140 = arith.constant 80 : i32
    %add3A_141 = vector.broadcast %add3A_140 : i32 to vector<16xi32>
    %add3A_142 = arith.addi %iota3A_139, %add3A_141 : vector<16xi32>
    %gather3A_143 = tpu.vector_load_idx %arg6[%add3A_142, %broadcast_in_dim3A_42] : memref<128x128xf32, #tpu.memory_space<vmem>>[vector<16xi32>, vector<16xi32>], vector<16xf32>,
    %swap3A_144 = arith.constant 208 : index
    %swap3A_145 = tpu.vector_load %arg7[%swap3A_144] {strides = array<i32>} : memref<640xf32, #tpu.memory_space<vmem>>, vector<16xf32>,
    tpu.vector_store %arg7[%swap3A_144], %gather3A_143 {strides = array<i32>} : memref<640xf32, #tpu.memory_space<vmem>>, vector<16xf32>,
    %iota3A_146 = tpu.iota {dimensions = array<i32: 0>} : vector<16xi32>
    %add3A_147 = arith.constant 96 : i32
    %add3A_148 = vector.broadcast %add3A_147 : i32 to vector<16xi32>
    %add3A_149 = arith.addi %iota3A_146, %add3A_148 : vector<16xi32>
    %gather3A_150 = tpu.vector_load_idx %arg6[%add3A_149, %broadcast_in_dim3A_42] : memref<128x128xf32, #tpu.memory_space<vmem>>[vector<16xi32>, vector<16xi32>], vector<16xf32>,
    %swap3A_151 = arith.constant 224 : index
    %swap3A_152 = tpu.vector_load %arg7[%swap3A_151] {strides = array<i32>} : memref<640xf32, #tpu.memory_space<vmem>>, vector<16xf32>,
    tpu.vector_store %arg7[%swap3A_151], %gather3A_150 {strides = array<i32>} : memref<640xf32, #tpu.memory_space<vmem>>, vector<16xf32>,
    %iota3A_153 = tpu.iota {dimensions = array<i32: 0>} : vector<16xi32>
    %add3A_154 = arith.constant 112 : i32
    %add3A_155 = vector.broadcast %add3A_154 : i32 to vector<16xi32>
    %add3A_156 = arith.addi %iota3A_153, %add3A_155 : vector<16xi32>
    %gather3A_157 = tpu.vector_load_idx %arg6[%add3A_156, %broadcast_in_dim3A_42] : memref<128x128xf32, #tpu.memory_space<vmem>>[vector<16xi32>, vector<16xi32>], vector<16xf32>,
    %swap3A_158 = arith.constant 240 : index
    %swap3A_159 = tpu.vector_load %arg7[%swap3A_158] {strides = array<i32>} : memref<640xf32, #tpu.memory_space<vmem>>, vector<16xf32>,
    tpu.vector_store %arg7[%swap3A_158], %gather3A_157 {strides = array<i32>} : memref<640xf32, #tpu.memory_space<vmem>>, vector<16xf32>,
    %mul3A_160 = arith.constant 640 : i32
    %mul3A_161 = arith.muli %arg1, %mul3A_160 : i32
    %add3A_162 = arith.constant 256 : i32
    %add3A_163 = arith.addi %mul3A_161, %add3A_162 : i32
    "tpu.region"() ({
      %run_scoped3A = tpu.sem_alloc : memref<!tpu.dma_semaphore, #tpu.memory_space<semaphore_mem>>
      %dma_start3A = arith.constant 0 : i32
      %dma_start3A_345 = tpu.memref_slice %arg5[%add3A_163, %dma_start3A] : memref<10240x128xf32, #tpu.memory_space<vmem_shared>> -> memref<128x128xf32, #tpu.memory_space<vmem_shared>>
      %dma_start3A_346 = arith.constant 0 : i32
      %dma_start3A_347 = tpu.memref_slice %arg5[%add3A_163, %dma_start3A_346] : memref<10240x128xf32, #tpu.memory_space<vmem_shared>> -> memref<128x128xf32, #tpu.memory_space<vmem_shared>>
      tpu.enqueue_dma source(%dma_start3A_347 : memref<128x128xf32, #tpu.memory_space<vmem_shared>>) target(%arg6 : memref<128x128xf32, #tpu.memory_space<vmem>>) target_semaphore(%run_scoped3A : memref<!tpu.dma_semaphore, #tpu.memory_space<semaphore_mem>>)
      %dma_wait3A = arith.constant 0 : i32
      %dma_wait3A_348 = tpu.memref_slice %arg5[%add3A_163, %dma_wait3A] : memref<10240x128xf32, #tpu.memory_space<vmem_shared>> -> memref<128x128xf32, #tpu.memory_space<vmem_shared>>
      %dma_wait3A_349 = arith.constant 0 : i32
      %dma_wait3A_350 = tpu.memref_slice %arg5[%add3A_163, %dma_wait3A_349] : memref<10240x128xf32, #tpu.memory_space<vmem_shared>> -> memref<128x128xf32, #tpu.memory_space<vmem_shared>>
      tpu.wait_dma2 semaphore(%run_scoped3A : memref<!tpu.dma_semaphore, #tpu.memory_space<semaphore_mem>>) src(%dma_wait3A_350 : memref<128x128xf32, #tpu.memory_space<vmem_shared>>) dst(%arg6 : memref<128x128xf32, #tpu.memory_space<vmem>>)
      tpu.yield
    }) : () -> ()
    %iota3A_164 = tpu.iota {dimensions = array<i32: 0>} : vector<16xi32>
    %add3A_165 = arith.constant 0 : i32
    %add3A_166 = vector.broadcast %add3A_165 : i32 to vector<16xi32>
    %add3A_167 = arith.addi %iota3A_164, %add3A_166 : vector<16xi32>
    %gather3A_168 = tpu.vector_load_idx %arg6[%add3A_167, %broadcast_in_dim3A_42] : memref<128x128xf32, #tpu.memory_space<vmem>>[vector<16xi32>, vector<16xi32>], vector<16xf32>,
    %swap3A_169 = arith.constant 256 : index
    %swap3A_170 = tpu.vector_load %arg7[%swap3A_169] {strides = array<i32>} : memref<640xf32, #tpu.memory_space<vmem>>, vector<16xf32>,
    tpu.vector_store %arg7[%swap3A_169], %gather3A_168 {strides = array<i32>} : memref<640xf32, #tpu.memory_space<vmem>>, vector<16xf32>,
    %iota3A_171 = tpu.iota {dimensions = array<i32: 0>} : vector<16xi32>
    %add3A_172 = arith.constant 16 : i32
    %add3A_173 = vector.broadcast %add3A_172 : i32 to vector<16xi32>
    %add3A_174 = arith.addi %iota3A_171, %add3A_173 : vector<16xi32>
    %gather3A_175 = tpu.vector_load_idx %arg6[%add3A_174, %broadcast_in_dim3A_42] : memref<128x128xf32, #tpu.memory_space<vmem>>[vector<16xi32>, vector<16xi32>], vector<16xf32>,
    %swap3A_176 = arith.constant 272 : index
    %swap3A_177 = tpu.vector_load %arg7[%swap3A_176] {strides = array<i32>} : memref<640xf32, #tpu.memory_space<vmem>>, vector<16xf32>,
    tpu.vector_store %arg7[%swap3A_176], %gather3A_175 {strides = array<i32>} : memref<640xf32, #tpu.memory_space<vmem>>, vector<16xf32>,
    %iota3A_178 = tpu.iota {dimensions = array<i32: 0>} : vector<16xi32>
    %add3A_179 = arith.constant 32 : i32
    %add3A_180 = vector.broadcast %add3A_179 : i32 to vector<16xi32>
    %add3A_181 = arith.addi %iota3A_178, %add3A_180 : vector<16xi32>
    %gather3A_182 = tpu.vector_load_idx %arg6[%add3A_181, %broadcast_in_dim3A_42] : memref<128x128xf32, #tpu.memory_space<vmem>>[vector<16xi32>, vector<16xi32>], vector<16xf32>,
    %swap3A_183 = arith.constant 288 : index
    %swap3A_184 = tpu.vector_load %arg7[%swap3A_183] {strides = array<i32>} : memref<640xf32, #tpu.memory_space<vmem>>, vector<16xf32>,
    tpu.vector_store %arg7[%swap3A_183], %gather3A_182 {strides = array<i32>} : memref<640xf32, #tpu.memory_space<vmem>>, vector<16xf32>,
    %iota3A_185 = tpu.iota {dimensions = array<i32: 0>} : vector<16xi32>
    %add3A_186 = arith.constant 48 : i32
    %add3A_187 = vector.broadcast %add3A_186 : i32 to vector<16xi32>
    %add3A_188 = arith.addi %iota3A_185, %add3A_187 : vector<16xi32>
    %gather3A_189 = tpu.vector_load_idx %arg6[%add3A_188, %broadcast_in_dim3A_42] : memref<128x128xf32, #tpu.memory_space<vmem>>[vector<16xi32>, vector<16xi32>], vector<16xf32>,
    %swap3A_190 = arith.constant 304 : index
    %swap3A_191 = tpu.vector_load %arg7[%swap3A_190] {strides = array<i32>} : memref<640xf32, #tpu.memory_space<vmem>>, vector<16xf32>,
    tpu.vector_store %arg7[%swap3A_190], %gather3A_189 {strides = array<i32>} : memref<640xf32, #tpu.memory_space<vmem>>, vector<16xf32>,
    %iota3A_192 = tpu.iota {dimensions = array<i32: 0>} : vector<16xi32>
    %add3A_193 = arith.constant 64 : i32
    %add3A_194 = vector.broadcast %add3A_193 : i32 to vector<16xi32>
    %add3A_195 = arith.addi %iota3A_192, %add3A_194 : vector<16xi32>
    %gather3A_196 = tpu.vector_load_idx %arg6[%add3A_195, %broadcast_in_dim3A_42] : memref<128x128xf32, #tpu.memory_space<vmem>>[vector<16xi32>, vector<16xi32>], vector<16xf32>,
    %swap3A_197 = arith.constant 320 : index
    %swap3A_198 = tpu.vector_load %arg7[%swap3A_197] {strides = array<i32>} : memref<640xf32, #tpu.memory_space<vmem>>, vector<16xf32>,
    tpu.vector_store %arg7[%swap3A_197], %gather3A_196 {strides = array<i32>} : memref<640xf32, #tpu.memory_space<vmem>>, vector<16xf32>,
    %iota3A_199 = tpu.iota {dimensions = array<i32: 0>} : vector<16xi32>
    %add3A_200 = arith.constant 80 : i32
    %add3A_201 = vector.broadcast %add3A_200 : i32 to vector<16xi32>
    %add3A_202 = arith.addi %iota3A_199, %add3A_201 : vector<16xi32>
    %gather3A_203 = tpu.vector_load_idx %arg6[%add3A_202, %broadcast_in_dim3A_42] : memref<128x128xf32, #tpu.memory_space<vmem>>[vector<16xi32>, vector<16xi32>], vector<16xf32>,
    %swap3A_204 = arith.constant 336 : index
    %swap3A_205 = tpu.vector_load %arg7[%swap3A_204] {strides = array<i32>} : memref<640xf32, #tpu.memory_space<vmem>>, vector<16xf32>,
    tpu.vector_store %arg7[%swap3A_204], %gather3A_203 {strides = array<i32>} : memref<640xf32, #tpu.memory_space<vmem>>, vector<16xf32>,
    %iota3A_206 = tpu.iota {dimensions = array<i32: 0>} : vector<16xi32>
    %add3A_207 = arith.constant 96 : i32
    %add3A_208 = vector.broadcast %add3A_207 : i32 to vector<16xi32>
    %add3A_209 = arith.addi %iota3A_206, %add3A_208 : vector<16xi32>
    %gather3A_210 = tpu.vector_load_idx %arg6[%add3A_209, %broadcast_in_dim3A_42] : memref<128x128xf32, #tpu.memory_space<vmem>>[vector<16xi32>, vector<16xi32>], vector<16xf32>,
    %swap3A_211 = arith.constant 352 : index
    %swap3A_212 = tpu.vector_load %arg7[%swap3A_211] {strides = array<i32>} : memref<640xf32, #tpu.memory_space<vmem>>, vector<16xf32>,
    tpu.vector_store %arg7[%swap3A_211], %gather3A_210 {strides = array<i32>} : memref<640xf32, #tpu.memory_space<vmem>>, vector<16xf32>,
    %iota3A_213 = tpu.iota {dimensions = array<i32: 0>} : vector<16xi32>
    %add3A_214 = arith.constant 112 : i32
    %add3A_215 = vector.broadcast %add3A_214 : i32 to vector<16xi32>
    %add3A_216 = arith.addi %iota3A_213, %add3A_215 : vector<16xi32>
    %gather3A_217 = tpu.vector_load_idx %arg6[%add3A_216, %broadcast_in_dim3A_42] : memref<128x128xf32, #tpu.memory_space<vmem>>[vector<16xi32>, vector<16xi32>], vector<16xf32>,
    %swap3A_218 = arith.constant 368 : index
    %swap3A_219 = tpu.vector_load %arg7[%swap3A_218] {strides = array<i32>} : memref<640xf32, #tpu.memory_space<vmem>>, vector<16xf32>,
    tpu.vector_store %arg7[%swap3A_218], %gather3A_217 {strides = array<i32>} : memref<640xf32, #tpu.memory_space<vmem>>, vector<16xf32>,
    %mul3A_220 = arith.constant 640 : i32
    %mul3A_221 = arith.muli %arg1, %mul3A_220 : i32
    %add3A_222 = arith.constant 384 : i32
    %add3A_223 = arith.addi %mul3A_221, %add3A_222 : i32
    "tpu.region"() ({
      %run_scoped3A = tpu.sem_alloc : memref<!tpu.dma_semaphore, #tpu.memory_space<semaphore_mem>>
      %dma_start3A = arith.constant 0 : i32
      %dma_start3A_345 = tpu.memref_slice %arg5[%add3A_223, %dma_start3A] : memref<10240x128xf32, #tpu.memory_space<vmem_shared>> -> memref<128x128xf32, #tpu.memory_space<vmem_shared>>
      %dma_start3A_346 = arith.constant 0 : i32
      %dma_start3A_347 = tpu.memref_slice %arg5[%add3A_223, %dma_start3A_346] : memref<10240x128xf32, #tpu.memory_space<vmem_shared>> -> memref<128x128xf32, #tpu.memory_space<vmem_shared>>
      tpu.enqueue_dma source(%dma_start3A_347 : memref<128x128xf32, #tpu.memory_space<vmem_shared>>) target(%arg6 : memref<128x128xf32, #tpu.memory_space<vmem>>) target_semaphore(%run_scoped3A : memref<!tpu.dma_semaphore, #tpu.memory_space<semaphore_mem>>)
      %dma_wait3A = arith.constant 0 : i32
      %dma_wait3A_348 = tpu.memref_slice %arg5[%add3A_223, %dma_wait3A] : memref<10240x128xf32, #tpu.memory_space<vmem_shared>> -> memref<128x128xf32, #tpu.memory_space<vmem_shared>>
      %dma_wait3A_349 = arith.constant 0 : i32
      %dma_wait3A_350 = tpu.memref_slice %arg5[%add3A_223, %dma_wait3A_349] : memref<10240x128xf32, #tpu.memory_space<vmem_shared>> -> memref<128x128xf32, #tpu.memory_space<vmem_shared>>
      tpu.wait_dma2 semaphore(%run_scoped3A : memref<!tpu.dma_semaphore, #tpu.memory_space<semaphore_mem>>) src(%dma_wait3A_350 : memref<128x128xf32, #tpu.memory_space<vmem_shared>>) dst(%arg6 : memref<128x128xf32, #tpu.memory_space<vmem>>)
      tpu.yield
    }) : () -> ()
    %iota3A_224 = tpu.iota {dimensions = array<i32: 0>} : vector<16xi32>
    %add3A_225 = arith.constant 0 : i32
    %add3A_226 = vector.broadcast %add3A_225 : i32 to vector<16xi32>
    %add3A_227 = arith.addi %iota3A_224, %add3A_226 : vector<16xi32>
    %gather3A_228 = tpu.vector_load_idx %arg6[%add3A_227, %broadcast_in_dim3A_42] : memref<128x128xf32, #tpu.memory_space<vmem>>[vector<16xi32>, vector<16xi32>], vector<16xf32>,
    %swap3A_229 = arith.constant 384 : index
    %swap3A_230 = tpu.vector_load %arg7[%swap3A_229] {strides = array<i32>} : memref<640xf32, #tpu.memory_space<vmem>>, vector<16xf32>,
    tpu.vector_store %arg7[%swap3A_229], %gather3A_228 {strides = array<i32>} : memref<640xf32, #tpu.memory_space<vmem>>, vector<16xf32>,
    %iota3A_231 = tpu.iota {dimensions = array<i32: 0>} : vector<16xi32>
    %add3A_232 = arith.constant 16 : i32
    %add3A_233 = vector.broadcast %add3A_232 : i32 to vector<16xi32>
    %add3A_234 = arith.addi %iota3A_231, %add3A_233 : vector<16xi32>
    %gather3A_235 = tpu.vector_load_idx %arg6[%add3A_234, %broadcast_in_dim3A_42] : memref<128x128xf32, #tpu.memory_space<vmem>>[vector<16xi32>, vector<16xi32>], vector<16xf32>,
    %swap3A_236 = arith.constant 400 : index
    %swap3A_237 = tpu.vector_load %arg7[%swap3A_236] {strides = array<i32>} : memref<640xf32, #tpu.memory_space<vmem>>, vector<16xf32>,
    tpu.vector_store %arg7[%swap3A_236], %gather3A_235 {strides = array<i32>} : memref<640xf32, #tpu.memory_space<vmem>>, vector<16xf32>,
    %iota3A_238 = tpu.iota {dimensions = array<i32: 0>} : vector<16xi32>
    %add3A_239 = arith.constant 32 : i32
    %add3A_240 = vector.broadcast %add3A_239 : i32 to vector<16xi32>
    %add3A_241 = arith.addi %iota3A_238, %add3A_240 : vector<16xi32>
    %gather3A_242 = tpu.vector_load_idx %arg6[%add3A_241, %broadcast_in_dim3A_42] : memref<128x128xf32, #tpu.memory_space<vmem>>[vector<16xi32>, vector<16xi32>], vector<16xf32>,
    %swap3A_243 = arith.constant 416 : index
    %swap3A_244 = tpu.vector_load %arg7[%swap3A_243] {strides = array<i32>} : memref<640xf32, #tpu.memory_space<vmem>>, vector<16xf32>,
    tpu.vector_store %arg7[%swap3A_243], %gather3A_242 {strides = array<i32>} : memref<640xf32, #tpu.memory_space<vmem>>, vector<16xf32>,
    %iota3A_245 = tpu.iota {dimensions = array<i32: 0>} : vector<16xi32>
    %add3A_246 = arith.constant 48 : i32
    %add3A_247 = vector.broadcast %add3A_246 : i32 to vector<16xi32>
    %add3A_248 = arith.addi %iota3A_245, %add3A_247 : vector<16xi32>
    %gather3A_249 = tpu.vector_load_idx %arg6[%add3A_248, %broadcast_in_dim3A_42] : memref<128x128xf32, #tpu.memory_space<vmem>>[vector<16xi32>, vector<16xi32>], vector<16xf32>,
    %swap3A_250 = arith.constant 432 : index
    %swap3A_251 = tpu.vector_load %arg7[%swap3A_250] {strides = array<i32>} : memref<640xf32, #tpu.memory_space<vmem>>, vector<16xf32>,
    tpu.vector_store %arg7[%swap3A_250], %gather3A_249 {strides = array<i32>} : memref<640xf32, #tpu.memory_space<vmem>>, vector<16xf32>,
    %iota3A_252 = tpu.iota {dimensions = array<i32: 0>} : vector<16xi32>
    %add3A_253 = arith.constant 64 : i32
    %add3A_254 = vector.broadcast %add3A_253 : i32 to vector<16xi32>
    %add3A_255 = arith.addi %iota3A_252, %add3A_254 : vector<16xi32>
    %gather3A_256 = tpu.vector_load_idx %arg6[%add3A_255, %broadcast_in_dim3A_42] : memref<128x128xf32, #tpu.memory_space<vmem>>[vector<16xi32>, vector<16xi32>], vector<16xf32>,
    %swap3A_257 = arith.constant 448 : index
    %swap3A_258 = tpu.vector_load %arg7[%swap3A_257] {strides = array<i32>} : memref<640xf32, #tpu.memory_space<vmem>>, vector<16xf32>,
    tpu.vector_store %arg7[%swap3A_257], %gather3A_256 {strides = array<i32>} : memref<640xf32, #tpu.memory_space<vmem>>, vector<16xf32>,
    %iota3A_259 = tpu.iota {dimensions = array<i32: 0>} : vector<16xi32>
    %add3A_260 = arith.constant 80 : i32
    %add3A_261 = vector.broadcast %add3A_260 : i32 to vector<16xi32>
    %add3A_262 = arith.addi %iota3A_259, %add3A_261 : vector<16xi32>
    %gather3A_263 = tpu.vector_load_idx %arg6[%add3A_262, %broadcast_in_dim3A_42] : memref<128x128xf32, #tpu.memory_space<vmem>>[vector<16xi32>, vector<16xi32>], vector<16xf32>,
    %swap3A_264 = arith.constant 464 : index
    %swap3A_265 = tpu.vector_load %arg7[%swap3A_264] {strides = array<i32>} : memref<640xf32, #tpu.memory_space<vmem>>, vector<16xf32>,
    tpu.vector_store %arg7[%swap3A_264], %gather3A_263 {strides = array<i32>} : memref<640xf32, #tpu.memory_space<vmem>>, vector<16xf32>,
    %iota3A_266 = tpu.iota {dimensions = array<i32: 0>} : vector<16xi32>
    %add3A_267 = arith.constant 96 : i32
    %add3A_268 = vector.broadcast %add3A_267 : i32 to vector<16xi32>
    %add3A_269 = arith.addi %iota3A_266, %add3A_268 : vector<16xi32>
    %gather3A_270 = tpu.vector_load_idx %arg6[%add3A_269, %broadcast_in_dim3A_42] : memref<128x128xf32, #tpu.memory_space<vmem>>[vector<16xi32>, vector<16xi32>], vector<16xf32>,
    %swap3A_271 = arith.constant 480 : index
    %swap3A_272 = tpu.vector_load %arg7[%swap3A_271] {strides = array<i32>} : memref<640xf32, #tpu.memory_space<vmem>>, vector<16xf32>,
    tpu.vector_store %arg7[%swap3A_271], %gather3A_270 {strides = array<i32>} : memref<640xf32, #tpu.memory_space<vmem>>, vector<16xf32>,
    %iota3A_273 = tpu.iota {dimensions = array<i32: 0>} : vector<16xi32>
    %add3A_274 = arith.constant 112 : i32
    %add3A_275 = vector.broadcast %add3A_274 : i32 to vector<16xi32>
    %add3A_276 = arith.addi %iota3A_273, %add3A_275 : vector<16xi32>
    %gather3A_277 = tpu.vector_load_idx %arg6[%add3A_276, %broadcast_in_dim3A_42] : memref<128x128xf32, #tpu.memory_space<vmem>>[vector<16xi32>, vector<16xi32>], vector<16xf32>,
    %swap3A_278 = arith.constant 496 : index
    %swap3A_279 = tpu.vector_load %arg7[%swap3A_278] {strides = array<i32>} : memref<640xf32, #tpu.memory_space<vmem>>, vector<16xf32>,
    tpu.vector_store %arg7[%swap3A_278], %gather3A_277 {strides = array<i32>} : memref<640xf32, #tpu.memory_space<vmem>>, vector<16xf32>,
    %mul3A_280 = arith.constant 640 : i32
    %mul3A_281 = arith.muli %arg1, %mul3A_280 : i32
    %add3A_282 = arith.constant 512 : i32
    %add3A_283 = arith.addi %mul3A_281, %add3A_282 : i32
    "tpu.region"() ({
      %run_scoped3A = tpu.sem_alloc : memref<!tpu.dma_semaphore, #tpu.memory_space<semaphore_mem>>
      %dma_start3A = arith.constant 0 : i32
      %dma_start3A_345 = tpu.memref_slice %arg5[%add3A_283, %dma_start3A] : memref<10240x128xf32, #tpu.memory_space<vmem_shared>> -> memref<128x128xf32, #tpu.memory_space<vmem_shared>>
      %dma_start3A_346 = arith.constant 0 : i32
      %dma_start3A_347 = tpu.memref_slice %arg5[%add3A_283, %dma_start3A_346] : memref<10240x128xf32, #tpu.memory_space<vmem_shared>> -> memref<128x128xf32, #tpu.memory_space<vmem_shared>>
      tpu.enqueue_dma source(%dma_start3A_347 : memref<128x128xf32, #tpu.memory_space<vmem_shared>>) target(%arg6 : memref<128x128xf32, #tpu.memory_space<vmem>>) target_semaphore(%run_scoped3A : memref<!tpu.dma_semaphore, #tpu.memory_space<semaphore_mem>>)
      %dma_wait3A = arith.constant 0 : i32
      %dma_wait3A_348 = tpu.memref_slice %arg5[%add3A_283, %dma_wait3A] : memref<10240x128xf32, #tpu.memory_space<vmem_shared>> -> memref<128x128xf32, #tpu.memory_space<vmem_shared>>
      %dma_wait3A_349 = arith.constant 0 : i32
      %dma_wait3A_350 = tpu.memref_slice %arg5[%add3A_283, %dma_wait3A_349] : memref<10240x128xf32, #tpu.memory_space<vmem_shared>> -> memref<128x128xf32, #tpu.memory_space<vmem_shared>>
      tpu.wait_dma2 semaphore(%run_scoped3A : memref<!tpu.dma_semaphore, #tpu.memory_space<semaphore_mem>>) src(%dma_wait3A_350 : memref<128x128xf32, #tpu.memory_space<vmem_shared>>) dst(%arg6 : memref<128x128xf32, #tpu.memory_space<vmem>>)
      tpu.yield
    }) : () -> ()
    %iota3A_284 = tpu.iota {dimensions = array<i32: 0>} : vector<16xi32>
    %add3A_285 = arith.constant 0 : i32
    %add3A_286 = vector.broadcast %add3A_285 : i32 to vector<16xi32>
    %add3A_287 = arith.addi %iota3A_284, %add3A_286 : vector<16xi32>
    %gather3A_288 = tpu.vector_load_idx %arg6[%add3A_287, %broadcast_in_dim3A_42] : memref<128x128xf32, #tpu.memory_space<vmem>>[vector<16xi32>, vector<16xi32>], vector<16xf32>,
    %swap3A_289 = arith.constant 512 : index
    %swap3A_290 = tpu.vector_load %arg7[%swap3A_289] {strides = array<i32>} : memref<640xf32, #tpu.memory_space<vmem>>, vector<16xf32>,
    tpu.vector_store %arg7[%swap3A_289], %gather3A_288 {strides = array<i32>} : memref<640xf32, #tpu.memory_space<vmem>>, vector<16xf32>,
    %iota3A_291 = tpu.iota {dimensions = array<i32: 0>} : vector<16xi32>
    %add3A_292 = arith.constant 16 : i32
    %add3A_293 = vector.broadcast %add3A_292 : i32 to vector<16xi32>
    %add3A_294 = arith.addi %iota3A_291, %add3A_293 : vector<16xi32>
    %gather3A_295 = tpu.vector_load_idx %arg6[%add3A_294, %broadcast_in_dim3A_42] : memref<128x128xf32, #tpu.memory_space<vmem>>[vector<16xi32>, vector<16xi32>], vector<16xf32>,
    %swap3A_296 = arith.constant 528 : index
    %swap3A_297 = tpu.vector_load %arg7[%swap3A_296] {strides = array<i32>} : memref<640xf32, #tpu.memory_space<vmem>>, vector<16xf32>,
    tpu.vector_store %arg7[%swap3A_296], %gather3A_295 {strides = array<i32>} : memref<640xf32, #tpu.memory_space<vmem>>, vector<16xf32>,
    %iota3A_298 = tpu.iota {dimensions = array<i32: 0>} : vector<16xi32>
    %add3A_299 = arith.constant 32 : i32
    %add3A_300 = vector.broadcast %add3A_299 : i32 to vector<16xi32>
    %add3A_301 = arith.addi %iota3A_298, %add3A_300 : vector<16xi32>
    %gather3A_302 = tpu.vector_load_idx %arg6[%add3A_301, %broadcast_in_dim3A_42] : memref<128x128xf32, #tpu.memory_space<vmem>>[vector<16xi32>, vector<16xi32>], vector<16xf32>,
    %swap3A_303 = arith.constant 544 : index
    %swap3A_304 = tpu.vector_load %arg7[%swap3A_303] {strides = array<i32>} : memref<640xf32, #tpu.memory_space<vmem>>, vector<16xf32>,
    tpu.vector_store %arg7[%swap3A_303], %gather3A_302 {strides = array<i32>} : memref<640xf32, #tpu.memory_space<vmem>>, vector<16xf32>,
    %iota3A_305 = tpu.iota {dimensions = array<i32: 0>} : vector<16xi32>
    %add3A_306 = arith.constant 48 : i32
    %add3A_307 = vector.broadcast %add3A_306 : i32 to vector<16xi32>
    %add3A_308 = arith.addi %iota3A_305, %add3A_307 : vector<16xi32>
    %gather3A_309 = tpu.vector_load_idx %arg6[%add3A_308, %broadcast_in_dim3A_42] : memref<128x128xf32, #tpu.memory_space<vmem>>[vector<16xi32>, vector<16xi32>], vector<16xf32>,
    %swap3A_310 = arith.constant 560 : index
    %swap3A_311 = tpu.vector_load %arg7[%swap3A_310] {strides = array<i32>} : memref<640xf32, #tpu.memory_space<vmem>>, vector<16xf32>,
    tpu.vector_store %arg7[%swap3A_310], %gather3A_309 {strides = array<i32>} : memref<640xf32, #tpu.memory_space<vmem>>, vector<16xf32>,
    %iota3A_312 = tpu.iota {dimensions = array<i32: 0>} : vector<16xi32>
    %add3A_313 = arith.constant 64 : i32
    %add3A_314 = vector.broadcast %add3A_313 : i32 to vector<16xi32>
    %add3A_315 = arith.addi %iota3A_312, %add3A_314 : vector<16xi32>
    %gather3A_316 = tpu.vector_load_idx %arg6[%add3A_315, %broadcast_in_dim3A_42] : memref<128x128xf32, #tpu.memory_space<vmem>>[vector<16xi32>, vector<16xi32>], vector<16xf32>,
    %swap3A_317 = arith.constant 576 : index
    %swap3A_318 = tpu.vector_load %arg7[%swap3A_317] {strides = array<i32>} : memref<640xf32, #tpu.memory_space<vmem>>, vector<16xf32>,
    tpu.vector_store %arg7[%swap3A_317], %gather3A_316 {strides = array<i32>} : memref<640xf32, #tpu.memory_space<vmem>>, vector<16xf32>,
    %iota3A_319 = tpu.iota {dimensions = array<i32: 0>} : vector<16xi32>
    %add3A_320 = arith.constant 80 : i32
    %add3A_321 = vector.broadcast %add3A_320 : i32 to vector<16xi32>
    %add3A_322 = arith.addi %iota3A_319, %add3A_321 : vector<16xi32>
    %gather3A_323 = tpu.vector_load_idx %arg6[%add3A_322, %broadcast_in_dim3A_42] : memref<128x128xf32, #tpu.memory_space<vmem>>[vector<16xi32>, vector<16xi32>], vector<16xf32>,
    %swap3A_324 = arith.constant 592 : index
    %swap3A_325 = tpu.vector_load %arg7[%swap3A_324] {strides = array<i32>} : memref<640xf32, #tpu.memory_space<vmem>>, vector<16xf32>,
    tpu.vector_store %arg7[%swap3A_324], %gather3A_323 {strides = array<i32>} : memref<640xf32, #tpu.memory_space<vmem>>, vector<16xf32>,
    %iota3A_326 = tpu.iota {dimensions = array<i32: 0>} : vector<16xi32>
    %add3A_327 = arith.constant 96 : i32
    %add3A_328 = vector.broadcast %add3A_327 : i32 to vector<16xi32>
    %add3A_329 = arith.addi %iota3A_326, %add3A_328 : vector<16xi32>
    %gather3A_330 = tpu.vector_load_idx %arg6[%add3A_329, %broadcast_in_dim3A_42] : memref<128x128xf32, #tpu.memory_space<vmem>>[vector<16xi32>, vector<16xi32>], vector<16xf32>,
    %swap3A_331 = arith.constant 608 : index
    %swap3A_332 = tpu.vector_load %arg7[%swap3A_331] {strides = array<i32>} : memref<640xf32, #tpu.memory_space<vmem>>, vector<16xf32>,
    tpu.vector_store %arg7[%swap3A_331], %gather3A_330 {strides = array<i32>} : memref<640xf32, #tpu.memory_space<vmem>>, vector<16xf32>,
    %iota3A_333 = tpu.iota {dimensions = array<i32: 0>} : vector<16xi32>
    %add3A_334 = arith.constant 112 : i32
    %add3A_335 = vector.broadcast %add3A_334 : i32 to vector<16xi32>
    %add3A_336 = arith.addi %iota3A_333, %add3A_335 : vector<16xi32>
    %gather3A_337 = tpu.vector_load_idx %arg6[%add3A_336, %broadcast_in_dim3A_42] : memref<128x128xf32, #tpu.memory_space<vmem>>[vector<16xi32>, vector<16xi32>], vector<16xf32>,
    %swap3A_338 = arith.constant 624 : index
    %swap3A_339 = tpu.vector_load %arg7[%swap3A_338] {strides = array<i32>} : memref<640xf32, #tpu.memory_space<vmem>>, vector<16xf32>,
    tpu.vector_store %arg7[%swap3A_338], %gather3A_337 {strides = array<i32>} : memref<640xf32, #tpu.memory_space<vmem>>, vector<16xf32>,
    %mul3A_340 = arith.constant 10240 : i32
    %mul3A_341 = arith.muli %arg0, %mul3A_340 : i32
    %mul3A_342 = arith.constant 640 : i32
    %mul3A_343 = arith.muli %arg1, %mul3A_342 : i32
    %add3A_344 = arith.addi %mul3A_341, %mul3A_343 : i32
    "tpu.region"() ({
      %run_scoped3A = tpu.sem_alloc : memref<!tpu.dma_semaphore, #tpu.memory_space<semaphore_mem>>
      %dma_start3A = tpu.memref_slice %arg3[%add3A_344] : memref<20480xf32, #tpu.memory_space<hbm>> -> memref<640xf32, #tpu.memory_space<hbm>>
      %dma_start3A_345 = tpu.memref_slice %arg3[%add3A_344] : memref<20480xf32, #tpu.memory_space<hbm>> -> memref<640xf32, #tpu.memory_space<hbm>>
      tpu.enqueue_dma source(%arg7 : memref<640xf32, #tpu.memory_space<vmem>>) target(%dma_start3A_345 : memref<640xf32, #tpu.memory_space<hbm>>) target_semaphore(%run_scoped3A : memref<!tpu.dma_semaphore, #tpu.memory_space<semaphore_mem>>)
      %dma_wait3A = tpu.memref_slice %arg3[%add3A_344] : memref<20480xf32, #tpu.memory_space<hbm>> -> memref<640xf32, #tpu.memory_space<hbm>>
      %dma_wait3A_346 = tpu.memref_slice %arg3[%add3A_344] : memref<20480xf32, #tpu.memory_space<hbm>> -> memref<640xf32, #tpu.memory_space<hbm>>
      tpu.wait_dma2 semaphore(%run_scoped3A : memref<!tpu.dma_semaphore, #tpu.memory_space<semaphore_mem>>) src(%arg7 : memref<640xf32, #tpu.memory_space<vmem>>) dst(%dma_wait3A_346 : memref<640xf32, #tpu.memory_space<hbm>>)
      tpu.yield
    }) : () -> ()
    return
  }
}

module attributes {stable_mosaic.version = 14 : i64} {
  func.func @_edge_kernel(%arg0: i32, %arg1: memref<64x128xf32, #tpu.memory_space<vmem>>, %arg2: memref<1x64xf32, #tpu.memory_space<vmem>>, %arg3: memref<64x128xf32, #tpu.memory_space<vmem>>, %arg4: memref<1x128xf32, #tpu.memory_space<vmem>>, %arg5: memref<64x128x128xf32, #tpu.memory_space<vmem>>) attributes {dimension_semantics = [#tpu.dimension_semantics<arbitrary>], iteration_bounds = array<i64: 20>, scalar_prefetch = 0 : i64, scratch_operands = 0 : i64, tpu.core_type = #tpu.core_type<tc>, window_params = [{transform_indices = @transform_0, window_bounds = array<i64: 64, 128>}, {pipeline_mode = #tpu.pipeline_mode<synchronous>, transform_indices = @transform_1, window_bounds = array<i64: 1, 64>}, {pipeline_mode = #tpu.pipeline_mode<synchronous>, transform_indices = @transform_2, window_bounds = array<i64: 64, 128>}, {pipeline_mode = #tpu.pipeline_mode<synchronous>, transform_indices = @transform_3, window_bounds = array<i64: 1, 128>}, {transform_indices = @transform_4, window_bounds = array<i64: 64, 128, 128>}]} {
    %get3A = arith.constant 0 : index
    %get3A_0 = arith.constant 0 : index
    %get3A_1 = vector.load %arg1[%get3A, %get3A_0] : memref<64x128xf32, #tpu.memory_space<vmem>>, vector<64x128xf32>
    %sqrt3A = math.sqrt %get3A_1 : vector<64x128xf32>
    %broadcast_in_dim3A = vector.shape_cast %sqrt3A : vector<64x128xf32> to vector<64x128x1xf32>
    %get3A_2 = arith.constant 0 : index
    %get3A_3 = arith.constant 0 : index
    %get3A_4 = vector.load %arg2[%get3A_2, %get3A_3] : memref<1x64xf32, #tpu.memory_space<vmem>>, vector<1x64xf32>
    %reshape3A = vector.shape_cast %get3A_4 : vector<1x64xf32> to vector<1x1x64xf32>
    %sub3A = vector.broadcast %broadcast_in_dim3A : vector<64x128x1xf32> to vector<64x128x64xf32>
    %sub3A_5 = vector.broadcast %reshape3A : vector<1x1x64xf32> to vector<64x128x64xf32>
    %sub3A_6 = arith.subf %sub3A, %sub3A_5 : vector<64x128x64xf32>
    %integer_pow3A = arith.mulf %sub3A_6, %sub3A_6 : vector<64x128x64xf32>
    %mul3A = arith.constant -4.802000e+01 : f32
    %mul3A_7 = vector.broadcast %mul3A : f32 to vector<64x128x64xf32>
    %mul3A_8 = arith.mulf %mul3A_7, %integer_pow3A : vector<64x128x64xf32>
    %exp3A = math.exp %mul3A_8 : vector<64x128x64xf32>
    %get3A_9 = arith.constant 0 : index
    %get3A_10 = arith.constant 0 : index
    %get3A_11 = vector.load %arg4[%get3A_9, %get3A_10] : memref<1x128xf32, #tpu.memory_space<vmem>>, vector<1x128xf32>
    %reshape3A_12 = vector.shape_cast %get3A_11 : vector<1x128xf32> to vector<1x1x128xf32>
    %get3A_13 = arith.constant 0 : index
    %get3A_14 = arith.constant 0 : index
    %get3A_15 = vector.load %arg3[%get3A_13, %get3A_14] : memref<64x128xf32, #tpu.memory_space<vmem>>, vector<64x128xf32>
    %dot_general3A = arith.constant dense<0.000000e+00> : vector<64x128x128xf32>
    %dot_general3A_16 = tpu.matmul %exp3A, %get3A_15, %dot_general3A {dimension_numbers = #tpu.dot_dimension_numbers<[2], [0], [0, 1], [1], [0, 0, 0, 1, 1, 1], [], []>, transpose_lhs_hint = false} : vector<64x128x64xf32>, vector<64x128xf32>, vector<64x128x128xf32> -> vector<64x128x128xf32>
    %add3A = vector.broadcast %reshape3A_12 : vector<1x1x128xf32> to vector<64x128x128xf32>
    %add3A_17 = arith.addf %dot_general3A_16, %add3A : vector<64x128x128xf32>
    %min3A = arith.constant 3.000000e+01 : f32
    %min3A_18 = vector.broadcast %min3A : f32 to vector<64x128x128xf32>
    %min3A_19 = arith.minimumf %add3A_17, %min3A_18 : vector<64x128x128xf32>
    %exp3A_20 = math.exp %min3A_19 : vector<64x128x128xf32>
    %log1p3A = math.log1p %exp3A_20 : vector<64x128x128xf32>
    %max3A = arith.constant 3.000000e+01 : f32
    %max3A_21 = vector.broadcast %max3A : f32 to vector<64x128x128xf32>
    %max3A_22 = arith.maximumf %add3A_17, %max3A_21 : vector<64x128x128xf32>
    %add3A_23 = arith.addf %log1p3A, %max3A_22 : vector<64x128x128xf32>
    %sub3A_24 = arith.constant 30.6931477 : f32
    %sub3A_25 = vector.broadcast %sub3A_24 : f32 to vector<64x128x128xf32>
    %sub3A_26 = arith.subf %add3A_23, %sub3A_25 : vector<64x128x128xf32>
    %swap3A = arith.constant 0 : index
    %swap3A_27 = arith.constant 0 : index
    %swap3A_28 = arith.constant 0 : index
    %swap3A_29 = vector.load %arg5[%swap3A, %swap3A_27, %swap3A_28] : memref<64x128x128xf32, #tpu.memory_space<vmem>>, vector<64x128x128xf32>
    tpu.vector_store %arg5[%swap3A, %swap3A_27, %swap3A_28], %sub3A_26 {strides = array<i32>} : memref<64x128x128xf32, #tpu.memory_space<vmem>>, vector<64x128x128xf32>,
    return
  }
  func.func @transform_0(%arg0: i32) -> (i32, i32) {
    %c0_i32 = arith.constant 0 : i32
    %c0_i32_0 = arith.constant 0 : i32
    return %arg0, %c0_i32 : i32, i32
  }
  func.func @transform_1(%arg0: i32) -> (i32, i32) {
    %c0_i32 = arith.constant 0 : i32
    %c0_i32_0 = arith.constant 0 : i32
    %c0_i32_1 = arith.constant 0 : i32
    return %c0_i32, %c0_i32_0 : i32, i32
  }
  func.func @transform_2(%arg0: i32) -> (i32, i32) {
    %c0_i32 = arith.constant 0 : i32
    %c0_i32_0 = arith.constant 0 : i32
    %c0_i32_1 = arith.constant 0 : i32
    return %c0_i32, %c0_i32_0 : i32, i32
  }
  func.func @transform_3(%arg0: i32) -> (i32, i32) {
    %c0_i32 = arith.constant 0 : i32
    %c0_i32_0 = arith.constant 0 : i32
    %c0_i32_1 = arith.constant 0 : i32
    return %c0_i32, %c0_i32_0 : i32, i32
  }
  func.func @transform_4(%arg0: i32) -> (i32, i32, i32) {
    %c0_i32 = arith.constant 0 : i32
    %c0_i32_0 = arith.constant 0 : i32
    %c0_i32_1 = arith.constant 0 : i32
    return %arg0, %c0_i32, %c0_i32_0 : i32, i32, i32
  }
}

module attributes {stable_mosaic.version = 14 : i64} {
  func.func @_node_kernel(%arg0: i32, %arg1: memref<2x2000x128xf32, #tpu.memory_space<vmem>>, %arg2: memref<2x2000x128xf32, #tpu.memory_space<vmem>>, %arg3: memref<2000x1xi32, #tpu.memory_space<vmem>>, %arg4: memref<2000x1xi32, #tpu.memory_space<vmem>>, %arg5: memref<2000x1xf32, #tpu.memory_space<vmem>>, %arg6: memref<2000x1xf32, #tpu.memory_space<vmem>>, %arg7: memref<128x128xf32, #tpu.memory_space<vmem>>, %arg8: memref<1x64xf32, #tpu.memory_space<vmem>>, %arg9: memref<128x128xf32, #tpu.memory_space<vmem>>, %arg10: memref<1x128xf32, #tpu.memory_space<vmem>>, %arg11: memref<128x128xf32, #tpu.memory_space<vmem>>, %arg12: memref<1x128xf32, #tpu.memory_space<vmem>>, %arg13: memref<128x128xf32, #tpu.memory_space<vmem>>, %arg14: memref<1x128xf32, #tpu.memory_space<vmem>>, %arg15: memref<128x128xf32, #tpu.memory_space<vmem>>, %arg16: memref<1x128xf32, #tpu.memory_space<vmem>>, %arg17: memref<64x128xf32, #tpu.memory_space<vmem>>, %arg18: memref<1x128xf32, #tpu.memory_space<vmem>>, %arg19: memref<128x128xf32, #tpu.memory_space<vmem>>, %arg20: memref<1x128xf32, #tpu.memory_space<vmem>>, %arg21: memref<128x128xf32, #tpu.memory_space<vmem>>, %arg22: memref<1x128xf32, #tpu.memory_space<vmem>>, %arg23: memref<128x128xf32, #tpu.memory_space<vmem>>, %arg24: memref<1x128xf32, #tpu.memory_space<vmem>>, %arg25: memref<128x128xf32, #tpu.memory_space<vmem>>, %arg26: memref<1x128xf32, #tpu.memory_space<vmem>>, %arg27: memref<128x128xf32, #tpu.memory_space<vmem>>, %arg28: memref<1x128xf32, #tpu.memory_space<vmem>>, %arg29: memref<128x128xf32, #tpu.memory_space<vmem>>, %arg30: memref<1x128xf32, #tpu.memory_space<vmem>>, %arg31: memref<64x128xf32, #tpu.memory_space<vmem>>, %arg32: memref<1x128xf32, #tpu.memory_space<vmem>>, %arg33: memref<128x128xf32, #tpu.memory_space<vmem>>, %arg34: memref<1x128xf32, #tpu.memory_space<vmem>>, %arg35: memref<128x128xf32, #tpu.memory_space<vmem>>, %arg36: memref<1x128xf32, #tpu.memory_space<vmem>>, %arg37: memref<1000x128xf32, #tpu.memory_space<vmem>>, %arg38: memref<1000x136xf32, #tpu.memory_space<vmem>>) attributes {dimension_semantics = [#tpu.dimension_semantics<arbitrary>], iteration_bounds = array<i64: 5>, scalar_prefetch = 0 : i64, scratch_operands = 1 : i64, tpu.core_type = #tpu.core_type<tc>, window_params = [{transform_indices = @transform_0, window_bounds = array<i64: 2, 2000, 128>}, {transform_indices = @transform_1, window_bounds = array<i64: 2, 2000, 128>}, {transform_indices = @transform_2, window_bounds = array<i64: 2000, 1>}, {transform_indices = @transform_3, window_bounds = array<i64: 2000, 1>}, {transform_indices = @transform_4, window_bounds = array<i64: 2000, 1>}, {transform_indices = @transform_5, window_bounds = array<i64: 2000, 1>}, {pipeline_mode = #tpu.pipeline_mode<synchronous>, transform_indices = @transform_6, window_bounds = array<i64: 128, 128>}, {pipeline_mode = #tpu.pipeline_mode<synchronous>, transform_indices = @transform_7, window_bounds = array<i64: 1, 64>}, {pipeline_mode = #tpu.pipeline_mode<synchronous>, transform_indices = @transform_8, window_bounds = array<i64: 128, 128>}, {pipeline_mode = #tpu.pipeline_mode<synchronous>, transform_indices = @transform_9, window_bounds = array<i64: 1, 128>}, {pipeline_mode = #tpu.pipeline_mode<synchronous>, transform_indices = @transform_10, window_bounds = array<i64: 128, 128>}, {pipeline_mode = #tpu.pipeline_mode<synchronous>, transform_indices = @transform_11, window_bounds = array<i64: 1, 128>}, {pipeline_mode = #tpu.pipeline_mode<synchronous>, transform_indices = @transform_12, window_bounds = array<i64: 128, 128>}, {pipeline_mode = #tpu.pipeline_mode<synchronous>, transform_indices = @transform_13, window_bounds = array<i64: 1, 128>}, {pipeline_mode = #tpu.pipeline_mode<synchronous>, transform_indices = @transform_14, window_bounds = array<i64: 128, 128>}, {pipeline_mode = #tpu.pipeline_mode<synchronous>, transform_indices = @transform_15, window_bounds = array<i64: 1, 128>}, {pipeline_mode = #tpu.pipeline_mode<synchronous>, transform_indices = @transform_16, window_bounds = array<i64: 64, 128>}, {pipeline_mode = #tpu.pipeline_mode<synchronous>, transform_indices = @transform_17, window_bounds = array<i64: 1, 128>}, {pipeline_mode = #tpu.pipeline_mode<synchronous>, transform_indices = @transform_18, window_bounds = array<i64: 128, 128>}, {pipeline_mode = #tpu.pipeline_mode<synchronous>, transform_indices = @transform_19, window_bounds = array<i64: 1, 128>}, {pipeline_mode = #tpu.pipeline_mode<synchronous>, transform_indices = @transform_20, window_bounds = array<i64: 128, 128>}, {pipeline_mode = #tpu.pipeline_mode<synchronous>, transform_indices = @transform_21, window_bounds = array<i64: 1, 128>}, {pipeline_mode = #tpu.pipeline_mode<synchronous>, transform_indices = @transform_22, window_bounds = array<i64: 128, 128>}, {pipeline_mode = #tpu.pipeline_mode<synchronous>, transform_indices = @transform_23, window_bounds = array<i64: 1, 128>}, {pipeline_mode = #tpu.pipeline_mode<synchronous>, transform_indices = @transform_24, window_bounds = array<i64: 128, 128>}, {pipeline_mode = #tpu.pipeline_mode<synchronous>, transform_indices = @transform_25, window_bounds = array<i64: 1, 128>}, {pipeline_mode = #tpu.pipeline_mode<synchronous>, transform_indices = @transform_26, window_bounds = array<i64: 128, 128>}, {pipeline_mode = #tpu.pipeline_mode<synchronous>, transform_indices = @transform_27, window_bounds = array<i64: 1, 128>}, {pipeline_mode = #tpu.pipeline_mode<synchronous>, transform_indices = @transform_28, window_bounds = array<i64: 128, 128>}, {pipeline_mode = #tpu.pipeline_mode<synchronous>, transform_indices = @transform_29, window_bounds = array<i64: 1, 128>}, {pipeline_mode = #tpu.pipeline_mode<synchronous>, transform_indices = @transform_30, window_bounds = array<i64: 64, 128>}, {pipeline_mode = #tpu.pipeline_mode<synchronous>, transform_indices = @transform_31, window_bounds = array<i64: 1, 128>}, {pipeline_mode = #tpu.pipeline_mode<synchronous>, transform_indices = @transform_32, window_bounds = array<i64: 128, 128>}, {pipeline_mode = #tpu.pipeline_mode<synchronous>, transform_indices = @transform_33, window_bounds = array<i64: 1, 128>}, {pipeline_mode = #tpu.pipeline_mode<synchronous>, transform_indices = @transform_34, window_bounds = array<i64: 128, 128>}, {pipeline_mode = #tpu.pipeline_mode<synchronous>, transform_indices = @transform_35, window_bounds = array<i64: 1, 128>}, {pipeline_mode = #tpu.pipeline_mode<synchronous>, transform_indices = @transform_36, window_bounds = array<i64: 1000, 128>}]} {
    %eq3A = arith.constant 0 : i32
    %eq3A_0 = arith.cmpi eq, %arg0, %eq3A : i32
    %convert_element_type3A = arith.extui %eq3A_0 : i1 to i32
    %cond3A = arith.constant 0 : i32
    %cond3A_1 = arith.cmpi ne, %convert_element_type3A, %cond3A : i32
    scf.if %cond3A_1 {
      %broadcast_in_dim3A_272 = arith.constant 0.000000e+00 : f32
      %broadcast_in_dim3A_273 = vector.broadcast %broadcast_in_dim3A_272 : f32 to vector<1000x136xf32>
      %swap3A_274 = arith.constant 0 : index
      %swap3A_275 = arith.constant 0 : index
      %swap3A_276 = vector.load %arg38[%swap3A_274, %swap3A_275] : memref<1000x136xf32, #tpu.memory_space<vmem>>, vector<1000x136xf32>
      tpu.vector_store %arg38[%swap3A_274, %swap3A_275], %broadcast_in_dim3A_273 {strides = array<i32>} : memref<1000x136xf32, #tpu.memory_space<vmem>>, vector<1000x136xf32>,
    } else {
    }
    %get3A = arith.constant 0 : index
    %get3A_2 = arith.constant 0 : index
    %get3A_3 = vector.load %arg3[%get3A, %get3A_2] : memref<2000x1xi32, #tpu.memory_space<vmem>>, vector<2000x1xi32>
    %broadcast_in_dim3A = vector.shape_cast %get3A_3 : vector<2000x1xi32> to vector<2000x1xi32>
    %broadcast_in_dim3A_4 = vector.broadcast %broadcast_in_dim3A : vector<2000x1xi32> to vector<2000x128xi32>
    %iota3A = tpu.iota {dimensions = array<i32: 1>} : vector<2000x128xi32>
    %eq3A_5 = arith.cmpi eq, %broadcast_in_dim3A_4, %iota3A : vector<2000x128xi32>
    %convert_element_type3A_6 = arith.extui %eq3A_5 : vector<2000x128xi1> to vector<2000x128xi32>
    %convert_element_type3A_7 = arith.sitofp %convert_element_type3A_6 : vector<2000x128xi32> to vector<2000x128xf32>
    %get3A_8 = arith.constant 0 : index
    %get3A_9 = arith.constant 0 : index
    %get3A_10 = vector.load %arg7[%get3A_8, %get3A_9] : memref<128x128xf32, #tpu.memory_space<vmem>>, vector<128x128xf32>
    %dot_general3A = arith.constant dense<0.000000e+00> : vector<2000x128xf32>
    %dot_general3A_11 = tpu.matmul %convert_element_type3A_7, %get3A_10, %dot_general3A {dimension_numbers = #tpu.dot_dimension_numbers<[1], [0], [0], [1], [0, 0, 1, 1], [], []>, transpose_lhs_hint = false} : vector<2000x128xf32>, vector<128x128xf32>, vector<2000x128xf32> -> vector<2000x128xf32>
    %get3A_12 = arith.constant 0 : index
    %get3A_13 = arith.constant 0 : index
    %get3A_14 = vector.load %arg5[%get3A_12, %get3A_13] : memref<2000x1xf32, #tpu.memory_space<vmem>>, vector<2000x1xf32>
    %sqrt3A = math.sqrt %get3A_14 : vector<2000x1xf32>
    %get3A_15 = arith.constant 0 : index
    %get3A_16 = arith.constant 0 : index
    %get3A_17 = vector.load %arg6[%get3A_15, %get3A_16] : memref<2000x1xf32, #tpu.memory_space<vmem>>, vector<2000x1xf32>
    %get3A_18 = arith.constant 0 : index
    %get3A_19 = arith.constant 0 : index
    %get3A_20 = vector.load %arg8[%get3A_18, %get3A_19] : memref<1x64xf32, #tpu.memory_space<vmem>>, vector<1x64xf32>
    %sub3A = vector.broadcast %sqrt3A : vector<2000x1xf32> to vector<2000x64xf32>
    %sub3A_21 = vector.broadcast %get3A_20 : vector<1x64xf32> to vector<2000x64xf32>
    %sub3A_22 = arith.subf %sub3A, %sub3A_21 : vector<2000x64xf32>
    %integer_pow3A = arith.mulf %sub3A_22, %sub3A_22 : vector<2000x64xf32>
    %mul3A = arith.constant -4.802000e+01 : f32
    %mul3A_23 = vector.broadcast %mul3A : f32 to vector<2000x64xf32>
    %mul3A_24 = arith.mulf %mul3A_23, %integer_pow3A : vector<2000x64xf32>
    %exp3A = math.exp %mul3A_24 : vector<2000x64xf32>
    %broadcast_in_dim3A_25 = arith.constant 0.000000e+00 : f32
    %broadcast_in_dim3A_26 = vector.broadcast %broadcast_in_dim3A_25 : f32 to vector<2000x128xf32>
    %get3A_27 = arith.constant 0 : index
    %get3A_28 = arith.constant 0 : index
    %get3A_29 = arith.constant 0 : index
    %get3A_30 = vector.load %arg1[%get3A_27, %get3A_28, %get3A_29] : memref<2x2000x128xf32, #tpu.memory_space<vmem>>, vector<1x2000x128xf32>
    %get3A_31 = vector.shape_cast %get3A_30 : vector<1x2000x128xf32> to vector<2000x128xf32>
    %get3A_32 = arith.constant 1 : index
    %get3A_33 = arith.constant 0 : index
    %get3A_34 = arith.constant 0 : index
    %get3A_35 = vector.load %arg1[%get3A_32, %get3A_33, %get3A_34] : memref<2x2000x128xf32, #tpu.memory_space<vmem>>, vector<1x2000x128xf32>
    %get3A_36 = vector.shape_cast %get3A_35 : vector<1x2000x128xf32> to vector<2000x128xf32>
    %add3A = arith.addf %get3A_31, %get3A_36 : vector<2000x128xf32>
    %get3A_37 = arith.constant 0 : index
    %get3A_38 = arith.constant 0 : index
    %get3A_39 = vector.load %arg9[%get3A_37, %get3A_38] : memref<128x128xf32, #tpu.memory_space<vmem>>, vector<128x128xf32>
    %dot_general3A_40 = arith.constant dense<0.000000e+00> : vector<2000x128xf32>
    %dot_general3A_41 = tpu.matmul %add3A, %get3A_39, %dot_general3A_40 {dimension_numbers = #tpu.dot_dimension_numbers<[1], [0], [0], [1], [0, 0, 1, 1], [], []>, transpose_lhs_hint = false} : vector<2000x128xf32>, vector<128x128xf32>, vector<2000x128xf32> -> vector<2000x128xf32>
    %get3A_42 = arith.constant 0 : index
    %get3A_43 = arith.constant 0 : index
    %get3A_44 = vector.load %arg10[%get3A_42, %get3A_43] : memref<1x128xf32, #tpu.memory_space<vmem>>, vector<1x128xf32>
    %mul3A_45 = vector.broadcast %get3A_17 : vector<2000x1xf32> to vector<2000x128xf32>
    %mul3A_46 = vector.broadcast %get3A_44 : vector<1x128xf32> to vector<2000x128xf32>
    %mul3A_47 = arith.mulf %mul3A_45, %mul3A_46 : vector<2000x128xf32>
    %add3A_48 = arith.addf %dot_general3A_41, %mul3A_47 : vector<2000x128xf32>
    %get3A_49 = arith.constant 0 : index
    %get3A_50 = arith.constant 0 : index
    %get3A_51 = vector.load %arg11[%get3A_49, %get3A_50] : memref<128x128xf32, #tpu.memory_space<vmem>>, vector<128x128xf32>
    %dot_general3A_52 = arith.constant dense<0.000000e+00> : vector<2000x128xf32>
    %dot_general3A_53 = tpu.matmul %dot_general3A_11, %get3A_51, %dot_general3A_52 {dimension_numbers = #tpu.dot_dimension_numbers<[1], [0], [0], [1], [0, 0, 1, 1], [], []>, transpose_lhs_hint = false} : vector<2000x128xf32>, vector<128x128xf32>, vector<2000x128xf32> -> vector<2000x128xf32>
    %get3A_54 = arith.constant 0 : index
    %get3A_55 = arith.constant 0 : index
    %get3A_56 = vector.load %arg12[%get3A_54, %get3A_55] : memref<1x128xf32, #tpu.memory_space<vmem>>, vector<1x128xf32>
    %add3A_57 = vector.broadcast %get3A_56 : vector<1x128xf32> to vector<2000x128xf32>
    %add3A_58 = arith.addf %dot_general3A_53, %add3A_57 : vector<2000x128xf32>
    %logistic3A = arith.negf %add3A_58 : vector<2000x128xf32>
    %logistic3A_59 = math.exp %logistic3A : vector<2000x128xf32>
    %logistic3A_60 = arith.constant 1.000000e+00 : f32
    %logistic3A_61 = vector.broadcast %logistic3A_60 : f32 to vector<2000x128xf32>
    %logistic3A_62 = arith.addf %logistic3A_61, %logistic3A_59 : vector<2000x128xf32>
    %logistic3A_63 = arith.divf %logistic3A_61, %logistic3A_62 : vector<2000x128xf32>
    %mul3A_64 = arith.mulf %add3A_58, %logistic3A_63 : vector<2000x128xf32>
    %get3A_65 = arith.constant 0 : index
    %get3A_66 = arith.constant 0 : index
    %get3A_67 = vector.load %arg13[%get3A_65, %get3A_66] : memref<128x128xf32, #tpu.memory_space<vmem>>, vector<128x128xf32>
    %dot_general3A_68 = arith.constant dense<0.000000e+00> : vector<2000x128xf32>
    %dot_general3A_69 = tpu.matmul %mul3A_64, %get3A_67, %dot_general3A_68 {dimension_numbers = #tpu.dot_dimension_numbers<[1], [0], [0], [1], [0, 0, 1, 1], [], []>, transpose_lhs_hint = false} : vector<2000x128xf32>, vector<128x128xf32>, vector<2000x128xf32> -> vector<2000x128xf32>
    %get3A_70 = arith.constant 0 : index
    %get3A_71 = arith.constant 0 : index
    %get3A_72 = vector.load %arg14[%get3A_70, %get3A_71] : memref<1x128xf32, #tpu.memory_space<vmem>>, vector<1x128xf32>
    %add3A_73 = vector.broadcast %get3A_72 : vector<1x128xf32> to vector<2000x128xf32>
    %add3A_74 = arith.addf %dot_general3A_69, %add3A_73 : vector<2000x128xf32>
    %mul3A_75 = arith.constant 2.000000e+00 : f32
    %mul3A_76 = vector.broadcast %mul3A_75 : f32 to vector<2000x128xf32>
    %mul3A_77 = arith.mulf %mul3A_76, %dot_general3A_11 : vector<2000x128xf32>
    %mul3A_78 = arith.mulf %add3A_74, %add3A_48 : vector<2000x128xf32>
    %get3A_79 = arith.constant 0 : index
    %get3A_80 = arith.constant 0 : index
    %get3A_81 = vector.load %arg15[%get3A_79, %get3A_80] : memref<128x128xf32, #tpu.memory_space<vmem>>, vector<128x128xf32>
    %dot_general3A_82 = arith.constant dense<0.000000e+00> : vector<2000x128xf32>
    %dot_general3A_83 = tpu.matmul %mul3A_78, %get3A_81, %dot_general3A_82 {dimension_numbers = #tpu.dot_dimension_numbers<[1], [0], [0], [1], [0, 0, 1, 1], [], []>, transpose_lhs_hint = false} : vector<2000x128xf32>, vector<128x128xf32>, vector<2000x128xf32> -> vector<2000x128xf32>
    %add3A_84 = arith.addf %mul3A_77, %dot_general3A_83 : vector<2000x128xf32>
    %get3A_85 = arith.constant 0 : index
    %get3A_86 = arith.constant 0 : index
    %get3A_87 = vector.load %arg16[%get3A_85, %get3A_86] : memref<1x128xf32, #tpu.memory_space<vmem>>, vector<1x128xf32>
    %mul3A_88 = vector.broadcast %get3A_17 : vector<2000x1xf32> to vector<2000x128xf32>
    %mul3A_89 = vector.broadcast %get3A_87 : vector<1x128xf32> to vector<2000x128xf32>
    %mul3A_90 = arith.mulf %mul3A_88, %mul3A_89 : vector<2000x128xf32>
    %add3A_91 = arith.addf %add3A_84, %mul3A_90 : vector<2000x128xf32>
    %get3A_92 = arith.constant 0 : index
    %get3A_93 = arith.constant 0 : index
    %get3A_94 = vector.load %arg17[%get3A_92, %get3A_93] : memref<64x128xf32, #tpu.memory_space<vmem>>, vector<64x128xf32>
    %dot_general3A_95 = arith.constant dense<0.000000e+00> : vector<2000x128xf32>
    %dot_general3A_96 = tpu.matmul %exp3A, %get3A_94, %dot_general3A_95 {dimension_numbers = #tpu.dot_dimension_numbers<[1], [0], [0], [1], [0, 0, 1, 1], [], []>, transpose_lhs_hint = false} : vector<2000x64xf32>, vector<64x128xf32>, vector<2000x128xf32> -> vector<2000x128xf32>
    %get3A_97 = arith.constant 0 : index
    %get3A_98 = arith.constant 0 : index
    %get3A_99 = vector.load %arg18[%get3A_97, %get3A_98] : memref<1x128xf32, #tpu.memory_space<vmem>>, vector<1x128xf32>
    %add3A_100 = vector.broadcast %get3A_99 : vector<1x128xf32> to vector<2000x128xf32>
    %add3A_101 = arith.addf %dot_general3A_96, %add3A_100 : vector<2000x128xf32>
    %min3A = arith.constant 3.000000e+01 : f32
    %min3A_102 = vector.broadcast %min3A : f32 to vector<2000x128xf32>
    %min3A_103 = arith.minimumf %add3A_101, %min3A_102 : vector<2000x128xf32>
    %exp3A_104 = math.exp %min3A_103 : vector<2000x128xf32>
    %log1p3A = math.log1p %exp3A_104 : vector<2000x128xf32>
    %max3A = arith.constant 3.000000e+01 : f32
    %max3A_105 = vector.broadcast %max3A : f32 to vector<2000x128xf32>
    %max3A_106 = arith.maximumf %add3A_101, %max3A_105 : vector<2000x128xf32>
    %add3A_107 = arith.addf %log1p3A, %max3A_106 : vector<2000x128xf32>
    %sub3A_108 = arith.constant 30.6931477 : f32
    %sub3A_109 = vector.broadcast %sub3A_108 : f32 to vector<2000x128xf32>
    %sub3A_110 = arith.subf %add3A_107, %sub3A_109 : vector<2000x128xf32>
    %get3A_111 = arith.constant 0 : index
    %get3A_112 = arith.constant 0 : index
    %get3A_113 = vector.load %arg19[%get3A_111, %get3A_112] : memref<128x128xf32, #tpu.memory_space<vmem>>, vector<128x128xf32>
    %dot_general3A_114 = arith.constant dense<0.000000e+00> : vector<2000x128xf32>
    %dot_general3A_115 = tpu.matmul %sub3A_110, %get3A_113, %dot_general3A_114 {dimension_numbers = #tpu.dot_dimension_numbers<[1], [0], [0], [1], [0, 0, 1, 1], [], []>, transpose_lhs_hint = false} : vector<2000x128xf32>, vector<128x128xf32>, vector<2000x128xf32> -> vector<2000x128xf32>
    %get3A_116 = arith.constant 0 : index
    %get3A_117 = arith.constant 0 : index
    %get3A_118 = vector.load %arg20[%get3A_116, %get3A_117] : memref<1x128xf32, #tpu.memory_space<vmem>>, vector<1x128xf32>
    %add3A_119 = vector.broadcast %get3A_118 : vector<1x128xf32> to vector<2000x128xf32>
    %add3A_120 = arith.addf %dot_general3A_115, %add3A_119 : vector<2000x128xf32>
    %mul3A_121 = arith.mulf %add3A_91, %add3A_120 : vector<2000x128xf32>
    %get3A_122 = arith.constant 0 : index
    %get3A_123 = arith.constant 0 : index
    %get3A_124 = vector.load %arg21[%get3A_122, %get3A_123] : memref<128x128xf32, #tpu.memory_space<vmem>>, vector<128x128xf32>
    %dot_general3A_125 = arith.constant dense<0.000000e+00> : vector<2000x128xf32>
    %dot_general3A_126 = tpu.matmul %mul3A_121, %get3A_124, %dot_general3A_125 {dimension_numbers = #tpu.dot_dimension_numbers<[1], [0], [0], [1], [0, 0, 1, 1], [], []>, transpose_lhs_hint = false} : vector<2000x128xf32>, vector<128x128xf32>, vector<2000x128xf32> -> vector<2000x128xf32>
    %add3A_127 = arith.addf %broadcast_in_dim3A_26, %dot_general3A_126 : vector<2000x128xf32>
    %get3A_128 = arith.constant 0 : index
    %get3A_129 = arith.constant 0 : index
    %get3A_130 = vector.load %arg22[%get3A_128, %get3A_129] : memref<1x128xf32, #tpu.memory_space<vmem>>, vector<1x128xf32>
    %add3A_131 = vector.broadcast %get3A_130 : vector<1x128xf32> to vector<2000x128xf32>
    %add3A_132 = arith.addf %add3A_127, %add3A_131 : vector<2000x128xf32>
    %get3A_133 = arith.constant 0 : index
    %get3A_134 = arith.constant 0 : index
    %get3A_135 = arith.constant 0 : index
    %get3A_136 = vector.load %arg2[%get3A_133, %get3A_134, %get3A_135] : memref<2x2000x128xf32, #tpu.memory_space<vmem>>, vector<1x2000x128xf32>
    %get3A_137 = vector.shape_cast %get3A_136 : vector<1x2000x128xf32> to vector<2000x128xf32>
    %get3A_138 = arith.constant 1 : index
    %get3A_139 = arith.constant 0 : index
    %get3A_140 = arith.constant 0 : index
    %get3A_141 = vector.load %arg2[%get3A_138, %get3A_139, %get3A_140] : memref<2x2000x128xf32, #tpu.memory_space<vmem>>, vector<1x2000x128xf32>
    %get3A_142 = vector.shape_cast %get3A_141 : vector<1x2000x128xf32> to vector<2000x128xf32>
    %add3A_143 = arith.addf %get3A_137, %get3A_142 : vector<2000x128xf32>
    %get3A_144 = arith.constant 0 : index
    %get3A_145 = arith.constant 0 : index
    %get3A_146 = vector.load %arg23[%get3A_144, %get3A_145] : memref<128x128xf32, #tpu.memory_space<vmem>>, vector<128x128xf32>
    %dot_general3A_147 = arith.constant dense<0.000000e+00> : vector<2000x128xf32>
    %dot_general3A_148 = tpu.matmul %add3A_143, %get3A_146, %dot_general3A_147 {dimension_numbers = #tpu.dot_dimension_numbers<[1], [0], [0], [1], [0, 0, 1, 1], [], []>, transpose_lhs_hint = false} : vector<2000x128xf32>, vector<128x128xf32>, vector<2000x128xf32> -> vector<2000x128xf32>
    %get3A_149 = arith.constant 0 : index
    %get3A_150 = arith.constant 0 : index
    %get3A_151 = vector.load %arg24[%get3A_149, %get3A_150] : memref<1x128xf32, #tpu.memory_space<vmem>>, vector<1x128xf32>
    %mul3A_152 = vector.broadcast %get3A_17 : vector<2000x1xf32> to vector<2000x128xf32>
    %mul3A_153 = vector.broadcast %get3A_151 : vector<1x128xf32> to vector<2000x128xf32>
    %mul3A_154 = arith.mulf %mul3A_152, %mul3A_153 : vector<2000x128xf32>
    %add3A_155 = arith.addf %dot_general3A_148, %mul3A_154 : vector<2000x128xf32>
    %get3A_156 = arith.constant 0 : index
    %get3A_157 = arith.constant 0 : index
    %get3A_158 = vector.load %arg25[%get3A_156, %get3A_157] : memref<128x128xf32, #tpu.memory_space<vmem>>, vector<128x128xf32>
    %dot_general3A_159 = arith.constant dense<0.000000e+00> : vector<2000x128xf32>
    %dot_general3A_160 = tpu.matmul %add3A_91, %get3A_158, %dot_general3A_159 {dimension_numbers = #tpu.dot_dimension_numbers<[1], [0], [0], [1], [0, 0, 1, 1], [], []>, transpose_lhs_hint = false} : vector<2000x128xf32>, vector<128x128xf32>, vector<2000x128xf32> -> vector<2000x128xf32>
    %get3A_161 = arith.constant 0 : index
    %get3A_162 = arith.constant 0 : index
    %get3A_163 = vector.load %arg26[%get3A_161, %get3A_162] : memref<1x128xf32, #tpu.memory_space<vmem>>, vector<1x128xf32>
    %add3A_164 = vector.broadcast %get3A_163 : vector<1x128xf32> to vector<2000x128xf32>
    %add3A_165 = arith.addf %dot_general3A_160, %add3A_164 : vector<2000x128xf32>
    %logistic3A_166 = arith.negf %add3A_165 : vector<2000x128xf32>
    %logistic3A_167 = math.exp %logistic3A_166 : vector<2000x128xf32>
    %logistic3A_168 = arith.constant 1.000000e+00 : f32
    %logistic3A_169 = vector.broadcast %logistic3A_168 : f32 to vector<2000x128xf32>
    %logistic3A_170 = arith.addf %logistic3A_169, %logistic3A_167 : vector<2000x128xf32>
    %logistic3A_171 = arith.divf %logistic3A_169, %logistic3A_170 : vector<2000x128xf32>
    %mul3A_172 = arith.mulf %add3A_165, %logistic3A_171 : vector<2000x128xf32>
    %get3A_173 = arith.constant 0 : index
    %get3A_174 = arith.constant 0 : index
    %get3A_175 = vector.load %arg27[%get3A_173, %get3A_174] : memref<128x128xf32, #tpu.memory_space<vmem>>, vector<128x128xf32>
    %dot_general3A_176 = arith.constant dense<0.000000e+00> : vector<2000x128xf32>
    %dot_general3A_177 = tpu.matmul %mul3A_172, %get3A_175, %dot_general3A_176 {dimension_numbers = #tpu.dot_dimension_numbers<[1], [0], [0], [1], [0, 0, 1, 1], [], []>, transpose_lhs_hint = false} : vector<2000x128xf32>, vector<128x128xf32>, vector<2000x128xf32> -> vector<2000x128xf32>
    %get3A_178 = arith.constant 0 : index
    %get3A_179 = arith.constant 0 : index
    %get3A_180 = vector.load %arg28[%get3A_178, %get3A_179] : memref<1x128xf32, #tpu.memory_space<vmem>>, vector<1x128xf32>
    %add3A_181 = vector.broadcast %get3A_180 : vector<1x128xf32> to vector<2000x128xf32>
    %add3A_182 = arith.addf %dot_general3A_177, %add3A_181 : vector<2000x128xf32>
    %mul3A_183 = arith.constant 2.000000e+00 : f32
    %mul3A_184 = vector.broadcast %mul3A_183 : f32 to vector<2000x128xf32>
    %mul3A_185 = arith.mulf %mul3A_184, %add3A_91 : vector<2000x128xf32>
    %mul3A_186 = arith.mulf %add3A_182, %add3A_155 : vector<2000x128xf32>
    %get3A_187 = arith.constant 0 : index
    %get3A_188 = arith.constant 0 : index
    %get3A_189 = vector.load %arg29[%get3A_187, %get3A_188] : memref<128x128xf32, #tpu.memory_space<vmem>>, vector<128x128xf32>
    %dot_general3A_190 = arith.constant dense<0.000000e+00> : vector<2000x128xf32>
    %dot_general3A_191 = tpu.matmul %mul3A_186, %get3A_189, %dot_general3A_190 {dimension_numbers = #tpu.dot_dimension_numbers<[1], [0], [0], [1], [0, 0, 1, 1], [], []>, transpose_lhs_hint = false} : vector<2000x128xf32>, vector<128x128xf32>, vector<2000x128xf32> -> vector<2000x128xf32>
    %add3A_192 = arith.addf %mul3A_185, %dot_general3A_191 : vector<2000x128xf32>
    %get3A_193 = arith.constant 0 : index
    %get3A_194 = arith.constant 0 : index
    %get3A_195 = vector.load %arg30[%get3A_193, %get3A_194] : memref<1x128xf32, #tpu.memory_space<vmem>>, vector<1x128xf32>
    %mul3A_196 = vector.broadcast %get3A_17 : vector<2000x1xf32> to vector<2000x128xf32>
    %mul3A_197 = vector.broadcast %get3A_195 : vector<1x128xf32> to vector<2000x128xf32>
    %mul3A_198 = arith.mulf %mul3A_196, %mul3A_197 : vector<2000x128xf32>
    %add3A_199 = arith.addf %add3A_192, %mul3A_198 : vector<2000x128xf32>
    %get3A_200 = arith.constant 0 : index
    %get3A_201 = arith.constant 0 : index
    %get3A_202 = vector.load %arg31[%get3A_200, %get3A_201] : memref<64x128xf32, #tpu.memory_space<vmem>>, vector<64x128xf32>
    %dot_general3A_203 = arith.constant dense<0.000000e+00> : vector<2000x128xf32>
    %dot_general3A_204 = tpu.matmul %exp3A, %get3A_202, %dot_general3A_203 {dimension_numbers = #tpu.dot_dimension_numbers<[1], [0], [0], [1], [0, 0, 1, 1], [], []>, transpose_lhs_hint = false} : vector<2000x64xf32>, vector<64x128xf32>, vector<2000x128xf32> -> vector<2000x128xf32>
    %get3A_205 = arith.constant 0 : index
    %get3A_206 = arith.constant 0 : index
    %get3A_207 = vector.load %arg32[%get3A_205, %get3A_206] : memref<1x128xf32, #tpu.memory_space<vmem>>, vector<1x128xf32>
    %add3A_208 = vector.broadcast %get3A_207 : vector<1x128xf32> to vector<2000x128xf32>
    %add3A_209 = arith.addf %dot_general3A_204, %add3A_208 : vector<2000x128xf32>
    %min3A_210 = arith.constant 3.000000e+01 : f32
    %min3A_211 = vector.broadcast %min3A_210 : f32 to vector<2000x128xf32>
    %min3A_212 = arith.minimumf %add3A_209, %min3A_211 : vector<2000x128xf32>
    %exp3A_213 = math.exp %min3A_212 : vector<2000x128xf32>
    %log1p3A_214 = math.log1p %exp3A_213 : vector<2000x128xf32>
    %max3A_215 = arith.constant 3.000000e+01 : f32
    %max3A_216 = vector.broadcast %max3A_215 : f32 to vector<2000x128xf32>
    %max3A_217 = arith.maximumf %add3A_209, %max3A_216 : vector<2000x128xf32>
    %add3A_218 = arith.addf %log1p3A_214, %max3A_217 : vector<2000x128xf32>
    %sub3A_219 = arith.constant 30.6931477 : f32
    %sub3A_220 = vector.broadcast %sub3A_219 : f32 to vector<2000x128xf32>
    %sub3A_221 = arith.subf %add3A_218, %sub3A_220 : vector<2000x128xf32>
    %get3A_222 = arith.constant 0 : index
    %get3A_223 = arith.constant 0 : index
    %get3A_224 = vector.load %arg33[%get3A_222, %get3A_223] : memref<128x128xf32, #tpu.memory_space<vmem>>, vector<128x128xf32>
    %dot_general3A_225 = arith.constant dense<0.000000e+00> : vector<2000x128xf32>
    %dot_general3A_226 = tpu.matmul %sub3A_221, %get3A_224, %dot_general3A_225 {dimension_numbers = #tpu.dot_dimension_numbers<[1], [0], [0], [1], [0, 0, 1, 1], [], []>, transpose_lhs_hint = false} : vector<2000x128xf32>, vector<128x128xf32>, vector<2000x128xf32> -> vector<2000x128xf32>
    %get3A_227 = arith.constant 0 : index
    %get3A_228 = arith.constant 0 : index
    %get3A_229 = vector.load %arg34[%get3A_227, %get3A_228] : memref<1x128xf32, #tpu.memory_space<vmem>>, vector<1x128xf32>
    %add3A_230 = vector.broadcast %get3A_229 : vector<1x128xf32> to vector<2000x128xf32>
    %add3A_231 = arith.addf %dot_general3A_226, %add3A_230 : vector<2000x128xf32>
    %mul3A_232 = arith.mulf %add3A_199, %add3A_231 : vector<2000x128xf32>
    %get3A_233 = arith.constant 0 : index
    %get3A_234 = arith.constant 0 : index
    %get3A_235 = vector.load %arg35[%get3A_233, %get3A_234] : memref<128x128xf32, #tpu.memory_space<vmem>>, vector<128x128xf32>
    %dot_general3A_236 = arith.constant dense<0.000000e+00> : vector<2000x128xf32>
    %dot_general3A_237 = tpu.matmul %mul3A_232, %get3A_235, %dot_general3A_236 {dimension_numbers = #tpu.dot_dimension_numbers<[1], [0], [0], [1], [0, 0, 1, 1], [], []>, transpose_lhs_hint = false} : vector<2000x128xf32>, vector<128x128xf32>, vector<2000x128xf32> -> vector<2000x128xf32>
    %add3A_238 = arith.addf %add3A_132, %dot_general3A_237 : vector<2000x128xf32>
    %get3A_239 = arith.constant 0 : index
    %get3A_240 = arith.constant 0 : index
    %get3A_241 = vector.load %arg36[%get3A_239, %get3A_240] : memref<1x128xf32, #tpu.memory_space<vmem>>, vector<1x128xf32>
    %add3A_242 = vector.broadcast %get3A_241 : vector<1x128xf32> to vector<2000x128xf32>
    %add3A_243 = arith.addf %add3A_238, %add3A_242 : vector<2000x128xf32>
    %iota3A_244 = tpu.iota {dimensions = array<i32: 1>} : vector<2000x8xi32>
    %eq3A_245 = arith.constant 0 : i32
    %eq3A_246 = vector.broadcast %eq3A_245 : i32 to vector<2000x8xi32>
    %eq3A_247 = arith.cmpi eq, %iota3A_244, %eq3A_246 : vector<2000x8xi32>
    %convert_element_type3A_248 = arith.extui %eq3A_247 : vector<2000x8xi1> to vector<2000x8xi32>
    %convert_element_type3A_249 = arith.sitofp %convert_element_type3A_248 : vector<2000x8xi32> to vector<2000x8xf32>
    %concatenate3A = tpu.concatenate %add3A_243, %convert_element_type3A_249 in 1 : vector<2000x128xf32>, vector<2000x8xf32> -> vector<2000x136xf32>
    %get3A_250 = arith.constant 0 : index
    %get3A_251 = arith.constant 0 : index
    %get3A_252 = vector.load %arg4[%get3A_250, %get3A_251] : memref<2000x1xi32, #tpu.memory_space<vmem>>, vector<2000x1xi32>
    %broadcast_in_dim3A_253 = vector.shape_cast %get3A_252 : vector<2000x1xi32> to vector<2000x1xi32>
    %broadcast_in_dim3A_254 = vector.broadcast %broadcast_in_dim3A_253 : vector<2000x1xi32> to vector<2000x1000xi32>
    %iota3A_255 = tpu.iota {dimensions = array<i32: 1>} : vector<2000x1000xi32>
    %eq3A_256 = arith.cmpi eq, %broadcast_in_dim3A_254, %iota3A_255 : vector<2000x1000xi32>
    %convert_element_type3A_257 = arith.extui %eq3A_256 : vector<2000x1000xi1> to vector<2000x1000xi32>
    %convert_element_type3A_258 = arith.sitofp %convert_element_type3A_257 : vector<2000x1000xi32> to vector<2000x1000xf32>
    %get3A_259 = arith.constant 0 : index
    %get3A_260 = arith.constant 0 : index
    %get3A_261 = vector.load %arg38[%get3A_259, %get3A_260] : memref<1000x136xf32, #tpu.memory_space<vmem>>, vector<1000x136xf32>
    %dot_general3A_262 = arith.constant dense<0.000000e+00> : vector<1000x136xf32>
    %dot_general3A_263 = tpu.matmul %convert_element_type3A_258, %concatenate3A, %dot_general3A_262 {dimension_numbers = #tpu.dot_dimension_numbers<[0], [0], [1], [1], [0, 1, 1, 1], [], []>, transpose_lhs_hint = false} : vector<2000x1000xf32>, vector<2000x136xf32>, vector<1000x136xf32> -> vector<1000x136xf32>
    %add3A_264 = arith.addf %get3A_261, %dot_general3A_263 : vector<1000x136xf32>
    %swap3A = arith.constant 0 : index
    %swap3A_265 = arith.constant 0 : index
    %swap3A_266 = vector.load %arg38[%swap3A, %swap3A_265] : memref<1000x136xf32, #tpu.memory_space<vmem>>, vector<1000x136xf32>
    tpu.vector_store %arg38[%swap3A, %swap3A_265], %add3A_264 {strides = array<i32>} : memref<1000x136xf32, #tpu.memory_space<vmem>>, vector<1000x136xf32>,
    %eq3A_267 = arith.constant 4 : i32
    %eq3A_268 = arith.cmpi eq, %arg0, %eq3A_267 : i32
    %convert_element_type3A_269 = arith.extui %eq3A_268 : i1 to i32
    %cond3A_270 = arith.constant 0 : i32
    %cond3A_271 = arith.cmpi ne, %convert_element_type3A_269, %cond3A_270 : i32
    scf.if %cond3A_271 {
      %get3A_272 = arith.constant 0 : index
      %get3A_273 = arith.constant 0 : index
      %get3A_274 = vector.load %arg38[%get3A_272, %get3A_273] : memref<1000x136xf32, #tpu.memory_space<vmem>>, vector<1000x136xf32>
      %slice3A = vector.extract_strided_slice %get3A_274 {offsets = [0, 128], sizes = [1000, 1], strides = [1, 1]} : vector<1000x136xf32> to vector<1000x1xf32>
      %max3A_275 = arith.constant 1.000000e+00 : f32
      %max3A_276 = vector.broadcast %max3A_275 : f32 to vector<1000x1xf32>
      %max3A_277 = arith.maximumf %slice3A, %max3A_276 : vector<1000x1xf32>
      %slice3A_278 = vector.extract_strided_slice %get3A_274 {offsets = [0, 0], sizes = [1000, 128], strides = [1, 1]} : vector<1000x136xf32> to vector<1000x128xf32>
      %div3A = vector.broadcast %max3A_277 : vector<1000x1xf32> to vector<1000x128xf32>
      %div3A_279 = arith.divf %slice3A_278, %div3A : vector<1000x128xf32>
      %swap3A_280 = arith.constant 0 : index
      %swap3A_281 = arith.constant 0 : index
      %swap3A_282 = vector.load %arg37[%swap3A_280, %swap3A_281] : memref<1000x128xf32, #tpu.memory_space<vmem>>, vector<1000x128xf32>
      tpu.vector_store %arg37[%swap3A_280, %swap3A_281], %div3A_279 {strides = array<i32>} : memref<1000x128xf32, #tpu.memory_space<vmem>>, vector<1000x128xf32>,
    } else {
    }
    return
  }
  func.func @transform_0(%arg0: i32) -> (i32, i32, i32) {
    %c0_i32 = arith.constant 0 : i32
    %c0_i32_0 = arith.constant 0 : i32
    %c0_i32_1 = arith.constant 0 : i32
    return %c0_i32, %arg0, %c0_i32_0 : i32, i32, i32
  }
  func.func @transform_1(%arg0: i32) -> (i32, i32, i32) {
    %c0_i32 = arith.constant 0 : i32
    %c0_i32_0 = arith.constant 0 : i32
    %c0_i32_1 = arith.constant 0 : i32
    return %c0_i32, %arg0, %c0_i32_0 : i32, i32, i32
  }
  func.func @transform_2(%arg0: i32) -> (i32, i32) {
    %c0_i32 = arith.constant 0 : i32
    %c0_i32_0 = arith.constant 0 : i32
    return %arg0, %c0_i32 : i32, i32
  }
  func.func @transform_3(%arg0: i32) -> (i32, i32) {
    %c0_i32 = arith.constant 0 : i32
    %c0_i32_0 = arith.constant 0 : i32
    return %arg0, %c0_i32 : i32, i32
  }
  func.func @transform_4(%arg0: i32) -> (i32, i32) {
    %c0_i32 = arith.constant 0 : i32
    %c0_i32_0 = arith.constant 0 : i32
    return %arg0, %c0_i32 : i32, i32
  }
  func.func @transform_5(%arg0: i32) -> (i32, i32) {
    %c0_i32 = arith.constant 0 : i32
    %c0_i32_0 = arith.constant 0 : i32
    return %arg0, %c0_i32 : i32, i32
  }
  func.func @transform_6(%arg0: i32) -> (i32, i32) {
    %c0_i32 = arith.constant 0 : i32
    %c0_i32_0 = arith.constant 0 : i32
    %c0_i32_1 = arith.constant 0 : i32
    return %c0_i32, %c0_i32_0 : i32, i32
  }
  func.func @transform_7(%arg0: i32) -> (i32, i32) {
    %c0_i32 = arith.constant 0 : i32
    %c0_i32_0 = arith.constant 0 : i32
    %c0_i32_1 = arith.constant 0 : i32
    return %c0_i32, %c0_i32_0 : i32, i32
  }
  func.func @transform_8(%arg0: i32) -> (i32, i32) {
    %c0_i32 = arith.constant 0 : i32
    %c0_i32_0 = arith.constant 0 : i32
    %c0_i32_1 = arith.constant 0 : i32
    return %c0_i32, %c0_i32_0 : i32, i32
  }
  func.func @transform_9(%arg0: i32) -> (i32, i32) {
    %c0_i32 = arith.constant 0 : i32
    %c0_i32_0 = arith.constant 0 : i32
    %c0_i32_1 = arith.constant 0 : i32
    return %c0_i32, %c0_i32_0 : i32, i32
  }
  func.func @transform_10(%arg0: i32) -> (i32, i32) {
    %c0_i32 = arith.constant 0 : i32
    %c0_i32_0 = arith.constant 0 : i32
    %c0_i32_1 = arith.constant 0 : i32
    return %c0_i32, %c0_i32_0 : i32, i32
  }
  func.func @transform_11(%arg0: i32) -> (i32, i32) {
    %c0_i32 = arith.constant 0 : i32
    %c0_i32_0 = arith.constant 0 : i32
    %c0_i32_1 = arith.constant 0 : i32
    return %c0_i32, %c0_i32_0 : i32, i32
  }
  func.func @transform_12(%arg0: i32) -> (i32, i32) {
    %c0_i32 = arith.constant 0 : i32
    %c0_i32_0 = arith.constant 0 : i32
    %c0_i32_1 = arith.constant 0 : i32
    return %c0_i32, %c0_i32_0 : i32, i32
  }
  func.func @transform_13(%arg0: i32) -> (i32, i32) {
    %c0_i32 = arith.constant 0 : i32
    %c0_i32_0 = arith.constant 0 : i32
    %c0_i32_1 = arith.constant 0 : i32
    return %c0_i32, %c0_i32_0 : i32, i32
  }
  func.func @transform_14(%arg0: i32) -> (i32, i32) {
    %c0_i32 = arith.constant 0 : i32
    %c0_i32_0 = arith.constant 0 : i32
    %c0_i32_1 = arith.constant 0 : i32
    return %c0_i32, %c0_i32_0 : i32, i32
  }
  func.func @transform_15(%arg0: i32) -> (i32, i32) {
    %c0_i32 = arith.constant 0 : i32
    %c0_i32_0 = arith.constant 0 : i32
    %c0_i32_1 = arith.constant 0 : i32
    return %c0_i32, %c0_i32_0 : i32, i32
  }
  func.func @transform_16(%arg0: i32) -> (i32, i32) {
    %c0_i32 = arith.constant 0 : i32
    %c0_i32_0 = arith.constant 0 : i32
    %c0_i32_1 = arith.constant 0 : i32
    return %c0_i32, %c0_i32_0 : i32, i32
  }
  func.func @transform_17(%arg0: i32) -> (i32, i32) {
    %c0_i32 = arith.constant 0 : i32
    %c0_i32_0 = arith.constant 0 : i32
    %c0_i32_1 = arith.constant 0 : i32
    return %c0_i32, %c0_i32_0 : i32, i32
  }
  func.func @transform_18(%arg0: i32) -> (i32, i32) {
    %c0_i32 = arith.constant 0 : i32
    %c0_i32_0 = arith.constant 0 : i32
    %c0_i32_1 = arith.constant 0 : i32
    return %c0_i32, %c0_i32_0 : i32, i32
  }
  func.func @transform_19(%arg0: i32) -> (i32, i32) {
    %c0_i32 = arith.constant 0 : i32
    %c0_i32_0 = arith.constant 0 : i32
    %c0_i32_1 = arith.constant 0 : i32
    return %c0_i32, %c0_i32_0 : i32, i32
  }
  func.func @transform_20(%arg0: i32) -> (i32, i32) {
    %c0_i32 = arith.constant 0 : i32
    %c0_i32_0 = arith.constant 0 : i32
    %c0_i32_1 = arith.constant 0 : i32
    return %c0_i32, %c0_i32_0 : i32, i32
  }
  func.func @transform_21(%arg0: i32) -> (i32, i32) {
    %c0_i32 = arith.constant 0 : i32
    %c0_i32_0 = arith.constant 0 : i32
    %c0_i32_1 = arith.constant 0 : i32
    return %c0_i32, %c0_i32_0 : i32, i32
  }
  func.func @transform_22(%arg0: i32) -> (i32, i32) {
    %c0_i32 = arith.constant 0 : i32
    %c0_i32_0 = arith.constant 0 : i32
    %c0_i32_1 = arith.constant 0 : i32
    return %c0_i32, %c0_i32_0 : i32, i32
  }
  func.func @transform_23(%arg0: i32) -> (i32, i32) {
    %c0_i32 = arith.constant 0 : i32
    %c0_i32_0 = arith.constant 0 : i32
    %c0_i32_1 = arith.constant 0 : i32
    return %c0_i32, %c0_i32_0 : i32, i32
  }
  func.func @transform_24(%arg0: i32) -> (i32, i32) {
    %c0_i32 = arith.constant 0 : i32
    %c0_i32_0 = arith.constant 0 : i32
    %c0_i32_1 = arith.constant 0 : i32
    return %c0_i32, %c0_i32_0 : i32, i32
  }
  func.func @transform_25(%arg0: i32) -> (i32, i32) {
    %c0_i32 = arith.constant 0 : i32
    %c0_i32_0 = arith.constant 0 : i32
    %c0_i32_1 = arith.constant 0 : i32
    return %c0_i32, %c0_i32_0 : i32, i32
  }
  func.func @transform_26(%arg0: i32) -> (i32, i32) {
    %c0_i32 = arith.constant 0 : i32
    %c0_i32_0 = arith.constant 0 : i32
    %c0_i32_1 = arith.constant 0 : i32
    return %c0_i32, %c0_i32_0 : i32, i32
  }
  func.func @transform_27(%arg0: i32) -> (i32, i32) {
    %c0_i32 = arith.constant 0 : i32
    %c0_i32_0 = arith.constant 0 : i32
    %c0_i32_1 = arith.constant 0 : i32
    return %c0_i32, %c0_i32_0 : i32, i32
  }
  func.func @transform_28(%arg0: i32) -> (i32, i32) {
    %c0_i32 = arith.constant 0 : i32
    %c0_i32_0 = arith.constant 0 : i32
    %c0_i32_1 = arith.constant 0 : i32
    return %c0_i32, %c0_i32_0 : i32, i32
  }
  func.func @transform_29(%arg0: i32) -> (i32, i32) {
    %c0_i32 = arith.constant 0 : i32
    %c0_i32_0 = arith.constant 0 : i32
    %c0_i32_1 = arith.constant 0 : i32
    return %c0_i32, %c0_i32_0 : i32, i32
  }
  func.func @transform_30(%arg0: i32) -> (i32, i32) {
    %c0_i32 = arith.constant 0 : i32
    %c0_i32_0 = arith.constant 0 : i32
    %c0_i32_1 = arith.constant 0 : i32
    return %c0_i32, %c0_i32_0 : i32, i32
  }
  func.func @transform_31(%arg0: i32) -> (i32, i32) {
    %c0_i32 = arith.constant 0 : i32
    %c0_i32_0 = arith.constant 0 : i32
    %c0_i32_1 = arith.constant 0 : i32
    return %c0_i32, %c0_i32_0 : i32, i32
  }
  func.func @transform_32(%arg0: i32) -> (i32, i32) {
    %c0_i32 = arith.constant 0 : i32
    %c0_i32_0 = arith.constant 0 : i32
    %c0_i32_1 = arith.constant 0 : i32
    return %c0_i32, %c0_i32_0 : i32, i32
  }
  func.func @transform_33(%arg0: i32) -> (i32, i32) {
    %c0_i32 = arith.constant 0 : i32
    %c0_i32_0 = arith.constant 0 : i32
    %c0_i32_1 = arith.constant 0 : i32
    return %c0_i32, %c0_i32_0 : i32, i32
  }
  func.func @transform_34(%arg0: i32) -> (i32, i32) {
    %c0_i32 = arith.constant 0 : i32
    %c0_i32_0 = arith.constant 0 : i32
    %c0_i32_1 = arith.constant 0 : i32
    return %c0_i32, %c0_i32_0 : i32, i32
  }
  func.func @transform_35(%arg0: i32) -> (i32, i32) {
    %c0_i32 = arith.constant 0 : i32
    %c0_i32_0 = arith.constant 0 : i32
    %c0_i32_1 = arith.constant 0 : i32
    return %c0_i32, %c0_i32_0 : i32, i32
  }
  func.func @transform_36(%arg0: i32) -> (i32, i32) {
    %c0_i32 = arith.constant 0 : i32
    %c0_i32_0 = arith.constant 0 : i32
    %c0_i32_1 = arith.constant 0 : i32
    return %c0_i32, %c0_i32_0 : i32, i32
  }
}

</mosaic_0001>

<sc_bundles>
// kernel: kernel.12.cloned.1.call-start
scs
__scs_entry_jumppad:
0x0: {  	(pc) =	sbr.rel $0x88, $3  }
0x1: {  	(tag) =	ssettag $0x0;
	lr =	simm.s32 $0x1  }
0x2: {  	[smem:$0x3F7B] =	sst lr;
	_ =	strace $0xD0000000  }
0x3: {  	_ = 	snop  }
0x4: {  	_ = 	snop  }
0x5: {  	_ = 	snop  }
0x6: {  	_ = 	snop  }
0x7: {  	_ = 	snop  }
__scs_overlays_trampoline_lowered:
0x8: {  	[smem:$0x3F8A] =	sst s0  }
0x9: {  	[smem:$0x3F8B] =	sst s1  }
0xa: {  	[smem:$0x3F8C] =	sst s2  }
0xb: {  	[smem:$0x3F8D] =	sst s3  }
0xc: {  	[smem:$0x3F8E] =	sst s4  }
0xd: {  	[smem:$0x3F8F] =	sst s5  }
0xe: {  	[smem:$0x3F90] =	sst s6  }
0xf: {  	[smem:$0x3F91] =	sst s7  }
0x10: {  	[smem:$0x3F92] =	sst s8  }
0x11: {  	[smem:$0x3F93] =	sst s9;
	s0 =	simm.s32 @!p0 $0x0  }
0x12: {  	s1 =	sld [smem:$0x3F79];
	s0 =	simm.s32 @p0 $0x1  }
0x13: {  	[smem:$0x3F94] =	sst s0;
	s0 =	simm.s32 @!p1 $0x0  }
0x14: {  	s2 =	sld [smem:$0x3F78];
	s0 =	simm.s32 @p1 $0x1  }
0x15: {  	[smem:$0x3F95] =	sst s0;
	s0 =	simm.s32 @!p2 $0x0  }
0x16: {  	s3 =	sld [smem:$0x3FDB];
	s0 =	simm.s32 @p2 $0x1  }
0x17: {  	s4 =	simm.s32 $0x1BF5;
	[smem:$0x3F97] =	sst s0  }
0x18: {  	s0 =	sld [smem:$0x3F7A];
	_ =	swait.ge [sflag:s4], $0x0  }
0x19: {  	s7 =	sld [smem:$0x3F7B]  }
0x1a: {  	s8 =	sadd.s32 $0xFFFFE003, lr  }
0x1b: {  	s9 =	sadd.s32 $0xFFFFFEF7, lr;
	s5 =	simm.s32 $0xFFFFFFFF;
	p2 =	slt.u32 s8, $0xFFFFF086  }
0x1c: {  	p1 =	slt.u32 s9, $0xF7A;
	s5 =	simm.s32 @!p2 $0x0  }
0x1d: {  	s5 =	simm.s32 @p1 $0x1;
	p0 =	seq.s32 s7, s2  }
0x1e: {  	s7 =	smul.u32 @!p0 $0xF7A, s2;
	p2 =	seq.s32 @!p0 s5, $0x0  }
0x1f: {  	s9 =	smul.u32 $0xF7A, s1;
	s8 =	simm.s32 @!p0 $0x1BF5;
	p2 =	por !p2, p0  }
0x20: {  	[sflag:s8] =	ssyncset.s32 @!p0 $0xFFFFF086;
	s6 =	sadd.s32 @!p0 s3, s7;
	s7 =	simm.s32 @!p0 $0x108  }
0x21: {  	s3 =	sadd.s32 s3, s9;
	s6 =	sadd.s32 @!p0 $0x88, s6;
	s7 =	simm.s32 @p2 $0x1082  }
0x22: {  	[simem:s7], [sflag:s8] =	dma.local @!p0 [hbm:s6], $0xF7A  }
0x23: {  	s9 =	sor.u32 $0xD0000000, s2;
	s6 =	simm.s32 $0x108;
	_ =	swait.ge @!p0 [sflag:s8], $0x0  }
0x24: {  	s3 =	sadd.s32 $0x88, s3;
	s6 =	simm.s32 @!p1 $0x1082;
	[sflag:s4] =	ssyncset.s32 $0xFFFFF086  }
0x25: {  	[simem:s6], [sflag:s4] =	dma.local [hbm:s3], $0xF7A  }
0x26: {  	[smem:$0x3F7B] =	sst s1;
	(tag) =	ssettag s2;
	_ =	strace s9  }
0x27: {  	s1 =	sld [smem:$0x3F8B]  }
0x28: {  	s2 =	sld [smem:$0x3F8C]  }
0x29: {  	s4 =	sld [smem:$0x3F8E]  }
0x2a: {  	p0 =	seq.s32 s5, $0x0;
	s5 =	sld [smem:$0x3F8F]  }
0x2b: {  	s6 =	sld [smem:$0x3F90]  }
0x2c: {  	s7 =	sld [smem:$0x3F91]  }
0x2d: {  	s3 =	simm.s32 $0x108;
	s8 =	sld [smem:$0x3F92]  }
0x2e: {  	s3 =	simm.s32 @!p0 $0x1082;
	s9 =	sld [smem:$0x3F93]  }
0x2f: {  	lr =	sadd.s32 s0, s3;
	s0 =	sld [smem:$0x3F8A]  }
0x30: {  	s3 =	sld [smem:$0x3F8D]  }
0x31: {  	[smem:$0x3F96] =	sst s10  }
0x32: {  	s10 =	sld [smem:$0x3F94];
	_ =	sdelay $0x3  }
0x33: {  	p0 =	seq.s32 s10, $0x1;
	s10 =	sld [smem:$0x3F96];
	_ =	sdelay $0x3  }
0x34: {  	[smem:$0x3F96] =	sst s10  }
0x35: {  	s10 =	sld [smem:$0x3F95];
	_ =	sdelay $0x3  }
0x36: {  	p1 =	seq.s32 s10, $0x1;
	s10 =	sld [smem:$0x3F96];
	_ =	sdelay $0x3  }
0x37: {  	[smem:$0x3F96] =	sst s10  }
0x38: {  	s10 =	sld [smem:$0x3F97]  }
0x39: {  	_ = 	snop;
	(pc) =	sbr.ind lr, $3  }
0x3a: {  	_ = 	snop  }
0x3b: {  	_ = 	snop  }
0x3c: {  	p2 =	seq.s32 s10, $0x1;
	s10 =	sld [smem:$0x3F96]  }
0x3d: {  	_ =	shalt  }
0x3e: {  	_ =	shalt  }
0x3f: {  	_ =	shalt  }
0x40: {  	_ =	shalt  }
0x41: {  	_ =	shalt  }
0x42: {  	_ =	shalt  }
0x43: {  	_ =	shalt  }
0x44: {  	_ =	shalt  }
0x45: {  	_ =	shalt  }
0x46: {  	_ =	shalt  }
0x47: {  	_ =	shalt  }
0x48: {  	_ =	shalt  }
0x49: {  	_ =	shalt  }
0x4a: {  	_ =	shalt  }
0x4b: {  	_ =	shalt  }
0x4c: {  	_ =	shalt  }
0x4d: {  	_ =	shalt  }
0x4e: {  	_ =	shalt  }
0x4f: {  	_ =	shalt  }
0x50: {  	_ =	shalt  }
0x51: {  	_ =	shalt  }
0x52: {  	_ =	shalt  }
0x53: {  	_ =	shalt  }
0x54: {  	_ =	shalt  }
0x55: {  	_ =	shalt  }
0x56: {  	_ =	shalt  }
0x57: {  	_ =	shalt  }
0x58: {  	_ =	shalt  }
0x59: {  	_ =	shalt  }
0x5a: {  	_ =	shalt  }
0x5b: {  	_ =	shalt  }
0x5c: {  	_ =	shalt  }
0x5d: {  	_ =	shalt  }
0x5e: {  	_ =	shalt  }
0x5f: {  	_ =	shalt  }
0x60: {  	_ =	shalt  }
0x61: {  	_ =	shalt  }
0x62: {  	_ =	shalt  }
0x63: {  	_ =	shalt  }
0x64: {  	_ =	shalt  }
0x65: {  	_ =	shalt  }
0x66: {  	_ =	shalt  }
0x67: {  	_ =	shalt  }
0x68: {  	_ =	shalt  }
0x69: {  	_ =	shalt  }
0x6a: {  	_ =	shalt  }
0x6b: {  	_ =	shalt  }
0x6c: {  	_ =	shalt  }
0x6d: {  	_ =	shalt  }
0x6e: {  	_ =	shalt  }
0x6f: {  	_ =	shalt  }
0x70: {  	_ =	shalt  }
0x71: {  	_ =	shalt  }
0x72: {  	_ =	shalt  }
0x73: {  	_ =	shalt  }
0x74: {  	_ =	shalt  }
0x75: {  	_ =	shalt  }
0x76: {  	_ =	shalt  }
0x77: {  	_ =	shalt  }
0x78: {  	_ =	shalt  }
0x79: {  	_ =	shalt  }
0x7a: {  	_ =	shalt  }
0x7b: {  	_ =	shalt  }
0x7c: {  	_ =	shalt  }
0x7d: {  	_ =	shalt  }
0x7e: {  	_ =	shalt  }
0x7f: {  	_ =	shalt  }
0x80: {  	_ =	shalt  }
0x81: {  	_ =	shalt  }
0x82: {  	_ =	shalt  }
0x83: {  	_ =	shalt  }
0x84: {  	_ =	shalt  }
0x85: {  	_ =	shalt  }
0x86: {  	_ =	shalt  }
0x87: {  	_ =	shalt  }
.Lfunc_end0:
.L_simem_size_0:
called_computation.1_lowered:
.L_overlay_start_0:
0x88: {  	s2 =	sld [smem:$0x3FD9]  }
0x89: {  	s3 =	sld [smem:$0x3FFE];
	_ =	sdelay $0x1  }
0x8a: {  	s1 =	srdreg.scid  }
0x8b: {  	s0 =	sand.u32 $0x1, s1  }
0x8c: {  	s17 =	sshll.u32 s0, $0xA;
	s2 =	sadd.s32 s3, s2  }
0x8d: {  	s2 =	sadd.s32 s2, s17  }
0x8e: {  	[smem:$0x3FA2] =	sst s2  }
0x8f: {  	_ = 	snop  }
0x90: {  	s18 =	sld [smem:$0x3FD0];
	(tm) =	ssettm $0x1  }
0x91: {  	s19 =	sld [smem:$0x3FFB];
	_ =	sdelay $0x3  }
0x92: {  	_ =	strace s19  }
0x93: {  	s2 =	sld [smem:$0x3FFC];
	_ =	sdelay $0x3  }
0x94: {  	_ =	strace s2  }
0x95: {  	s2 =	sld [smem:$0x3FFD];
	_ =	sdelay $0x3  }
0x96: {  	_ =	strace s2  }
0x97: {  	_ =	strace $0x8FFFFFFF  }
0x98: {  	s20 =	sld [smem:$0x3FDB];
	_ =	sdelay $0x1  }
0x99: {  	s4 =	simm.s32 $_scs_section_size  }
0x9a: {  	s5 =	simm.s32 $_size__tile_overlayer_lowered;
	s6 =	simm.s32 $_tile_overlayer_lowered  }
0x9b: {  	s7 =	simm.s32 $0x1BFF;
	s21 =	sshll.u32 s6, $0x1;
	s4 =	sadd.s32 s4, s20  }
0x9c: {  	s22 =	simm.s32 $0x0;
	s5 =	sshll.u32 s5, $0x1;
	s6 =	sadd.s32 s21, s4  }
0x9d: {  	[timem:s22], [sflag:s7] =	dma.local [hbm:s6], s5  }
0x9e: {  	_ =	swait.ge [sflag:s7], s5  }
0x9f: {  	s5 =	ssub.s32 $0x0, s5;
	[sflag:s7] =	ssyncset.done $0x0  }
0xa0: {  	[sflag:s7] =	ssyncadd.s32 s5;
	_ =	sdelay $0x1  }
0xa1: {  	s23 =	simm.s32 $0x1B8B  }
0xa2: {  	_ =	swait.ge [sflag:s23], $0x1  }
0xa3: {  	[sflag:s23] =	ssyncset.done $0x0  }
0xa4: {  	[sflag:s23] =	ssyncadd.s32 $0xFFFFFFFF  }
0xa5: {  	s5 =	sld [smem:$0x0]  }
0xa6: {  	s6 =	sand.u32 $0xFFFFFFFE, s1  }
0xa7: {  	p0 =	sne.s32 s1, s6  }
0xa8: {  	s6 =	sshll.u32 @p0 s6, $0xE  }
0xa9: {  	s6 =	sadd.s32 @p0 $0x11B8D, s6;
	s7 =	sshll.u32 @p0 s5, $0x11  }
0xaa: {  	s6 =	sor.u32 @p0 s7, s6  }
0xab: {  	[sflag:s6] =	ssyncadd.remote.s32 @p0 $0x1;
	_ =	sdelay $0x1  }
0xac: {  	s6 =	simm.s32 @p0 $0x1B8D  }
0xad: {  	_ =	swait.eq @p0 [sflag:s6], $0x1  }
0xae: {  	[sflag:s6] =	ssyncadd.s32 @p0 $0xFFFFFFFF  }
0xaf: {  	s7 =	sshll.u32 @!p0 s1, $0xE  }
0xb0: {  	s7 =	sor.u32 @!p0 $0x4000, s7;
	s6 =	simm.s32 @!p0 $0x1B8D  }
0xb1: {  	s5 =	sshll.u32 @!p0 s5, $0x11;
	s7 =	sadd.s32 @!p0 $0x11B8D, s7;
	_ =	swait.eq @!p0 [sflag:s6], $0x1  }
0xb2: {  	s5 =	sor.u32 @!p0 s5, s7;
	[sflag:s6] =	ssyncadd.s32 @!p0 $0xFFFFFFFF  }
0xb3: {  	s25 =	simm.s32 $0x1B8E;
	s24 =	sld [smem:$0x3FFE];
	[sflag:s5] =	ssyncadd.remote.s32 @!p0 $0x1  }
0xb4: {  	s26 =	simm.s32 $execute0_lowered;
	[smem:$0x3FD2] =	sst s25  }
0xb5: {  	s6 =	sshll.u32 s26, $0x1;
	_ =	strace $0x80000049;
	[dreg:$0x1] =	wrdreg $0xFFFFFFFF  }
0xb6: {  	s28 =	simm.s32 $_size_execute0_lowered;
	s4 =	sadd.s32 s4, s6;
	[dreg:$0x0] =	wrdreg $0x0  }
0xb7: {  	s6 =	sshll.u32 s28, $0x1;
	[dreg:$0x2] =	wrdreg s4  }
0xb8: {  	[dreg:$0x3] =	wrdreg s6  }
0xb9: {  	[dreg:$0x4] =	wrdreg $0xC0  }
0xba: {  	_ =	task [dreg:s22], $0x5FFFF  }
0xbb: {  	[dreg:$0x1] =	wrdreg $0xFFFFFFFF  }
0xbc: {  	[dreg:$0x0] =	wrdreg $0x60  }
0xbd: {  	[dreg:$0x2] =	wrdreg s24  }
0xbe: {  	[dreg:$0x3] =	wrdreg s18  }
0xbf: {  	[dreg:$0x4] =	wrdreg $0x28000  }
0xc0: {  	[dreg:$0x5] =	wrdreg $0x9  }
0xc1: {  	_ =	task.clear_ibuf [dreg:s22], $0x6FFFF;
	_ =	strace $0x90000049  }
0xc2: {  	s29 =	simm.s32 $0x9;
	_ =	strace $0x8000004B  }
0xc3: {  	_ =	swait.ge [sflag:s29], $0x1  }
0xc4: {  	[sflag:s29] =	ssyncadd.s32 $0xFFFFFFFF  }
0xc5: {  	_ =	strace $0x9000004B  }
0xc6: {  	_ =	sfence  }
0xc7: {  	s30 =	sld [smem:$0x0];
	_ =	sdelay $0x2  }
0xc8: {  	s31 =	sshll.u32 s1, $0xD;
	s1 =	sshrl.u32 s1, $0x2  }
0xc9: {  	s4 =	sand.u32 $0x4000, s31;
	s1 =	sadd.s32 s1, s30  }
0xca: {  	s0 =	sor.u32 s4, s0;
	s1 =	sshll.u32 s1, $0x11  }
0xcb: {  	s0 =	sor.u32 s1, s0  }
0xcc: {  	s0 =	sadd.s32 $0x8F2B, s0  }
0xcd: {  	[sflag:s0] =	ssyncadd.remote.s32 $0x1  }
0xce: {  	_ =	sfence.sel $0xFFFF  }
0xcf: {  	[dreg:$0x0] =	wrdreg $0xFFFFFFFF;
	(pc) =	sbr.abs _section_cstart, $3  }
0xd0: {  	[dreg:$0x1] =	wrdreg $0xFFFFFFFF  }
0xd1: {  	_ =	task.clear_ibuf [dreg:s22], $0x2FFFF;
	_ =	strace $0x9FFFFFFF  }
0xd2: {  	(tm) =	ssettm $0x7FFFFFFF  }
0xd3: {  	_ =	shalt  }
tec
execute0_lowered:
.L_overlay_start_1:
0x0: {  	(tag) =	ssettag $0x1  }
0x1: {  	s4 =	rddreg [dreg:$0x0]  }
0x2: {  	s1 =	srdreg.scid;
	s10 =	rddreg [dreg:$0x1]  }
0x3: {  	s0 =	stileid.u32;
	s2 =	rddreg [dreg:$0x2];
	s3 =	simm.s32 $0x0  }
0x4: {  	s14 =	simm.s32 $0x40;
	s15 =	simm.s32 $0x1A800;
	s16 =	simm.s32 $0x0  }
0x5: {  	s5 =	sand.u32 $0x1, s1;
	s1 =	rddreg [dreg:$0x3];
	s7 =	smul.u32 $0x50000, s0  }
0x6: {  	s30 =	sshll.u32 s0, $0x1;
	[smem:$0x7FF] =	sst s3;
	s8 =	smul.u32 $0x280, s0  }
0x7: {  	s6 =	sor.u32 s5, s30;
	s9 =	ssub.s32 $0x2, s5;
	s11 =	smul.u32 $0x2800, s5  }
0x8: {  	v0 =	vlaneseq.u32;
	_ =	strace $0x8000004A;
	s6 =	smul.u32 $0x500, s6;
	s31 =	sshrl.u32 s9, $0x1  }
0x9: {  	v0 =	vmul.u32 $0x80, v0;
	s7 =	sshrl.u32 s7, $0x2;
	s13 =	ssub.s32 s9, s31;
	s8 =	sadd.s32 s8, s11  }
0xa: {  	s12 =	sadd.s32 s6, s4;
	s4 =	sadd.s32 s7, s2;
	s11 =	sshrl.u32 s8, $0x3  }
0xb: {  	v1 =	vimm.f32 $0.0e+00;
	v2 =	vimm.f32 $1.000000000e+00;
	v3 =	vor.u32 $0x800, v0;
	s5 =	sadd.s32 $0x4000, s4;
	s6 =	sadd.s32 $0x8000, s4;
	s7 =	sadd.s32 $0xC000, s4  }
0xc: {  	v4 =	vor.u32 $0x1000, v0;
	v5 =	vor.u32 $0x1800, v0;
	v6 =	vor.u32 $0x2000, v0;
	s8 =	sadd.s32 $0x10000, s4;
	s9 =	sadd.s32 $0xA200, s12;
	s10 =	sadd.s32 s10, s11  }
0xd: {  	v7 =	vor.u32 $0x2800, v0;
	v8 =	vor.u32 $0x3000, v0;
	v9 =	vor.u32 $0x3800, v0;
	s11 =	smax.u32 s13, $0x1;
	s12 =	simm.s32 $0x16800;
	s13 =	simm.s32 $0x1  }
.LBB2_1:
0xe: {  	s17 =	simm.s32 $0x0;
	s18 =	simm.s32 $0x200  }
.LBB2_2:
0xf: {  	p0 =	sne.s32 s18, $0xFE00;
	[tilespmem:s17+$0x16870] =	vst v1  }
0x10: {  	[tilespmem:s17+$0x16800] =	vst v1  }
0x11: {  	[tilespmem:s17+$0x16810] =	vst v1  }
.Ltmp0:
0x12: {  	[tilespmem:s17+$0x16820] =	vst v1;
	(pc) =	sbr.rel @p0 .LBB2_2-.Ltmp0, $4  }
0x13: {  	[tilespmem:s17+$0x16830] =	vst v1  }
0x14: {  	[tilespmem:s17+$0x16840] =	vst v1  }
0x15: {  	[tilespmem:s17+$0x16850] =	vst v1  }
0x16: {  	[tilespmem:s17+$0x16860] =	vst v1;
	s17 =	sshra.s32 s18, $0x2;
	s18 =	sadd.s32 $0x200, s18  }
0x17: {  	[tilespmem:s17+$0x16870] =	vst v1  }
0x18: {  	[tilespmem:s17+$0x16800] =	vst v1  }
0x19: {  	[tilespmem:s17+$0x16810] =	vst v1  }
0x1a: {  	[tilespmem:s17+$0x16820] =	vst v1  }
0x1b: {  	[tilespmem:s17+$0x16830] =	vst v1  }
0x1c: {  	[tilespmem:s17+$0x16840] =	vst v1  }
0x1d: {  	[tilespmem:s17+$0x16850] =	vst v1  }
0x1e: {  	[tilespmem:s17+$0x16860] =	vst v1  }
0x1f: {  	[spmem:s4] =	stream.linear.scatter [tilespmem:s12], [sflag:$0x1], $0x4000, $0x38;
	[tilespmem:$0x1AA80] =	vst v63  }
0x20: {  	_ =	swait.ge [sflag:s13], $0x4000  }
0x21: {  	[sflag:s13] =	ssyncset.done $0x0  }
0x22: {  	[sflag:s13] =	ssyncadd.s32 $0xFFFFC000  }
0x23: {  	[spmem:s5] =	stream.linear.scatter [tilespmem:s12], [sflag:$0x1], $0x4000, $0x38;
	[tilespmem:$0x1AA80] =	vst v63  }
0x24: {  	_ =	swait.ge [sflag:s13], $0x4000  }
0x25: {  	[sflag:s13] =	ssyncset.done $0x0  }
0x26: {  	[sflag:s13] =	ssyncadd.s32 $0xFFFFC000  }
0x27: {  	[spmem:s6] =	stream.linear.scatter [tilespmem:s12], [sflag:$0x1], $0x4000, $0x38;
	[tilespmem:$0x1AA80] =	vst v63  }
0x28: {  	_ =	swait.ge [sflag:s13], $0x4000  }
0x29: {  	[sflag:s13] =	ssyncset.done $0x0  }
0x2a: {  	[sflag:s13] =	ssyncadd.s32 $0xFFFFC000  }
0x2b: {  	[spmem:s7] =	stream.linear.scatter [tilespmem:s12], [sflag:$0x1], $0x4000, $0x38;
	[tilespmem:$0x1AA80] =	vst v63  }
0x2c: {  	_ =	swait.ge [sflag:s13], $0x4000  }
0x2d: {  	[sflag:s13] =	ssyncset.done $0x0  }
0x2e: {  	[sflag:s13] =	ssyncadd.s32 $0xFFFFC000  }
0x2f: {  	[spmem:s8] =	stream.linear.scatter [tilespmem:s12], [sflag:$0x1], $0x4000, $0x38;
	[tilespmem:$0x1AA80] =	vst v63  }
0x30: {  	_ =	swait.ge [sflag:s13], $0x4000  }
0x31: {  	[sflag:s13] =	ssyncset.done $0x0  }
0x32: {  	[sflag:s13] =	ssyncadd.s32 $0xFFFFC000  }
0x33: {  	s31 =	simm.s32 $0x0;
	[bflag:$0x0] =	sbarrier.arrive $0xFFFF  }
0x34: {  	[tilespmem:s31], [sflag:$0x1] =	stream.linear.gather [hbm4b:s9+s31], $0x2800, $0x38;
	[tilespmem:$0x1AA80] =	vst v63  }
0x35: {  	_ =	swait.ge [sflag:s13], $0x2800  }
0x36: {  	[sflag:s13] =	ssyncset.done $0x0  }
0x37: {  	s17 =	simm.s32 $0x0;
	s18 =	simm.s32 $0x200;
	[sflag:s13] =	ssyncadd.s32 $0xFFFFD800  }
.LBB2_4:
0x38: {  	p0 =	sne.s32 s18, $0x7E00;
	[tilespmem:s17+$0x16870] =	vst v2  }
0x39: {  	[tilespmem:s17+$0x16800] =	vst v2  }
0x3a: {  	[tilespmem:s17+$0x16810] =	vst v2  }
.Ltmp1:
0x3b: {  	[tilespmem:s17+$0x16820] =	vst v2;
	(pc) =	sbr.rel @p0 .LBB2_4-.Ltmp1, $4  }
0x3c: {  	[tilespmem:s17+$0x16830] =	vst v2  }
0x3d: {  	[tilespmem:s17+$0x16840] =	vst v2  }
0x3e: {  	[tilespmem:s17+$0x16850] =	vst v2  }
0x3f: {  	[tilespmem:s17+$0x16860] =	vst v2;
	s17 =	sshra.s32 s18, $0x2;
	s18 =	sadd.s32 $0x200, s18  }
0x40: {  	[tilespmem:s17+$0x16870] =	vst v2  }
0x41: {  	[tilespmem:s17+$0x16800] =	vst v2  }
0x42: {  	[tilespmem:s17+$0x16810] =	vst v2  }
0x43: {  	[tilespmem:s17+$0x16820] =	vst v2  }
0x44: {  	[tilespmem:s17+$0x16830] =	vst v2  }
0x45: {  	[tilespmem:s17+$0x16840] =	vst v2  }
0x46: {  	[tilespmem:s17+$0x16850] =	vst v2  }
0x47: {  	[tilespmem:s17+$0x16860] =	vst v2;
	s31 =	simm.s32 $0x0  }
0x48: {  	[spmem:s2] =	stream.indirect.scatter.add.f32 [tilespmem:s12], [sflag:$0x1], $0x80, s31, s14, $0xb8;
	[tilespmem:$0x1AA80] =	vst v63  }
0x49: {  	_ =	swait.ge [sflag:s13], $0x2000  }
0x4a: {  	s17 =	simm.s32 $0x200;
	[sflag:s13] =	ssyncset.done $0x0  }
.LBB2_6:
0x4b: {  	s18 =	sshra.s32 s17, $0x2;
	[sflag:s13] =	ssyncadd.s32 $0xFFFFE000;
	p0 =	sne.s32 s17, $0x9E00  }
0x4c: {  	[spmem:s2] =	stream.indirect.scatter.add.f32 [tilespmem:s12], [sflag:$0x1], $0x80, s18, s14, $0xb8;
	[tilespmem:$0x1AA80] =	vst v63  }
.Ltmp2:
0x4d: {  	_ = 	snop;
	(pc) =	sbr.rel @p0 .LBB2_6-.Ltmp2, $4  }
0x4e: {  	_ = 	snop  }
0x4f: {  	s17 =	sadd.s32 $0x200, s17  }
0x50: {  	_ =	swait.ge [sflag:s13], $0x2000  }
0x51: {  	[sflag:s13] =	ssyncset.done $0x0  }
0x52: {  	[sflag:s13] =	ssyncadd.s32 $0xFFFFE000  }
0x53: {  	[bflag:$0x0] =	sbarrier.arrive $0xFFFF  }
0x54: {  	[tilespmem:s12], [sflag:$0x1] =	stream.linear.gather [spmem:s4], $0x4000, $0x38;
	[tilespmem:$0x1AA80] =	vst v63  }
0x55: {  	_ =	swait.ge [sflag:s13], $0x4000  }
0x56: {  	[sflag:s13] =	ssyncset.done $0x0  }
0x57: {  	[sflag:s13] =	ssyncadd.s32 $0xFFFFC000  }
0x58: {  	v10 =	vld.idx.msk [tilespmem:v0+s12+$0x0], $0xffff;
	_ =	sdelay $0x4  }
0x59: {  	[tilespmem:$0x1A800] =	vst v10  }
0x5a: {  	v10 =	vld.idx.msk [tilespmem:v3+s12+$0x0], $0xffff;
	_ =	sdelay $0x4  }
0x5b: {  	[tilespmem:$0x1A810] =	vst v10  }
0x5c: {  	v10 =	vld.idx.msk [tilespmem:v4+s12+$0x0], $0xffff;
	_ =	sdelay $0x4  }
0x5d: {  	[tilespmem:$0x1A820] =	vst v10  }
0x5e: {  	v10 =	vld.idx.msk [tilespmem:v5+s12+$0x0], $0xffff;
	_ =	sdelay $0x4  }
0x5f: {  	[tilespmem:$0x1A830] =	vst v10  }
0x60: {  	v10 =	vld.idx.msk [tilespmem:v6+s12+$0x0], $0xffff;
	_ =	sdelay $0x4  }
0x61: {  	[tilespmem:$0x1A840] =	vst v10  }
0x62: {  	v10 =	vld.idx.msk [tilespmem:v7+s12+$0x0], $0xffff;
	_ =	sdelay $0x4  }
0x63: {  	[tilespmem:$0x1A850] =	vst v10  }
0x64: {  	v10 =	vld.idx.msk [tilespmem:v8+s12+$0x0], $0xffff;
	_ =	sdelay $0x4  }
0x65: {  	[tilespmem:$0x1A860] =	vst v10  }
0x66: {  	v10 =	vld.idx.msk [tilespmem:v9+s12+$0x0], $0xffff;
	_ =	sdelay $0x4  }
0x67: {  	[tilespmem:$0x1A870] =	vst v10  }
0x68: {  	[tilespmem:s12], [sflag:$0x1] =	stream.linear.gather [spmem:s5], $0x4000, $0x38;
	[tilespmem:$0x1AA80] =	vst v63  }
0x69: {  	_ =	swait.ge [sflag:s13], $0x4000  }
0x6a: {  	[sflag:s13] =	ssyncset.done $0x0  }
0x6b: {  	[sflag:s13] =	ssyncadd.s32 $0xFFFFC000  }
0x6c: {  	v10 =	vld.idx.msk [tilespmem:v0+s12+$0x0], $0xffff;
	_ =	sdelay $0x4  }
0x6d: {  	[tilespmem:$0x1A880] =	vst v10  }
0x6e: {  	v10 =	vld.idx.msk [tilespmem:v3+s12+$0x0], $0xffff;
	_ =	sdelay $0x4  }
0x6f: {  	[tilespmem:$0x1A890] =	vst v10  }
0x70: {  	v10 =	vld.idx.msk [tilespmem:v4+s12+$0x0], $0xffff;
	_ =	sdelay $0x4  }
0x71: {  	[tilespmem:$0x1A8A0] =	vst v10  }
0x72: {  	v10 =	vld.idx.msk [tilespmem:v5+s12+$0x0], $0xffff;
	_ =	sdelay $0x4  }
0x73: {  	[tilespmem:$0x1A8B0] =	vst v10  }
0x74: {  	v10 =	vld.idx.msk [tilespmem:v6+s12+$0x0], $0xffff;
	_ =	sdelay $0x4  }
0x75: {  	[tilespmem:$0x1A8C0] =	vst v10  }
0x76: {  	v10 =	vld.idx.msk [tilespmem:v7+s12+$0x0], $0xffff;
	_ =	sdelay $0x4  }
0x77: {  	[tilespmem:$0x1A8D0] =	vst v10  }
0x78: {  	v10 =	vld.idx.msk [tilespmem:v8+s12+$0x0], $0xffff;
	_ =	sdelay $0x4  }
0x79: {  	[tilespmem:$0x1A8E0] =	vst v10  }
0x7a: {  	v10 =	vld.idx.msk [tilespmem:v9+s12+$0x0], $0xffff;
	_ =	sdelay $0x4  }
0x7b: {  	[tilespmem:$0x1A8F0] =	vst v10  }
0x7c: {  	[tilespmem:s12], [sflag:$0x1] =	stream.linear.gather [spmem:s6], $0x4000, $0x38;
	[tilespmem:$0x1AA80] =	vst v63  }
0x7d: {  	_ =	swait.ge [sflag:s13], $0x4000  }
0x7e: {  	[sflag:s13] =	ssyncset.done $0x0  }
0x7f: {  	[sflag:s13] =	ssyncadd.s32 $0xFFFFC000  }
0x80: {  	v10 =	vld.idx.msk [tilespmem:v0+s12+$0x0], $0xffff;
	_ =	sdelay $0x4  }
0x81: {  	[tilespmem:$0x1A900] =	vst v10  }
0x82: {  	v10 =	vld.idx.msk [tilespmem:v3+s12+$0x0], $0xffff;
	_ =	sdelay $0x4  }
0x83: {  	[tilespmem:$0x1A910] =	vst v10  }
0x84: {  	v10 =	vld.idx.msk [tilespmem:v4+s12+$0x0], $0xffff;
	_ =	sdelay $0x4  }
0x85: {  	[tilespmem:$0x1A920] =	vst v10  }
0x86: {  	v10 =	vld.idx.msk [tilespmem:v5+s12+$0x0], $0xffff;
	_ =	sdelay $0x4  }
0x87: {  	[tilespmem:$0x1A930] =	vst v10  }
0x88: {  	v10 =	vld.idx.msk [tilespmem:v6+s12+$0x0], $0xffff;
	_ =	sdelay $0x4  }
0x89: {  	[tilespmem:$0x1A940] =	vst v10  }
0x8a: {  	v10 =	vld.idx.msk [tilespmem:v7+s12+$0x0], $0xffff;
	_ =	sdelay $0x4  }
0x8b: {  	[tilespmem:$0x1A950] =	vst v10  }
0x8c: {  	v10 =	vld.idx.msk [tilespmem:v8+s12+$0x0], $0xffff;
	_ =	sdelay $0x4  }
0x8d: {  	[tilespmem:$0x1A960] =	vst v10  }
0x8e: {  	v10 =	vld.idx.msk [tilespmem:v9+s12+$0x0], $0xffff;
	_ =	sdelay $0x4  }
0x8f: {  	[tilespmem:$0x1A970] =	vst v10  }
0x90: {  	[tilespmem:s12], [sflag:$0x1] =	stream.linear.gather [spmem:s7], $0x4000, $0x38;
	[tilespmem:$0x1AA80] =	vst v63  }
0x91: {  	_ =	swait.ge [sflag:s13], $0x4000  }
0x92: {  	[sflag:s13] =	ssyncset.done $0x0  }
0x93: {  	[sflag:s13] =	ssyncadd.s32 $0xFFFFC000  }
0x94: {  	v10 =	vld.idx.msk [tilespmem:v0+s12+$0x0], $0xffff;
	_ =	sdelay $0x4  }
0x95: {  	[tilespmem:$0x1A980] =	vst v10  }
0x96: {  	v10 =	vld.idx.msk [tilespmem:v3+s12+$0x0], $0xffff;
	_ =	sdelay $0x4  }
0x97: {  	[tilespmem:$0x1A990] =	vst v10  }
0x98: {  	v10 =	vld.idx.msk [tilespmem:v4+s12+$0x0], $0xffff;
	_ =	sdelay $0x4  }
0x99: {  	[tilespmem:$0x1A9A0] =	vst v10  }
0x9a: {  	v10 =	vld.idx.msk [tilespmem:v5+s12+$0x0], $0xffff;
	_ =	sdelay $0x4  }
0x9b: {  	[tilespmem:$0x1A9B0] =	vst v10  }
0x9c: {  	v10 =	vld.idx.msk [tilespmem:v6+s12+$0x0], $0xffff;
	_ =	sdelay $0x4  }
0x9d: {  	[tilespmem:$0x1A9C0] =	vst v10  }
0x9e: {  	v10 =	vld.idx.msk [tilespmem:v7+s12+$0x0], $0xffff;
	_ =	sdelay $0x4  }
0x9f: {  	[tilespmem:$0x1A9D0] =	vst v10  }
0xa0: {  	v10 =	vld.idx.msk [tilespmem:v8+s12+$0x0], $0xffff;
	_ =	sdelay $0x4  }
0xa1: {  	[tilespmem:$0x1A9E0] =	vst v10  }
0xa2: {  	v10 =	vld.idx.msk [tilespmem:v9+s12+$0x0], $0xffff;
	_ =	sdelay $0x4  }
0xa3: {  	[tilespmem:$0x1A9F0] =	vst v10  }
0xa4: {  	[tilespmem:s12], [sflag:$0x1] =	stream.linear.gather [spmem:s8], $0x4000, $0x38;
	[tilespmem:$0x1AA80] =	vst v63  }
0xa5: {  	_ =	swait.ge [sflag:s13], $0x4000  }
0xa6: {  	[sflag:s13] =	ssyncset.done $0x0  }
0xa7: {  	[sflag:s13] =	ssyncadd.s32 $0xFFFFC000  }
0xa8: {  	v10 =	vld.idx.msk [tilespmem:v0+s12+$0x0], $0xffff;
	_ =	sdelay $0x4  }
0xa9: {  	[tilespmem:$0x1AA00] =	vst v10  }
0xaa: {  	v10 =	vld.idx.msk [tilespmem:v3+s12+$0x0], $0xffff;
	_ =	sdelay $0x4  }
0xab: {  	[tilespmem:$0x1AA10] =	vst v10  }
0xac: {  	v10 =	vld.idx.msk [tilespmem:v4+s12+$0x0], $0xffff;
	_ =	sdelay $0x4  }
0xad: {  	[tilespmem:$0x1AA20] =	vst v10  }
0xae: {  	v10 =	vld.idx.msk [tilespmem:v5+s12+$0x0], $0xffff;
	_ =	sdelay $0x4  }
0xaf: {  	[tilespmem:$0x1AA30] =	vst v10  }
0xb0: {  	v10 =	vld.idx.msk [tilespmem:v6+s12+$0x0], $0xffff;
	_ =	sdelay $0x4  }
0xb1: {  	[tilespmem:$0x1AA40] =	vst v10  }
0xb2: {  	v10 =	vld.idx.msk [tilespmem:v7+s12+$0x0], $0xffff;
	_ =	sdelay $0x4  }
0xb3: {  	[tilespmem:$0x1AA50] =	vst v10  }
0xb4: {  	v10 =	vld.idx.msk [tilespmem:v8+s12+$0x0], $0xffff;
	_ =	sdelay $0x4  }
0xb5: {  	[tilespmem:$0x1AA60] =	vst v10  }
0xb6: {  	v10 =	vld.idx.msk [tilespmem:v9+s12+$0x0], $0xffff;
	_ =	sdelay $0x2  }
0xb7: {  	s16 =	sadd.s32 $0x1, s16  }
0xb8: {  	p0 =	sne.s32 s16, s11  }
.Ltmp3:
0xb9: {  	[tilespmem:$0x1AA70] =	vst v10;
	(pc) =	sbr.rel @p0 .LBB2_1-.Ltmp3, $4  }
0xba: {  	[hbm4b:s10+s3] =	stream.linear.scatter [tilespmem:s15], [sflag:$0x1], $0x280, $0x38;
	[tilespmem:$0x1AA80] =	vst v63  }
0xbb: {  	_ =	swait.ge [sflag:s13], $0x280  }
0xbc: {  	[sflag:s13] =	ssyncset.done $0x0  }
0xbd: {  	[sflag:s13] =	ssyncadd.s32 $0xFFFFFD80  }
0xbe: {  	_ =	sfence.sel $0x180000  }
0xbf: {  	[bflag:$0x0] =	sbarrier.arrive $0xFFFF  }
0xc0: {  	p0 =	sne.s32 s0, $0x0;
	_ =	strace $0x9000004A  }
0xc1: {  	s0 =	sadd.s32 @!p0 $0x100000, s1;
	[bflag:$0x2] =	sbarrier.arrive $0xFFFF  }
0xc2: {  	[sflag:s0] =	ssyncadd.tile.s32 @!p0 $0x1;
	_ =	shalt  }
.Lfunc_end2:
_tile_overlayer_lowered:
.L_overlay_start_2:
0xc3: {  	(tag) =	ssettag $0x2  }
0xc4: {  	s0 =	rddreg [dreg:$0x0];
	s2 =	stileid.u32  }
0xc5: {  	s1 =	rddreg [dreg:$0x1];
	p0 =	sne.s32 s2, $0x0  }
0xc6: {  	s3 =	rddreg [dreg:$0x2];
	[bflag:$0x3] =	sbarrier.arrive $0xFFFF;
	s2 =	simm.s32 @!p0 $0x1C01  }
0xc7: {  	[timem:s3], [sflag:s2] =	dma.local @!p0 [hbm:s0], s1  }
0xc8: {  	s0 =	simm.s32 @!p0 $0x1  }
0xc9: {  	_ =	swait.ge @!p0 [sflag:s0], s1  }
0xca: {  	s1 =	ssub.s32 @!p0 $0x0, s1;
	[sflag:s0] =	ssyncset.done @!p0 $0x0  }
0xcb: {  	[sflag:s0] =	ssyncadd.s32 @!p0 s1  }
0xcc: {  	[bflag:$0x3] =	sbarrier.arrive $0xFFFF  }
0xcd: {  	_ =	shalt  }

// kernel: kernel.15.cloned.1.call-start
scs
__scs_entry_jumppad:
0x0: {  	(pc) =	sbr.rel $0x88, $3  }
0x1: {  	(tag) =	ssettag $0x0;
	lr =	simm.s32 $0x1  }
0x2: {  	[smem:$0x3F7B] =	sst lr;
	_ =	strace $0xD0000000  }
0x3: {  	_ = 	snop  }
0x4: {  	_ = 	snop  }
0x5: {  	_ = 	snop  }
0x6: {  	_ = 	snop  }
0x7: {  	_ = 	snop  }
__scs_overlays_trampoline_lowered:
0x8: {  	[smem:$0x3F8A] =	sst s0  }
0x9: {  	[smem:$0x3F8B] =	sst s1  }
0xa: {  	[smem:$0x3F8C] =	sst s2  }
0xb: {  	[smem:$0x3F8D] =	sst s3  }
0xc: {  	[smem:$0x3F8E] =	sst s4  }
0xd: {  	[smem:$0x3F8F] =	sst s5  }
0xe: {  	[smem:$0x3F90] =	sst s6  }
0xf: {  	[smem:$0x3F91] =	sst s7  }
0x10: {  	[smem:$0x3F92] =	sst s8  }
0x11: {  	[smem:$0x3F93] =	sst s9;
	s0 =	simm.s32 @!p0 $0x0  }
0x12: {  	s1 =	sld [smem:$0x3F79];
	s0 =	simm.s32 @p0 $0x1  }
0x13: {  	[smem:$0x3F94] =	sst s0;
	s0 =	simm.s32 @!p1 $0x0  }
0x14: {  	s2 =	sld [smem:$0x3F78];
	s0 =	simm.s32 @p1 $0x1  }
0x15: {  	[smem:$0x3F95] =	sst s0;
	s0 =	simm.s32 @!p2 $0x0  }
0x16: {  	s3 =	sld [smem:$0x3FDB];
	s0 =	simm.s32 @p2 $0x1  }
0x17: {  	s4 =	simm.s32 $0x1BF5;
	[smem:$0x3F97] =	sst s0  }
0x18: {  	s0 =	sld [smem:$0x3F7A];
	_ =	swait.ge [sflag:s4], $0x0  }
0x19: {  	s7 =	sld [smem:$0x3F7B]  }
0x1a: {  	s8 =	sadd.s32 $0xFFFFE003, lr  }
0x1b: {  	s9 =	sadd.s32 $0xFFFFFEF7, lr;
	s5 =	simm.s32 $0xFFFFFFFF;
	p2 =	slt.u32 s8, $0xFFFFF086  }
0x1c: {  	p1 =	slt.u32 s9, $0xF7A;
	s5 =	simm.s32 @!p2 $0x0  }
0x1d: {  	s5 =	simm.s32 @p1 $0x1;
	p0 =	seq.s32 s7, s2  }
0x1e: {  	s7 =	smul.u32 @!p0 $0xF7A, s2;
	p2 =	seq.s32 @!p0 s5, $0x0  }
0x1f: {  	s9 =	smul.u32 $0xF7A, s1;
	s8 =	simm.s32 @!p0 $0x1BF5;
	p2 =	por !p2, p0  }
0x20: {  	[sflag:s8] =	ssyncset.s32 @!p0 $0xFFFFF086;
	s6 =	sadd.s32 @!p0 s3, s7;
	s7 =	simm.s32 @!p0 $0x108  }
0x21: {  	s3 =	sadd.s32 s3, s9;
	s6 =	sadd.s32 @!p0 $0x88, s6;
	s7 =	simm.s32 @p2 $0x1082  }
0x22: {  	[simem:s7], [sflag:s8] =	dma.local @!p0 [hbm:s6], $0xF7A  }
0x23: {  	s9 =	sor.u32 $0xD0000000, s2;
	s6 =	simm.s32 $0x108;
	_ =	swait.ge @!p0 [sflag:s8], $0x0  }
0x24: {  	s3 =	sadd.s32 $0x88, s3;
	s6 =	simm.s32 @!p1 $0x1082;
	[sflag:s4] =	ssyncset.s32 $0xFFFFF086  }
0x25: {  	[simem:s6], [sflag:s4] =	dma.local [hbm:s3], $0xF7A  }
0x26: {  	[smem:$0x3F7B] =	sst s1;
	(tag) =	ssettag s2;
	_ =	strace s9  }
0x27: {  	s1 =	sld [smem:$0x3F8B]  }
0x28: {  	s2 =	sld [smem:$0x3F8C]  }
0x29: {  	s4 =	sld [smem:$0x3F8E]  }
0x2a: {  	p0 =	seq.s32 s5, $0x0;
	s5 =	sld [smem:$0x3F8F]  }
0x2b: {  	s6 =	sld [smem:$0x3F90]  }
0x2c: {  	s7 =	sld [smem:$0x3F91]  }
0x2d: {  	s3 =	simm.s32 $0x108;
	s8 =	sld [smem:$0x3F92]  }
0x2e: {  	s3 =	simm.s32 @!p0 $0x1082;
	s9 =	sld [smem:$0x3F93]  }
0x2f: {  	lr =	sadd.s32 s0, s3;
	s0 =	sld [smem:$0x3F8A]  }
0x30: {  	s3 =	sld [smem:$0x3F8D]  }
0x31: {  	[smem:$0x3F96] =	sst s10  }
0x32: {  	s10 =	sld [smem:$0x3F94];
	_ =	sdelay $0x3  }
0x33: {  	p0 =	seq.s32 s10, $0x1;
	s10 =	sld [smem:$0x3F96];
	_ =	sdelay $0x3  }
0x34: {  	[smem:$0x3F96] =	sst s10  }
0x35: {  	s10 =	sld [smem:$0x3F95];
	_ =	sdelay $0x3  }
0x36: {  	p1 =	seq.s32 s10, $0x1;
	s10 =	sld [smem:$0x3F96];
	_ =	sdelay $0x3  }
0x37: {  	[smem:$0x3F96] =	sst s10  }
0x38: {  	s10 =	sld [smem:$0x3F97]  }
0x39: {  	_ = 	snop;
	(pc) =	sbr.ind lr, $3  }
0x3a: {  	_ = 	snop  }
0x3b: {  	_ = 	snop  }
0x3c: {  	p2 =	seq.s32 s10, $0x1;
	s10 =	sld [smem:$0x3F96]  }
0x3d: {  	_ =	shalt  }
0x3e: {  	_ =	shalt  }
0x3f: {  	_ =	shalt  }
0x40: {  	_ =	shalt  }
0x41: {  	_ =	shalt  }
0x42: {  	_ =	shalt  }
0x43: {  	_ =	shalt  }
0x44: {  	_ =	shalt  }
0x45: {  	_ =	shalt  }
0x46: {  	_ =	shalt  }
0x47: {  	_ =	shalt  }
0x48: {  	_ =	shalt  }
0x49: {  	_ =	shalt  }
0x4a: {  	_ =	shalt  }
0x4b: {  	_ =	shalt  }
0x4c: {  	_ =	shalt  }
0x4d: {  	_ =	shalt  }
0x4e: {  	_ =	shalt  }
0x4f: {  	_ =	shalt  }
0x50: {  	_ =	shalt  }
0x51: {  	_ =	shalt  }
0x52: {  	_ =	shalt  }
0x53: {  	_ =	shalt  }
0x54: {  	_ =	shalt  }
0x55: {  	_ =	shalt  }
0x56: {  	_ =	shalt  }
0x57: {  	_ =	shalt  }
0x58: {  	_ =	shalt  }
0x59: {  	_ =	shalt  }
0x5a: {  	_ =	shalt  }
0x5b: {  	_ =	shalt  }
0x5c: {  	_ =	shalt  }
0x5d: {  	_ =	shalt  }
0x5e: {  	_ =	shalt  }
0x5f: {  	_ =	shalt  }
0x60: {  	_ =	shalt  }
0x61: {  	_ =	shalt  }
0x62: {  	_ =	shalt  }
0x63: {  	_ =	shalt  }
0x64: {  	_ =	shalt  }
0x65: {  	_ =	shalt  }
0x66: {  	_ =	shalt  }
0x67: {  	_ =	shalt  }
0x68: {  	_ =	shalt  }
0x69: {  	_ =	shalt  }
0x6a: {  	_ =	shalt  }
0x6b: {  	_ =	shalt  }
0x6c: {  	_ =	shalt  }
0x6d: {  	_ =	shalt  }
0x6e: {  	_ =	shalt  }
0x6f: {  	_ =	shalt  }
0x70: {  	_ =	shalt  }
0x71: {  	_ =	shalt  }
0x72: {  	_ =	shalt  }
0x73: {  	_ =	shalt  }
0x74: {  	_ =	shalt  }
0x75: {  	_ =	shalt  }
0x76: {  	_ =	shalt  }
0x77: {  	_ =	shalt  }
0x78: {  	_ =	shalt  }
0x79: {  	_ =	shalt  }
0x7a: {  	_ =	shalt  }
0x7b: {  	_ =	shalt  }
0x7c: {  	_ =	shalt  }
0x7d: {  	_ =	shalt  }
0x7e: {  	_ =	shalt  }
0x7f: {  	_ =	shalt  }
0x80: {  	_ =	shalt  }
0x81: {  	_ =	shalt  }
0x82: {  	_ =	shalt  }
0x83: {  	_ =	shalt  }
0x84: {  	_ =	shalt  }
0x85: {  	_ =	shalt  }
0x86: {  	_ =	shalt  }
0x87: {  	_ =	shalt  }
.Lfunc_end0:
.L_simem_size_0:
called_computation.2_lowered:
.L_overlay_start_0:
0x88: {  	s2 =	sld [smem:$0x3FD9]  }
0x89: {  	s3 =	sld [smem:$0x3FFE];
	_ =	sdelay $0x1  }
0x8a: {  	s1 =	srdreg.scid  }
0x8b: {  	s0 =	sand.u32 $0x1, s1  }
0x8c: {  	s17 =	sshll.u32 s0, $0xA;
	s2 =	sadd.s32 s3, s2  }
0x8d: {  	s2 =	sadd.s32 s2, s17  }
0x8e: {  	[smem:$0x3FA2] =	sst s2  }
0x8f: {  	_ = 	snop  }
0x90: {  	(tm) =	ssettm $0x1  }
0x91: {  	s18 =	sld [smem:$0x3FFB];
	_ =	sdelay $0x3  }
0x92: {  	_ =	strace s18  }
0x93: {  	s2 =	sld [smem:$0x3FFC];
	_ =	sdelay $0x3  }
0x94: {  	_ =	strace s2  }
0x95: {  	s2 =	sld [smem:$0x3FFD];
	_ =	sdelay $0x3  }
0x96: {  	_ =	strace s2  }
0x97: {  	_ =	strace $0x8FFFFFFF  }
0x98: {  	s19 =	sld [smem:$0x3FDB];
	_ =	sdelay $0x1  }
0x99: {  	s20 =	simm.s32 $_scs_section_size  }
0x9a: {  	s4 =	simm.s32 $_size__tile_overlayer_lowered;
	s5 =	simm.s32 $_tile_overlayer_lowered  }
0x9b: {  	s6 =	simm.s32 $0x1BFF;
	s21 =	sshll.u32 s5, $0x1;
	s3 =	sadd.s32 s20, s19  }
0x9c: {  	s22 =	simm.s32 $0x0;
	s4 =	sshll.u32 s4, $0x1;
	s5 =	sadd.s32 s21, s3  }
0x9d: {  	[timem:s22], [sflag:s6] =	dma.local [hbm:s5], s4  }
0x9e: {  	_ =	swait.ge [sflag:s6], s4  }
0x9f: {  	s4 =	ssub.s32 $0x0, s4;
	[sflag:s6] =	ssyncset.done $0x0  }
0xa0: {  	[sflag:s6] =	ssyncadd.s32 s4;
	_ =	sdelay $0x1  }
0xa1: {  	s23 =	simm.s32 $0x1B8B  }
0xa2: {  	_ =	swait.ge [sflag:s23], $0x1  }
0xa3: {  	[sflag:s23] =	ssyncset.done $0x0  }
0xa4: {  	[sflag:s23] =	ssyncadd.s32 $0xFFFFFFFF  }
0xa5: {  	s4 =	sld [smem:$0x0]  }
0xa6: {  	s5 =	sand.u32 $0xFFFFFFFE, s1  }
0xa7: {  	p0 =	sne.s32 s1, s5  }
0xa8: {  	s5 =	sshll.u32 @p0 s5, $0xE  }
0xa9: {  	s5 =	sadd.s32 @p0 $0x11B8D, s5;
	s6 =	sshll.u32 @p0 s4, $0x11  }
0xaa: {  	s5 =	sor.u32 @p0 s6, s5  }
0xab: {  	[sflag:s5] =	ssyncadd.remote.s32 @p0 $0x1;
	_ =	sdelay $0x1  }
0xac: {  	s5 =	simm.s32 @p0 $0x1B8D  }
0xad: {  	_ =	swait.eq @p0 [sflag:s5], $0x1  }
0xae: {  	[sflag:s5] =	ssyncadd.s32 @p0 $0xFFFFFFFF  }
0xaf: {  	s6 =	sshll.u32 @!p0 s1, $0xE  }
0xb0: {  	s6 =	sor.u32 @!p0 $0x4000, s6;
	s5 =	simm.s32 @!p0 $0x1B8D  }
0xb1: {  	s4 =	sshll.u32 @!p0 s4, $0x11;
	s6 =	sadd.s32 @!p0 $0x11B8D, s6;
	_ =	swait.eq @!p0 [sflag:s5], $0x1  }
0xb2: {  	s4 =	sor.u32 @!p0 s4, s6;
	[sflag:s5] =	ssyncadd.s32 @!p0 $0xFFFFFFFF  }
0xb3: {  	s25 =	simm.s32 $0x1B8E;
	s24 =	sld [smem:$0x3FFE];
	[sflag:s4] =	ssyncadd.remote.s32 @!p0 $0x1  }
0xb4: {  	s26 =	simm.s32 $execute0_lowered;
	[smem:$0x3FD2] =	sst s25  }
0xb5: {  	s5 =	sshll.u32 s26, $0x1;
	_ =	strace $0x8000004F;
	[dreg:$0x1] =	wrdreg $0xFFFFFFFF  }
0xb6: {  	s28 =	simm.s32 $_size_execute0_lowered;
	s3 =	sadd.s32 s3, s5;
	[dreg:$0x0] =	wrdreg $0x0  }
0xb7: {  	s5 =	sshll.u32 s28, $0x1;
	[dreg:$0x2] =	wrdreg s3  }
0xb8: {  	[dreg:$0x3] =	wrdreg s5  }
0xb9: {  	[dreg:$0x4] =	wrdreg $0xC0  }
0xba: {  	_ =	task [dreg:s22], $0x5FFFF  }
0xbb: {  	[dreg:$0x1] =	wrdreg $0xFFFFFFFF  }
0xbc: {  	[dreg:$0x0] =	wrdreg $0x60  }
0xbd: {  	[dreg:$0x2] =	wrdreg s24  }
0xbe: {  	[dreg:$0x3] =	wrdreg $0x0  }
0xbf: {  	[dreg:$0x4] =	wrdreg $0xA  }
0xc0: {  	_ =	task.clear_ibuf [dreg:s22], $0x5FFFF;
	_ =	strace $0x9000004F  }
0xc1: {  	s29 =	simm.s32 $0xA;
	_ =	strace $0x80000051  }
0xc2: {  	_ =	swait.ge [sflag:s29], $0x1  }
0xc3: {  	[sflag:s29] =	ssyncadd.s32 $0xFFFFFFFF  }
0xc4: {  	_ =	strace $0x90000051  }
0xc5: {  	_ =	sfence  }
0xc6: {  	s30 =	sld [smem:$0x0];
	_ =	sdelay $0x2  }
0xc7: {  	s31 =	sshll.u32 s1, $0xD;
	s1 =	sshrl.u32 s1, $0x2  }
0xc8: {  	s4 =	sand.u32 $0x4000, s31;
	s1 =	sadd.s32 s1, s30  }
0xc9: {  	s0 =	sor.u32 s4, s0;
	s1 =	sshll.u32 s1, $0x11  }
0xca: {  	s0 =	sor.u32 s1, s0  }
0xcb: {  	s0 =	sadd.s32 $0x8F2B, s0  }
0xcc: {  	[sflag:s0] =	ssyncadd.remote.s32 $0x1  }
0xcd: {  	_ =	sfence.sel $0xFFFF  }
0xce: {  	[dreg:$0x0] =	wrdreg $0xFFFFFFFF;
	(pc) =	sbr.abs _section_cstart, $3  }
0xcf: {  	[dreg:$0x1] =	wrdreg $0xFFFFFFFF  }
0xd0: {  	_ =	task.clear_ibuf [dreg:s22], $0x2FFFF;
	_ =	strace $0x9FFFFFFF  }
0xd1: {  	(tm) =	ssettm $0x7FFFFFFF  }
tec
execute0_lowered:
.L_overlay_start_1:
0x0: {  	(tag) =	ssettag $0x1  }
0x1: {  	s4 =	rddreg [dreg:$0x0]  }
0x2: {  	s1 =	rddreg [dreg:$0x1]  }
0x3: {  	s2 =	srdreg.scid;
	s3 =	simm.s32 $0x0;
	s20 =	simm.s32 $0x1C000  }
0x4: {  	s21 =	simm.s32 $0x1C080;
	s22 =	simm.s32 $0x18000;
	s5 =	sand.u32 $0x1, s2  }
0x5: {  	s23 =	simm.s32 $0x1;
	s2 =	stileid.u32;
	s6 =	smul.u32 $0x140000, s5  }
0x6: {  	s24 =	simm.s32 $0x80;
	s25 =	simm.s32 $0x2;
	s7 =	smul.u32 $0x14000, s2  }
0x7: {  	s26 =	simm.s32 $0x0;
	[smem:$0x7FF] =	sst s3;
	s28 =	smul.u32 $0x50000, s2  }
0x8: {  	s15 =	sadd.s32 $0x2F0600, s4;
	s17 =	sadd.s32 $0x5200, s4;
	s9 =	smul.u32 $0x14000, s5  }
0x9: {  	_ =	strace $0x80000050;
	s8 =	ssub.s32 $0x2, s5;
	s10 =	smul.u32 $0x1400, s2  }
0xa: {  	s29 =	sshrl.u32 s8, $0x1;
	s16 =	sadd.s32 s7, s6;
	s6 =	sshrl.u32 s28, $0x2  }
0xb: {  	s14 =	ssub.s32 s8, s29;
	s18 =	sadd.s32 s10, s9;
	s7 =	sshrl.u32 s16, $0x3  }
0xc: {  	s9 =	sshrl.u32 s18, $0x3;
	s10 =	sshll.u32 s18, $0x4;
	s11 =	sor.u32 $0x80, s18  }
0xd: {  	s14 =	smax.u32 s14, $0x1;
	s30 =	sor.u32 $0x180, s18;
	s18 =	sor.u32 $0x100, s18  }
0xe: {  	s13 =	sadd.s32 s7, s4;
	s4 =	sadd.s32 s6, s1;
	s9 =	sadd.s32 s17, s9  }
0xf: {  	s10 =	sadd.s32 s15, s10;
	s12 =	sshrl.u32 s11, $0x3;
	s19 =	sshll.u32 s11, $0x4  }
0x10: {  	s31 =	sshrl.u32 s30, $0x3;
	s18 =	sshrl.u32 s18, $0x3;
	s5 =	sadd.s32 $0x4000, s4  }
0x11: {  	s6 =	sadd.s32 $0x8000, s4;
	s7 =	sadd.s32 $0xC000, s4;
	s8 =	sadd.s32 $0x10000, s4  }
0x12: {  	s11 =	sadd.s32 s17, s12;
	s12 =	sadd.s32 s15, s19;
	s13 =	sadd.s32 $0x570600, s13  }
0x13: {  	s15 =	sadd.s32 s15, s16;
	s16 =	sadd.s32 s31, s17;
	s17 =	sadd.s32 s18, s17  }
0x14: {  	v0 =	vimm.f32 $0.0e+00;
	s18 =	simm.s32 $0x14000;
	s19 =	simm.s32 $0x3;
	s15 =	sadd.s32 $0x1800, s15  }
.LBB2_1:
0x15: {  	s28 =	simm.s32 $0x0;
	s29 =	simm.s32 $0x200  }
.LBB2_2:
0x16: {  	p0 =	sne.s32 s29, $0xFE00;
	[tilespmem:s28+$0x14070] =	vst v0  }
0x17: {  	[tilespmem:s28+$0x14000] =	vst v0  }
0x18: {  	[tilespmem:s28+$0x14010] =	vst v0  }
.Ltmp0:
0x19: {  	[tilespmem:s28+$0x14020] =	vst v0;
	(pc) =	sbr.rel @p0 .LBB2_2-.Ltmp0, $4  }
0x1a: {  	[tilespmem:s28+$0x14030] =	vst v0  }
0x1b: {  	[tilespmem:s28+$0x14040] =	vst v0  }
0x1c: {  	[tilespmem:s28+$0x14050] =	vst v0  }
0x1d: {  	[tilespmem:s28+$0x14060] =	vst v0;
	s28 =	sshra.s32 s29, $0x2;
	s29 =	sadd.s32 $0x200, s29  }
0x1e: {  	[tilespmem:s28+$0x14070] =	vst v0  }
0x1f: {  	[tilespmem:s28+$0x14000] =	vst v0  }
0x20: {  	[tilespmem:s28+$0x14010] =	vst v0  }
0x21: {  	[tilespmem:s28+$0x14020] =	vst v0  }
0x22: {  	[tilespmem:s28+$0x14030] =	vst v0  }
0x23: {  	[tilespmem:s28+$0x14040] =	vst v0  }
0x24: {  	[tilespmem:s28+$0x14050] =	vst v0  }
0x25: {  	[tilespmem:s28+$0x14060] =	vst v0  }
0x26: {  	[spmem:s4] =	stream.linear.scatter [tilespmem:s18], [sflag:$0x3], $0x4000, $0x38;
	[tilespmem:$0x1C100] =	vst v63  }
0x27: {  	_ =	swait.ge [sflag:s19], $0x4000  }
0x28: {  	[sflag:s19] =	ssyncset.done $0x0  }
0x29: {  	[sflag:s19] =	ssyncadd.s32 $0xFFFFC000  }
0x2a: {  	[spmem:s5] =	stream.linear.scatter [tilespmem:s18], [sflag:$0x3], $0x4000, $0x38;
	[tilespmem:$0x1C100] =	vst v63  }
0x2b: {  	_ =	swait.ge [sflag:s19], $0x4000  }
0x2c: {  	[sflag:s19] =	ssyncset.done $0x0  }
0x2d: {  	[sflag:s19] =	ssyncadd.s32 $0xFFFFC000  }
0x2e: {  	[spmem:s6] =	stream.linear.scatter [tilespmem:s18], [sflag:$0x3], $0x4000, $0x38;
	[tilespmem:$0x1C100] =	vst v63  }
0x2f: {  	_ =	swait.ge [sflag:s19], $0x4000  }
0x30: {  	[sflag:s19] =	ssyncset.done $0x0  }
0x31: {  	[sflag:s19] =	ssyncadd.s32 $0xFFFFC000  }
0x32: {  	[spmem:s7] =	stream.linear.scatter [tilespmem:s18], [sflag:$0x3], $0x4000, $0x38;
	[tilespmem:$0x1C100] =	vst v63  }
0x33: {  	_ =	swait.ge [sflag:s19], $0x4000  }
0x34: {  	[sflag:s19] =	ssyncset.done $0x0  }
0x35: {  	[sflag:s19] =	ssyncadd.s32 $0xFFFFC000  }
0x36: {  	[spmem:s8] =	stream.linear.scatter [tilespmem:s18], [sflag:$0x3], $0x4000, $0x38;
	[tilespmem:$0x1C100] =	vst v63  }
0x37: {  	_ =	swait.ge [sflag:s19], $0x4000  }
0x38: {  	[sflag:s19] =	ssyncset.done $0x0  }
0x39: {  	[sflag:s19] =	ssyncadd.s32 $0xFFFFC000  }
0x3a: {  	s28 =	simm.s32 $0x0;
	[bflag:$0x0] =	sbarrier.arrive $0xFFFF  }
0x3b: {  	[tilespmem:s20], [sflag:$0x1] =	stream.linear.gather [hbm4b:s9+s28], $0x80, $0x38;
	[tilespmem:$0x1C100] =	vst v63  }
0x3c: {  	_ = 	snop  }
0x3d: {  	[tilespmem:s18], [sflag:$0x1] =	stream.linear.gather [hbm4b:s10+s28], $0x4000, $0x38;
	[tilespmem:$0x1C100] =	vst v63  }
0x3e: {  	_ = 	snop  }
0x3f: {  	[tilespmem:s21], [sflag:$0x2] =	stream.linear.gather [hbm4b:s11+s28], $0x80, $0x38;
	[tilespmem:$0x1C100] =	vst v63  }
0x40: {  	_ = 	snop  }
0x41: {  	[tilespmem:s22], [sflag:$0x2] =	stream.linear.gather [hbm4b:s12+s28], $0x4000, $0x38;
	[tilespmem:$0x1C100] =	vst v63  }
0x42: {  	_ =	swait.ge [sflag:s23], $0x80  }
0x43: {  	[sflag:s23] =	ssyncset.done $0x0  }
0x44: {  	[sflag:s23] =	ssyncadd.s32 $0xFFFFFF80  }
0x45: {  	_ =	swait.ge [sflag:s23], $0x4000  }
0x46: {  	[sflag:s23] =	ssyncset.done $0x0  }
0x47: {  	[sflag:s23] =	ssyncadd.s32 $0xFFFFC000  }
0x48: {  	[spmem:s1] =	stream.indirect.scatter.add.f32 [tilespmem:s18], [sflag:$0x3], $0x80, s20, s24, $0xb8;
	[tilespmem:$0x1C100] =	vst v63  }
0x49: {  	_ =	swait.ge [sflag:s19], $0x4000  }
0x4a: {  	[sflag:s19] =	ssyncset.done $0x0  }
0x4b: {  	s28 =	sadd.s32 $0x0, s17;
	[sflag:s19] =	ssyncadd.s32 $0xFFFFC000  }
0x4c: {  	[tilespmem:s20], [sflag:$0x1] =	stream.linear.gather [hbm4b:s28+s3], $0x80, $0x38;
	[tilespmem:$0x1C100] =	vst v63  }
0x4d: {  	s28 =	sadd.s32 $0xFFFFF800, s15  }
0x4e: {  	[tilespmem:s18], [sflag:$0x1] =	stream.linear.gather [hbm4b:s28+s3], $0x4000, $0x38;
	[tilespmem:$0x1C100] =	vst v63  }
0x4f: {  	_ =	swait.ge [sflag:s25], $0x80  }
0x50: {  	[sflag:s25] =	ssyncset.done $0x0  }
0x51: {  	[sflag:s25] =	ssyncadd.s32 $0xFFFFFF80  }
0x52: {  	_ =	swait.ge [sflag:s25], $0x4000  }
0x53: {  	[sflag:s25] =	ssyncset.done $0x0  }
0x54: {  	[sflag:s25] =	ssyncadd.s32 $0xFFFFC000  }
0x55: {  	[spmem:s1] =	stream.indirect.scatter.add.f32 [tilespmem:s22], [sflag:$0x3], $0x80, s21, s24, $0xb8;
	[tilespmem:$0x1C100] =	vst v63  }
0x56: {  	_ =	swait.ge [sflag:s19], $0x4000  }
0x57: {  	[sflag:s19] =	ssyncset.done $0x0  }
0x58: {  	s28 =	sadd.s32 $0x0, s16;
	[sflag:s19] =	ssyncadd.s32 $0xFFFFC000  }
0x59: {  	[tilespmem:s21], [sflag:$0x2] =	stream.linear.gather [hbm4b:s28+s3], $0x80, $0x38;
	[tilespmem:$0x1C100] =	vst v63  }
0x5a: {  	s29 =	sadd.s32 $0x1000, s15;
	s30 =	smov.u32 s15;
	s28 =	simm.s32 $0x20  }
.LBB2_4:
0x5b: {  	[tilespmem:s22], [sflag:$0x2] =	stream.linear.gather [hbm4b:s30+s3], $0x4000, $0x38;
	[tilespmem:$0x1C100] =	vst v63  }
0x5c: {  	s31 =	smov.u32 s28;
	s30 =	smov.u32 s29  }
0x5d: {  	p0 =	sne.s32 s28, $0x240;
	s28 =	sadd.s32 $0x20, s28;
	_ =	swait.ge [sflag:s23], $0x80  }
0x5e: {  	[sflag:s23] =	ssyncset.done $0x0  }
0x5f: {  	[sflag:s23] =	ssyncadd.s32 $0xFFFFFF80  }
0x60: {  	_ =	swait.ge [sflag:s23], $0x4000  }
0x61: {  	[sflag:s23] =	ssyncset.done $0x0  }
0x62: {  	[sflag:s23] =	ssyncadd.s32 $0xFFFFC000  }
0x63: {  	[spmem:s1] =	stream.indirect.scatter.add.f32 [tilespmem:s18], [sflag:$0x3], $0x80, s20, s24, $0xb8;
	[tilespmem:$0x1C100] =	vst v63  }
0x64: {  	_ =	swait.ge [sflag:s19], $0x4000  }
0x65: {  	[sflag:s19] =	ssyncset.done $0x0  }
0x66: {  	s0 =	sadd.s32 s31, s17;
	[sflag:s19] =	ssyncadd.s32 $0xFFFFC000  }
0x67: {  	[tilespmem:s20], [sflag:$0x1] =	stream.linear.gather [hbm4b:s0+s3], $0x80, $0x38;
	[tilespmem:$0x1C100] =	vst v63  }
0x68: {  	s0 =	sadd.s32 $0xFFFFF800, s29  }
0x69: {  	[tilespmem:s18], [sflag:$0x1] =	stream.linear.gather [hbm4b:s0+s3], $0x4000, $0x38;
	[tilespmem:$0x1C100] =	vst v63  }
0x6a: {  	_ =	swait.ge [sflag:s25], $0x80  }
0x6b: {  	[sflag:s25] =	ssyncset.done $0x0  }
0x6c: {  	[sflag:s25] =	ssyncadd.s32 $0xFFFFFF80  }
0x6d: {  	_ =	swait.ge [sflag:s25], $0x4000  }
0x6e: {  	[sflag:s25] =	ssyncset.done $0x0  }
0x6f: {  	[sflag:s25] =	ssyncadd.s32 $0xFFFFC000  }
0x70: {  	[spmem:s1] =	stream.indirect.scatter.add.f32 [tilespmem:s22], [sflag:$0x3], $0x80, s21, s24, $0xb8;
	[tilespmem:$0x1C100] =	vst v63  }
.Ltmp1:
0x71: {  	_ =	swait.ge [sflag:s19], $0x4000;
	(pc) =	sbr.rel @p0 .LBB2_4-.Ltmp1, $4  }
0x72: {  	[sflag:s19] =	ssyncset.done $0x0  }
0x73: {  	s0 =	sadd.s32 s31, s16;
	[sflag:s19] =	ssyncadd.s32 $0xFFFFC000  }
0x74: {  	[tilespmem:s21], [sflag:$0x2] =	stream.linear.gather [hbm4b:s0+s3], $0x80, $0x38;
	[tilespmem:$0x1C100] =	vst v63  }
0x75: {  	s29 =	sadd.s32 $0x1000, s29  }
0x76: {  	[tilespmem:s22], [sflag:$0x2] =	stream.linear.gather [hbm4b:s30+s3], $0x4000, $0x38;
	[tilespmem:$0x1C100] =	vst v63  }
0x77: {  	_ =	swait.ge [sflag:s23], $0x80  }
0x78: {  	[sflag:s23] =	ssyncset.done $0x0  }
0x79: {  	[sflag:s23] =	ssyncadd.s32 $0xFFFFFF80  }
0x7a: {  	_ =	swait.ge [sflag:s23], $0x4000  }
0x7b: {  	[sflag:s23] =	ssyncset.done $0x0  }
0x7c: {  	[sflag:s23] =	ssyncadd.s32 $0xFFFFC000  }
0x7d: {  	[spmem:s1] =	stream.indirect.scatter.add.f32 [tilespmem:s18], [sflag:$0x3], $0x80, s20, s24, $0xb8;
	[tilespmem:$0x1C100] =	vst v63  }
0x7e: {  	_ =	swait.ge [sflag:s19], $0x4000  }
0x7f: {  	[sflag:s19] =	ssyncset.done $0x0  }
0x80: {  	[sflag:s19] =	ssyncadd.s32 $0xFFFFC000  }
0x81: {  	_ =	swait.ge [sflag:s25], $0x80  }
0x82: {  	[sflag:s25] =	ssyncset.done $0x0  }
0x83: {  	[sflag:s25] =	ssyncadd.s32 $0xFFFFFF80  }
0x84: {  	_ =	swait.ge [sflag:s25], $0x4000  }
0x85: {  	[sflag:s25] =	ssyncset.done $0x0  }
0x86: {  	[sflag:s25] =	ssyncadd.s32 $0xFFFFC000  }
0x87: {  	[spmem:s1] =	stream.indirect.scatter.add.f32 [tilespmem:s22], [sflag:$0x3], $0x80, s21, s24, $0xb8;
	[tilespmem:$0x1C100] =	vst v63  }
0x88: {  	_ =	swait.ge [sflag:s19], $0x4000  }
0x89: {  	s0 =	sshll.u32 s2, $0x6;
	s26 =	sadd.s32 $0x1, s26;
	[sflag:s19] =	ssyncset.done $0x0  }
0x8a: {  	s28 =	sshrl.u32 s4, $0x3;
	p0 =	sne.s32 s26, s14;
	[sflag:s19] =	ssyncadd.s32 $0xFFFFC000  }
.Ltmp2:
0x8b: {  	s0 =	sor.u32 $0x1C03, s0;
	[bflag:$0x0] =	sbarrier.arrive $0xFFFF;
	(pc) =	sbr.rel @p0 .LBB2_1-.Ltmp2, $4  }
0x8c: {  	[hbm:s13], [sflag:s0] =	dma.local [spmem:s28], $0x2800  }
0x8d: {  	_ =	swait.ge [sflag:s19], $0x2800  }
0x8e: {  	[sflag:s19] =	ssyncset.done $0x0  }
0x8f: {  	[sflag:s19] =	ssyncadd.s32 $0xFFFFD800  }
0x90: {  	_ =	sfence.sel $0x180000  }
0x91: {  	[bflag:$0x0] =	sbarrier.arrive $0xFFFF  }
0x92: {  	_ =	strace $0x90000050  }
0x93: {  	[bflag:$0x2] =	sbarrier.arrive $0xFFFF  }
0x94: {  	p0 =	sne.s32 s2, $0x0;
	s0 =	rddreg [dreg:$0x2]  }
0x95: {  	s0 =	sadd.s32 @!p0 $0x100000, s0  }
0x96: {  	[sflag:s0] =	ssyncadd.tile.s32 @!p0 $0x1;
	_ =	shalt  }
.Lfunc_end2:
_tile_overlayer_lowered:
.L_overlay_start_2:
0x97: {  	(tag) =	ssettag $0x2  }
0x98: {  	s0 =	rddreg [dreg:$0x0];
	s2 =	stileid.u32  }
0x99: {  	s1 =	rddreg [dreg:$0x1];
	p0 =	sne.s32 s2, $0x0  }
0x9a: {  	s3 =	rddreg [dreg:$0x2];
	[bflag:$0x3] =	sbarrier.arrive $0xFFFF;
	s2 =	simm.s32 @!p0 $0x1C03  }
0x9b: {  	[timem:s3], [sflag:s2] =	dma.local @!p0 [hbm:s0], s1  }
0x9c: {  	s0 =	simm.s32 @!p0 $0x3  }
0x9d: {  	_ =	swait.ge @!p0 [sflag:s0], s1  }
0x9e: {  	s1 =	ssub.s32 @!p0 $0x0, s1;
	[sflag:s0] =	ssyncset.done @!p0 $0x0  }
0x9f: {  	[sflag:s0] =	ssyncadd.s32 @!p0 s1  }
0xa0: {  	[bflag:$0x3] =	sbarrier.arrive $0xFFFF  }
0xa1: {  	_ =	shalt  }

// kernel: kernel.18.cloned.1.call-start
scs
__scs_entry_jumppad:
0x0: {  	(pc) =	sbr.rel $0x88, $3  }
0x1: {  	(tag) =	ssettag $0x0;
	lr =	simm.s32 $0x1  }
0x2: {  	[smem:$0x3F7B] =	sst lr;
	_ =	strace $0xD0000000  }
0x3: {  	_ = 	snop  }
0x4: {  	_ = 	snop  }
0x5: {  	_ = 	snop  }
0x6: {  	_ = 	snop  }
0x7: {  	_ = 	snop  }
__scs_overlays_trampoline_lowered:
0x8: {  	[smem:$0x3F8A] =	sst s0  }
0x9: {  	[smem:$0x3F8B] =	sst s1  }
0xa: {  	[smem:$0x3F8C] =	sst s2  }
0xb: {  	[smem:$0x3F8D] =	sst s3  }
0xc: {  	[smem:$0x3F8E] =	sst s4  }
0xd: {  	[smem:$0x3F8F] =	sst s5  }
0xe: {  	[smem:$0x3F90] =	sst s6  }
0xf: {  	[smem:$0x3F91] =	sst s7  }
0x10: {  	[smem:$0x3F92] =	sst s8  }
0x11: {  	[smem:$0x3F93] =	sst s9;
	s0 =	simm.s32 @!p0 $0x0  }
0x12: {  	s1 =	sld [smem:$0x3F79];
	s0 =	simm.s32 @p0 $0x1  }
0x13: {  	[smem:$0x3F94] =	sst s0;
	s0 =	simm.s32 @!p1 $0x0  }
0x14: {  	s2 =	sld [smem:$0x3F78];
	s0 =	simm.s32 @p1 $0x1  }
0x15: {  	[smem:$0x3F95] =	sst s0;
	s0 =	simm.s32 @!p2 $0x0  }
0x16: {  	s3 =	sld [smem:$0x3FDB];
	s0 =	simm.s32 @p2 $0x1  }
0x17: {  	s4 =	simm.s32 $0x1BF5;
	[smem:$0x3F97] =	sst s0  }
0x18: {  	s0 =	sld [smem:$0x3F7A];
	_ =	swait.ge [sflag:s4], $0x0  }
0x19: {  	s7 =	sld [smem:$0x3F7B]  }
0x1a: {  	s8 =	sadd.s32 $0xFFFFE003, lr  }
0x1b: {  	s9 =	sadd.s32 $0xFFFFFEF7, lr;
	s5 =	simm.s32 $0xFFFFFFFF;
	p2 =	slt.u32 s8, $0xFFFFF086  }
0x1c: {  	p1 =	slt.u32 s9, $0xF7A;
	s5 =	simm.s32 @!p2 $0x0  }
0x1d: {  	s5 =	simm.s32 @p1 $0x1;
	p0 =	seq.s32 s7, s2  }
0x1e: {  	s7 =	smul.u32 @!p0 $0xF7A, s2;
	p2 =	seq.s32 @!p0 s5, $0x0  }
0x1f: {  	s9 =	smul.u32 $0xF7A, s1;
	s8 =	simm.s32 @!p0 $0x1BF5;
	p2 =	por !p2, p0  }
0x20: {  	[sflag:s8] =	ssyncset.s32 @!p0 $0xFFFFF086;
	s6 =	sadd.s32 @!p0 s3, s7;
	s7 =	simm.s32 @!p0 $0x108  }
0x21: {  	s3 =	sadd.s32 s3, s9;
	s6 =	sadd.s32 @!p0 $0x88, s6;
	s7 =	simm.s32 @p2 $0x1082  }
0x22: {  	[simem:s7], [sflag:s8] =	dma.local @!p0 [hbm:s6], $0xF7A  }
0x23: {  	s9 =	sor.u32 $0xD0000000, s2;
	s6 =	simm.s32 $0x108;
	_ =	swait.ge @!p0 [sflag:s8], $0x0  }
0x24: {  	s3 =	sadd.s32 $0x88, s3;
	s6 =	simm.s32 @!p1 $0x1082;
	[sflag:s4] =	ssyncset.s32 $0xFFFFF086  }
0x25: {  	[simem:s6], [sflag:s4] =	dma.local [hbm:s3], $0xF7A  }
0x26: {  	[smem:$0x3F7B] =	sst s1;
	(tag) =	ssettag s2;
	_ =	strace s9  }
0x27: {  	s1 =	sld [smem:$0x3F8B]  }
0x28: {  	s2 =	sld [smem:$0x3F8C]  }
0x29: {  	s4 =	sld [smem:$0x3F8E]  }
0x2a: {  	p0 =	seq.s32 s5, $0x0;
	s5 =	sld [smem:$0x3F8F]  }
0x2b: {  	s6 =	sld [smem:$0x3F90]  }
0x2c: {  	s7 =	sld [smem:$0x3F91]  }
0x2d: {  	s3 =	simm.s32 $0x108;
	s8 =	sld [smem:$0x3F92]  }
0x2e: {  	s3 =	simm.s32 @!p0 $0x1082;
	s9 =	sld [smem:$0x3F93]  }
0x2f: {  	lr =	sadd.s32 s0, s3;
	s0 =	sld [smem:$0x3F8A]  }
0x30: {  	s3 =	sld [smem:$0x3F8D]  }
0x31: {  	[smem:$0x3F96] =	sst s10  }
0x32: {  	s10 =	sld [smem:$0x3F94];
	_ =	sdelay $0x3  }
0x33: {  	p0 =	seq.s32 s10, $0x1;
	s10 =	sld [smem:$0x3F96];
	_ =	sdelay $0x3  }
0x34: {  	[smem:$0x3F96] =	sst s10  }
0x35: {  	s10 =	sld [smem:$0x3F95];
	_ =	sdelay $0x3  }
0x36: {  	p1 =	seq.s32 s10, $0x1;
	s10 =	sld [smem:$0x3F96];
	_ =	sdelay $0x3  }
0x37: {  	[smem:$0x3F96] =	sst s10  }
0x38: {  	s10 =	sld [smem:$0x3F97]  }
0x39: {  	_ = 	snop;
	(pc) =	sbr.ind lr, $3  }
0x3a: {  	_ = 	snop  }
0x3b: {  	_ = 	snop  }
0x3c: {  	p2 =	seq.s32 s10, $0x1;
	s10 =	sld [smem:$0x3F96]  }
0x3d: {  	_ =	shalt  }
0x3e: {  	_ =	shalt  }
0x3f: {  	_ =	shalt  }
0x40: {  	_ =	shalt  }
0x41: {  	_ =	shalt  }
0x42: {  	_ =	shalt  }
0x43: {  	_ =	shalt  }
0x44: {  	_ =	shalt  }
0x45: {  	_ =	shalt  }
0x46: {  	_ =	shalt  }
0x47: {  	_ =	shalt  }
0x48: {  	_ =	shalt  }
0x49: {  	_ =	shalt  }
0x4a: {  	_ =	shalt  }
0x4b: {  	_ =	shalt  }
0x4c: {  	_ =	shalt  }
0x4d: {  	_ =	shalt  }
0x4e: {  	_ =	shalt  }
0x4f: {  	_ =	shalt  }
0x50: {  	_ =	shalt  }
0x51: {  	_ =	shalt  }
0x52: {  	_ =	shalt  }
0x53: {  	_ =	shalt  }
0x54: {  	_ =	shalt  }
0x55: {  	_ =	shalt  }
0x56: {  	_ =	shalt  }
0x57: {  	_ =	shalt  }
0x58: {  	_ =	shalt  }
0x59: {  	_ =	shalt  }
0x5a: {  	_ =	shalt  }
0x5b: {  	_ =	shalt  }
0x5c: {  	_ =	shalt  }
0x5d: {  	_ =	shalt  }
0x5e: {  	_ =	shalt  }
0x5f: {  	_ =	shalt  }
0x60: {  	_ =	shalt  }
0x61: {  	_ =	shalt  }
0x62: {  	_ =	shalt  }
0x63: {  	_ =	shalt  }
0x64: {  	_ =	shalt  }
0x65: {  	_ =	shalt  }
0x66: {  	_ =	shalt  }
0x67: {  	_ =	shalt  }
0x68: {  	_ =	shalt  }
0x69: {  	_ =	shalt  }
0x6a: {  	_ =	shalt  }
0x6b: {  	_ =	shalt  }
0x6c: {  	_ =	shalt  }
0x6d: {  	_ =	shalt  }
0x6e: {  	_ =	shalt  }
0x6f: {  	_ =	shalt  }
0x70: {  	_ =	shalt  }
0x71: {  	_ =	shalt  }
0x72: {  	_ =	shalt  }
0x73: {  	_ =	shalt  }
0x74: {  	_ =	shalt  }
0x75: {  	_ =	shalt  }
0x76: {  	_ =	shalt  }
0x77: {  	_ =	shalt  }
0x78: {  	_ =	shalt  }
0x79: {  	_ =	shalt  }
0x7a: {  	_ =	shalt  }
0x7b: {  	_ =	shalt  }
0x7c: {  	_ =	shalt  }
0x7d: {  	_ =	shalt  }
0x7e: {  	_ =	shalt  }
0x7f: {  	_ =	shalt  }
0x80: {  	_ =	shalt  }
0x81: {  	_ =	shalt  }
0x82: {  	_ =	shalt  }
0x83: {  	_ =	shalt  }
0x84: {  	_ =	shalt  }
0x85: {  	_ =	shalt  }
0x86: {  	_ =	shalt  }
0x87: {  	_ =	shalt  }
.Lfunc_end0:
.L_simem_size_0:
called_computation.3_lowered:
.L_overlay_start_0:
0x88: {  	s2 =	sld [smem:$0x3FD9]  }
0x89: {  	s3 =	sld [smem:$0x3FFE];
	_ =	sdelay $0x1  }
0x8a: {  	s1 =	srdreg.scid  }
0x8b: {  	s0 =	sand.u32 $0x1, s1  }
0x8c: {  	s17 =	sshll.u32 s0, $0xA;
	s2 =	sadd.s32 s3, s2  }
0x8d: {  	s2 =	sadd.s32 s2, s17  }
0x8e: {  	[smem:$0x3FA2] =	sst s2  }
0x8f: {  	_ = 	snop  }
0x90: {  	(tm) =	ssettm $0x1  }
0x91: {  	s18 =	sld [smem:$0x3FFB];
	_ =	sdelay $0x3  }
0x92: {  	_ =	strace s18  }
0x93: {  	s2 =	sld [smem:$0x3FFC];
	_ =	sdelay $0x3  }
0x94: {  	_ =	strace s2  }
0x95: {  	s2 =	sld [smem:$0x3FFD];
	_ =	sdelay $0x3  }
0x96: {  	_ =	strace s2  }
0x97: {  	_ =	strace $0x8FFFFFFF  }
0x98: {  	s19 =	sld [smem:$0x3FDB];
	_ =	sdelay $0x1  }
0x99: {  	s20 =	simm.s32 $_scs_section_size  }
0x9a: {  	s4 =	simm.s32 $_size__tile_overlayer_lowered;
	s5 =	simm.s32 $_tile_overlayer_lowered  }
0x9b: {  	s6 =	simm.s32 $0x1BFF;
	s21 =	sshll.u32 s5, $0x1;
	s3 =	sadd.s32 s20, s19  }
0x9c: {  	s22 =	simm.s32 $0x0;
	s4 =	sshll.u32 s4, $0x1;
	s5 =	sadd.s32 s21, s3  }
0x9d: {  	[timem:s22], [sflag:s6] =	dma.local [hbm:s5], s4  }
0x9e: {  	_ =	swait.ge [sflag:s6], s4  }
0x9f: {  	s4 =	ssub.s32 $0x0, s4;
	[sflag:s6] =	ssyncset.done $0x0  }
0xa0: {  	[sflag:s6] =	ssyncadd.s32 s4;
	_ =	sdelay $0x1  }
0xa1: {  	s23 =	simm.s32 $0x1B8B  }
0xa2: {  	_ =	swait.ge [sflag:s23], $0x1  }
0xa3: {  	[sflag:s23] =	ssyncset.done $0x0  }
0xa4: {  	[sflag:s23] =	ssyncadd.s32 $0xFFFFFFFF  }
0xa5: {  	s4 =	sld [smem:$0x0]  }
0xa6: {  	s5 =	sand.u32 $0xFFFFFFFE, s1  }
0xa7: {  	p0 =	sne.s32 s1, s5  }
0xa8: {  	s5 =	sshll.u32 @p0 s5, $0xE  }
0xa9: {  	s5 =	sadd.s32 @p0 $0x11B8D, s5;
	s6 =	sshll.u32 @p0 s4, $0x11  }
0xaa: {  	s5 =	sor.u32 @p0 s6, s5  }
0xab: {  	[sflag:s5] =	ssyncadd.remote.s32 @p0 $0x1;
	_ =	sdelay $0x1  }
0xac: {  	s5 =	simm.s32 @p0 $0x1B8D  }
0xad: {  	_ =	swait.eq @p0 [sflag:s5], $0x1  }
0xae: {  	[sflag:s5] =	ssyncadd.s32 @p0 $0xFFFFFFFF  }
0xaf: {  	s6 =	sshll.u32 @!p0 s1, $0xE  }
0xb0: {  	s6 =	sor.u32 @!p0 $0x4000, s6;
	s5 =	simm.s32 @!p0 $0x1B8D  }
0xb1: {  	s4 =	sshll.u32 @!p0 s4, $0x11;
	s6 =	sadd.s32 @!p0 $0x11B8D, s6;
	_ =	swait.eq @!p0 [sflag:s5], $0x1  }
0xb2: {  	s4 =	sor.u32 @!p0 s4, s6;
	[sflag:s5] =	ssyncadd.s32 @!p0 $0xFFFFFFFF  }
0xb3: {  	s25 =	simm.s32 $0x1B8E;
	s24 =	sld [smem:$0x3FFE];
	[sflag:s4] =	ssyncadd.remote.s32 @!p0 $0x1  }
0xb4: {  	s26 =	simm.s32 $execute0_lowered;
	[smem:$0x3FD2] =	sst s25  }
0xb5: {  	s5 =	sshll.u32 s26, $0x1;
	_ =	strace $0x8000004C;
	[dreg:$0x1] =	wrdreg $0xFFFFFFFF  }
0xb6: {  	s28 =	simm.s32 $_size_execute0_lowered;
	s3 =	sadd.s32 s3, s5;
	[dreg:$0x0] =	wrdreg $0x0  }
0xb7: {  	s5 =	sshll.u32 s28, $0x1;
	[dreg:$0x2] =	wrdreg s3  }
0xb8: {  	[dreg:$0x3] =	wrdreg s5  }
0xb9: {  	[dreg:$0x4] =	wrdreg $0xC0  }
0xba: {  	_ =	task [dreg:s22], $0x5FFFF  }
0xbb: {  	[dreg:$0x1] =	wrdreg $0xFFFFFFFF  }
0xbc: {  	[dreg:$0x0] =	wrdreg $0x60  }
0xbd: {  	[dreg:$0x2] =	wrdreg s24  }
0xbe: {  	[dreg:$0x3] =	wrdreg $0x0  }
0xbf: {  	[dreg:$0x4] =	wrdreg $0xB  }
0xc0: {  	_ =	task.clear_ibuf [dreg:s22], $0x5FFFF;
	_ =	strace $0x9000004C  }
0xc1: {  	s29 =	simm.s32 $0xB;
	_ =	strace $0x8000004E  }
0xc2: {  	_ =	swait.ge [sflag:s29], $0x1  }
0xc3: {  	[sflag:s29] =	ssyncadd.s32 $0xFFFFFFFF  }
0xc4: {  	_ =	strace $0x9000004E  }
0xc5: {  	_ =	sfence  }
0xc6: {  	s30 =	sld [smem:$0x0];
	_ =	sdelay $0x2  }
0xc7: {  	s31 =	sshll.u32 s1, $0xD;
	s1 =	sshrl.u32 s1, $0x2  }
0xc8: {  	s4 =	sand.u32 $0x4000, s31;
	s1 =	sadd.s32 s1, s30  }
0xc9: {  	s0 =	sor.u32 s4, s0;
	s1 =	sshll.u32 s1, $0x11  }
0xca: {  	s0 =	sor.u32 s1, s0  }
0xcb: {  	s0 =	sadd.s32 $0x8F2B, s0  }
0xcc: {  	[sflag:s0] =	ssyncadd.remote.s32 $0x1  }
0xcd: {  	_ =	sfence.sel $0xFFFF  }
0xce: {  	[dreg:$0x0] =	wrdreg $0xFFFFFFFF;
	(pc) =	sbr.abs _section_cstart, $3  }
0xcf: {  	[dreg:$0x1] =	wrdreg $0xFFFFFFFF  }
0xd0: {  	_ =	task.clear_ibuf [dreg:s22], $0x2FFFF;
	_ =	strace $0x9FFFFFFF  }
0xd1: {  	(tm) =	ssettm $0x7FFFFFFF  }
tec
execute0_lowered:
.L_overlay_start_1:
0x0: {  	(tag) =	ssettag $0x1  }
0x1: {  	s4 =	rddreg [dreg:$0x0]  }
0x2: {  	s1 =	rddreg [dreg:$0x1]  }
0x3: {  	s2 =	srdreg.scid;
	s3 =	simm.s32 $0x0;
	s20 =	simm.s32 $0x1C000  }
0x4: {  	s21 =	simm.s32 $0x1C080;
	s22 =	simm.s32 $0x18000;
	s5 =	sand.u32 $0x1, s2  }
0x5: {  	s23 =	simm.s32 $0x1;
	s2 =	stileid.u32;
	s6 =	smul.u32 $0x140000, s5  }
0x6: {  	s24 =	simm.s32 $0x80;
	s25 =	simm.s32 $0x2;
	s7 =	smul.u32 $0x14000, s2  }
0x7: {  	s26 =	simm.s32 $0x0;
	[smem:$0x7FF] =	sst s3;
	s28 =	smul.u32 $0x50000, s2  }
0x8: {  	s15 =	sadd.s32 $0x20600, s4;
	s17 =	sadd.s32 $0x5200, s4;
	s9 =	smul.u32 $0x14000, s5  }
0x9: {  	_ =	strace $0x8000004D;
	s8 =	ssub.s32 $0x2, s5;
	s10 =	smul.u32 $0x1400, s2  }
0xa: {  	s29 =	sshrl.u32 s8, $0x1;
	s16 =	sadd.s32 s7, s6;
	s6 =	sshrl.u32 s28, $0x2  }
0xb: {  	s14 =	ssub.s32 s8, s29;
	s18 =	sadd.s32 s10, s9;
	s7 =	sshrl.u32 s16, $0x3  }
0xc: {  	s9 =	sshrl.u32 s18, $0x3;
	s10 =	sshll.u32 s18, $0x4;
	s11 =	sor.u32 $0x80, s18  }
0xd: {  	s14 =	smax.u32 s14, $0x1;
	s30 =	sor.u32 $0x180, s18;
	s18 =	sor.u32 $0x100, s18  }
0xe: {  	s13 =	sadd.s32 s7, s4;
	s4 =	sadd.s32 s6, s1;
	s9 =	sadd.s32 s17, s9  }
0xf: {  	s10 =	sadd.s32 s15, s10;
	s12 =	sshrl.u32 s11, $0x3;
	s19 =	sshll.u32 s11, $0x4  }
0x10: {  	s31 =	sshrl.u32 s30, $0x3;
	s18 =	sshrl.u32 s18, $0x3;
	s5 =	sadd.s32 $0x4000, s4  }
0x11: {  	s6 =	sadd.s32 $0x8000, s4;
	s7 =	sadd.s32 $0xC000, s4;
	s8 =	sadd.s32 $0x10000, s4  }
0x12: {  	s11 =	sadd.s32 s17, s12;
	s12 =	sadd.s32 s15, s19;
	s13 =	sadd.s32 $0x2A0600, s13  }
0x13: {  	s15 =	sadd.s32 s15, s16;
	s16 =	sadd.s32 s31, s17;
	s17 =	sadd.s32 s18, s17  }
0x14: {  	v0 =	vimm.f32 $0.0e+00;
	s18 =	simm.s32 $0x14000;
	s19 =	simm.s32 $0x3;
	s15 =	sadd.s32 $0x1800, s15  }
.LBB2_1:
0x15: {  	s28 =	simm.s32 $0x0;
	s29 =	simm.s32 $0x200  }
.LBB2_2:
0x16: {  	p0 =	sne.s32 s29, $0xFE00;
	[tilespmem:s28+$0x14070] =	vst v0  }
0x17: {  	[tilespmem:s28+$0x14000] =	vst v0  }
0x18: {  	[tilespmem:s28+$0x14010] =	vst v0  }
.Ltmp0:
0x19: {  	[tilespmem:s28+$0x14020] =	vst v0;
	(pc) =	sbr.rel @p0 .LBB2_2-.Ltmp0, $4  }
0x1a: {  	[tilespmem:s28+$0x14030] =	vst v0  }
0x1b: {  	[tilespmem:s28+$0x14040] =	vst v0  }
0x1c: {  	[tilespmem:s28+$0x14050] =	vst v0  }
0x1d: {  	[tilespmem:s28+$0x14060] =	vst v0;
	s28 =	sshra.s32 s29, $0x2;
	s29 =	sadd.s32 $0x200, s29  }
0x1e: {  	[tilespmem:s28+$0x14070] =	vst v0  }
0x1f: {  	[tilespmem:s28+$0x14000] =	vst v0  }
0x20: {  	[tilespmem:s28+$0x14010] =	vst v0  }
0x21: {  	[tilespmem:s28+$0x14020] =	vst v0  }
0x22: {  	[tilespmem:s28+$0x14030] =	vst v0  }
0x23: {  	[tilespmem:s28+$0x14040] =	vst v0  }
0x24: {  	[tilespmem:s28+$0x14050] =	vst v0  }
0x25: {  	[tilespmem:s28+$0x14060] =	vst v0  }
0x26: {  	[spmem:s4] =	stream.linear.scatter [tilespmem:s18], [sflag:$0x3], $0x4000, $0x38;
	[tilespmem:$0x1C100] =	vst v63  }
0x27: {  	_ =	swait.ge [sflag:s19], $0x4000  }
0x28: {  	[sflag:s19] =	ssyncset.done $0x0  }
0x29: {  	[sflag:s19] =	ssyncadd.s32 $0xFFFFC000  }
0x2a: {  	[spmem:s5] =	stream.linear.scatter [tilespmem:s18], [sflag:$0x3], $0x4000, $0x38;
	[tilespmem:$0x1C100] =	vst v63  }
0x2b: {  	_ =	swait.ge [sflag:s19], $0x4000  }
0x2c: {  	[sflag:s19] =	ssyncset.done $0x0  }
0x2d: {  	[sflag:s19] =	ssyncadd.s32 $0xFFFFC000  }
0x2e: {  	[spmem:s6] =	stream.linear.scatter [tilespmem:s18], [sflag:$0x3], $0x4000, $0x38;
	[tilespmem:$0x1C100] =	vst v63  }
0x2f: {  	_ =	swait.ge [sflag:s19], $0x4000  }
0x30: {  	[sflag:s19] =	ssyncset.done $0x0  }
0x31: {  	[sflag:s19] =	ssyncadd.s32 $0xFFFFC000  }
0x32: {  	[spmem:s7] =	stream.linear.scatter [tilespmem:s18], [sflag:$0x3], $0x4000, $0x38;
	[tilespmem:$0x1C100] =	vst v63  }
0x33: {  	_ =	swait.ge [sflag:s19], $0x4000  }
0x34: {  	[sflag:s19] =	ssyncset.done $0x0  }
0x35: {  	[sflag:s19] =	ssyncadd.s32 $0xFFFFC000  }
0x36: {  	[spmem:s8] =	stream.linear.scatter [tilespmem:s18], [sflag:$0x3], $0x4000, $0x38;
	[tilespmem:$0x1C100] =	vst v63  }
0x37: {  	_ =	swait.ge [sflag:s19], $0x4000  }
0x38: {  	[sflag:s19] =	ssyncset.done $0x0  }
0x39: {  	[sflag:s19] =	ssyncadd.s32 $0xFFFFC000  }
0x3a: {  	s28 =	simm.s32 $0x0;
	[bflag:$0x0] =	sbarrier.arrive $0xFFFF  }
0x3b: {  	[tilespmem:s20], [sflag:$0x1] =	stream.linear.gather [hbm4b:s9+s28], $0x80, $0x38;
	[tilespmem:$0x1C100] =	vst v63  }
0x3c: {  	_ = 	snop  }
0x3d: {  	[tilespmem:s18], [sflag:$0x1] =	stream.linear.gather [hbm4b:s10+s28], $0x4000, $0x38;
	[tilespmem:$0x1C100] =	vst v63  }
0x3e: {  	_ = 	snop  }
0x3f: {  	[tilespmem:s21], [sflag:$0x2] =	stream.linear.gather [hbm4b:s11+s28], $0x80, $0x38;
	[tilespmem:$0x1C100] =	vst v63  }
0x40: {  	_ = 	snop  }
0x41: {  	[tilespmem:s22], [sflag:$0x2] =	stream.linear.gather [hbm4b:s12+s28], $0x4000, $0x38;
	[tilespmem:$0x1C100] =	vst v63  }
0x42: {  	_ =	swait.ge [sflag:s23], $0x80  }
0x43: {  	[sflag:s23] =	ssyncset.done $0x0  }
0x44: {  	[sflag:s23] =	ssyncadd.s32 $0xFFFFFF80  }
0x45: {  	_ =	swait.ge [sflag:s23], $0x4000  }
0x46: {  	[sflag:s23] =	ssyncset.done $0x0  }
0x47: {  	[sflag:s23] =	ssyncadd.s32 $0xFFFFC000  }
0x48: {  	[spmem:s1] =	stream.indirect.scatter.add.f32 [tilespmem:s18], [sflag:$0x3], $0x80, s20, s24, $0xb8;
	[tilespmem:$0x1C100] =	vst v63  }
0x49: {  	_ =	swait.ge [sflag:s19], $0x4000  }
0x4a: {  	[sflag:s19] =	ssyncset.done $0x0  }
0x4b: {  	s28 =	sadd.s32 $0x0, s17;
	[sflag:s19] =	ssyncadd.s32 $0xFFFFC000  }
0x4c: {  	[tilespmem:s20], [sflag:$0x1] =	stream.linear.gather [hbm4b:s28+s3], $0x80, $0x38;
	[tilespmem:$0x1C100] =	vst v63  }
0x4d: {  	s28 =	sadd.s32 $0xFFFFF800, s15  }
0x4e: {  	[tilespmem:s18], [sflag:$0x1] =	stream.linear.gather [hbm4b:s28+s3], $0x4000, $0x38;
	[tilespmem:$0x1C100] =	vst v63  }
0x4f: {  	_ =	swait.ge [sflag:s25], $0x80  }
0x50: {  	[sflag:s25] =	ssyncset.done $0x0  }
0x51: {  	[sflag:s25] =	ssyncadd.s32 $0xFFFFFF80  }
0x52: {  	_ =	swait.ge [sflag:s25], $0x4000  }
0x53: {  	[sflag:s25] =	ssyncset.done $0x0  }
0x54: {  	[sflag:s25] =	ssyncadd.s32 $0xFFFFC000  }
0x55: {  	[spmem:s1] =	stream.indirect.scatter.add.f32 [tilespmem:s22], [sflag:$0x3], $0x80, s21, s24, $0xb8;
	[tilespmem:$0x1C100] =	vst v63  }
0x56: {  	_ =	swait.ge [sflag:s19], $0x4000  }
0x57: {  	[sflag:s19] =	ssyncset.done $0x0  }
0x58: {  	s28 =	sadd.s32 $0x0, s16;
	[sflag:s19] =	ssyncadd.s32 $0xFFFFC000  }
0x59: {  	[tilespmem:s21], [sflag:$0x2] =	stream.linear.gather [hbm4b:s28+s3], $0x80, $0x38;
	[tilespmem:$0x1C100] =	vst v63  }
0x5a: {  	s29 =	sadd.s32 $0x1000, s15;
	s30 =	smov.u32 s15;
	s28 =	simm.s32 $0x20  }
.LBB2_4:
0x5b: {  	[tilespmem:s22], [sflag:$0x2] =	stream.linear.gather [hbm4b:s30+s3], $0x4000, $0x38;
	[tilespmem:$0x1C100] =	vst v63  }
0x5c: {  	s31 =	smov.u32 s28;
	s30 =	smov.u32 s29  }
0x5d: {  	p0 =	sne.s32 s28, $0x240;
	s28 =	sadd.s32 $0x20, s28;
	_ =	swait.ge [sflag:s23], $0x80  }
0x5e: {  	[sflag:s23] =	ssyncset.done $0x0  }
0x5f: {  	[sflag:s23] =	ssyncadd.s32 $0xFFFFFF80  }
0x60: {  	_ =	swait.ge [sflag:s23], $0x4000  }
0x61: {  	[sflag:s23] =	ssyncset.done $0x0  }
0x62: {  	[sflag:s23] =	ssyncadd.s32 $0xFFFFC000  }
0x63: {  	[spmem:s1] =	stream.indirect.scatter.add.f32 [tilespmem:s18], [sflag:$0x3], $0x80, s20, s24, $0xb8;
	[tilespmem:$0x1C100] =	vst v63  }
0x64: {  	_ =	swait.ge [sflag:s19], $0x4000  }
0x65: {  	[sflag:s19] =	ssyncset.done $0x0  }
0x66: {  	s0 =	sadd.s32 s31, s17;
	[sflag:s19] =	ssyncadd.s32 $0xFFFFC000  }
0x67: {  	[tilespmem:s20], [sflag:$0x1] =	stream.linear.gather [hbm4b:s0+s3], $0x80, $0x38;
	[tilespmem:$0x1C100] =	vst v63  }
0x68: {  	s0 =	sadd.s32 $0xFFFFF800, s29  }
0x69: {  	[tilespmem:s18], [sflag:$0x1] =	stream.linear.gather [hbm4b:s0+s3], $0x4000, $0x38;
	[tilespmem:$0x1C100] =	vst v63  }
0x6a: {  	_ =	swait.ge [sflag:s25], $0x80  }
0x6b: {  	[sflag:s25] =	ssyncset.done $0x0  }
0x6c: {  	[sflag:s25] =	ssyncadd.s32 $0xFFFFFF80  }
0x6d: {  	_ =	swait.ge [sflag:s25], $0x4000  }
0x6e: {  	[sflag:s25] =	ssyncset.done $0x0  }
0x6f: {  	[sflag:s25] =	ssyncadd.s32 $0xFFFFC000  }
0x70: {  	[spmem:s1] =	stream.indirect.scatter.add.f32 [tilespmem:s22], [sflag:$0x3], $0x80, s21, s24, $0xb8;
	[tilespmem:$0x1C100] =	vst v63  }
.Ltmp1:
0x71: {  	_ =	swait.ge [sflag:s19], $0x4000;
	(pc) =	sbr.rel @p0 .LBB2_4-.Ltmp1, $4  }
0x72: {  	[sflag:s19] =	ssyncset.done $0x0  }
0x73: {  	s0 =	sadd.s32 s31, s16;
	[sflag:s19] =	ssyncadd.s32 $0xFFFFC000  }
0x74: {  	[tilespmem:s21], [sflag:$0x2] =	stream.linear.gather [hbm4b:s0+s3], $0x80, $0x38;
	[tilespmem:$0x1C100] =	vst v63  }
0x75: {  	s29 =	sadd.s32 $0x1000, s29  }
0x76: {  	[tilespmem:s22], [sflag:$0x2] =	stream.linear.gather [hbm4b:s30+s3], $0x4000, $0x38;
	[tilespmem:$0x1C100] =	vst v63  }
0x77: {  	_ =	swait.ge [sflag:s23], $0x80  }
0x78: {  	[sflag:s23] =	ssyncset.done $0x0  }
0x79: {  	[sflag:s23] =	ssyncadd.s32 $0xFFFFFF80  }
0x7a: {  	_ =	swait.ge [sflag:s23], $0x4000  }
0x7b: {  	[sflag:s23] =	ssyncset.done $0x0  }
0x7c: {  	[sflag:s23] =	ssyncadd.s32 $0xFFFFC000  }
0x7d: {  	[spmem:s1] =	stream.indirect.scatter.add.f32 [tilespmem:s18], [sflag:$0x3], $0x80, s20, s24, $0xb8;
	[tilespmem:$0x1C100] =	vst v63  }
0x7e: {  	_ =	swait.ge [sflag:s19], $0x4000  }
0x7f: {  	[sflag:s19] =	ssyncset.done $0x0  }
0x80: {  	[sflag:s19] =	ssyncadd.s32 $0xFFFFC000  }
0x81: {  	_ =	swait.ge [sflag:s25], $0x80  }
0x82: {  	[sflag:s25] =	ssyncset.done $0x0  }
0x83: {  	[sflag:s25] =	ssyncadd.s32 $0xFFFFFF80  }
0x84: {  	_ =	swait.ge [sflag:s25], $0x4000  }
0x85: {  	[sflag:s25] =	ssyncset.done $0x0  }
0x86: {  	[sflag:s25] =	ssyncadd.s32 $0xFFFFC000  }
0x87: {  	[spmem:s1] =	stream.indirect.scatter.add.f32 [tilespmem:s22], [sflag:$0x3], $0x80, s21, s24, $0xb8;
	[tilespmem:$0x1C100] =	vst v63  }
0x88: {  	_ =	swait.ge [sflag:s19], $0x4000  }
0x89: {  	s0 =	sshll.u32 s2, $0x6;
	s26 =	sadd.s32 $0x1, s26;
	[sflag:s19] =	ssyncset.done $0x0  }
0x8a: {  	s28 =	sshrl.u32 s4, $0x3;
	p0 =	sne.s32 s26, s14;
	[sflag:s19] =	ssyncadd.s32 $0xFFFFC000  }
.Ltmp2:
0x8b: {  	s0 =	sor.u32 $0x1C03, s0;
	[bflag:$0x0] =	sbarrier.arrive $0xFFFF;
	(pc) =	sbr.rel @p0 .LBB2_1-.Ltmp2, $4  }
0x8c: {  	[hbm:s13], [sflag:s0] =	dma.local [spmem:s28], $0x2800  }
0x8d: {  	_ =	swait.ge [sflag:s19], $0x2800  }
0x8e: {  	[sflag:s19] =	ssyncset.done $0x0  }
0x8f: {  	[sflag:s19] =	ssyncadd.s32 $0xFFFFD800  }
0x90: {  	_ =	sfence.sel $0x180000  }
0x91: {  	[bflag:$0x0] =	sbarrier.arrive $0xFFFF  }
0x92: {  	_ =	strace $0x9000004D  }
0x93: {  	[bflag:$0x2] =	sbarrier.arrive $0xFFFF  }
0x94: {  	p0 =	sne.s32 s2, $0x0;
	s0 =	rddreg [dreg:$0x2]  }
0x95: {  	s0 =	sadd.s32 @!p0 $0x100000, s0  }
0x96: {  	[sflag:s0] =	ssyncadd.tile.s32 @!p0 $0x1;
	_ =	shalt  }
.Lfunc_end2:
_tile_overlayer_lowered:
.L_overlay_start_2:
0x97: {  	(tag) =	ssettag $0x2  }
0x98: {  	s0 =	rddreg [dreg:$0x0];
	s2 =	stileid.u32  }
0x99: {  	s1 =	rddreg [dreg:$0x1];
	p0 =	sne.s32 s2, $0x0  }
0x9a: {  	s3 =	rddreg [dreg:$0x2];
	[bflag:$0x3] =	sbarrier.arrive $0xFFFF;
	s2 =	simm.s32 @!p0 $0x1C03  }
0x9b: {  	[timem:s3], [sflag:s2] =	dma.local @!p0 [hbm:s0], s1  }
0x9c: {  	s0 =	simm.s32 @!p0 $0x3  }
0x9d: {  	_ =	swait.ge @!p0 [sflag:s0], s1  }
0x9e: {  	s1 =	ssub.s32 @!p0 $0x0, s1;
	[sflag:s0] =	ssyncset.done @!p0 $0x0  }
0x9f: {  	[sflag:s0] =	ssyncadd.s32 @!p0 s1  }
0xa0: {  	[bflag:$0x3] =	sbarrier.arrive $0xFFFF  }
0xa1: {  	_ =	shalt  }

// kernel: kernel.9.cloned.1.call-start
scs
__scs_entry_jumppad:
0x0: {  	(pc) =	sbr.rel $0x88, $3  }
0x1: {  	(tag) =	ssettag $0x0;
	lr =	simm.s32 $0x1  }
0x2: {  	[smem:$0x3F7B] =	sst lr;
	_ =	strace $0xD0000000  }
0x3: {  	_ = 	snop  }
0x4: {  	_ = 	snop  }
0x5: {  	_ = 	snop  }
0x6: {  	_ = 	snop  }
0x7: {  	_ = 	snop  }
__scs_overlays_trampoline_lowered:
0x8: {  	[smem:$0x3F8A] =	sst s0  }
0x9: {  	[smem:$0x3F8B] =	sst s1  }
0xa: {  	[smem:$0x3F8C] =	sst s2  }
0xb: {  	[smem:$0x3F8D] =	sst s3  }
0xc: {  	[smem:$0x3F8E] =	sst s4  }
0xd: {  	[smem:$0x3F8F] =	sst s5  }
0xe: {  	[smem:$0x3F90] =	sst s6  }
0xf: {  	[smem:$0x3F91] =	sst s7  }
0x10: {  	[smem:$0x3F92] =	sst s8  }
0x11: {  	[smem:$0x3F93] =	sst s9;
	s0 =	simm.s32 @!p0 $0x0  }
0x12: {  	s1 =	sld [smem:$0x3F79];
	s0 =	simm.s32 @p0 $0x1  }
0x13: {  	[smem:$0x3F94] =	sst s0;
	s0 =	simm.s32 @!p1 $0x0  }
0x14: {  	s2 =	sld [smem:$0x3F78];
	s0 =	simm.s32 @p1 $0x1  }
0x15: {  	[smem:$0x3F95] =	sst s0;
	s0 =	simm.s32 @!p2 $0x0  }
0x16: {  	s3 =	sld [smem:$0x3FDB];
	s0 =	simm.s32 @p2 $0x1  }
0x17: {  	s4 =	simm.s32 $0x1BF5;
	[smem:$0x3F97] =	sst s0  }
0x18: {  	s0 =	sld [smem:$0x3F7A];
	_ =	swait.ge [sflag:s4], $0x0  }
0x19: {  	s7 =	sld [smem:$0x3F7B]  }
0x1a: {  	s8 =	sadd.s32 $0xFFFFE003, lr  }
0x1b: {  	s9 =	sadd.s32 $0xFFFFFEF7, lr;
	s5 =	simm.s32 $0xFFFFFFFF;
	p2 =	slt.u32 s8, $0xFFFFF086  }
0x1c: {  	p1 =	slt.u32 s9, $0xF7A;
	s5 =	simm.s32 @!p2 $0x0  }
0x1d: {  	s5 =	simm.s32 @p1 $0x1;
	p0 =	seq.s32 s7, s2  }
0x1e: {  	s7 =	smul.u32 @!p0 $0xF7A, s2;
	p2 =	seq.s32 @!p0 s5, $0x0  }
0x1f: {  	s9 =	smul.u32 $0xF7A, s1;
	s8 =	simm.s32 @!p0 $0x1BF5;
	p2 =	por !p2, p0  }
0x20: {  	[sflag:s8] =	ssyncset.s32 @!p0 $0xFFFFF086;
	s6 =	sadd.s32 @!p0 s3, s7;
	s7 =	simm.s32 @!p0 $0x108  }
0x21: {  	s3 =	sadd.s32 s3, s9;
	s6 =	sadd.s32 @!p0 $0x88, s6;
	s7 =	simm.s32 @p2 $0x1082  }
0x22: {  	[simem:s7], [sflag:s8] =	dma.local @!p0 [hbm:s6], $0xF7A  }
0x23: {  	s9 =	sor.u32 $0xD0000000, s2;
	s6 =	simm.s32 $0x108;
	_ =	swait.ge @!p0 [sflag:s8], $0x0  }
0x24: {  	s3 =	sadd.s32 $0x88, s3;
	s6 =	simm.s32 @!p1 $0x1082;
	[sflag:s4] =	ssyncset.s32 $0xFFFFF086  }
0x25: {  	[simem:s6], [sflag:s4] =	dma.local [hbm:s3], $0xF7A  }
0x26: {  	[smem:$0x3F7B] =	sst s1;
	(tag) =	ssettag s2;
	_ =	strace s9  }
0x27: {  	s1 =	sld [smem:$0x3F8B]  }
0x28: {  	s2 =	sld [smem:$0x3F8C]  }
0x29: {  	s4 =	sld [smem:$0x3F8E]  }
0x2a: {  	p0 =	seq.s32 s5, $0x0;
	s5 =	sld [smem:$0x3F8F]  }
0x2b: {  	s6 =	sld [smem:$0x3F90]  }
0x2c: {  	s7 =	sld [smem:$0x3F91]  }
0x2d: {  	s3 =	simm.s32 $0x108;
	s8 =	sld [smem:$0x3F92]  }
0x2e: {  	s3 =	simm.s32 @!p0 $0x1082;
	s9 =	sld [smem:$0x3F93]  }
0x2f: {  	lr =	sadd.s32 s0, s3;
	s0 =	sld [smem:$0x3F8A]  }
0x30: {  	s3 =	sld [smem:$0x3F8D]  }
0x31: {  	[smem:$0x3F96] =	sst s10  }
0x32: {  	s10 =	sld [smem:$0x3F94];
	_ =	sdelay $0x3  }
0x33: {  	p0 =	seq.s32 s10, $0x1;
	s10 =	sld [smem:$0x3F96];
	_ =	sdelay $0x3  }
0x34: {  	[smem:$0x3F96] =	sst s10  }
0x35: {  	s10 =	sld [smem:$0x3F95];
	_ =	sdelay $0x3  }
0x36: {  	p1 =	seq.s32 s10, $0x1;
	s10 =	sld [smem:$0x3F96];
	_ =	sdelay $0x3  }
0x37: {  	[smem:$0x3F96] =	sst s10  }
0x38: {  	s10 =	sld [smem:$0x3F97]  }
0x39: {  	_ = 	snop;
	(pc) =	sbr.ind lr, $3  }
0x3a: {  	_ = 	snop  }
0x3b: {  	_ = 	snop  }
0x3c: {  	p2 =	seq.s32 s10, $0x1;
	s10 =	sld [smem:$0x3F96]  }
0x3d: {  	_ =	shalt  }
0x3e: {  	_ =	shalt  }
0x3f: {  	_ =	shalt  }
0x40: {  	_ =	shalt  }
0x41: {  	_ =	shalt  }
0x42: {  	_ =	shalt  }
0x43: {  	_ =	shalt  }
0x44: {  	_ =	shalt  }
0x45: {  	_ =	shalt  }
0x46: {  	_ =	shalt  }
0x47: {  	_ =	shalt  }
0x48: {  	_ =	shalt  }
0x49: {  	_ =	shalt  }
0x4a: {  	_ =	shalt  }
0x4b: {  	_ =	shalt  }
0x4c: {  	_ =	shalt  }
0x4d: {  	_ =	shalt  }
0x4e: {  	_ =	shalt  }
0x4f: {  	_ =	shalt  }
0x50: {  	_ =	shalt  }
0x51: {  	_ =	shalt  }
0x52: {  	_ =	shalt  }
0x53: {  	_ =	shalt  }
0x54: {  	_ =	shalt  }
0x55: {  	_ =	shalt  }
0x56: {  	_ =	shalt  }
0x57: {  	_ =	shalt  }
0x58: {  	_ =	shalt  }
0x59: {  	_ =	shalt  }
0x5a: {  	_ =	shalt  }
0x5b: {  	_ =	shalt  }
0x5c: {  	_ =	shalt  }
0x5d: {  	_ =	shalt  }
0x5e: {  	_ =	shalt  }
0x5f: {  	_ =	shalt  }
0x60: {  	_ =	shalt  }
0x61: {  	_ =	shalt  }
0x62: {  	_ =	shalt  }
0x63: {  	_ =	shalt  }
0x64: {  	_ =	shalt  }
0x65: {  	_ =	shalt  }
0x66: {  	_ =	shalt  }
0x67: {  	_ =	shalt  }
0x68: {  	_ =	shalt  }
0x69: {  	_ =	shalt  }
0x6a: {  	_ =	shalt  }
0x6b: {  	_ =	shalt  }
0x6c: {  	_ =	shalt  }
0x6d: {  	_ =	shalt  }
0x6e: {  	_ =	shalt  }
0x6f: {  	_ =	shalt  }
0x70: {  	_ =	shalt  }
0x71: {  	_ =	shalt  }
0x72: {  	_ =	shalt  }
0x73: {  	_ =	shalt  }
0x74: {  	_ =	shalt  }
0x75: {  	_ =	shalt  }
0x76: {  	_ =	shalt  }
0x77: {  	_ =	shalt  }
0x78: {  	_ =	shalt  }
0x79: {  	_ =	shalt  }
0x7a: {  	_ =	shalt  }
0x7b: {  	_ =	shalt  }
0x7c: {  	_ =	shalt  }
0x7d: {  	_ =	shalt  }
0x7e: {  	_ =	shalt  }
0x7f: {  	_ =	shalt  }
0x80: {  	_ =	shalt  }
0x81: {  	_ =	shalt  }
0x82: {  	_ =	shalt  }
0x83: {  	_ =	shalt  }
0x84: {  	_ =	shalt  }
0x85: {  	_ =	shalt  }
0x86: {  	_ =	shalt  }
0x87: {  	_ =	shalt  }
.Lfunc_end0:
.L_simem_size_0:
called_computation_lowered:
.L_overlay_start_0:
0x88: {  	s2 =	sld [smem:$0x3FD9]  }
0x89: {  	s3 =	sld [smem:$0x3FFE];
	_ =	sdelay $0x1  }
0x8a: {  	s1 =	srdreg.scid  }
0x8b: {  	s0 =	sand.u32 $0x1, s1  }
0x8c: {  	s16 =	sshll.u32 s0, $0xA;
	s2 =	sadd.s32 s3, s2  }
0x8d: {  	s2 =	sadd.s32 s2, s16  }
0x8e: {  	[smem:$0x3FA2] =	sst s2  }
0x8f: {  	_ = 	snop  }
0x90: {  	(tm) =	ssettm $0x1  }
0x91: {  	s17 =	sld [smem:$0x3FFB];
	_ =	sdelay $0x3  }
0x92: {  	_ =	strace s17  }
0x93: {  	s2 =	sld [smem:$0x3FFC];
	_ =	sdelay $0x3  }
0x94: {  	_ =	strace s2  }
0x95: {  	s2 =	sld [smem:$0x3FFD];
	_ =	sdelay $0x3  }
0x96: {  	_ =	strace s2  }
0x97: {  	_ =	strace $0x8FFFFFFF  }
0x98: {  	s18 =	sld [smem:$0x3FDB];
	_ =	sdelay $0x1  }
0x99: {  	s19 =	simm.s32 $_scs_section_size  }
0x9a: {  	s4 =	simm.s32 $_size__tile_overlayer_lowered;
	s5 =	simm.s32 $_tile_overlayer_lowered  }
0x9b: {  	s22 =	simm.s32 $0x1BFF;
	s21 =	sshll.u32 s5, $0x1;
	s2 =	sadd.s32 s19, s18  }
0x9c: {  	s6 =	simm.s32 $0x0;
	s20 =	sshll.u32 s4, $0x1;
	s4 =	sadd.s32 s21, s2  }
0x9d: {  	[timem:s6], [sflag:s22] =	dma.local [hbm:s4], s20  }
0x9e: {  	_ =	swait.ge [sflag:s22], s20  }
0x9f: {  	s3 =	ssub.s32 $0x0, s20;
	[sflag:s22] =	ssyncset.done $0x0  }
0xa0: {  	[sflag:s22] =	ssyncadd.s32 s3;
	_ =	sdelay $0x1  }
0xa1: {  	s23 =	simm.s32 $0x1B8B  }
0xa2: {  	_ =	swait.ge [sflag:s23], $0x1  }
0xa3: {  	[sflag:s23] =	ssyncset.done $0x0  }
0xa4: {  	s25 =	simm.s32 $0x1B8E;
	s24 =	sld [smem:$0x3FFE];
	[sflag:s23] =	ssyncadd.s32 $0xFFFFFFFF  }
0xa5: {  	s26 =	simm.s32 $execute0_lowered;
	[smem:$0x3FD2] =	sst s25  }
0xa6: {  	s4 =	sshll.u32 s26, $0x1;
	_ =	strace $0x80000046;
	[dreg:$0x1] =	wrdreg $0xFFFFFFFF  }
0xa7: {  	s28 =	simm.s32 $_size_execute0_lowered;
	s2 =	sadd.s32 s2, s4;
	[dreg:$0x0] =	wrdreg $0x0  }
0xa8: {  	s4 =	sshll.u32 s28, $0x1;
	[dreg:$0x2] =	wrdreg s2  }
0xa9: {  	[dreg:$0x3] =	wrdreg s4  }
0xaa: {  	[dreg:$0x4] =	wrdreg $0xC0  }
0xab: {  	_ =	task [dreg:s6], $0x5FFFF  }
0xac: {  	[dreg:$0x1] =	wrdreg $0xFFFFFFFF  }
0xad: {  	[dreg:$0x0] =	wrdreg $0x60  }
0xae: {  	[dreg:$0x2] =	wrdreg s24  }
0xaf: {  	[dreg:$0x3] =	wrdreg $0xA  }
0xb0: {  	_ =	task.clear_ibuf [dreg:s6], $0x4FFFF;
	_ =	strace $0x90000046  }
0xb1: {  	s29 =	simm.s32 $0xA;
	_ =	strace $0x80000048  }
0xb2: {  	_ =	swait.ge [sflag:s29], $0x1  }
0xb3: {  	[sflag:s29] =	ssyncadd.s32 $0xFFFFFFFF  }
0xb4: {  	_ =	strace $0x90000048  }
0xb5: {  	_ =	sfence  }
0xb6: {  	s30 =	sld [smem:$0x0];
	_ =	sdelay $0x2  }
0xb7: {  	s31 =	sshll.u32 s1, $0xD;
	s1 =	sshrl.u32 s1, $0x2  }
0xb8: {  	s3 =	sand.u32 $0x4000, s31;
	s1 =	sadd.s32 s1, s30  }
0xb9: {  	s0 =	sor.u32 s3, s0;
	s1 =	sshll.u32 s1, $0x11  }
0xba: {  	s0 =	sor.u32 s1, s0  }
0xbb: {  	s0 =	sadd.s32 $0x8F2B, s0  }
0xbc: {  	[sflag:s0] =	ssyncadd.remote.s32 $0x1  }
0xbd: {  	_ =	sfence.sel $0xFFFF  }
0xbe: {  	[dreg:$0x0] =	wrdreg $0xFFFFFFFF;
	(pc) =	sbr.abs _section_cstart, $3  }
0xbf: {  	[dreg:$0x1] =	wrdreg $0xFFFFFFFF  }
0xc0: {  	_ =	task.clear_ibuf [dreg:s6], $0x2FFFF;
	_ =	strace $0x9FFFFFFF  }
0xc1: {  	(tm) =	ssettm $0x7FFFFFFF  }
tec
execute0_lowered:
.L_overlay_start_1:
0x0: {  	(tag) =	ssettag $0x1  }
0x1: {  	s9 =	rddreg [dreg:$0x0]  }
0x2: {  	s0 =	rddreg [dreg:$0x1]  }
0x3: {  	s2 =	simm.s32 $0x0;
	s3 =	srdreg.scid;
	s1 =	stileid.u32  }
0x4: {  	s19 =	simm.s32 $0x7C00;
	s20 =	simm.s32 $0x8000;
	s21 =	simm.s32 $0x8400  }
0x5: {  	s22 =	simm.s32 $0xAC00;
	s23 =	simm.s32 $0x9800;
	[smem:$0x7FF] =	sst s2  }
0x6: {  	s10 =	sand.u32 $0x1, s3;
	s4 =	sshll.u32 s1, $0x1;
	s3 =	sadd.s32 $0x14200, s9  }
0x7: {  	s5 =	sadd.s32 $0x14E00, s9;
	s6 =	sadd.s32 $0x15400, s9;
	s15 =	smul.u32 $0xA00, s1  }
0x8: {  	s7 =	sadd.s32 $0x15600, s9;
	s11 =	sor.u32 s10, s4;
	s17 =	smul.u32 $0x500, s10  }
0x9: {  	s8 =	sadd.s32 $0x15800, s9;
	s14 =	ssub.s32 $0x2, s10;
	s12 =	smul.u32 $0x500, s11  }
0xa: {  	_ =	strace $0x80000047;
	s13 =	smul.u32 $0x280, s11;
	s16 =	sshrl.u32 s14, $0x1  }
0xb: {  	s4 =	sadd.s32 $0x14800, s9;
	s11 =	smul.u32 $0x140, s11;
	s14 =	ssub.s32 s14, s16  }
0xc: {  	s15 =	sadd.s32 s17, s15;
	s16 =	simm.s32 $0x2800;
	s17 =	simm.s32 $0x5000  }
0xd: {  	s12 =	sadd.s32 s12, s9;
	s13 =	sadd.s32 s13, s9;
	s11 =	sshrl.u32 s11, $0x3  }
0xe: {  	s24 =	sshrl.u32 s15, $0x2;
	s14 =	smax.u32 s14, $0x1;
	s15 =	simm.s32 $0x1  }
0xf: {  	s18 =	sadd.s32 s11, s9;
	s9 =	sadd.s32 $0x15A00, s13;
	s10 =	sadd.s32 $0xA200, s12  }
0x10: {  	s11 =	sadd.s32 $0x1B000, s13;
	s25 =	sadd.s32 $0x2800, s24;
	s26 =	sadd.s32 $0x5000, s24  }
0x11: {  	v0 =	vmov s24;
	s24 =	simm.s32 $0xD400;
	s12 =	sadd.s32 $0x1AA00, s18;
	s13 =	sadd.s32 $0x20000, s18  }
0x12: {  	s18 =	simm.s32 $0x7800;
	v1 =	vmov s25;
	v2 =	vmov s26;
	s25 =	simm.s32 $0xD580;
	s26 =	simm.s32 $0x0  }
.LBB2_1:
0x13: {  	[tilespmem:s2], [sflag:$0x1] =	stream.linear.gather [hbm4b:s3+s2], $0x2800, $0x38;
	[tilespmem:$0xD700] =	vst v63  }
0x14: {  	_ =	swait.ge [sflag:s15], $0x2800  }
0x15: {  	[sflag:s15] =	ssyncset.done $0x0  }
0x16: {  	[sflag:s15] =	ssyncadd.s32 $0xFFFFD800  }
0x17: {  	[tilespmem:s16], [sflag:$0x1] =	stream.linear.gather [hbm4b:s4+s2], $0x2800, $0x38;
	[tilespmem:$0xD700] =	vst v63  }
0x18: {  	_ =	swait.ge [sflag:s15], $0x2800  }
0x19: {  	[sflag:s15] =	ssyncset.done $0x0  }
0x1a: {  	[sflag:s15] =	ssyncadd.s32 $0xFFFFD800  }
0x1b: {  	[tilespmem:s17], [sflag:$0x1] =	stream.linear.gather [hbm4b:s5+s2], $0x2800, $0x38;
	[tilespmem:$0xD700] =	vst v63  }
0x1c: {  	_ =	swait.ge [sflag:s15], $0x2800  }
0x1d: {  	[sflag:s15] =	ssyncset.done $0x0  }
0x1e: {  	[sflag:s15] =	ssyncadd.s32 $0xFFFFD800  }
0x1f: {  	[tilespmem:s18], [sflag:$0x1] =	stream.linear.gather [hbm4b:s6+s2], $0x400, $0x38;
	[tilespmem:$0xD700] =	vst v63  }
0x20: {  	_ =	swait.ge [sflag:s15], $0x400  }
0x21: {  	[sflag:s15] =	ssyncset.done $0x0  }
0x22: {  	[sflag:s15] =	ssyncadd.s32 $0xFFFFFC00  }
0x23: {  	[tilespmem:s19], [sflag:$0x1] =	stream.linear.gather [hbm4b:s7+s2], $0x400, $0x38;
	[tilespmem:$0xD700] =	vst v63  }
0x24: {  	_ =	swait.ge [sflag:s15], $0x400  }
0x25: {  	[sflag:s15] =	ssyncset.done $0x0  }
0x26: {  	[sflag:s15] =	ssyncadd.s32 $0xFFFFFC00  }
0x27: {  	[tilespmem:s20], [sflag:$0x1] =	stream.linear.gather [hbm4b:s8+s2], $0x400, $0x38;
	[tilespmem:$0xD700] =	vst v63  }
0x28: {  	_ =	swait.ge [sflag:s15], $0x400  }
0x29: {  	[sflag:s15] =	ssyncset.done $0x0  }
0x2a: {  	[sflag:s15] =	ssyncadd.s32 $0xFFFFFC00  }
0x2b: {  	[tilespmem:s21], [sflag:$0x1] =	stream.linear.gather [hbm4b:s9+s2], $0x1400, $0x38;
	[tilespmem:$0xD700] =	vst v63  }
0x2c: {  	_ =	swait.ge [sflag:s15], $0x1400  }
0x2d: {  	[sflag:s15] =	ssyncset.done $0x0  }
0x2e: {  	[sflag:s15] =	ssyncadd.s32 $0xFFFFEC00  }
0x2f: {  	[tilespmem:s22], [sflag:$0x1] =	stream.linear.gather [hbm4b:s10+s2], $0x2800, $0x38;
	[tilespmem:$0xD700] =	vst v63  }
0x30: {  	_ =	swait.ge [sflag:s15], $0x2800  }
0x31: {  	[sflag:s15] =	ssyncset.done $0x0  }
0x32: {  	s28 =	simm.s32 $0xAC20;
	s29 =	simm.s32 $0x0;
	[sflag:s15] =	ssyncadd.s32 $0xFFFFD800  }
.LBB2_2:
0x33: {  	v4 =	vld [tilespmem:s28+$0xFFFFFFE0]  }
0x34: {  	s30 =	sshra.s32 s29, $0x2  }
0x35: {  	v3 =	vld [tilespmem:s30+$0x8400];
	_ =	sdelay $0x5  }
0x36: {  	v6 =	vld.idx.msk [tilespmem:v4+s2+$0x0], $0xffff  }
0x37: {  	v8 =	vld.idx.msk [tilespmem:v4+s16+$0x0], $0xffff  }
0x38: {  	v5 =	vld.idx.msk [tilespmem:v3+s2+$0x0], $0xffff  }
0x39: {  	v7 =	vld.idx.msk [tilespmem:v3+s16+$0x0], $0xffff  }
0x3a: {  	v4 =	vld.idx.msk [tilespmem:v4+s17+$0x0], $0xffff  }
0x3b: {  	v3 =	vld.idx.msk [tilespmem:v3+s17+$0x0], $0xffff;
	_ =	sdelay $0x2  }
0x3c: {  	v5 =	vsub.f32 v5, v6;
	v37 =	vsub.f32 v7, v8;
	_ =	sdelay $0x1  }
0x3d: {  	v3 =	vsub.f32 v3, v4;
	v38 =	vmul.f32 v5, v5;
	v39 =	vmul.f32 v37, v37;
	_ =	sdelay $0x1  }
0x3e: {  	v3 =	vmul.f32 v3, v3;
	v4 =	vadd.f32 v39, v38;
	_ =	sdelay $0x1  }
0x3f: {  	v3 =	vadd.f32 v3, v4;
	_ =	sdelay $0x1  }
0x40: {  	v3 =	vadd.f32 $2.999999890e-08, v3;
	_ =	sdelay $0x1  }
0x41: {  	[tilespmem:s30+$0x9800] =	vst v3;
	v3 =	vld [tilespmem:s30+$0x8410];
	_ =	sdelay $0x1  }
0x42: {  	v40 =	vld [tilespmem:s28+$0xFFFFFFF0];
	_ =	sdelay $0x5  }
0x43: {  	v41 =	vld.idx.msk [tilespmem:v3+s2+$0x0], $0xffff  }
0x44: {  	v43 =	vld.idx.msk [tilespmem:v3+s16+$0x0], $0xffff  }
0x45: {  	v42 =	vld.idx.msk [tilespmem:v40+s2+$0x0], $0xffff  }
0x46: {  	v44 =	vld.idx.msk [tilespmem:v40+s16+$0x0], $0xffff  }
0x47: {  	v3 =	vld.idx.msk [tilespmem:v3+s17+$0x0], $0xffff  }
0x48: {  	v4 =	vld.idx.msk [tilespmem:v40+s17+$0x0], $0xffff;
	_ =	sdelay $0x2  }
0x49: {  	v5 =	vsub.f32 v41, v42;
	v45 =	vsub.f32 v43, v44;
	_ =	sdelay $0x1  }
0x4a: {  	v3 =	vsub.f32 v3, v4;
	v46 =	vmul.f32 v5, v5;
	v47 =	vmul.f32 v45, v45;
	_ =	sdelay $0x1  }
0x4b: {  	v3 =	vmul.f32 v3, v3;
	v4 =	vadd.f32 v47, v46;
	_ =	sdelay $0x1  }
0x4c: {  	v3 =	vadd.f32 v3, v4;
	_ =	sdelay $0x1  }
0x4d: {  	v3 =	vadd.f32 $2.999999890e-08, v3;
	_ =	sdelay $0x1  }
0x4e: {  	[tilespmem:s30+$0x9810] =	vst v3;
	v3 =	vld [tilespmem:s30+$0x8420];
	_ =	sdelay $0x1  }
0x4f: {  	v48 =	vld [tilespmem:s28+$0x0];
	_ =	sdelay $0x5  }
0x50: {  	v49 =	vld.idx.msk [tilespmem:v3+s2+$0x0], $0xffff  }
0x51: {  	v51 =	vld.idx.msk [tilespmem:v3+s16+$0x0], $0xffff  }
0x52: {  	v50 =	vld.idx.msk [tilespmem:v48+s2+$0x0], $0xffff  }
0x53: {  	v52 =	vld.idx.msk [tilespmem:v48+s16+$0x0], $0xffff  }
0x54: {  	v3 =	vld.idx.msk [tilespmem:v3+s17+$0x0], $0xffff  }
0x55: {  	v4 =	vld.idx.msk [tilespmem:v48+s17+$0x0], $0xffff;
	_ =	sdelay $0x2  }
0x56: {  	v5 =	vsub.f32 v49, v50;
	v53 =	vsub.f32 v51, v52;
	_ =	sdelay $0x1  }
0x57: {  	v3 =	vsub.f32 v3, v4;
	v54 =	vmul.f32 v5, v5;
	v55 =	vmul.f32 v53, v53;
	_ =	sdelay $0x1  }
0x58: {  	v3 =	vmul.f32 v3, v3;
	v4 =	vadd.f32 v55, v54;
	_ =	sdelay $0x1  }
0x59: {  	v3 =	vadd.f32 v3, v4;
	_ =	sdelay $0x1  }
0x5a: {  	v3 =	vadd.f32 $2.999999890e-08, v3;
	_ =	sdelay $0x1  }
0x5b: {  	[tilespmem:s30+$0x9820] =	vst v3;
	v3 =	vld [tilespmem:s30+$0x8430];
	_ =	sdelay $0x1  }
0x5c: {  	v56 =	vld [tilespmem:s28+$0x10];
	_ =	sdelay $0x5  }
0x5d: {  	v57 =	vld.idx.msk [tilespmem:v3+s2+$0x0], $0xffff  }
0x5e: {  	v59 =	vld.idx.msk [tilespmem:v3+s16+$0x0], $0xffff  }
0x5f: {  	v58 =	vld.idx.msk [tilespmem:v56+s2+$0x0], $0xffff  }
0x60: {  	v60 =	vld.idx.msk [tilespmem:v56+s16+$0x0], $0xffff  }
0x61: {  	v3 =	vld.idx.msk [tilespmem:v3+s17+$0x0], $0xffff  }
0x62: {  	v4 =	vld.idx.msk [tilespmem:v56+s17+$0x0], $0xffff;
	_ =	sdelay $0x2  }
0x63: {  	v5 =	vsub.f32 v57, v58;
	v61 =	vsub.f32 v59, v60;
	_ =	sdelay $0x1  }
0x64: {  	v3 =	vsub.f32 v3, v4;
	v62 =	vmul.f32 v5, v5;
	v63 =	vmul.f32 v61, v61;
	_ =	sdelay $0x1  }
0x65: {  	v3 =	vmul.f32 v3, v3;
	v4 =	vadd.f32 v63, v62  }
0x66: {  	p0 =	sne.s32 s29, $0x4F00  }
.Ltmp0:
0x67: {  	v3 =	vadd.f32 v3, v4;
	(pc) =	sbr.rel @p0 .LBB2_2-.Ltmp0, $3  }
0x68: {  	_ = 	snop  }
0x69: {  	v3 =	vadd.f32 $2.999999890e-08, v3;
	_ =	sdelay $0x1  }
0x6a: {  	s29 =	sadd.s32 $0x100, s29;
	s28 =	sadd.s32 $0x80, s28;
	[tilespmem:s30+$0x9830] =	vst v3  }
0x6b: {  	s28 =	simm.s32 $0x0  }
0x6c: {  	[hbm4b:s11+s28] =	stream.linear.scatter [tilespmem:s23], [sflag:$0x1], $0x1400, $0x38;
	[tilespmem:$0xD700] =	vst v63  }
0x6d: {  	_ =	swait.ge [sflag:s15], $0x1400  }
0x6e: {  	[sflag:s15] =	ssyncset.done $0x0  }
0x6f: {  	[sflag:s15] =	ssyncadd.s32 $0xFFFFEC00  }
0x70: {  	[tilespmem:s24], [sflag:$0x1] =	stream.linear.gather [hbm4b:s12+s28], $0x140, $0x38;
	[tilespmem:$0xD700] =	vst v63  }
0x71: {  	_ =	swait.ge [sflag:s15], $0x140  }
0x72: {  	[sflag:s15] =	ssyncset.done $0x0  }
0x73: {  	s28 =	simm.s32 $0x0;
	[sflag:s15] =	ssyncadd.s32 $0xFFFFFEC0  }
0x74: {  	v3 =	vld [tilespmem:s28+$0xD400];
	_ =	sdelay $0x5  }
0x75: {  	v5 =	vld.idx.msk [tilespmem:v0+s28+$0x0 ss:$0x1], $0xffff  }
0x76: {  	v6 =	vld.idx.msk [tilespmem:v1+s28+$0x0 ss:$0x1], $0xffff  }
0x77: {  	v4 =	vld.idx.msk [tilespmem:v3+s18+$0x0], $0xffff  }
0x78: {  	v7 =	vld.idx.msk [tilespmem:v3+s19+$0x0], $0xffff  }
0x79: {  	v8 =	vld.idx.msk [tilespmem:v2+s28+$0x0 ss:$0x1], $0xffff  }
0x7a: {  	v3 =	vld.idx.msk [tilespmem:v3+s20+$0x0], $0xffff;
	_ =	sdelay $0x2  }
0x7b: {  	v4 =	vsub.f32 v5, v4;
	v5 =	vsub.f32 v6, v7;
	_ =	sdelay $0x1  }
0x7c: {  	s29 =	simm.s32 $0x10;
	v6 =	vsub.f32 v8, v3;
	v4 =	vmul.f32 v4, v4;
	v5 =	vmul.f32 v5, v5  }
0x7d: {  	v3 =	vld [tilespmem:s29+$0xD400]  }
0x7e: {  	v4 =	vadd.f32 v5, v4;
	v5 =	vmul.f32 v6, v6  }
0x7f: {  	s30 =	simm.s32 $0x80  }
.LBB2_4:
0x80: {  	p0 =	sne.s32 s30, $0x4C0;
	v4 =	vadd.f32 v5, v4;
	_ =	sdelay $0x1  }
0x81: {  	v4 =	vadd.f32 $2.999999890e-08, v4;
	_ =	sdelay $0x1  }
0x82: {  	[tilespmem:s28+$0xD580] =	vst v4;
	s28 =	smov.u32 s29  }
0x83: {  	v4 =	vld.idx.msk [tilespmem:v3+s18+$0x0], $0xffff  }
0x84: {  	v5 =	vld.idx.msk [tilespmem:v0+s28+$0x0 ss:$0x1], $0xffff  }
0x85: {  	v6 =	vld.idx.msk [tilespmem:v1+s28+$0x0 ss:$0x1], $0xffff  }
0x86: {  	v7 =	vld.idx.msk [tilespmem:v3+s19+$0x0], $0xffff  }
0x87: {  	v8 =	vld.idx.msk [tilespmem:v2+s28+$0x0 ss:$0x1], $0xffff  }
0x88: {  	v3 =	vld.idx.msk [tilespmem:v3+s20+$0x0], $0xffff;
	_ =	sdelay $0x3  }
0x89: {  	v4 =	vsub.f32 v5, v4;
	v5 =	vsub.f32 v6, v7  }
.Ltmp1:
0x8a: {  	(pc) =	sbr.rel @p0 .LBB2_4-.Ltmp1, $4  }
0x8b: {  	s29 =	sshra.s32 s30, $0x2;
	v4 =	vmul.f32 v4, v4;
	v6 =	vsub.f32 v8, v3;
	v5 =	vmul.f32 v5, v5  }
0x8c: {  	v3 =	vld [tilespmem:s29+$0xD400]  }
0x8d: {  	v4 =	vadd.f32 v5, v4;
	v5 =	vmul.f32 v6, v6  }
0x8e: {  	s30 =	sadd.s32 $0x40, s30  }
0x8f: {  	_ = 	snop  }
0x90: {  	v4 =	vadd.f32 v5, v4;
	_ =	sdelay $0x1  }
0x91: {  	v4 =	vadd.f32 $2.999999890e-08, v4;
	_ =	sdelay $0x1  }
0x92: {  	[tilespmem:s28+$0xD580] =	vst v4  }
0x93: {  	v4 =	vld.idx.msk [tilespmem:v3+s18+$0x0], $0xffff  }
0x94: {  	v62 =	vld.idx.msk [tilespmem:v0+s29+$0x0 ss:$0x1], $0xffff  }
0x95: {  	v6 =	vld.idx.msk [tilespmem:v1+s29+$0x0 ss:$0x1], $0xffff  }
0x96: {  	v7 =	vld.idx.msk [tilespmem:v3+s19+$0x0], $0xffff  }
0x97: {  	v8 =	vld.idx.msk [tilespmem:v2+s29+$0x0 ss:$0x1], $0xffff  }
0x98: {  	v3 =	vld.idx.msk [tilespmem:v3+s20+$0x0], $0xffff;
	_ =	sdelay $0x2  }
0x99: {  	v4 =	vsub.f32 v62, v4;
	v63 =	vsub.f32 v6, v7;
	_ =	sdelay $0x1  }
0x9a: {  	v3 =	vsub.f32 v8, v3;
	v4 =	vmul.f32 v4, v4;
	v5 =	vmul.f32 v63, v63;
	_ =	sdelay $0x1  }
0x9b: {  	v3 =	vmul.f32 v3, v3;
	v4 =	vadd.f32 v5, v4;
	_ =	sdelay $0x1  }
0x9c: {  	v3 =	vadd.f32 v3, v4;
	_ =	sdelay $0x1  }
0x9d: {  	s26 =	sadd.s32 $0x1, s26;
	v3 =	vadd.f32 $2.999999890e-08, v3  }
0x9e: {  	p0 =	sne.s32 s26, s14  }
.Ltmp2:
0x9f: {  	[tilespmem:s29+$0xD580] =	vst v3;
	(pc) =	sbr.rel @p0 .LBB2_1-.Ltmp2, $4  }
0xa0: {  	[hbm4b:s13+s2] =	stream.linear.scatter [tilespmem:s25], [sflag:$0x1], $0x140, $0x38;
	[tilespmem:$0xD700] =	vst v63  }
0xa1: {  	_ =	swait.ge [sflag:s15], $0x140  }
0xa2: {  	[sflag:s15] =	ssyncset.done $0x0  }
0xa3: {  	[sflag:s15] =	ssyncadd.s32 $0xFFFFFEC0  }
0xa4: {  	_ =	sfence.sel $0x180000  }
0xa5: {  	[bflag:$0x0] =	sbarrier.arrive $0xFFFF  }
0xa6: {  	p0 =	sne.s32 s1, $0x0;
	_ =	strace $0x90000047  }
0xa7: {  	s0 =	sadd.s32 @!p0 $0x100000, s0;
	[bflag:$0x2] =	sbarrier.arrive $0xFFFF  }
0xa8: {  	[sflag:s0] =	ssyncadd.tile.s32 @!p0 $0x1;
	_ =	shalt  }
.Lfunc_end2:
_tile_overlayer_lowered:
.L_overlay_start_2:
0xa9: {  	(tag) =	ssettag $0x2  }
0xaa: {  	s0 =	rddreg [dreg:$0x0];
	s2 =	stileid.u32  }
0xab: {  	s1 =	rddreg [dreg:$0x1];
	p0 =	sne.s32 s2, $0x0  }
0xac: {  	s3 =	rddreg [dreg:$0x2];
	[bflag:$0x3] =	sbarrier.arrive $0xFFFF;
	s2 =	simm.s32 @!p0 $0x1C01  }
0xad: {  	[timem:s3], [sflag:s2] =	dma.local @!p0 [hbm:s0], s1  }
0xae: {  	s0 =	simm.s32 @!p0 $0x1  }
0xaf: {  	_ =	swait.ge @!p0 [sflag:s0], s1  }
0xb0: {  	s1 =	ssub.s32 @!p0 $0x0, s1;
	[sflag:s0] =	ssyncset.done @!p0 $0x0  }
0xb1: {  	[sflag:s0] =	ssyncadd.s32 @!p0 s1  }
0xb2: {  	[bflag:$0x3] =	sbarrier.arrive $0xFFFF  }
0xb3: {  	_ =	shalt  }

</sc_bundles>
